<compile_context>
chip_gen: v7x
topology: tpu7x:2x2x1
jax: 0.10.2.dev20260603
libtpu: 0.0.44.dev20260713+nightly
codegen_flags: <defaults>
</compile_context>

<pallas_src>
import functools

import jax
import jax.numpy as jnp
from jax import lax
from jax.experimental import pallas as pl
from jax.experimental.pallas import tpu as pltpu
from jax.experimental.pallas import tpu_sc as plsc

_BATCH = 4096
_FEATS_PER_RANK = (7, 7, 6, 6)
_NF = sum(_FEATS_PER_RANK)
_NW = 32

_CUMF = [0]
for _f in _FEATS_PER_RANK:
    _CUMF.append(_CUMF[-1] + _f)
_SPANS = [(_CUMF[_r] * _BATCH, _FEATS_PER_RANK[_r] * _BATCH)
          for _r in range(4)]

_SC_JOBS = []
_SC_OUT_TYPE = []
for _r, (_b0, _sz) in enumerate(_SPANS):
    for _slot, _dt in ((0, jnp.int32), (1, jnp.float32), (2, jnp.int32)):
        _SC_JOBS.append((_slot, _b0, _sz))
        _SC_OUT_TYPE.append(jax.ShapeDtypeStruct((_sz,), _dt))


def _partition(job_ids):
    total = sum(_SC_JOBS[j][2] for j in job_ids)
    assert total % (_NW * 8) == 0
    per_w = total // _NW
    pieces = [[] for _ in range(_NW)]
    ji, pos = 0, 0
    for w in range(_NW):
        need = per_w
        while need:
            j = job_ids[ji]
            slot, b0, sz = _SC_JOBS[j]
            take = min(need, sz - pos)
            pieces[w].append((j, slot, b0 + pos, pos, take))
            pos += take
            need -= take
            if pos == sz:
                ji += 1
                pos = 0
    return pieces, per_w

_I32_JOBS = [i for i, j in enumerate(_SC_JOBS) if j[0] != 1]
_F32_JOBS = [i for i, j in enumerate(_SC_JOBS) if j[0] == 1]
_I32_PIECES, _I32_PER_W = _partition(_I32_JOBS)
_F32_PIECES, _F32_PER_W = _partition(_F32_JOBS)


@functools.partial(
    pl.kernel,
    mesh=plsc.VectorSubcoreMesh(core_axis_name="c", subcore_axis_name="s"),
    out_type=_SC_OUT_TYPE,
    scratch_types=[
        pltpu.VMEM((_I32_PER_W,), jnp.int32),
        pltpu.VMEM((_F32_PER_W,), jnp.float32),
        pltpu.SemaphoreType.DMA,
    ],
)
def _split_sc(l_in, w_in, sl_in, *outs_and_scratch):
    outs = outs_and_scratch[:12]
    ibuf, fbuf, sem = outs_and_scratch[12:]
    ins = (l_in, w_in, sl_in)
    wid = lax.axis_index("s") * 2 + lax.axis_index("c")
    for worker in range(_NW):
        @pl.when(wid == worker)
        def _copy(worker=worker):
            descs = []
            for plist, buf in ((_I32_PIECES[worker], ibuf),
                               (_F32_PIECES[worker], fbuf)):
                base = 0
                for _, slot, soff, _, cnt in plist:
                    descs.append(pltpu.async_copy(
                        ins[slot].at[pl.ds(soff, cnt)],
                        buf.at[pl.ds(base, cnt)], sem))
                    base += cnt
            for d in descs:
                d.wait()
            descs = []
            for plist, buf in ((_I32_PIECES[worker], ibuf),
                               (_F32_PIECES[worker], fbuf)):
                base = 0
                for out_idx, _, _, doff, cnt in plist:
                    descs.append(pltpu.async_copy(
                        buf.at[pl.ds(base, cnt)],
                        outs[out_idx].at[pl.ds(doff, cnt)], sem))
                    base += cnt
            for d in descs:
                d.wait()


_N = _CUMF[-1] * _BATCH


def _tc_body(v_in, sv_in, *rest):
    outs, vbuf, svbuf, sem = rest[:8], rest[8], rest[9], rest[10]
    ins_d = []
    for src, buf in ((v_in, vbuf), (sv_in, svbuf)):
        for b0, sz in _SPANS:
            ins_d.append(pltpu.make_async_copy(
                src.at[pl.ds(b0, sz)], buf.at[pl.ds(b0, sz)], sem))
    for d in ins_d:
        d.start()
    for d in ins_d:
        d.wait()
    out_d = []
    for k, (buf, base) in enumerate(((vbuf, 0), (svbuf, 0))):
        for r, (b0, sz) in enumerate(_SPANS):
            out_d.append(pltpu.make_async_copy(
                buf.at[pl.ds(b0, sz)], outs[4 * k + r], sem))
    for d in out_d:
        d.start()
    for d in out_d:
        d.wait()


_split_tc_raw = pl.pallas_call(
    _tc_body,
    in_specs=[pl.BlockSpec(memory_space=pltpu.MemorySpace.HBM)] * 2,
    out_specs=[pl.BlockSpec(memory_space=pltpu.MemorySpace.HBM)] * 8,
    out_shape=([jax.ShapeDtypeStruct((_sz,), jnp.int32) for (_b0, _sz) in _SPANS]
               * 2),
    scratch_shapes=[
        pltpu.VMEM((_N,), jnp.int32),
        pltpu.VMEM((_N,), jnp.int32),
        pltpu.SemaphoreType.DMA,
    ],
)


def _split_tc(v32, sv32):
    res = _split_tc_raw(v32, sv32)
    return [res[4 * k + r] for r in range(4) for k in range(2)]


def kernel(id_list_values, id_list_lengths, id_score_list_values,
           id_score_list_weights, id_score_list_lengths):
    v32 = id_list_values.astype(jnp.int32)
    sv32 = id_score_list_values.astype(jnp.int32)
    tc_res = _split_tc(v32, sv32)
    sc_res = _split_sc(id_list_lengths, id_score_list_weights,
                       id_score_list_lengths)
    outs = []
    for r in range(4):
        l, w, sl = sc_res[3 * r:3 * r + 3]
        outs.extend((tc_res[2 * r].astype(jnp.int64), l,
                     tc_res[2 * r + 1].astype(jnp.int64), w, sl))
    return tuple(outs)

# --- scband reference (transcript-rebuilt; emitter-appended) ---
"""Pipeline reference for scband-sparse-features-one-to-all-11407433138347 (READ-ONLY COPY).

The authoritative reference and input builder live on the scoring server;
editing this copy changes nothing except your own understanding.
"""

import jax, jax.numpy as jnp
import numpy as np
jax.config.update('jax_enable_x64', True)

ID_LIST_PER_RANK = [7, 7, 6, 6]
ID_SCORE_PER_RANK = [7, 7, 6, 6]
WORLD_SIZE = 4
BATCH = 4096
N_FEATURES = 26
VOCAB = 100000


def setup_inputs(seed: int = 0) -> dict:
    key = jax.random.key(seed)
    k1, k2, k3 = jax.random.split(key, 3)
    n = N_FEATURES * BATCH
    return {
        'id_list_values': jax.random.randint(k1, (n,), 0, VOCAB, dtype=jnp.int64),
        'id_list_lengths': jnp.ones((n,), dtype=jnp.int32),
        'id_score_list_values': jax.random.randint(k2, (n,), 0, VOCAB, dtype=jnp.int64),
        'id_score_list_weights': jax.random.uniform(k3, (n,), dtype=jnp.float32),
        'id_score_list_lengths': jnp.ones((n,), dtype=jnp.int32),
    }


def _split_offsets(lengths, features_per_rank, batch):
    # KJT layout is feature-major: lengths[f * batch + b].
    cum_feat = np.cumsum([0] + list(features_per_rank))
    static_lengths = np.ones((lengths.shape[0],), dtype=np.int64)
    length_cumsum = np.concatenate([[0], np.cumsum(static_lengths)])
    spans = []
    for r in range(len(features_per_rank)):
        l0 = int(cum_feat[r]) * batch
        l1 = int(cum_feat[r + 1]) * batch
        v0 = int(length_cumsum[l0])
        v1 = int(length_cumsum[l1])
        spans.append((l0, l1, v0, v1))
    return spans


def reference(id_list_values, id_list_lengths, id_score_list_values,
              id_score_list_weights, id_score_list_lengths):
    # KJTOneToAll for the id_list features: split into per-rank feature groups.
    id_spans = _split_offsets(id_list_lengths, ID_LIST_PER_RANK, BATCH)
    score_spans = _split_offsets(id_score_list_lengths, ID_SCORE_PER_RANK, BATCH)
    outs = []
    for r in range(WORLD_SIZE):
        l0, l1, v0, v1 = id_spans[r]
        outs.append(id_list_values[v0:v1])
        outs.append(id_list_lengths[l0:l1])
        sl0, sl1, sv0, sv1 = score_spans[r]
        outs.append(id_score_list_values[sv0:sv1])
        outs.append(id_score_list_weights[sv0:sv1])
        outs.append(id_score_list_lengths[sl0:sl1])
    return tuple(outs)

if __name__ == "__main__":
    import jax
    _d = setup_inputs()
    print(jax.jit(kernel)(*tuple(_d.values())))

</pallas_src>

<mosaic_0001>
#map = affine_map<(d0, d1) -> (0)>
module attributes {stable_mosaic.version = 14 : i64} {
  func.func @_split_sc(%arg0: i32, %arg1: i32, %arg2: memref<106496xi32, #tpu.memory_space<hbm>>, %arg3: memref<106496xf32, #tpu.memory_space<hbm>>, %arg4: memref<106496xi32, #tpu.memory_space<hbm>>, %arg5: memref<28672xi32, #tpu.memory_space<hbm>>, %arg6: memref<28672xf32, #tpu.memory_space<hbm>>, %arg7: memref<28672xi32, #tpu.memory_space<hbm>>, %arg8: memref<28672xi32, #tpu.memory_space<hbm>>, %arg9: memref<28672xf32, #tpu.memory_space<hbm>>, %arg10: memref<28672xi32, #tpu.memory_space<hbm>>, %arg11: memref<24576xi32, #tpu.memory_space<hbm>>, %arg12: memref<24576xf32, #tpu.memory_space<hbm>>, %arg13: memref<24576xi32, #tpu.memory_space<hbm>>, %arg14: memref<24576xi32, #tpu.memory_space<hbm>>, %arg15: memref<24576xf32, #tpu.memory_space<hbm>>, %arg16: memref<24576xi32, #tpu.memory_space<hbm>>, %arg17: memref<6656xi32, #tpu.memory_space<vmem>>, %arg18: memref<3328xf32, #tpu.memory_space<vmem>>, %arg19: memref<!tpu.dma_semaphore, #tpu.memory_space<semaphore_mem>>) attributes {dimension_semantics = [#tpu.dimension_semantics<core_parallel>, #tpu.dimension_semantics<subcore_parallel>], iteration_bounds = array<i64: 2, 16>, scalar_prefetch = 0 : i64, scratch_operands = 3 : i64, tpu.core_type = #tpu.core_type<sc_vector_subcore>, window_params = [{transform_indices = #map}, {transform_indices = #map}, {transform_indices = #map}, {transform_indices = #map}, {transform_indices = #map}, {transform_indices = #map}, {transform_indices = #map}, {transform_indices = #map}, {transform_indices = #map}, {transform_indices = #map}, {transform_indices = #map}, {transform_indices = #map}, {transform_indices = #map}, {transform_indices = #map}, {transform_indices = #map}]} {
    %mul3A = arith.constant 2 : i32
    %mul3A_0 = arith.muli %arg1, %mul3A : i32
    %add3A = arith.addi %mul3A_0, %arg0 : i32
    %eq3A = arith.constant 0 : i32
    %eq3A_1 = arith.cmpi eq, %add3A, %eq3A : i32
    %convert_element_type3A = arith.extui %eq3A_1 : i1 to i32
    %cond3A = arith.constant 0 : i32
    %cond3A_2 = arith.cmpi ne, %convert_element_type3A, %cond3A : i32
    scf.if %cond3A_2 {
      %dma_start3A = arith.constant 0 : i32
      %dma_start3A_158 = tpu.memref_slice %arg17[%dma_start3A] : memref<6656xi32, #tpu.memory_space<vmem>> -> memref<6656xi32, #tpu.memory_space<vmem>>
      %dma_start3A_159 = arith.constant 0 : i32
      %dma_start3A_160 = tpu.memref_slice %arg2[%dma_start3A_159] : memref<106496xi32, #tpu.memory_space<hbm>> -> memref<6656xi32, #tpu.memory_space<hbm>>
      %dma_start3A_161 = arith.constant 0 : i32
      %dma_start3A_162 = tpu.memref_slice %arg17[%dma_start3A_161] : memref<6656xi32, #tpu.memory_space<vmem>> -> memref<6656xi32, #tpu.memory_space<vmem>>
      %dma_start3A_163 = arith.constant 0 : i32
      %dma_start3A_164 = tpu.memref_slice %arg2[%dma_start3A_163] : memref<106496xi32, #tpu.memory_space<hbm>> -> memref<6656xi32, #tpu.memory_space<hbm>>
      tpu.enqueue_dma source(%dma_start3A_164 : memref<6656xi32, #tpu.memory_space<hbm>>) target(%dma_start3A_162 : memref<6656xi32, #tpu.memory_space<vmem>>) target_semaphore(%arg19 : memref<!tpu.dma_semaphore, #tpu.memory_space<semaphore_mem>>)
      %dma_start3A_165 = arith.constant 0 : i32
      %dma_start3A_166 = tpu.memref_slice %arg18[%dma_start3A_165] : memref<3328xf32, #tpu.memory_space<vmem>> -> memref<3328xf32, #tpu.memory_space<vmem>>
      %dma_start3A_167 = arith.constant 0 : i32
      %dma_start3A_168 = tpu.memref_slice %arg3[%dma_start3A_167] : memref<106496xf32, #tpu.memory_space<hbm>> -> memref<3328xf32, #tpu.memory_space<hbm>>
      %dma_start3A_169 = arith.constant 0 : i32
      %dma_start3A_170 = tpu.memref_slice %arg18[%dma_start3A_169] : memref<3328xf32, #tpu.memory_space<vmem>> -> memref<3328xf32, #tpu.memory_space<vmem>>
      %dma_start3A_171 = arith.constant 0 : i32
      %dma_start3A_172 = tpu.memref_slice %arg3[%dma_start3A_171] : memref<106496xf32, #tpu.memory_space<hbm>> -> memref<3328xf32, #tpu.memory_space<hbm>>
      tpu.enqueue_dma source(%dma_start3A_172 : memref<3328xf32, #tpu.memory_space<hbm>>) target(%dma_start3A_170 : memref<3328xf32, #tpu.memory_space<vmem>>) target_semaphore(%arg19 : memref<!tpu.dma_semaphore, #tpu.memory_space<semaphore_mem>>)
      %dma_wait3A = arith.constant 0 : i32
      %dma_wait3A_173 = tpu.memref_slice %arg17[%dma_wait3A] : memref<6656xi32, #tpu.memory_space<vmem>> -> memref<6656xi32, #tpu.memory_space<vmem>>
      %dma_wait3A_174 = arith.constant 0 : i32
      %dma_wait3A_175 = tpu.memref_slice %arg2[%dma_wait3A_174] : memref<106496xi32, #tpu.memory_space<hbm>> -> memref<6656xi32, #tpu.memory_space<hbm>>
      %dma_wait3A_176 = arith.constant 0 : i32
      %dma_wait3A_177 = tpu.memref_slice %arg17[%dma_wait3A_176] : memref<6656xi32, #tpu.memory_space<vmem>> -> memref<6656xi32, #tpu.memory_space<vmem>>
      %dma_wait3A_178 = arith.constant 0 : i32
      %dma_wait3A_179 = tpu.memref_slice %arg2[%dma_wait3A_178] : memref<106496xi32, #tpu.memory_space<hbm>> -> memref<6656xi32, #tpu.memory_space<hbm>>
      tpu.wait_dma2 semaphore(%arg19 : memref<!tpu.dma_semaphore, #tpu.memory_space<semaphore_mem>>) src(%dma_wait3A_179 : memref<6656xi32, #tpu.memory_space<hbm>>) dst(%dma_wait3A_177 : memref<6656xi32, #tpu.memory_space<vmem>>)
      %dma_wait3A_180 = arith.constant 0 : i32
      %dma_wait3A_181 = tpu.memref_slice %arg18[%dma_wait3A_180] : memref<3328xf32, #tpu.memory_space<vmem>> -> memref<3328xf32, #tpu.memory_space<vmem>>
      %dma_wait3A_182 = arith.constant 0 : i32
      %dma_wait3A_183 = tpu.memref_slice %arg3[%dma_wait3A_182] : memref<106496xf32, #tpu.memory_space<hbm>> -> memref<3328xf32, #tpu.memory_space<hbm>>
      %dma_wait3A_184 = arith.constant 0 : i32
      %dma_wait3A_185 = tpu.memref_slice %arg18[%dma_wait3A_184] : memref<3328xf32, #tpu.memory_space<vmem>> -> memref<3328xf32, #tpu.memory_space<vmem>>
      %dma_wait3A_186 = arith.constant 0 : i32
      %dma_wait3A_187 = tpu.memref_slice %arg3[%dma_wait3A_186] : memref<106496xf32, #tpu.memory_space<hbm>> -> memref<3328xf32, #tpu.memory_space<hbm>>
      tpu.wait_dma2 semaphore(%arg19 : memref<!tpu.dma_semaphore, #tpu.memory_space<semaphore_mem>>) src(%dma_wait3A_187 : memref<3328xf32, #tpu.memory_space<hbm>>) dst(%dma_wait3A_185 : memref<3328xf32, #tpu.memory_space<vmem>>)
      %dma_start3A_188 = arith.constant 0 : i32
      %dma_start3A_189 = tpu.memref_slice %arg17[%dma_start3A_188] : memref<6656xi32, #tpu.memory_space<vmem>> -> memref<6656xi32, #tpu.memory_space<vmem>>
      %dma_start3A_190 = arith.constant 0 : i32
      %dma_start3A_191 = tpu.memref_slice %arg5[%dma_start3A_190] : memref<28672xi32, #tpu.memory_space<hbm>> -> memref<6656xi32, #tpu.memory_space<hbm>>
      %dma_start3A_192 = arith.constant 0 : i32
      %dma_start3A_193 = tpu.memref_slice %arg5[%dma_start3A_192] : memref<28672xi32, #tpu.memory_space<hbm>> -> memref<6656xi32, #tpu.memory_space<hbm>>
      %dma_start3A_194 = arith.constant 0 : i32
      %dma_start3A_195 = tpu.memref_slice %arg17[%dma_start3A_194] : memref<6656xi32, #tpu.memory_space<vmem>> -> memref<6656xi32, #tpu.memory_space<vmem>>
      tpu.enqueue_dma source(%dma_start3A_195 : memref<6656xi32, #tpu.memory_space<vmem>>) target(%dma_start3A_193 : memref<6656xi32, #tpu.memory_space<hbm>>) target_semaphore(%arg19 : memref<!tpu.dma_semaphore, #tpu.memory_space<semaphore_mem>>)
      %dma_start3A_196 = arith.constant 0 : i32
      %dma_start3A_197 = tpu.memref_slice %arg18[%dma_start3A_196] : memref<3328xf32, #tpu.memory_space<vmem>> -> memref<3328xf32, #tpu.memory_space<vmem>>
      %dma_start3A_198 = arith.constant 0 : i32
      %dma_start3A_199 = tpu.memref_slice %arg6[%dma_start3A_198] : memref<28672xf32, #tpu.memory_space<hbm>> -> memref<3328xf32, #tpu.memory_space<hbm>>
      %dma_start3A_200 = arith.constant 0 : i32
      %dma_start3A_201 = tpu.memref_slice %arg6[%dma_start3A_200] : memref<28672xf32, #tpu.memory_space<hbm>> -> memref<3328xf32, #tpu.memory_space<hbm>>
      %dma_start3A_202 = arith.constant 0 : i32
      %dma_start3A_203 = tpu.memref_slice %arg18[%dma_start3A_202] : memref<3328xf32, #tpu.memory_space<vmem>> -> memref<3328xf32, #tpu.memory_space<vmem>>
      tpu.enqueue_dma source(%dma_start3A_203 : memref<3328xf32, #tpu.memory_space<vmem>>) target(%dma_start3A_201 : memref<3328xf32, #tpu.memory_space<hbm>>) target_semaphore(%arg19 : memref<!tpu.dma_semaphore, #tpu.memory_space<semaphore_mem>>)
      %dma_wait3A_204 = arith.constant 0 : i32
      %dma_wait3A_205 = tpu.memref_slice %arg17[%dma_wait3A_204] : memref<6656xi32, #tpu.memory_space<vmem>> -> memref<6656xi32, #tpu.memory_space<vmem>>
      %dma_wait3A_206 = arith.constant 0 : i32
      %dma_wait3A_207 = tpu.memref_slice %arg5[%dma_wait3A_206] : memref<28672xi32, #tpu.memory_space<hbm>> -> memref<6656xi32, #tpu.memory_space<hbm>>
      %dma_wait3A_208 = arith.constant 0 : i32
      %dma_wait3A_209 = tpu.memref_slice %arg5[%dma_wait3A_208] : memref<28672xi32, #tpu.memory_space<hbm>> -> memref<6656xi32, #tpu.memory_space<hbm>>
      %dma_wait3A_210 = arith.constant 0 : i32
      %dma_wait3A_211 = tpu.memref_slice %arg17[%dma_wait3A_210] : memref<6656xi32, #tpu.memory_space<vmem>> -> memref<6656xi32, #tpu.memory_space<vmem>>
      tpu.wait_dma2 semaphore(%arg19 : memref<!tpu.dma_semaphore, #tpu.memory_space<semaphore_mem>>) src(%dma_wait3A_211 : memref<6656xi32, #tpu.memory_space<vmem>>) dst(%dma_wait3A_209 : memref<6656xi32, #tpu.memory_space<hbm>>)
      %dma_wait3A_212 = arith.constant 0 : i32
      %dma_wait3A_213 = tpu.memref_slice %arg18[%dma_wait3A_212] : memref<3328xf32, #tpu.memory_space<vmem>> -> memref<3328xf32, #tpu.memory_space<vmem>>
      %dma_wait3A_214 = arith.constant 0 : i32
      %dma_wait3A_215 = tpu.memref_slice %arg6[%dma_wait3A_214] : memref<28672xf32, #tpu.memory_space<hbm>> -> memref<3328xf32, #tpu.memory_space<hbm>>
      %dma_wait3A_216 = arith.constant 0 : i32
      %dma_wait3A_217 = tpu.memref_slice %arg6[%dma_wait3A_216] : memref<28672xf32, #tpu.memory_space<hbm>> -> memref<3328xf32, #tpu.memory_space<hbm>>
      %dma_wait3A_218 = arith.constant 0 : i32
      %dma_wait3A_219 = tpu.memref_slice %arg18[%dma_wait3A_218] : memref<3328xf32, #tpu.memory_space<vmem>> -> memref<3328xf32, #tpu.memory_space<vmem>>
      tpu.wait_dma2 semaphore(%arg19 : memref<!tpu.dma_semaphore, #tpu.memory_space<semaphore_mem>>) src(%dma_wait3A_219 : memref<3328xf32, #tpu.memory_space<vmem>>) dst(%dma_wait3A_217 : memref<3328xf32, #tpu.memory_space<hbm>>)
    } else {
    }
    %eq3A_3 = arith.constant 1 : i32
    %eq3A_4 = arith.cmpi eq, %add3A, %eq3A_3 : i32
    %convert_element_type3A_5 = arith.extui %eq3A_4 : i1 to i32
    %cond3A_6 = arith.constant 0 : i32
    %cond3A_7 = arith.cmpi ne, %convert_element_type3A_5, %cond3A_6 : i32
    scf.if %cond3A_7 {
      %dma_start3A = arith.constant 0 : i32
      %dma_start3A_158 = tpu.memref_slice %arg17[%dma_start3A] : memref<6656xi32, #tpu.memory_space<vmem>> -> memref<6656xi32, #tpu.memory_space<vmem>>
      %dma_start3A_159 = arith.constant 6656 : i32
      %dma_start3A_160 = tpu.memref_slice %arg2[%dma_start3A_159] : memref<106496xi32, #tpu.memory_space<hbm>> -> memref<6656xi32, #tpu.memory_space<hbm>>
      %dma_start3A_161 = arith.constant 0 : i32
      %dma_start3A_162 = tpu.memref_slice %arg17[%dma_start3A_161] : memref<6656xi32, #tpu.memory_space<vmem>> -> memref<6656xi32, #tpu.memory_space<vmem>>
      %dma_start3A_163 = arith.constant 6656 : i32
      %dma_start3A_164 = tpu.memref_slice %arg2[%dma_start3A_163] : memref<106496xi32, #tpu.memory_space<hbm>> -> memref<6656xi32, #tpu.memory_space<hbm>>
      tpu.enqueue_dma source(%dma_start3A_164 : memref<6656xi32, #tpu.memory_space<hbm>>) target(%dma_start3A_162 : memref<6656xi32, #tpu.memory_space<vmem>>) target_semaphore(%arg19 : memref<!tpu.dma_semaphore, #tpu.memory_space<semaphore_mem>>)
      %dma_start3A_165 = arith.constant 0 : i32
      %dma_start3A_166 = tpu.memref_slice %arg18[%dma_start3A_165] : memref<3328xf32, #tpu.memory_space<vmem>> -> memref<3328xf32, #tpu.memory_space<vmem>>
      %dma_start3A_167 = arith.constant 3328 : i32
      %dma_start3A_168 = tpu.memref_slice %arg3[%dma_start3A_167] : memref<106496xf32, #tpu.memory_space<hbm>> -> memref<3328xf32, #tpu.memory_space<hbm>>
      %dma_start3A_169 = arith.constant 0 : i32
      %dma_start3A_170 = tpu.memref_slice %arg18[%dma_start3A_169] : memref<3328xf32, #tpu.memory_space<vmem>> -> memref<3328xf32, #tpu.memory_space<vmem>>
      %dma_start3A_171 = arith.constant 3328 : i32
      %dma_start3A_172 = tpu.memref_slice %arg3[%dma_start3A_171] : memref<106496xf32, #tpu.memory_space<hbm>> -> memref<3328xf32, #tpu.memory_space<hbm>>
      tpu.enqueue_dma source(%dma_start3A_172 : memref<3328xf32, #tpu.memory_space<hbm>>) target(%dma_start3A_170 : memref<3328xf32, #tpu.memory_space<vmem>>) target_semaphore(%arg19 : memref<!tpu.dma_semaphore, #tpu.memory_space<semaphore_mem>>)
      %dma_wait3A = arith.constant 0 : i32
      %dma_wait3A_173 = tpu.memref_slice %arg17[%dma_wait3A] : memref<6656xi32, #tpu.memory_space<vmem>> -> memref<6656xi32, #tpu.memory_space<vmem>>
      %dma_wait3A_174 = arith.constant 6656 : i32
      %dma_wait3A_175 = tpu.memref_slice %arg2[%dma_wait3A_174] : memref<106496xi32, #tpu.memory_space<hbm>> -> memref<6656xi32, #tpu.memory_space<hbm>>
      %dma_wait3A_176 = arith.constant 0 : i32
      %dma_wait3A_177 = tpu.memref_slice %arg17[%dma_wait3A_176] : memref<6656xi32, #tpu.memory_space<vmem>> -> memref<6656xi32, #tpu.memory_space<vmem>>
      %dma_wait3A_178 = arith.constant 6656 : i32
      %dma_wait3A_179 = tpu.memref_slice %arg2[%dma_wait3A_178] : memref<106496xi32, #tpu.memory_space<hbm>> -> memref<6656xi32, #tpu.memory_space<hbm>>
      tpu.wait_dma2 semaphore(%arg19 : memref<!tpu.dma_semaphore, #tpu.memory_space<semaphore_mem>>) src(%dma_wait3A_179 : memref<6656xi32, #tpu.memory_space<hbm>>) dst(%dma_wait3A_177 : memref<6656xi32, #tpu.memory_space<vmem>>)
      %dma_wait3A_180 = arith.constant 0 : i32
      %dma_wait3A_181 = tpu.memref_slice %arg18[%dma_wait3A_180] : memref<3328xf32, #tpu.memory_space<vmem>> -> memref<3328xf32, #tpu.memory_space<vmem>>
      %dma_wait3A_182 = arith.constant 3328 : i32
      %dma_wait3A_183 = tpu.memref_slice %arg3[%dma_wait3A_182] : memref<106496xf32, #tpu.memory_space<hbm>> -> memref<3328xf32, #tpu.memory_space<hbm>>
      %dma_wait3A_184 = arith.constant 0 : i32
      %dma_wait3A_185 = tpu.memref_slice %arg18[%dma_wait3A_184] : memref<3328xf32, #tpu.memory_space<vmem>> -> memref<3328xf32, #tpu.memory_space<vmem>>
      %dma_wait3A_186 = arith.constant 3328 : i32
      %dma_wait3A_187 = tpu.memref_slice %arg3[%dma_wait3A_186] : memref<106496xf32, #tpu.memory_space<hbm>> -> memref<3328xf32, #tpu.memory_space<hbm>>
      tpu.wait_dma2 semaphore(%arg19 : memref<!tpu.dma_semaphore, #tpu.memory_space<semaphore_mem>>) src(%dma_wait3A_187 : memref<3328xf32, #tpu.memory_space<hbm>>) dst(%dma_wait3A_185 : memref<3328xf32, #tpu.memory_space<vmem>>)
      %dma_start3A_188 = arith.constant 0 : i32
      %dma_start3A_189 = tpu.memref_slice %arg17[%dma_start3A_188] : memref<6656xi32, #tpu.memory_space<vmem>> -> memref<6656xi32, #tpu.memory_space<vmem>>
      %dma_start3A_190 = arith.constant 6656 : i32
      %dma_start3A_191 = tpu.memref_slice %arg5[%dma_start3A_190] : memref<28672xi32, #tpu.memory_space<hbm>> -> memref<6656xi32, #tpu.memory_space<hbm>>
      %dma_start3A_192 = arith.constant 6656 : i32
      %dma_start3A_193 = tpu.memref_slice %arg5[%dma_start3A_192] : memref<28672xi32, #tpu.memory_space<hbm>> -> memref<6656xi32, #tpu.memory_space<hbm>>
      %dma_start3A_194 = arith.constant 0 : i32
      %dma_start3A_195 = tpu.memref_slice %arg17[%dma_start3A_194] : memref<6656xi32, #tpu.memory_space<vmem>> -> memref<6656xi32, #tpu.memory_space<vmem>>
      tpu.enqueue_dma source(%dma_start3A_195 : memref<6656xi32, #tpu.memory_space<vmem>>) target(%dma_start3A_193 : memref<6656xi32, #tpu.memory_space<hbm>>) target_semaphore(%arg19 : memref<!tpu.dma_semaphore, #tpu.memory_space<semaphore_mem>>)
      %dma_start3A_196 = arith.constant 0 : i32
      %dma_start3A_197 = tpu.memref_slice %arg18[%dma_start3A_196] : memref<3328xf32, #tpu.memory_space<vmem>> -> memref<3328xf32, #tpu.memory_space<vmem>>
      %dma_start3A_198 = arith.constant 3328 : i32
      %dma_start3A_199 = tpu.memref_slice %arg6[%dma_start3A_198] : memref<28672xf32, #tpu.memory_space<hbm>> -> memref<3328xf32, #tpu.memory_space<hbm>>
      %dma_start3A_200 = arith.constant 3328 : i32
      %dma_start3A_201 = tpu.memref_slice %arg6[%dma_start3A_200] : memref<28672xf32, #tpu.memory_space<hbm>> -> memref<3328xf32, #tpu.memory_space<hbm>>
      %dma_start3A_202 = arith.constant 0 : i32
      %dma_start3A_203 = tpu.memref_slice %arg18[%dma_start3A_202] : memref<3328xf32, #tpu.memory_space<vmem>> -> memref<3328xf32, #tpu.memory_space<vmem>>
      tpu.enqueue_dma source(%dma_start3A_203 : memref<3328xf32, #tpu.memory_space<vmem>>) target(%dma_start3A_201 : memref<3328xf32, #tpu.memory_space<hbm>>) target_semaphore(%arg19 : memref<!tpu.dma_semaphore, #tpu.memory_space<semaphore_mem>>)
      %dma_wait3A_204 = arith.constant 0 : i32
      %dma_wait3A_205 = tpu.memref_slice %arg17[%dma_wait3A_204] : memref<6656xi32, #tpu.memory_space<vmem>> -> memref<6656xi32, #tpu.memory_space<vmem>>
      %dma_wait3A_206 = arith.constant 6656 : i32
      %dma_wait3A_207 = tpu.memref_slice %arg5[%dma_wait3A_206] : memref<28672xi32, #tpu.memory_space<hbm>> -> memref<6656xi32, #tpu.memory_space<hbm>>
      %dma_wait3A_208 = arith.constant 6656 : i32
      %dma_wait3A_209 = tpu.memref_slice %arg5[%dma_wait3A_208] : memref<28672xi32, #tpu.memory_space<hbm>> -> memref<6656xi32, #tpu.memory_space<hbm>>
      %dma_wait3A_210 = arith.constant 0 : i32
      %dma_wait3A_211 = tpu.memref_slice %arg17[%dma_wait3A_210] : memref<6656xi32, #tpu.memory_space<vmem>> -> memref<6656xi32, #tpu.memory_space<vmem>>
      tpu.wait_dma2 semaphore(%arg19 : memref<!tpu.dma_semaphore, #tpu.memory_space<semaphore_mem>>) src(%dma_wait3A_211 : memref<6656xi32, #tpu.memory_space<vmem>>) dst(%dma_wait3A_209 : memref<6656xi32, #tpu.memory_space<hbm>>)
      %dma_wait3A_212 = arith.constant 0 : i32
      %dma_wait3A_213 = tpu.memref_slice %arg18[%dma_wait3A_212] : memref<3328xf32, #tpu.memory_space<vmem>> -> memref<3328xf32, #tpu.memory_space<vmem>>
      %dma_wait3A_214 = arith.constant 3328 : i32
      %dma_wait3A_215 = tpu.memref_slice %arg6[%dma_wait3A_214] : memref<28672xf32, #tpu.memory_space<hbm>> -> memref<3328xf32, #tpu.memory_space<hbm>>
      %dma_wait3A_216 = arith.constant 3328 : i32
      %dma_wait3A_217 = tpu.memref_slice %arg6[%dma_wait3A_216] : memref<28672xf32, #tpu.memory_space<hbm>> -> memref<3328xf32, #tpu.memory_space<hbm>>
      %dma_wait3A_218 = arith.constant 0 : i32
      %dma_wait3A_219 = tpu.memref_slice %arg18[%dma_wait3A_218] : memref<3328xf32, #tpu.memory_space<vmem>> -> memref<3328xf32, #tpu.memory_space<vmem>>
      tpu.wait_dma2 semaphore(%arg19 : memref<!tpu.dma_semaphore, #tpu.memory_space<semaphore_mem>>) src(%dma_wait3A_219 : memref<3328xf32, #tpu.memory_space<vmem>>) dst(%dma_wait3A_217 : memref<3328xf32, #tpu.memory_space<hbm>>)
    } else {
    }
    %eq3A_8 = arith.constant 2 : i32
    %eq3A_9 = arith.cmpi eq, %add3A, %eq3A_8 : i32
    %convert_element_type3A_10 = arith.extui %eq3A_9 : i1 to i32
    %cond3A_11 = arith.constant 0 : i32
    %cond3A_12 = arith.cmpi ne, %convert_element_type3A_10, %cond3A_11 : i32
    scf.if %cond3A_12 {
      %dma_start3A = arith.constant 0 : i32
      %dma_start3A_158 = tpu.memref_slice %arg17[%dma_start3A] : memref<6656xi32, #tpu.memory_space<vmem>> -> memref<6656xi32, #tpu.memory_space<vmem>>
      %dma_start3A_159 = arith.constant 13312 : i32
      %dma_start3A_160 = tpu.memref_slice %arg2[%dma_start3A_159] : memref<106496xi32, #tpu.memory_space<hbm>> -> memref<6656xi32, #tpu.memory_space<hbm>>
      %dma_start3A_161 = arith.constant 0 : i32
      %dma_start3A_162 = tpu.memref_slice %arg17[%dma_start3A_161] : memref<6656xi32, #tpu.memory_space<vmem>> -> memref<6656xi32, #tpu.memory_space<vmem>>
      %dma_start3A_163 = arith.constant 13312 : i32
      %dma_start3A_164 = tpu.memref_slice %arg2[%dma_start3A_163] : memref<106496xi32, #tpu.memory_space<hbm>> -> memref<6656xi32, #tpu.memory_space<hbm>>
      tpu.enqueue_dma source(%dma_start3A_164 : memref<6656xi32, #tpu.memory_space<hbm>>) target(%dma_start3A_162 : memref<6656xi32, #tpu.memory_space<vmem>>) target_semaphore(%arg19 : memref<!tpu.dma_semaphore, #tpu.memory_space<semaphore_mem>>)
      %dma_start3A_165 = arith.constant 0 : i32
      %dma_start3A_166 = tpu.memref_slice %arg18[%dma_start3A_165] : memref<3328xf32, #tpu.memory_space<vmem>> -> memref<3328xf32, #tpu.memory_space<vmem>>
      %dma_start3A_167 = arith.constant 6656 : i32
      %dma_start3A_168 = tpu.memref_slice %arg3[%dma_start3A_167] : memref<106496xf32, #tpu.memory_space<hbm>> -> memref<3328xf32, #tpu.memory_space<hbm>>
      %dma_start3A_169 = arith.constant 0 : i32
      %dma_start3A_170 = tpu.memref_slice %arg18[%dma_start3A_169] : memref<3328xf32, #tpu.memory_space<vmem>> -> memref<3328xf32, #tpu.memory_space<vmem>>
      %dma_start3A_171 = arith.constant 6656 : i32
      %dma_start3A_172 = tpu.memref_slice %arg3[%dma_start3A_171] : memref<106496xf32, #tpu.memory_space<hbm>> -> memref<3328xf32, #tpu.memory_space<hbm>>
      tpu.enqueue_dma source(%dma_start3A_172 : memref<3328xf32, #tpu.memory_space<hbm>>) target(%dma_start3A_170 : memref<3328xf32, #tpu.memory_space<vmem>>) target_semaphore(%arg19 : memref<!tpu.dma_semaphore, #tpu.memory_space<semaphore_mem>>)
      %dma_wait3A = arith.constant 0 : i32
      %dma_wait3A_173 = tpu.memref_slice %arg17[%dma_wait3A] : memref<6656xi32, #tpu.memory_space<vmem>> -> memref<6656xi32, #tpu.memory_space<vmem>>
      %dma_wait3A_174 = arith.constant 13312 : i32
      %dma_wait3A_175 = tpu.memref_slice %arg2[%dma_wait3A_174] : memref<106496xi32, #tpu.memory_space<hbm>> -> memref<6656xi32, #tpu.memory_space<hbm>>
      %dma_wait3A_176 = arith.constant 0 : i32
      %dma_wait3A_177 = tpu.memref_slice %arg17[%dma_wait3A_176] : memref<6656xi32, #tpu.memory_space<vmem>> -> memref<6656xi32, #tpu.memory_space<vmem>>
      %dma_wait3A_178 = arith.constant 13312 : i32
      %dma_wait3A_179 = tpu.memref_slice %arg2[%dma_wait3A_178] : memref<106496xi32, #tpu.memory_space<hbm>> -> memref<6656xi32, #tpu.memory_space<hbm>>
      tpu.wait_dma2 semaphore(%arg19 : memref<!tpu.dma_semaphore, #tpu.memory_space<semaphore_mem>>) src(%dma_wait3A_179 : memref<6656xi32, #tpu.memory_space<hbm>>) dst(%dma_wait3A_177 : memref<6656xi32, #tpu.memory_space<vmem>>)
      %dma_wait3A_180 = arith.constant 0 : i32
      %dma_wait3A_181 = tpu.memref_slice %arg18[%dma_wait3A_180] : memref<3328xf32, #tpu.memory_space<vmem>> -> memref<3328xf32, #tpu.memory_space<vmem>>
      %dma_wait3A_182 = arith.constant 6656 : i32
      %dma_wait3A_183 = tpu.memref_slice %arg3[%dma_wait3A_182] : memref<106496xf32, #tpu.memory_space<hbm>> -> memref<3328xf32, #tpu.memory_space<hbm>>
      %dma_wait3A_184 = arith.constant 0 : i32
      %dma_wait3A_185 = tpu.memref_slice %arg18[%dma_wait3A_184] : memref<3328xf32, #tpu.memory_space<vmem>> -> memref<3328xf32, #tpu.memory_space<vmem>>
      %dma_wait3A_186 = arith.constant 6656 : i32
      %dma_wait3A_187 = tpu.memref_slice %arg3[%dma_wait3A_186] : memref<106496xf32, #tpu.memory_space<hbm>> -> memref<3328xf32, #tpu.memory_space<hbm>>
      tpu.wait_dma2 semaphore(%arg19 : memref<!tpu.dma_semaphore, #tpu.memory_space<semaphore_mem>>) src(%dma_wait3A_187 : memref<3328xf32, #tpu.memory_space<hbm>>) dst(%dma_wait3A_185 : memref<3328xf32, #tpu.memory_space<vmem>>)
      %dma_start3A_188 = arith.constant 0 : i32
      %dma_start3A_189 = tpu.memref_slice %arg17[%dma_start3A_188] : memref<6656xi32, #tpu.memory_space<vmem>> -> memref<6656xi32, #tpu.memory_space<vmem>>
      %dma_start3A_190 = arith.constant 13312 : i32
      %dma_start3A_191 = tpu.memref_slice %arg5[%dma_start3A_190] : memref<28672xi32, #tpu.memory_space<hbm>> -> memref<6656xi32, #tpu.memory_space<hbm>>
      %dma_start3A_192 = arith.constant 13312 : i32
      %dma_start3A_193 = tpu.memref_slice %arg5[%dma_start3A_192] : memref<28672xi32, #tpu.memory_space<hbm>> -> memref<6656xi32, #tpu.memory_space<hbm>>
      %dma_start3A_194 = arith.constant 0 : i32
      %dma_start3A_195 = tpu.memref_slice %arg17[%dma_start3A_194] : memref<6656xi32, #tpu.memory_space<vmem>> -> memref<6656xi32, #tpu.memory_space<vmem>>
      tpu.enqueue_dma source(%dma_start3A_195 : memref<6656xi32, #tpu.memory_space<vmem>>) target(%dma_start3A_193 : memref<6656xi32, #tpu.memory_space<hbm>>) target_semaphore(%arg19 : memref<!tpu.dma_semaphore, #tpu.memory_space<semaphore_mem>>)
      %dma_start3A_196 = arith.constant 0 : i32
      %dma_start3A_197 = tpu.memref_slice %arg18[%dma_start3A_196] : memref<3328xf32, #tpu.memory_space<vmem>> -> memref<3328xf32, #tpu.memory_space<vmem>>
      %dma_start3A_198 = arith.constant 6656 : i32
      %dma_start3A_199 = tpu.memref_slice %arg6[%dma_start3A_198] : memref<28672xf32, #tpu.memory_space<hbm>> -> memref<3328xf32, #tpu.memory_space<hbm>>
      %dma_start3A_200 = arith.constant 6656 : i32
      %dma_start3A_201 = tpu.memref_slice %arg6[%dma_start3A_200] : memref<28672xf32, #tpu.memory_space<hbm>> -> memref<3328xf32, #tpu.memory_space<hbm>>
      %dma_start3A_202 = arith.constant 0 : i32
      %dma_start3A_203 = tpu.memref_slice %arg18[%dma_start3A_202] : memref<3328xf32, #tpu.memory_space<vmem>> -> memref<3328xf32, #tpu.memory_space<vmem>>
      tpu.enqueue_dma source(%dma_start3A_203 : memref<3328xf32, #tpu.memory_space<vmem>>) target(%dma_start3A_201 : memref<3328xf32, #tpu.memory_space<hbm>>) target_semaphore(%arg19 : memref<!tpu.dma_semaphore, #tpu.memory_space<semaphore_mem>>)
      %dma_wait3A_204 = arith.constant 0 : i32
      %dma_wait3A_205 = tpu.memref_slice %arg17[%dma_wait3A_204] : memref<6656xi32, #tpu.memory_space<vmem>> -> memref<6656xi32, #tpu.memory_space<vmem>>
      %dma_wait3A_206 = arith.constant 13312 : i32
      %dma_wait3A_207 = tpu.memref_slice %arg5[%dma_wait3A_206] : memref<28672xi32, #tpu.memory_space<hbm>> -> memref<6656xi32, #tpu.memory_space<hbm>>
      %dma_wait3A_208 = arith.constant 13312 : i32
      %dma_wait3A_209 = tpu.memref_slice %arg5[%dma_wait3A_208] : memref<28672xi32, #tpu.memory_space<hbm>> -> memref<6656xi32, #tpu.memory_space<hbm>>
      %dma_wait3A_210 = arith.constant 0 : i32
      %dma_wait3A_211 = tpu.memref_slice %arg17[%dma_wait3A_210] : memref<6656xi32, #tpu.memory_space<vmem>> -> memref<6656xi32, #tpu.memory_space<vmem>>
      tpu.wait_dma2 semaphore(%arg19 : memref<!tpu.dma_semaphore, #tpu.memory_space<semaphore_mem>>) src(%dma_wait3A_211 : memref<6656xi32, #tpu.memory_space<vmem>>) dst(%dma_wait3A_209 : memref<6656xi32, #tpu.memory_space<hbm>>)
      %dma_wait3A_212 = arith.constant 0 : i32
      %dma_wait3A_213 = tpu.memref_slice %arg18[%dma_wait3A_212] : memref<3328xf32, #tpu.memory_space<vmem>> -> memref<3328xf32, #tpu.memory_space<vmem>>
      %dma_wait3A_214 = arith.constant 6656 : i32
      %dma_wait3A_215 = tpu.memref_slice %arg6[%dma_wait3A_214] : memref<28672xf32, #tpu.memory_space<hbm>> -> memref<3328xf32, #tpu.memory_space<hbm>>
      %dma_wait3A_216 = arith.constant 6656 : i32
      %dma_wait3A_217 = tpu.memref_slice %arg6[%dma_wait3A_216] : memref<28672xf32, #tpu.memory_space<hbm>> -> memref<3328xf32, #tpu.memory_space<hbm>>
      %dma_wait3A_218 = arith.constant 0 : i32
      %dma_wait3A_219 = tpu.memref_slice %arg18[%dma_wait3A_218] : memref<3328xf32, #tpu.memory_space<vmem>> -> memref<3328xf32, #tpu.memory_space<vmem>>
      tpu.wait_dma2 semaphore(%arg19 : memref<!tpu.dma_semaphore, #tpu.memory_space<semaphore_mem>>) src(%dma_wait3A_219 : memref<3328xf32, #tpu.memory_space<vmem>>) dst(%dma_wait3A_217 : memref<3328xf32, #tpu.memory_space<hbm>>)
    } else {
    }
    %eq3A_13 = arith.constant 3 : i32
    %eq3A_14 = arith.cmpi eq, %add3A, %eq3A_13 : i32
    %convert_element_type3A_15 = arith.extui %eq3A_14 : i1 to i32
    %cond3A_16 = arith.constant 0 : i32
    %cond3A_17 = arith.cmpi ne, %convert_element_type3A_15, %cond3A_16 : i32
    scf.if %cond3A_17 {
      %dma_start3A = arith.constant 0 : i32
      %dma_start3A_158 = tpu.memref_slice %arg17[%dma_start3A] : memref<6656xi32, #tpu.memory_space<vmem>> -> memref<6656xi32, #tpu.memory_space<vmem>>
      %dma_start3A_159 = arith.constant 19968 : i32
      %dma_start3A_160 = tpu.memref_slice %arg2[%dma_start3A_159] : memref<106496xi32, #tpu.memory_space<hbm>> -> memref<6656xi32, #tpu.memory_space<hbm>>
      %dma_start3A_161 = arith.constant 0 : i32
      %dma_start3A_162 = tpu.memref_slice %arg17[%dma_start3A_161] : memref<6656xi32, #tpu.memory_space<vmem>> -> memref<6656xi32, #tpu.memory_space<vmem>>
      %dma_start3A_163 = arith.constant 19968 : i32
      %dma_start3A_164 = tpu.memref_slice %arg2[%dma_start3A_163] : memref<106496xi32, #tpu.memory_space<hbm>> -> memref<6656xi32, #tpu.memory_space<hbm>>
      tpu.enqueue_dma source(%dma_start3A_164 : memref<6656xi32, #tpu.memory_space<hbm>>) target(%dma_start3A_162 : memref<6656xi32, #tpu.memory_space<vmem>>) target_semaphore(%arg19 : memref<!tpu.dma_semaphore, #tpu.memory_space<semaphore_mem>>)
      %dma_start3A_165 = arith.constant 0 : i32
      %dma_start3A_166 = tpu.memref_slice %arg18[%dma_start3A_165] : memref<3328xf32, #tpu.memory_space<vmem>> -> memref<3328xf32, #tpu.memory_space<vmem>>
      %dma_start3A_167 = arith.constant 9984 : i32
      %dma_start3A_168 = tpu.memref_slice %arg3[%dma_start3A_167] : memref<106496xf32, #tpu.memory_space<hbm>> -> memref<3328xf32, #tpu.memory_space<hbm>>
      %dma_start3A_169 = arith.constant 0 : i32
      %dma_start3A_170 = tpu.memref_slice %arg18[%dma_start3A_169] : memref<3328xf32, #tpu.memory_space<vmem>> -> memref<3328xf32, #tpu.memory_space<vmem>>
      %dma_start3A_171 = arith.constant 9984 : i32
      %dma_start3A_172 = tpu.memref_slice %arg3[%dma_start3A_171] : memref<106496xf32, #tpu.memory_space<hbm>> -> memref<3328xf32, #tpu.memory_space<hbm>>
      tpu.enqueue_dma source(%dma_start3A_172 : memref<3328xf32, #tpu.memory_space<hbm>>) target(%dma_start3A_170 : memref<3328xf32, #tpu.memory_space<vmem>>) target_semaphore(%arg19 : memref<!tpu.dma_semaphore, #tpu.memory_space<semaphore_mem>>)
      %dma_wait3A = arith.constant 0 : i32
      %dma_wait3A_173 = tpu.memref_slice %arg17[%dma_wait3A] : memref<6656xi32, #tpu.memory_space<vmem>> -> memref<6656xi32, #tpu.memory_space<vmem>>
      %dma_wait3A_174 = arith.constant 19968 : i32
      %dma_wait3A_175 = tpu.memref_slice %arg2[%dma_wait3A_174] : memref<106496xi32, #tpu.memory_space<hbm>> -> memref<6656xi32, #tpu.memory_space<hbm>>
      %dma_wait3A_176 = arith.constant 0 : i32
      %dma_wait3A_177 = tpu.memref_slice %arg17[%dma_wait3A_176] : memref<6656xi32, #tpu.memory_space<vmem>> -> memref<6656xi32, #tpu.memory_space<vmem>>
      %dma_wait3A_178 = arith.constant 19968 : i32
      %dma_wait3A_179 = tpu.memref_slice %arg2[%dma_wait3A_178] : memref<106496xi32, #tpu.memory_space<hbm>> -> memref<6656xi32, #tpu.memory_space<hbm>>
      tpu.wait_dma2 semaphore(%arg19 : memref<!tpu.dma_semaphore, #tpu.memory_space<semaphore_mem>>) src(%dma_wait3A_179 : memref<6656xi32, #tpu.memory_space<hbm>>) dst(%dma_wait3A_177 : memref<6656xi32, #tpu.memory_space<vmem>>)
      %dma_wait3A_180 = arith.constant 0 : i32
      %dma_wait3A_181 = tpu.memref_slice %arg18[%dma_wait3A_180] : memref<3328xf32, #tpu.memory_space<vmem>> -> memref<3328xf32, #tpu.memory_space<vmem>>
      %dma_wait3A_182 = arith.constant 9984 : i32
      %dma_wait3A_183 = tpu.memref_slice %arg3[%dma_wait3A_182] : memref<106496xf32, #tpu.memory_space<hbm>> -> memref<3328xf32, #tpu.memory_space<hbm>>
      %dma_wait3A_184 = arith.constant 0 : i32
      %dma_wait3A_185 = tpu.memref_slice %arg18[%dma_wait3A_184] : memref<3328xf32, #tpu.memory_space<vmem>> -> memref<3328xf32, #tpu.memory_space<vmem>>
      %dma_wait3A_186 = arith.constant 9984 : i32
      %dma_wait3A_187 = tpu.memref_slice %arg3[%dma_wait3A_186] : memref<106496xf32, #tpu.memory_space<hbm>> -> memref<3328xf32, #tpu.memory_space<hbm>>
      tpu.wait_dma2 semaphore(%arg19 : memref<!tpu.dma_semaphore, #tpu.memory_space<semaphore_mem>>) src(%dma_wait3A_187 : memref<3328xf32, #tpu.memory_space<hbm>>) dst(%dma_wait3A_185 : memref<3328xf32, #tpu.memory_space<vmem>>)
      %dma_start3A_188 = arith.constant 0 : i32
      %dma_start3A_189 = tpu.memref_slice %arg17[%dma_start3A_188] : memref<6656xi32, #tpu.memory_space<vmem>> -> memref<6656xi32, #tpu.memory_space<vmem>>
      %dma_start3A_190 = arith.constant 19968 : i32
      %dma_start3A_191 = tpu.memref_slice %arg5[%dma_start3A_190] : memref<28672xi32, #tpu.memory_space<hbm>> -> memref<6656xi32, #tpu.memory_space<hbm>>
      %dma_start3A_192 = arith.constant 19968 : i32
      %dma_start3A_193 = tpu.memref_slice %arg5[%dma_start3A_192] : memref<28672xi32, #tpu.memory_space<hbm>> -> memref<6656xi32, #tpu.memory_space<hbm>>
      %dma_start3A_194 = arith.constant 0 : i32
      %dma_start3A_195 = tpu.memref_slice %arg17[%dma_start3A_194] : memref<6656xi32, #tpu.memory_space<vmem>> -> memref<6656xi32, #tpu.memory_space<vmem>>
      tpu.enqueue_dma source(%dma_start3A_195 : memref<6656xi32, #tpu.memory_space<vmem>>) target(%dma_start3A_193 : memref<6656xi32, #tpu.memory_space<hbm>>) target_semaphore(%arg19 : memref<!tpu.dma_semaphore, #tpu.memory_space<semaphore_mem>>)
      %dma_start3A_196 = arith.constant 0 : i32
      %dma_start3A_197 = tpu.memref_slice %arg18[%dma_start3A_196] : memref<3328xf32, #tpu.memory_space<vmem>> -> memref<3328xf32, #tpu.memory_space<vmem>>
      %dma_start3A_198 = arith.constant 9984 : i32
      %dma_start3A_199 = tpu.memref_slice %arg6[%dma_start3A_198] : memref<28672xf32, #tpu.memory_space<hbm>> -> memref<3328xf32, #tpu.memory_space<hbm>>
      %dma_start3A_200 = arith.constant 9984 : i32
      %dma_start3A_201 = tpu.memref_slice %arg6[%dma_start3A_200] : memref<28672xf32, #tpu.memory_space<hbm>> -> memref<3328xf32, #tpu.memory_space<hbm>>
      %dma_start3A_202 = arith.constant 0 : i32
      %dma_start3A_203 = tpu.memref_slice %arg18[%dma_start3A_202] : memref<3328xf32, #tpu.memory_space<vmem>> -> memref<3328xf32, #tpu.memory_space<vmem>>
      tpu.enqueue_dma source(%dma_start3A_203 : memref<3328xf32, #tpu.memory_space<vmem>>) target(%dma_start3A_201 : memref<3328xf32, #tpu.memory_space<hbm>>) target_semaphore(%arg19 : memref<!tpu.dma_semaphore, #tpu.memory_space<semaphore_mem>>)
      %dma_wait3A_204 = arith.constant 0 : i32
      %dma_wait3A_205 = tpu.memref_slice %arg17[%dma_wait3A_204] : memref<6656xi32, #tpu.memory_space<vmem>> -> memref<6656xi32, #tpu.memory_space<vmem>>
      %dma_wait3A_206 = arith.constant 19968 : i32
      %dma_wait3A_207 = tpu.memref_slice %arg5[%dma_wait3A_206] : memref<28672xi32, #tpu.memory_space<hbm>> -> memref<6656xi32, #tpu.memory_space<hbm>>
      %dma_wait3A_208 = arith.constant 19968 : i32
      %dma_wait3A_209 = tpu.memref_slice %arg5[%dma_wait3A_208] : memref<28672xi32, #tpu.memory_space<hbm>> -> memref<6656xi32, #tpu.memory_space<hbm>>
      %dma_wait3A_210 = arith.constant 0 : i32
      %dma_wait3A_211 = tpu.memref_slice %arg17[%dma_wait3A_210] : memref<6656xi32, #tpu.memory_space<vmem>> -> memref<6656xi32, #tpu.memory_space<vmem>>
      tpu.wait_dma2 semaphore(%arg19 : memref<!tpu.dma_semaphore, #tpu.memory_space<semaphore_mem>>) src(%dma_wait3A_211 : memref<6656xi32, #tpu.memory_space<vmem>>) dst(%dma_wait3A_209 : memref<6656xi32, #tpu.memory_space<hbm>>)
      %dma_wait3A_212 = arith.constant 0 : i32
      %dma_wait3A_213 = tpu.memref_slice %arg18[%dma_wait3A_212] : memref<3328xf32, #tpu.memory_space<vmem>> -> memref<3328xf32, #tpu.memory_space<vmem>>
      %dma_wait3A_214 = arith.constant 9984 : i32
      %dma_wait3A_215 = tpu.memref_slice %arg6[%dma_wait3A_214] : memref<28672xf32, #tpu.memory_space<hbm>> -> memref<3328xf32, #tpu.memory_space<hbm>>
      %dma_wait3A_216 = arith.constant 9984 : i32
      %dma_wait3A_217 = tpu.memref_slice %arg6[%dma_wait3A_216] : memref<28672xf32, #tpu.memory_space<hbm>> -> memref<3328xf32, #tpu.memory_space<hbm>>
      %dma_wait3A_218 = arith.constant 0 : i32
      %dma_wait3A_219 = tpu.memref_slice %arg18[%dma_wait3A_218] : memref<3328xf32, #tpu.memory_space<vmem>> -> memref<3328xf32, #tpu.memory_space<vmem>>
      tpu.wait_dma2 semaphore(%arg19 : memref<!tpu.dma_semaphore, #tpu.memory_space<semaphore_mem>>) src(%dma_wait3A_219 : memref<3328xf32, #tpu.memory_space<vmem>>) dst(%dma_wait3A_217 : memref<3328xf32, #tpu.memory_space<hbm>>)
    } else {
    }
    %eq3A_18 = arith.constant 4 : i32
    %eq3A_19 = arith.cmpi eq, %add3A, %eq3A_18 : i32
    %convert_element_type3A_20 = arith.extui %eq3A_19 : i1 to i32
    %cond3A_21 = arith.constant 0 : i32
    %cond3A_22 = arith.cmpi ne, %convert_element_type3A_20, %cond3A_21 : i32
    scf.if %cond3A_22 {
      %dma_start3A = arith.constant 0 : i32
      %dma_start3A_158 = tpu.memref_slice %arg17[%dma_start3A] : memref<6656xi32, #tpu.memory_space<vmem>> -> memref<2048xi32, #tpu.memory_space<vmem>>
      %dma_start3A_159 = arith.constant 26624 : i32
      %dma_start3A_160 = tpu.memref_slice %arg2[%dma_start3A_159] : memref<106496xi32, #tpu.memory_space<hbm>> -> memref<2048xi32, #tpu.memory_space<hbm>>
      %dma_start3A_161 = arith.constant 0 : i32
      %dma_start3A_162 = tpu.memref_slice %arg17[%dma_start3A_161] : memref<6656xi32, #tpu.memory_space<vmem>> -> memref<2048xi32, #tpu.memory_space<vmem>>
      %dma_start3A_163 = arith.constant 26624 : i32
      %dma_start3A_164 = tpu.memref_slice %arg2[%dma_start3A_163] : memref<106496xi32, #tpu.memory_space<hbm>> -> memref<2048xi32, #tpu.memory_space<hbm>>
      tpu.enqueue_dma source(%dma_start3A_164 : memref<2048xi32, #tpu.memory_space<hbm>>) target(%dma_start3A_162 : memref<2048xi32, #tpu.memory_space<vmem>>) target_semaphore(%arg19 : memref<!tpu.dma_semaphore, #tpu.memory_space<semaphore_mem>>)
      %dma_start3A_165 = arith.constant 2048 : i32
      %dma_start3A_166 = tpu.memref_slice %arg17[%dma_start3A_165] : memref<6656xi32, #tpu.memory_space<vmem>> -> memref<4608xi32, #tpu.memory_space<vmem>>
      %dma_start3A_167 = arith.constant 0 : i32
      %dma_start3A_168 = tpu.memref_slice %arg4[%dma_start3A_167] : memref<106496xi32, #tpu.memory_space<hbm>> -> memref<4608xi32, #tpu.memory_space<hbm>>
      %dma_start3A_169 = arith.constant 2048 : i32
      %dma_start3A_170 = tpu.memref_slice %arg17[%dma_start3A_169] : memref<6656xi32, #tpu.memory_space<vmem>> -> memref<4608xi32, #tpu.memory_space<vmem>>
      %dma_start3A_171 = arith.constant 0 : i32
      %dma_start3A_172 = tpu.memref_slice %arg4[%dma_start3A_171] : memref<106496xi32, #tpu.memory_space<hbm>> -> memref<4608xi32, #tpu.memory_space<hbm>>
      tpu.enqueue_dma source(%dma_start3A_172 : memref<4608xi32, #tpu.memory_space<hbm>>) target(%dma_start3A_170 : memref<4608xi32, #tpu.memory_space<vmem>>) target_semaphore(%arg19 : memref<!tpu.dma_semaphore, #tpu.memory_space<semaphore_mem>>)
      %dma_start3A_173 = arith.constant 0 : i32
      %dma_start3A_174 = tpu.memref_slice %arg18[%dma_start3A_173] : memref<3328xf32, #tpu.memory_space<vmem>> -> memref<3328xf32, #tpu.memory_space<vmem>>
      %dma_start3A_175 = arith.constant 13312 : i32
      %dma_start3A_176 = tpu.memref_slice %arg3[%dma_start3A_175] : memref<106496xf32, #tpu.memory_space<hbm>> -> memref<3328xf32, #tpu.memory_space<hbm>>
      %dma_start3A_177 = arith.constant 0 : i32
      %dma_start3A_178 = tpu.memref_slice %arg18[%dma_start3A_177] : memref<3328xf32, #tpu.memory_space<vmem>> -> memref<3328xf32, #tpu.memory_space<vmem>>
      %dma_start3A_179 = arith.constant 13312 : i32
      %dma_start3A_180 = tpu.memref_slice %arg3[%dma_start3A_179] : memref<106496xf32, #tpu.memory_space<hbm>> -> memref<3328xf32, #tpu.memory_space<hbm>>
      tpu.enqueue_dma source(%dma_start3A_180 : memref<3328xf32, #tpu.memory_space<hbm>>) target(%dma_start3A_178 : memref<3328xf32, #tpu.memory_space<vmem>>) target_semaphore(%arg19 : memref<!tpu.dma_semaphore, #tpu.memory_space<semaphore_mem>>)
      %dma_wait3A = arith.constant 0 : i32
      %dma_wait3A_181 = tpu.memref_slice %arg17[%dma_wait3A] : memref<6656xi32, #tpu.memory_space<vmem>> -> memref<2048xi32, #tpu.memory_space<vmem>>
      %dma_wait3A_182 = arith.constant 26624 : i32
      %dma_wait3A_183 = tpu.memref_slice %arg2[%dma_wait3A_182] : memref<106496xi32, #tpu.memory_space<hbm>> -> memref<2048xi32, #tpu.memory_space<hbm>>
      %dma_wait3A_184 = arith.constant 0 : i32
      %dma_wait3A_185 = tpu.memref_slice %arg17[%dma_wait3A_184] : memref<6656xi32, #tpu.memory_space<vmem>> -> memref<2048xi32, #tpu.memory_space<vmem>>
      %dma_wait3A_186 = arith.constant 26624 : i32
      %dma_wait3A_187 = tpu.memref_slice %arg2[%dma_wait3A_186] : memref<106496xi32, #tpu.memory_space<hbm>> -> memref<2048xi32, #tpu.memory_space<hbm>>
      tpu.wait_dma2 semaphore(%arg19 : memref<!tpu.dma_semaphore, #tpu.memory_space<semaphore_mem>>) src(%dma_wait3A_187 : memref<2048xi32, #tpu.memory_space<hbm>>) dst(%dma_wait3A_185 : memref<2048xi32, #tpu.memory_space<vmem>>)
      %dma_wait3A_188 = arith.constant 2048 : i32
      %dma_wait3A_189 = tpu.memref_slice %arg17[%dma_wait3A_188] : memref<6656xi32, #tpu.memory_space<vmem>> -> memref<4608xi32, #tpu.memory_space<vmem>>
      %dma_wait3A_190 = arith.constant 0 : i32
      %dma_wait3A_191 = tpu.memref_slice %arg4[%dma_wait3A_190] : memref<106496xi32, #tpu.memory_space<hbm>> -> memref<4608xi32, #tpu.memory_space<hbm>>
      %dma_wait3A_192 = arith.constant 2048 : i32
      %dma_wait3A_193 = tpu.memref_slice %arg17[%dma_wait3A_192] : memref<6656xi32, #tpu.memory_space<vmem>> -> memref<4608xi32, #tpu.memory_space<vmem>>
      %dma_wait3A_194 = arith.constant 0 : i32
      %dma_wait3A_195 = tpu.memref_slice %arg4[%dma_wait3A_194] : memref<106496xi32, #tpu.memory_space<hbm>> -> memref<4608xi32, #tpu.memory_space<hbm>>
      tpu.wait_dma2 semaphore(%arg19 : memref<!tpu.dma_semaphore, #tpu.memory_space<semaphore_mem>>) src(%dma_wait3A_195 : memref<4608xi32, #tpu.memory_space<hbm>>) dst(%dma_wait3A_193 : memref<4608xi32, #tpu.memory_space<vmem>>)
      %dma_wait3A_196 = arith.constant 0 : i32
      %dma_wait3A_197 = tpu.memref_slice %arg18[%dma_wait3A_196] : memref<3328xf32, #tpu.memory_space<vmem>> -> memref<3328xf32, #tpu.memory_space<vmem>>
      %dma_wait3A_198 = arith.constant 13312 : i32
      %dma_wait3A_199 = tpu.memref_slice %arg3[%dma_wait3A_198] : memref<106496xf32, #tpu.memory_space<hbm>> -> memref<3328xf32, #tpu.memory_space<hbm>>
      %dma_wait3A_200 = arith.constant 0 : i32
      %dma_wait3A_201 = tpu.memref_slice %arg18[%dma_wait3A_200] : memref<3328xf32, #tpu.memory_space<vmem>> -> memref<3328xf32, #tpu.memory_space<vmem>>
      %dma_wait3A_202 = arith.constant 13312 : i32
      %dma_wait3A_203 = tpu.memref_slice %arg3[%dma_wait3A_202] : memref<106496xf32, #tpu.memory_space<hbm>> -> memref<3328xf32, #tpu.memory_space<hbm>>
      tpu.wait_dma2 semaphore(%arg19 : memref<!tpu.dma_semaphore, #tpu.memory_space<semaphore_mem>>) src(%dma_wait3A_203 : memref<3328xf32, #tpu.memory_space<hbm>>) dst(%dma_wait3A_201 : memref<3328xf32, #tpu.memory_space<vmem>>)
      %dma_start3A_204 = arith.constant 0 : i32
      %dma_start3A_205 = tpu.memref_slice %arg17[%dma_start3A_204] : memref<6656xi32, #tpu.memory_space<vmem>> -> memref<2048xi32, #tpu.memory_space<vmem>>
      %dma_start3A_206 = arith.constant 26624 : i32
      %dma_start3A_207 = tpu.memref_slice %arg5[%dma_start3A_206] : memref<28672xi32, #tpu.memory_space<hbm>> -> memref<2048xi32, #tpu.memory_space<hbm>>
      %dma_start3A_208 = arith.constant 26624 : i32
      %dma_start3A_209 = tpu.memref_slice %arg5[%dma_start3A_208] : memref<28672xi32, #tpu.memory_space<hbm>> -> memref<2048xi32, #tpu.memory_space<hbm>>
      %dma_start3A_210 = arith.constant 0 : i32
      %dma_start3A_211 = tpu.memref_slice %arg17[%dma_start3A_210] : memref<6656xi32, #tpu.memory_space<vmem>> -> memref<2048xi32, #tpu.memory_space<vmem>>
      tpu.enqueue_dma source(%dma_start3A_211 : memref<2048xi32, #tpu.memory_space<vmem>>) target(%dma_start3A_209 : memref<2048xi32, #tpu.memory_space<hbm>>) target_semaphore(%arg19 : memref<!tpu.dma_semaphore, #tpu.memory_space<semaphore_mem>>)
      %dma_start3A_212 = arith.constant 2048 : i32
      %dma_start3A_213 = tpu.memref_slice %arg17[%dma_start3A_212] : memref<6656xi32, #tpu.memory_space<vmem>> -> memref<4608xi32, #tpu.memory_space<vmem>>
      %dma_start3A_214 = arith.constant 0 : i32
      %dma_start3A_215 = tpu.memref_slice %arg7[%dma_start3A_214] : memref<28672xi32, #tpu.memory_space<hbm>> -> memref<4608xi32, #tpu.memory_space<hbm>>
      %dma_start3A_216 = arith.constant 0 : i32
      %dma_start3A_217 = tpu.memref_slice %arg7[%dma_start3A_216] : memref<28672xi32, #tpu.memory_space<hbm>> -> memref<4608xi32, #tpu.memory_space<hbm>>
      %dma_start3A_218 = arith.constant 2048 : i32
      %dma_start3A_219 = tpu.memref_slice %arg17[%dma_start3A_218] : memref<6656xi32, #tpu.memory_space<vmem>> -> memref<4608xi32, #tpu.memory_space<vmem>>
      tpu.enqueue_dma source(%dma_start3A_219 : memref<4608xi32, #tpu.memory_space<vmem>>) target(%dma_start3A_217 : memref<4608xi32, #tpu.memory_space<hbm>>) target_semaphore(%arg19 : memref<!tpu.dma_semaphore, #tpu.memory_space<semaphore_mem>>)
      %dma_start3A_220 = arith.constant 0 : i32
      %dma_start3A_221 = tpu.memref_slice %arg18[%dma_start3A_220] : memref<3328xf32, #tpu.memory_space<vmem>> -> memref<3328xf32, #tpu.memory_space<vmem>>
      %dma_start3A_222 = arith.constant 13312 : i32
      %dma_start3A_223 = tpu.memref_slice %arg6[%dma_start3A_222] : memref<28672xf32, #tpu.memory_space<hbm>> -> memref<3328xf32, #tpu.memory_space<hbm>>
      %dma_start3A_224 = arith.constant 13312 : i32
      %dma_start3A_225 = tpu.memref_slice %arg6[%dma_start3A_224] : memref<28672xf32, #tpu.memory_space<hbm>> -> memref<3328xf32, #tpu.memory_space<hbm>>
      %dma_start3A_226 = arith.constant 0 : i32
      %dma_start3A_227 = tpu.memref_slice %arg18[%dma_start3A_226] : memref<3328xf32, #tpu.memory_space<vmem>> -> memref<3328xf32, #tpu.memory_space<vmem>>
      tpu.enqueue_dma source(%dma_start3A_227 : memref<3328xf32, #tpu.memory_space<vmem>>) target(%dma_start3A_225 : memref<3328xf32, #tpu.memory_space<hbm>>) target_semaphore(%arg19 : memref<!tpu.dma_semaphore, #tpu.memory_space<semaphore_mem>>)
      %dma_wait3A_228 = arith.constant 0 : i32
      %dma_wait3A_229 = tpu.memref_slice %arg17[%dma_wait3A_228] : memref<6656xi32, #tpu.memory_space<vmem>> -> memref<2048xi32, #tpu.memory_space<vmem>>
      %dma_wait3A_230 = arith.constant 26624 : i32
      %dma_wait3A_231 = tpu.memref_slice %arg5[%dma_wait3A_230] : memref<28672xi32, #tpu.memory_space<hbm>> -> memref<2048xi32, #tpu.memory_space<hbm>>
      %dma_wait3A_232 = arith.constant 26624 : i32
      %dma_wait3A_233 = tpu.memref_slice %arg5[%dma_wait3A_232] : memref<28672xi32, #tpu.memory_space<hbm>> -> memref<2048xi32, #tpu.memory_space<hbm>>
      %dma_wait3A_234 = arith.constant 0 : i32
      %dma_wait3A_235 = tpu.memref_slice %arg17[%dma_wait3A_234] : memref<6656xi32, #tpu.memory_space<vmem>> -> memref<2048xi32, #tpu.memory_space<vmem>>
      tpu.wait_dma2 semaphore(%arg19 : memref<!tpu.dma_semaphore, #tpu.memory_space<semaphore_mem>>) src(%dma_wait3A_235 : memref<2048xi32, #tpu.memory_space<vmem>>) dst(%dma_wait3A_233 : memref<2048xi32, #tpu.memory_space<hbm>>)
      %dma_wait3A_236 = arith.constant 2048 : i32
      %dma_wait3A_237 = tpu.memref_slice %arg17[%dma_wait3A_236] : memref<6656xi32, #tpu.memory_space<vmem>> -> memref<4608xi32, #tpu.memory_space<vmem>>
      %dma_wait3A_238 = arith.constant 0 : i32
      %dma_wait3A_239 = tpu.memref_slice %arg7[%dma_wait3A_238] : memref<28672xi32, #tpu.memory_space<hbm>> -> memref<4608xi32, #tpu.memory_space<hbm>>
      %dma_wait3A_240 = arith.constant 0 : i32
      %dma_wait3A_241 = tpu.memref_slice %arg7[%dma_wait3A_240] : memref<28672xi32, #tpu.memory_space<hbm>> -> memref<4608xi32, #tpu.memory_space<hbm>>
      %dma_wait3A_242 = arith.constant 2048 : i32
      %dma_wait3A_243 = tpu.memref_slice %arg17[%dma_wait3A_242] : memref<6656xi32, #tpu.memory_space<vmem>> -> memref<4608xi32, #tpu.memory_space<vmem>>
      tpu.wait_dma2 semaphore(%arg19 : memref<!tpu.dma_semaphore, #tpu.memory_space<semaphore_mem>>) src(%dma_wait3A_243 : memref<4608xi32, #tpu.memory_space<vmem>>) dst(%dma_wait3A_241 : memref<4608xi32, #tpu.memory_space<hbm>>)
      %dma_wait3A_244 = arith.constant 0 : i32
      %dma_wait3A_245 = tpu.memref_slice %arg18[%dma_wait3A_244] : memref<3328xf32, #tpu.memory_space<vmem>> -> memref<3328xf32, #tpu.memory_space<vmem>>
      %dma_wait3A_246 = arith.constant 13312 : i32
      %dma_wait3A_247 = tpu.memref_slice %arg6[%dma_wait3A_246] : memref<28672xf32, #tpu.memory_space<hbm>> -> memref<3328xf32, #tpu.memory_space<hbm>>
      %dma_wait3A_248 = arith.constant 13312 : i32
      %dma_wait3A_249 = tpu.memref_slice %arg6[%dma_wait3A_248] : memref<28672xf32, #tpu.memory_space<hbm>> -> memref<3328xf32, #tpu.memory_space<hbm>>
      %dma_wait3A_250 = arith.constant 0 : i32
      %dma_wait3A_251 = tpu.memref_slice %arg18[%dma_wait3A_250] : memref<3328xf32, #tpu.memory_space<vmem>> -> memref<3328xf32, #tpu.memory_space<vmem>>
      tpu.wait_dma2 semaphore(%arg19 : memref<!tpu.dma_semaphore, #tpu.memory_space<semaphore_mem>>) src(%dma_wait3A_251 : memref<3328xf32, #tpu.memory_space<vmem>>) dst(%dma_wait3A_249 : memref<3328xf32, #tpu.memory_space<hbm>>)
    } else {
    }
    %eq3A_23 = arith.constant 5 : i32
    %eq3A_24 = arith.cmpi eq, %add3A, %eq3A_23 : i32
    %convert_element_type3A_25 = arith.extui %eq3A_24 : i1 to i32
    %cond3A_26 = arith.constant 0 : i32
    %cond3A_27 = arith.cmpi ne, %convert_element_type3A_25, %cond3A_26 : i32
    scf.if %cond3A_27 {
      %dma_start3A = arith.constant 0 : i32
      %dma_start3A_158 = tpu.memref_slice %arg17[%dma_start3A] : memref<6656xi32, #tpu.memory_space<vmem>> -> memref<6656xi32, #tpu.memory_space<vmem>>
      %dma_start3A_159 = arith.constant 4608 : i32
      %dma_start3A_160 = tpu.memref_slice %arg4[%dma_start3A_159] : memref<106496xi32, #tpu.memory_space<hbm>> -> memref<6656xi32, #tpu.memory_space<hbm>>
      %dma_start3A_161 = arith.constant 0 : i32
      %dma_start3A_162 = tpu.memref_slice %arg17[%dma_start3A_161] : memref<6656xi32, #tpu.memory_space<vmem>> -> memref<6656xi32, #tpu.memory_space<vmem>>
      %dma_start3A_163 = arith.constant 4608 : i32
      %dma_start3A_164 = tpu.memref_slice %arg4[%dma_start3A_163] : memref<106496xi32, #tpu.memory_space<hbm>> -> memref<6656xi32, #tpu.memory_space<hbm>>
      tpu.enqueue_dma source(%dma_start3A_164 : memref<6656xi32, #tpu.memory_space<hbm>>) target(%dma_start3A_162 : memref<6656xi32, #tpu.memory_space<vmem>>) target_semaphore(%arg19 : memref<!tpu.dma_semaphore, #tpu.memory_space<semaphore_mem>>)
      %dma_start3A_165 = arith.constant 0 : i32
      %dma_start3A_166 = tpu.memref_slice %arg18[%dma_start3A_165] : memref<3328xf32, #tpu.memory_space<vmem>> -> memref<3328xf32, #tpu.memory_space<vmem>>
      %dma_start3A_167 = arith.constant 16640 : i32
      %dma_start3A_168 = tpu.memref_slice %arg3[%dma_start3A_167] : memref<106496xf32, #tpu.memory_space<hbm>> -> memref<3328xf32, #tpu.memory_space<hbm>>
      %dma_start3A_169 = arith.constant 0 : i32
      %dma_start3A_170 = tpu.memref_slice %arg18[%dma_start3A_169] : memref<3328xf32, #tpu.memory_space<vmem>> -> memref<3328xf32, #tpu.memory_space<vmem>>
      %dma_start3A_171 = arith.constant 16640 : i32
      %dma_start3A_172 = tpu.memref_slice %arg3[%dma_start3A_171] : memref<106496xf32, #tpu.memory_space<hbm>> -> memref<3328xf32, #tpu.memory_space<hbm>>
      tpu.enqueue_dma source(%dma_start3A_172 : memref<3328xf32, #tpu.memory_space<hbm>>) target(%dma_start3A_170 : memref<3328xf32, #tpu.memory_space<vmem>>) target_semaphore(%arg19 : memref<!tpu.dma_semaphore, #tpu.memory_space<semaphore_mem>>)
      %dma_wait3A = arith.constant 0 : i32
      %dma_wait3A_173 = tpu.memref_slice %arg17[%dma_wait3A] : memref<6656xi32, #tpu.memory_space<vmem>> -> memref<6656xi32, #tpu.memory_space<vmem>>
      %dma_wait3A_174 = arith.constant 4608 : i32
      %dma_wait3A_175 = tpu.memref_slice %arg4[%dma_wait3A_174] : memref<106496xi32, #tpu.memory_space<hbm>> -> memref<6656xi32, #tpu.memory_space<hbm>>
      %dma_wait3A_176 = arith.constant 0 : i32
      %dma_wait3A_177 = tpu.memref_slice %arg17[%dma_wait3A_176] : memref<6656xi32, #tpu.memory_space<vmem>> -> memref<6656xi32, #tpu.memory_space<vmem>>
      %dma_wait3A_178 = arith.constant 4608 : i32
      %dma_wait3A_179 = tpu.memref_slice %arg4[%dma_wait3A_178] : memref<106496xi32, #tpu.memory_space<hbm>> -> memref<6656xi32, #tpu.memory_space<hbm>>
      tpu.wait_dma2 semaphore(%arg19 : memref<!tpu.dma_semaphore, #tpu.memory_space<semaphore_mem>>) src(%dma_wait3A_179 : memref<6656xi32, #tpu.memory_space<hbm>>) dst(%dma_wait3A_177 : memref<6656xi32, #tpu.memory_space<vmem>>)
      %dma_wait3A_180 = arith.constant 0 : i32
      %dma_wait3A_181 = tpu.memref_slice %arg18[%dma_wait3A_180] : memref<3328xf32, #tpu.memory_space<vmem>> -> memref<3328xf32, #tpu.memory_space<vmem>>
      %dma_wait3A_182 = arith.constant 16640 : i32
      %dma_wait3A_183 = tpu.memref_slice %arg3[%dma_wait3A_182] : memref<106496xf32, #tpu.memory_space<hbm>> -> memref<3328xf32, #tpu.memory_space<hbm>>
      %dma_wait3A_184 = arith.constant 0 : i32
      %dma_wait3A_185 = tpu.memref_slice %arg18[%dma_wait3A_184] : memref<3328xf32, #tpu.memory_space<vmem>> -> memref<3328xf32, #tpu.memory_space<vmem>>
      %dma_wait3A_186 = arith.constant 16640 : i32
      %dma_wait3A_187 = tpu.memref_slice %arg3[%dma_wait3A_186] : memref<106496xf32, #tpu.memory_space<hbm>> -> memref<3328xf32, #tpu.memory_space<hbm>>
      tpu.wait_dma2 semaphore(%arg19 : memref<!tpu.dma_semaphore, #tpu.memory_space<semaphore_mem>>) src(%dma_wait3A_187 : memref<3328xf32, #tpu.memory_space<hbm>>) dst(%dma_wait3A_185 : memref<3328xf32, #tpu.memory_space<vmem>>)
      %dma_start3A_188 = arith.constant 0 : i32
      %dma_start3A_189 = tpu.memref_slice %arg17[%dma_start3A_188] : memref<6656xi32, #tpu.memory_space<vmem>> -> memref<6656xi32, #tpu.memory_space<vmem>>
      %dma_start3A_190 = arith.constant 4608 : i32
      %dma_start3A_191 = tpu.memref_slice %arg7[%dma_start3A_190] : memref<28672xi32, #tpu.memory_space<hbm>> -> memref<6656xi32, #tpu.memory_space<hbm>>
      %dma_start3A_192 = arith.constant 4608 : i32
      %dma_start3A_193 = tpu.memref_slice %arg7[%dma_start3A_192] : memref<28672xi32, #tpu.memory_space<hbm>> -> memref<6656xi32, #tpu.memory_space<hbm>>
      %dma_start3A_194 = arith.constant 0 : i32
      %dma_start3A_195 = tpu.memref_slice %arg17[%dma_start3A_194] : memref<6656xi32, #tpu.memory_space<vmem>> -> memref<6656xi32, #tpu.memory_space<vmem>>
      tpu.enqueue_dma source(%dma_start3A_195 : memref<6656xi32, #tpu.memory_space<vmem>>) target(%dma_start3A_193 : memref<6656xi32, #tpu.memory_space<hbm>>) target_semaphore(%arg19 : memref<!tpu.dma_semaphore, #tpu.memory_space<semaphore_mem>>)
      %dma_start3A_196 = arith.constant 0 : i32
      %dma_start3A_197 = tpu.memref_slice %arg18[%dma_start3A_196] : memref<3328xf32, #tpu.memory_space<vmem>> -> memref<3328xf32, #tpu.memory_space<vmem>>
      %dma_start3A_198 = arith.constant 16640 : i32
      %dma_start3A_199 = tpu.memref_slice %arg6[%dma_start3A_198] : memref<28672xf32, #tpu.memory_space<hbm>> -> memref<3328xf32, #tpu.memory_space<hbm>>
      %dma_start3A_200 = arith.constant 16640 : i32
      %dma_start3A_201 = tpu.memref_slice %arg6[%dma_start3A_200] : memref<28672xf32, #tpu.memory_space<hbm>> -> memref<3328xf32, #tpu.memory_space<hbm>>
      %dma_start3A_202 = arith.constant 0 : i32
      %dma_start3A_203 = tpu.memref_slice %arg18[%dma_start3A_202] : memref<3328xf32, #tpu.memory_space<vmem>> -> memref<3328xf32, #tpu.memory_space<vmem>>
      tpu.enqueue_dma source(%dma_start3A_203 : memref<3328xf32, #tpu.memory_space<vmem>>) target(%dma_start3A_201 : memref<3328xf32, #tpu.memory_space<hbm>>) target_semaphore(%arg19 : memref<!tpu.dma_semaphore, #tpu.memory_space<semaphore_mem>>)
      %dma_wait3A_204 = arith.constant 0 : i32
      %dma_wait3A_205 = tpu.memref_slice %arg17[%dma_wait3A_204] : memref<6656xi32, #tpu.memory_space<vmem>> -> memref<6656xi32, #tpu.memory_space<vmem>>
      %dma_wait3A_206 = arith.constant 4608 : i32
      %dma_wait3A_207 = tpu.memref_slice %arg7[%dma_wait3A_206] : memref<28672xi32, #tpu.memory_space<hbm>> -> memref<6656xi32, #tpu.memory_space<hbm>>
      %dma_wait3A_208 = arith.constant 4608 : i32
      %dma_wait3A_209 = tpu.memref_slice %arg7[%dma_wait3A_208] : memref<28672xi32, #tpu.memory_space<hbm>> -> memref<6656xi32, #tpu.memory_space<hbm>>
      %dma_wait3A_210 = arith.constant 0 : i32
      %dma_wait3A_211 = tpu.memref_slice %arg17[%dma_wait3A_210] : memref<6656xi32, #tpu.memory_space<vmem>> -> memref<6656xi32, #tpu.memory_space<vmem>>
      tpu.wait_dma2 semaphore(%arg19 : memref<!tpu.dma_semaphore, #tpu.memory_space<semaphore_mem>>) src(%dma_wait3A_211 : memref<6656xi32, #tpu.memory_space<vmem>>) dst(%dma_wait3A_209 : memref<6656xi32, #tpu.memory_space<hbm>>)
      %dma_wait3A_212 = arith.constant 0 : i32
      %dma_wait3A_213 = tpu.memref_slice %arg18[%dma_wait3A_212] : memref<3328xf32, #tpu.memory_space<vmem>> -> memref<3328xf32, #tpu.memory_space<vmem>>
      %dma_wait3A_214 = arith.constant 16640 : i32
      %dma_wait3A_215 = tpu.memref_slice %arg6[%dma_wait3A_214] : memref<28672xf32, #tpu.memory_space<hbm>> -> memref<3328xf32, #tpu.memory_space<hbm>>
      %dma_wait3A_216 = arith.constant 16640 : i32
      %dma_wait3A_217 = tpu.memref_slice %arg6[%dma_wait3A_216] : memref<28672xf32, #tpu.memory_space<hbm>> -> memref<3328xf32, #tpu.memory_space<hbm>>
      %dma_wait3A_218 = arith.constant 0 : i32
      %dma_wait3A_219 = tpu.memref_slice %arg18[%dma_wait3A_218] : memref<3328xf32, #tpu.memory_space<vmem>> -> memref<3328xf32, #tpu.memory_space<vmem>>
      tpu.wait_dma2 semaphore(%arg19 : memref<!tpu.dma_semaphore, #tpu.memory_space<semaphore_mem>>) src(%dma_wait3A_219 : memref<3328xf32, #tpu.memory_space<vmem>>) dst(%dma_wait3A_217 : memref<3328xf32, #tpu.memory_space<hbm>>)
    } else {
    }
    %eq3A_28 = arith.constant 6 : i32
    %eq3A_29 = arith.cmpi eq, %add3A, %eq3A_28 : i32
    %convert_element_type3A_30 = arith.extui %eq3A_29 : i1 to i32
    %cond3A_31 = arith.constant 0 : i32
    %cond3A_32 = arith.cmpi ne, %convert_element_type3A_30, %cond3A_31 : i32
    scf.if %cond3A_32 {
      %dma_start3A = arith.constant 0 : i32
      %dma_start3A_158 = tpu.memref_slice %arg17[%dma_start3A] : memref<6656xi32, #tpu.memory_space<vmem>> -> memref<6656xi32, #tpu.memory_space<vmem>>
      %dma_start3A_159 = arith.constant 11264 : i32
      %dma_start3A_160 = tpu.memref_slice %arg4[%dma_start3A_159] : memref<106496xi32, #tpu.memory_space<hbm>> -> memref<6656xi32, #tpu.memory_space<hbm>>
      %dma_start3A_161 = arith.constant 0 : i32
      %dma_start3A_162 = tpu.memref_slice %arg17[%dma_start3A_161] : memref<6656xi32, #tpu.memory_space<vmem>> -> memref<6656xi32, #tpu.memory_space<vmem>>
      %dma_start3A_163 = arith.constant 11264 : i32
      %dma_start3A_164 = tpu.memref_slice %arg4[%dma_start3A_163] : memref<106496xi32, #tpu.memory_space<hbm>> -> memref<6656xi32, #tpu.memory_space<hbm>>
      tpu.enqueue_dma source(%dma_start3A_164 : memref<6656xi32, #tpu.memory_space<hbm>>) target(%dma_start3A_162 : memref<6656xi32, #tpu.memory_space<vmem>>) target_semaphore(%arg19 : memref<!tpu.dma_semaphore, #tpu.memory_space<semaphore_mem>>)
      %dma_start3A_165 = arith.constant 0 : i32
      %dma_start3A_166 = tpu.memref_slice %arg18[%dma_start3A_165] : memref<3328xf32, #tpu.memory_space<vmem>> -> memref<3328xf32, #tpu.memory_space<vmem>>
      %dma_start3A_167 = arith.constant 19968 : i32
      %dma_start3A_168 = tpu.memref_slice %arg3[%dma_start3A_167] : memref<106496xf32, #tpu.memory_space<hbm>> -> memref<3328xf32, #tpu.memory_space<hbm>>
      %dma_start3A_169 = arith.constant 0 : i32
      %dma_start3A_170 = tpu.memref_slice %arg18[%dma_start3A_169] : memref<3328xf32, #tpu.memory_space<vmem>> -> memref<3328xf32, #tpu.memory_space<vmem>>
      %dma_start3A_171 = arith.constant 19968 : i32
      %dma_start3A_172 = tpu.memref_slice %arg3[%dma_start3A_171] : memref<106496xf32, #tpu.memory_space<hbm>> -> memref<3328xf32, #tpu.memory_space<hbm>>
      tpu.enqueue_dma source(%dma_start3A_172 : memref<3328xf32, #tpu.memory_space<hbm>>) target(%dma_start3A_170 : memref<3328xf32, #tpu.memory_space<vmem>>) target_semaphore(%arg19 : memref<!tpu.dma_semaphore, #tpu.memory_space<semaphore_mem>>)
      %dma_wait3A = arith.constant 0 : i32
      %dma_wait3A_173 = tpu.memref_slice %arg17[%dma_wait3A] : memref<6656xi32, #tpu.memory_space<vmem>> -> memref<6656xi32, #tpu.memory_space<vmem>>
      %dma_wait3A_174 = arith.constant 11264 : i32
      %dma_wait3A_175 = tpu.memref_slice %arg4[%dma_wait3A_174] : memref<106496xi32, #tpu.memory_space<hbm>> -> memref<6656xi32, #tpu.memory_space<hbm>>
      %dma_wait3A_176 = arith.constant 0 : i32
      %dma_wait3A_177 = tpu.memref_slice %arg17[%dma_wait3A_176] : memref<6656xi32, #tpu.memory_space<vmem>> -> memref<6656xi32, #tpu.memory_space<vmem>>
      %dma_wait3A_178 = arith.constant 11264 : i32
      %dma_wait3A_179 = tpu.memref_slice %arg4[%dma_wait3A_178] : memref<106496xi32, #tpu.memory_space<hbm>> -> memref<6656xi32, #tpu.memory_space<hbm>>
      tpu.wait_dma2 semaphore(%arg19 : memref<!tpu.dma_semaphore, #tpu.memory_space<semaphore_mem>>) src(%dma_wait3A_179 : memref<6656xi32, #tpu.memory_space<hbm>>) dst(%dma_wait3A_177 : memref<6656xi32, #tpu.memory_space<vmem>>)
      %dma_wait3A_180 = arith.constant 0 : i32
      %dma_wait3A_181 = tpu.memref_slice %arg18[%dma_wait3A_180] : memref<3328xf32, #tpu.memory_space<vmem>> -> memref<3328xf32, #tpu.memory_space<vmem>>
      %dma_wait3A_182 = arith.constant 19968 : i32
      %dma_wait3A_183 = tpu.memref_slice %arg3[%dma_wait3A_182] : memref<106496xf32, #tpu.memory_space<hbm>> -> memref<3328xf32, #tpu.memory_space<hbm>>
      %dma_wait3A_184 = arith.constant 0 : i32
      %dma_wait3A_185 = tpu.memref_slice %arg18[%dma_wait3A_184] : memref<3328xf32, #tpu.memory_space<vmem>> -> memref<3328xf32, #tpu.memory_space<vmem>>
      %dma_wait3A_186 = arith.constant 19968 : i32
      %dma_wait3A_187 = tpu.memref_slice %arg3[%dma_wait3A_186] : memref<106496xf32, #tpu.memory_space<hbm>> -> memref<3328xf32, #tpu.memory_space<hbm>>
      tpu.wait_dma2 semaphore(%arg19 : memref<!tpu.dma_semaphore, #tpu.memory_space<semaphore_mem>>) src(%dma_wait3A_187 : memref<3328xf32, #tpu.memory_space<hbm>>) dst(%dma_wait3A_185 : memref<3328xf32, #tpu.memory_space<vmem>>)
      %dma_start3A_188 = arith.constant 0 : i32
      %dma_start3A_189 = tpu.memref_slice %arg17[%dma_start3A_188] : memref<6656xi32, #tpu.memory_space<vmem>> -> memref<6656xi32, #tpu.memory_space<vmem>>
      %dma_start3A_190 = arith.constant 11264 : i32
      %dma_start3A_191 = tpu.memref_slice %arg7[%dma_start3A_190] : memref<28672xi32, #tpu.memory_space<hbm>> -> memref<6656xi32, #tpu.memory_space<hbm>>
      %dma_start3A_192 = arith.constant 11264 : i32
      %dma_start3A_193 = tpu.memref_slice %arg7[%dma_start3A_192] : memref<28672xi32, #tpu.memory_space<hbm>> -> memref<6656xi32, #tpu.memory_space<hbm>>
      %dma_start3A_194 = arith.constant 0 : i32
      %dma_start3A_195 = tpu.memref_slice %arg17[%dma_start3A_194] : memref<6656xi32, #tpu.memory_space<vmem>> -> memref<6656xi32, #tpu.memory_space<vmem>>
      tpu.enqueue_dma source(%dma_start3A_195 : memref<6656xi32, #tpu.memory_space<vmem>>) target(%dma_start3A_193 : memref<6656xi32, #tpu.memory_space<hbm>>) target_semaphore(%arg19 : memref<!tpu.dma_semaphore, #tpu.memory_space<semaphore_mem>>)
      %dma_start3A_196 = arith.constant 0 : i32
      %dma_start3A_197 = tpu.memref_slice %arg18[%dma_start3A_196] : memref<3328xf32, #tpu.memory_space<vmem>> -> memref<3328xf32, #tpu.memory_space<vmem>>
      %dma_start3A_198 = arith.constant 19968 : i32
      %dma_start3A_199 = tpu.memref_slice %arg6[%dma_start3A_198] : memref<28672xf32, #tpu.memory_space<hbm>> -> memref<3328xf32, #tpu.memory_space<hbm>>
      %dma_start3A_200 = arith.constant 19968 : i32
      %dma_start3A_201 = tpu.memref_slice %arg6[%dma_start3A_200] : memref<28672xf32, #tpu.memory_space<hbm>> -> memref<3328xf32, #tpu.memory_space<hbm>>
      %dma_start3A_202 = arith.constant 0 : i32
      %dma_start3A_203 = tpu.memref_slice %arg18[%dma_start3A_202] : memref<3328xf32, #tpu.memory_space<vmem>> -> memref<3328xf32, #tpu.memory_space<vmem>>
      tpu.enqueue_dma source(%dma_start3A_203 : memref<3328xf32, #tpu.memory_space<vmem>>) target(%dma_start3A_201 : memref<3328xf32, #tpu.memory_space<hbm>>) target_semaphore(%arg19 : memref<!tpu.dma_semaphore, #tpu.memory_space<semaphore_mem>>)
      %dma_wait3A_204 = arith.constant 0 : i32
      %dma_wait3A_205 = tpu.memref_slice %arg17[%dma_wait3A_204] : memref<6656xi32, #tpu.memory_space<vmem>> -> memref<6656xi32, #tpu.memory_space<vmem>>
      %dma_wait3A_206 = arith.constant 11264 : i32
      %dma_wait3A_207 = tpu.memref_slice %arg7[%dma_wait3A_206] : memref<28672xi32, #tpu.memory_space<hbm>> -> memref<6656xi32, #tpu.memory_space<hbm>>
      %dma_wait3A_208 = arith.constant 11264 : i32
      %dma_wait3A_209 = tpu.memref_slice %arg7[%dma_wait3A_208] : memref<28672xi32, #tpu.memory_space<hbm>> -> memref<6656xi32, #tpu.memory_space<hbm>>
      %dma_wait3A_210 = arith.constant 0 : i32
      %dma_wait3A_211 = tpu.memref_slice %arg17[%dma_wait3A_210] : memref<6656xi32, #tpu.memory_space<vmem>> -> memref<6656xi32, #tpu.memory_space<vmem>>
      tpu.wait_dma2 semaphore(%arg19 : memref<!tpu.dma_semaphore, #tpu.memory_space<semaphore_mem>>) src(%dma_wait3A_211 : memref<6656xi32, #tpu.memory_space<vmem>>) dst(%dma_wait3A_209 : memref<6656xi32, #tpu.memory_space<hbm>>)
      %dma_wait3A_212 = arith.constant 0 : i32
      %dma_wait3A_213 = tpu.memref_slice %arg18[%dma_wait3A_212] : memref<3328xf32, #tpu.memory_space<vmem>> -> memref<3328xf32, #tpu.memory_space<vmem>>
      %dma_wait3A_214 = arith.constant 19968 : i32
      %dma_wait3A_215 = tpu.memref_slice %arg6[%dma_wait3A_214] : memref<28672xf32, #tpu.memory_space<hbm>> -> memref<3328xf32, #tpu.memory_space<hbm>>
      %dma_wait3A_216 = arith.constant 19968 : i32
      %dma_wait3A_217 = tpu.memref_slice %arg6[%dma_wait3A_216] : memref<28672xf32, #tpu.memory_space<hbm>> -> memref<3328xf32, #tpu.memory_space<hbm>>
      %dma_wait3A_218 = arith.constant 0 : i32
      %dma_wait3A_219 = tpu.memref_slice %arg18[%dma_wait3A_218] : memref<3328xf32, #tpu.memory_space<vmem>> -> memref<3328xf32, #tpu.memory_space<vmem>>
      tpu.wait_dma2 semaphore(%arg19 : memref<!tpu.dma_semaphore, #tpu.memory_space<semaphore_mem>>) src(%dma_wait3A_219 : memref<3328xf32, #tpu.memory_space<vmem>>) dst(%dma_wait3A_217 : memref<3328xf32, #tpu.memory_space<hbm>>)
    } else {
    }
    %eq3A_33 = arith.constant 7 : i32
    %eq3A_34 = arith.cmpi eq, %add3A, %eq3A_33 : i32
    %convert_element_type3A_35 = arith.extui %eq3A_34 : i1 to i32
    %cond3A_36 = arith.constant 0 : i32
    %cond3A_37 = arith.cmpi ne, %convert_element_type3A_35, %cond3A_36 : i32
    scf.if %cond3A_37 {
      %dma_start3A = arith.constant 0 : i32
      %dma_start3A_158 = tpu.memref_slice %arg17[%dma_start3A] : memref<6656xi32, #tpu.memory_space<vmem>> -> memref<6656xi32, #tpu.memory_space<vmem>>
      %dma_start3A_159 = arith.constant 17920 : i32
      %dma_start3A_160 = tpu.memref_slice %arg4[%dma_start3A_159] : memref<106496xi32, #tpu.memory_space<hbm>> -> memref<6656xi32, #tpu.memory_space<hbm>>
      %dma_start3A_161 = arith.constant 0 : i32
      %dma_start3A_162 = tpu.memref_slice %arg17[%dma_start3A_161] : memref<6656xi32, #tpu.memory_space<vmem>> -> memref<6656xi32, #tpu.memory_space<vmem>>
      %dma_start3A_163 = arith.constant 17920 : i32
      %dma_start3A_164 = tpu.memref_slice %arg4[%dma_start3A_163] : memref<106496xi32, #tpu.memory_space<hbm>> -> memref<6656xi32, #tpu.memory_space<hbm>>
      tpu.enqueue_dma source(%dma_start3A_164 : memref<6656xi32, #tpu.memory_space<hbm>>) target(%dma_start3A_162 : memref<6656xi32, #tpu.memory_space<vmem>>) target_semaphore(%arg19 : memref<!tpu.dma_semaphore, #tpu.memory_space<semaphore_mem>>)
      %dma_start3A_165 = arith.constant 0 : i32
      %dma_start3A_166 = tpu.memref_slice %arg18[%dma_start3A_165] : memref<3328xf32, #tpu.memory_space<vmem>> -> memref<3328xf32, #tpu.memory_space<vmem>>
      %dma_start3A_167 = arith.constant 23296 : i32
      %dma_start3A_168 = tpu.memref_slice %arg3[%dma_start3A_167] : memref<106496xf32, #tpu.memory_space<hbm>> -> memref<3328xf32, #tpu.memory_space<hbm>>
      %dma_start3A_169 = arith.constant 0 : i32
      %dma_start3A_170 = tpu.memref_slice %arg18[%dma_start3A_169] : memref<3328xf32, #tpu.memory_space<vmem>> -> memref<3328xf32, #tpu.memory_space<vmem>>
      %dma_start3A_171 = arith.constant 23296 : i32
      %dma_start3A_172 = tpu.memref_slice %arg3[%dma_start3A_171] : memref<106496xf32, #tpu.memory_space<hbm>> -> memref<3328xf32, #tpu.memory_space<hbm>>
      tpu.enqueue_dma source(%dma_start3A_172 : memref<3328xf32, #tpu.memory_space<hbm>>) target(%dma_start3A_170 : memref<3328xf32, #tpu.memory_space<vmem>>) target_semaphore(%arg19 : memref<!tpu.dma_semaphore, #tpu.memory_space<semaphore_mem>>)
      %dma_wait3A = arith.constant 0 : i32
      %dma_wait3A_173 = tpu.memref_slice %arg17[%dma_wait3A] : memref<6656xi32, #tpu.memory_space<vmem>> -> memref<6656xi32, #tpu.memory_space<vmem>>
      %dma_wait3A_174 = arith.constant 17920 : i32
      %dma_wait3A_175 = tpu.memref_slice %arg4[%dma_wait3A_174] : memref<106496xi32, #tpu.memory_space<hbm>> -> memref<6656xi32, #tpu.memory_space<hbm>>
      %dma_wait3A_176 = arith.constant 0 : i32
      %dma_wait3A_177 = tpu.memref_slice %arg17[%dma_wait3A_176] : memref<6656xi32, #tpu.memory_space<vmem>> -> memref<6656xi32, #tpu.memory_space<vmem>>
      %dma_wait3A_178 = arith.constant 17920 : i32
      %dma_wait3A_179 = tpu.memref_slice %arg4[%dma_wait3A_178] : memref<106496xi32, #tpu.memory_space<hbm>> -> memref<6656xi32, #tpu.memory_space<hbm>>
      tpu.wait_dma2 semaphore(%arg19 : memref<!tpu.dma_semaphore, #tpu.memory_space<semaphore_mem>>) src(%dma_wait3A_179 : memref<6656xi32, #tpu.memory_space<hbm>>) dst(%dma_wait3A_177 : memref<6656xi32, #tpu.memory_space<vmem>>)
      %dma_wait3A_180 = arith.constant 0 : i32
      %dma_wait3A_181 = tpu.memref_slice %arg18[%dma_wait3A_180] : memref<3328xf32, #tpu.memory_space<vmem>> -> memref<3328xf32, #tpu.memory_space<vmem>>
      %dma_wait3A_182 = arith.constant 23296 : i32
      %dma_wait3A_183 = tpu.memref_slice %arg3[%dma_wait3A_182] : memref<106496xf32, #tpu.memory_space<hbm>> -> memref<3328xf32, #tpu.memory_space<hbm>>
      %dma_wait3A_184 = arith.constant 0 : i32
      %dma_wait3A_185 = tpu.memref_slice %arg18[%dma_wait3A_184] : memref<3328xf32, #tpu.memory_space<vmem>> -> memref<3328xf32, #tpu.memory_space<vmem>>
      %dma_wait3A_186 = arith.constant 23296 : i32
      %dma_wait3A_187 = tpu.memref_slice %arg3[%dma_wait3A_186] : memref<106496xf32, #tpu.memory_space<hbm>> -> memref<3328xf32, #tpu.memory_space<hbm>>
      tpu.wait_dma2 semaphore(%arg19 : memref<!tpu.dma_semaphore, #tpu.memory_space<semaphore_mem>>) src(%dma_wait3A_187 : memref<3328xf32, #tpu.memory_space<hbm>>) dst(%dma_wait3A_185 : memref<3328xf32, #tpu.memory_space<vmem>>)
      %dma_start3A_188 = arith.constant 0 : i32
      %dma_start3A_189 = tpu.memref_slice %arg17[%dma_start3A_188] : memref<6656xi32, #tpu.memory_space<vmem>> -> memref<6656xi32, #tpu.memory_space<vmem>>
      %dma_start3A_190 = arith.constant 17920 : i32
      %dma_start3A_191 = tpu.memref_slice %arg7[%dma_start3A_190] : memref<28672xi32, #tpu.memory_space<hbm>> -> memref<6656xi32, #tpu.memory_space<hbm>>
      %dma_start3A_192 = arith.constant 17920 : i32
      %dma_start3A_193 = tpu.memref_slice %arg7[%dma_start3A_192] : memref<28672xi32, #tpu.memory_space<hbm>> -> memref<6656xi32, #tpu.memory_space<hbm>>
      %dma_start3A_194 = arith.constant 0 : i32
      %dma_start3A_195 = tpu.memref_slice %arg17[%dma_start3A_194] : memref<6656xi32, #tpu.memory_space<vmem>> -> memref<6656xi32, #tpu.memory_space<vmem>>
      tpu.enqueue_dma source(%dma_start3A_195 : memref<6656xi32, #tpu.memory_space<vmem>>) target(%dma_start3A_193 : memref<6656xi32, #tpu.memory_space<hbm>>) target_semaphore(%arg19 : memref<!tpu.dma_semaphore, #tpu.memory_space<semaphore_mem>>)
      %dma_start3A_196 = arith.constant 0 : i32
      %dma_start3A_197 = tpu.memref_slice %arg18[%dma_start3A_196] : memref<3328xf32, #tpu.memory_space<vmem>> -> memref<3328xf32, #tpu.memory_space<vmem>>
      %dma_start3A_198 = arith.constant 23296 : i32
      %dma_start3A_199 = tpu.memref_slice %arg6[%dma_start3A_198] : memref<28672xf32, #tpu.memory_space<hbm>> -> memref<3328xf32, #tpu.memory_space<hbm>>
      %dma_start3A_200 = arith.constant 23296 : i32
      %dma_start3A_201 = tpu.memref_slice %arg6[%dma_start3A_200] : memref<28672xf32, #tpu.memory_space<hbm>> -> memref<3328xf32, #tpu.memory_space<hbm>>
      %dma_start3A_202 = arith.constant 0 : i32
      %dma_start3A_203 = tpu.memref_slice %arg18[%dma_start3A_202] : memref<3328xf32, #tpu.memory_space<vmem>> -> memref<3328xf32, #tpu.memory_space<vmem>>
      tpu.enqueue_dma source(%dma_start3A_203 : memref<3328xf32, #tpu.memory_space<vmem>>) target(%dma_start3A_201 : memref<3328xf32, #tpu.memory_space<hbm>>) target_semaphore(%arg19 : memref<!tpu.dma_semaphore, #tpu.memory_space<semaphore_mem>>)
      %dma_wait3A_204 = arith.constant 0 : i32
      %dma_wait3A_205 = tpu.memref_slice %arg17[%dma_wait3A_204] : memref<6656xi32, #tpu.memory_space<vmem>> -> memref<6656xi32, #tpu.memory_space<vmem>>
      %dma_wait3A_206 = arith.constant 17920 : i32
      %dma_wait3A_207 = tpu.memref_slice %arg7[%dma_wait3A_206] : memref<28672xi32, #tpu.memory_space<hbm>> -> memref<6656xi32, #tpu.memory_space<hbm>>
      %dma_wait3A_208 = arith.constant 17920 : i32
      %dma_wait3A_209 = tpu.memref_slice %arg7[%dma_wait3A_208] : memref<28672xi32, #tpu.memory_space<hbm>> -> memref<6656xi32, #tpu.memory_space<hbm>>
      %dma_wait3A_210 = arith.constant 0 : i32
      %dma_wait3A_211 = tpu.memref_slice %arg17[%dma_wait3A_210] : memref<6656xi32, #tpu.memory_space<vmem>> -> memref<6656xi32, #tpu.memory_space<vmem>>
      tpu.wait_dma2 semaphore(%arg19 : memref<!tpu.dma_semaphore, #tpu.memory_space<semaphore_mem>>) src(%dma_wait3A_211 : memref<6656xi32, #tpu.memory_space<vmem>>) dst(%dma_wait3A_209 : memref<6656xi32, #tpu.memory_space<hbm>>)
      %dma_wait3A_212 = arith.constant 0 : i32
      %dma_wait3A_213 = tpu.memref_slice %arg18[%dma_wait3A_212] : memref<3328xf32, #tpu.memory_space<vmem>> -> memref<3328xf32, #tpu.memory_space<vmem>>
      %dma_wait3A_214 = arith.constant 23296 : i32
      %dma_wait3A_215 = tpu.memref_slice %arg6[%dma_wait3A_214] : memref<28672xf32, #tpu.memory_space<hbm>> -> memref<3328xf32, #tpu.memory_space<hbm>>
      %dma_wait3A_216 = arith.constant 23296 : i32
      %dma_wait3A_217 = tpu.memref_slice %arg6[%dma_wait3A_216] : memref<28672xf32, #tpu.memory_space<hbm>> -> memref<3328xf32, #tpu.memory_space<hbm>>
      %dma_wait3A_218 = arith.constant 0 : i32
      %dma_wait3A_219 = tpu.memref_slice %arg18[%dma_wait3A_218] : memref<3328xf32, #tpu.memory_space<vmem>> -> memref<3328xf32, #tpu.memory_space<vmem>>
      tpu.wait_dma2 semaphore(%arg19 : memref<!tpu.dma_semaphore, #tpu.memory_space<semaphore_mem>>) src(%dma_wait3A_219 : memref<3328xf32, #tpu.memory_space<vmem>>) dst(%dma_wait3A_217 : memref<3328xf32, #tpu.memory_space<hbm>>)
    } else {
    }
    %eq3A_38 = arith.constant 8 : i32
    %eq3A_39 = arith.cmpi eq, %add3A, %eq3A_38 : i32
    %convert_element_type3A_40 = arith.extui %eq3A_39 : i1 to i32
    %cond3A_41 = arith.constant 0 : i32
    %cond3A_42 = arith.cmpi ne, %convert_element_type3A_40, %cond3A_41 : i32
    scf.if %cond3A_42 {
      %dma_start3A = arith.constant 0 : i32
      %dma_start3A_158 = tpu.memref_slice %arg17[%dma_start3A] : memref<6656xi32, #tpu.memory_space<vmem>> -> memref<4096xi32, #tpu.memory_space<vmem>>
      %dma_start3A_159 = arith.constant 24576 : i32
      %dma_start3A_160 = tpu.memref_slice %arg4[%dma_start3A_159] : memref<106496xi32, #tpu.memory_space<hbm>> -> memref<4096xi32, #tpu.memory_space<hbm>>
      %dma_start3A_161 = arith.constant 0 : i32
      %dma_start3A_162 = tpu.memref_slice %arg17[%dma_start3A_161] : memref<6656xi32, #tpu.memory_space<vmem>> -> memref<4096xi32, #tpu.memory_space<vmem>>
      %dma_start3A_163 = arith.constant 24576 : i32
      %dma_start3A_164 = tpu.memref_slice %arg4[%dma_start3A_163] : memref<106496xi32, #tpu.memory_space<hbm>> -> memref<4096xi32, #tpu.memory_space<hbm>>
      tpu.enqueue_dma source(%dma_start3A_164 : memref<4096xi32, #tpu.memory_space<hbm>>) target(%dma_start3A_162 : memref<4096xi32, #tpu.memory_space<vmem>>) target_semaphore(%arg19 : memref<!tpu.dma_semaphore, #tpu.memory_space<semaphore_mem>>)
      %dma_start3A_165 = arith.constant 4096 : i32
      %dma_start3A_166 = tpu.memref_slice %arg17[%dma_start3A_165] : memref<6656xi32, #tpu.memory_space<vmem>> -> memref<2560xi32, #tpu.memory_space<vmem>>
      %dma_start3A_167 = arith.constant 28672 : i32
      %dma_start3A_168 = tpu.memref_slice %arg2[%dma_start3A_167] : memref<106496xi32, #tpu.memory_space<hbm>> -> memref<2560xi32, #tpu.memory_space<hbm>>
      %dma_start3A_169 = arith.constant 4096 : i32
      %dma_start3A_170 = tpu.memref_slice %arg17[%dma_start3A_169] : memref<6656xi32, #tpu.memory_space<vmem>> -> memref<2560xi32, #tpu.memory_space<vmem>>
      %dma_start3A_171 = arith.constant 28672 : i32
      %dma_start3A_172 = tpu.memref_slice %arg2[%dma_start3A_171] : memref<106496xi32, #tpu.memory_space<hbm>> -> memref<2560xi32, #tpu.memory_space<hbm>>
      tpu.enqueue_dma source(%dma_start3A_172 : memref<2560xi32, #tpu.memory_space<hbm>>) target(%dma_start3A_170 : memref<2560xi32, #tpu.memory_space<vmem>>) target_semaphore(%arg19 : memref<!tpu.dma_semaphore, #tpu.memory_space<semaphore_mem>>)
      %dma_start3A_173 = arith.constant 0 : i32
      %dma_start3A_174 = tpu.memref_slice %arg18[%dma_start3A_173] : memref<3328xf32, #tpu.memory_space<vmem>> -> memref<2048xf32, #tpu.memory_space<vmem>>
      %dma_start3A_175 = arith.constant 26624 : i32
      %dma_start3A_176 = tpu.memref_slice %arg3[%dma_start3A_175] : memref<106496xf32, #tpu.memory_space<hbm>> -> memref<2048xf32, #tpu.memory_space<hbm>>
      %dma_start3A_177 = arith.constant 0 : i32
      %dma_start3A_178 = tpu.memref_slice %arg18[%dma_start3A_177] : memref<3328xf32, #tpu.memory_space<vmem>> -> memref<2048xf32, #tpu.memory_space<vmem>>
      %dma_start3A_179 = arith.constant 26624 : i32
      %dma_start3A_180 = tpu.memref_slice %arg3[%dma_start3A_179] : memref<106496xf32, #tpu.memory_space<hbm>> -> memref<2048xf32, #tpu.memory_space<hbm>>
      tpu.enqueue_dma source(%dma_start3A_180 : memref<2048xf32, #tpu.memory_space<hbm>>) target(%dma_start3A_178 : memref<2048xf32, #tpu.memory_space<vmem>>) target_semaphore(%arg19 : memref<!tpu.dma_semaphore, #tpu.memory_space<semaphore_mem>>)
      %dma_start3A_181 = arith.constant 2048 : i32
      %dma_start3A_182 = tpu.memref_slice %arg18[%dma_start3A_181] : memref<3328xf32, #tpu.memory_space<vmem>> -> memref<1280xf32, #tpu.memory_space<vmem>>
      %dma_start3A_183 = arith.constant 28672 : i32
      %dma_start3A_184 = tpu.memref_slice %arg3[%dma_start3A_183] : memref<106496xf32, #tpu.memory_space<hbm>> -> memref<1280xf32, #tpu.memory_space<hbm>>
      %dma_start3A_185 = arith.constant 2048 : i32
      %dma_start3A_186 = tpu.memref_slice %arg18[%dma_start3A_185] : memref<3328xf32, #tpu.memory_space<vmem>> -> memref<1280xf32, #tpu.memory_space<vmem>>
      %dma_start3A_187 = arith.constant 28672 : i32
      %dma_start3A_188 = tpu.memref_slice %arg3[%dma_start3A_187] : memref<106496xf32, #tpu.memory_space<hbm>> -> memref<1280xf32, #tpu.memory_space<hbm>>
      tpu.enqueue_dma source(%dma_start3A_188 : memref<1280xf32, #tpu.memory_space<hbm>>) target(%dma_start3A_186 : memref<1280xf32, #tpu.memory_space<vmem>>) target_semaphore(%arg19 : memref<!tpu.dma_semaphore, #tpu.memory_space<semaphore_mem>>)
      %dma_wait3A = arith.constant 0 : i32
      %dma_wait3A_189 = tpu.memref_slice %arg17[%dma_wait3A] : memref<6656xi32, #tpu.memory_space<vmem>> -> memref<4096xi32, #tpu.memory_space<vmem>>
      %dma_wait3A_190 = arith.constant 24576 : i32
      %dma_wait3A_191 = tpu.memref_slice %arg4[%dma_wait3A_190] : memref<106496xi32, #tpu.memory_space<hbm>> -> memref<4096xi32, #tpu.memory_space<hbm>>
      %dma_wait3A_192 = arith.constant 0 : i32
      %dma_wait3A_193 = tpu.memref_slice %arg17[%dma_wait3A_192] : memref<6656xi32, #tpu.memory_space<vmem>> -> memref<4096xi32, #tpu.memory_space<vmem>>
      %dma_wait3A_194 = arith.constant 24576 : i32
      %dma_wait3A_195 = tpu.memref_slice %arg4[%dma_wait3A_194] : memref<106496xi32, #tpu.memory_space<hbm>> -> memref<4096xi32, #tpu.memory_space<hbm>>
      tpu.wait_dma2 semaphore(%arg19 : memref<!tpu.dma_semaphore, #tpu.memory_space<semaphore_mem>>) src(%dma_wait3A_195 : memref<4096xi32, #tpu.memory_space<hbm>>) dst(%dma_wait3A_193 : memref<4096xi32, #tpu.memory_space<vmem>>)
      %dma_wait3A_196 = arith.constant 4096 : i32
      %dma_wait3A_197 = tpu.memref_slice %arg17[%dma_wait3A_196] : memref<6656xi32, #tpu.memory_space<vmem>> -> memref<2560xi32, #tpu.memory_space<vmem>>
      %dma_wait3A_198 = arith.constant 28672 : i32
      %dma_wait3A_199 = tpu.memref_slice %arg2[%dma_wait3A_198] : memref<106496xi32, #tpu.memory_space<hbm>> -> memref<2560xi32, #tpu.memory_space<hbm>>
      %dma_wait3A_200 = arith.constant 4096 : i32
      %dma_wait3A_201 = tpu.memref_slice %arg17[%dma_wait3A_200] : memref<6656xi32, #tpu.memory_space<vmem>> -> memref<2560xi32, #tpu.memory_space<vmem>>
      %dma_wait3A_202 = arith.constant 28672 : i32
      %dma_wait3A_203 = tpu.memref_slice %arg2[%dma_wait3A_202] : memref<106496xi32, #tpu.memory_space<hbm>> -> memref<2560xi32, #tpu.memory_space<hbm>>
      tpu.wait_dma2 semaphore(%arg19 : memref<!tpu.dma_semaphore, #tpu.memory_space<semaphore_mem>>) src(%dma_wait3A_203 : memref<2560xi32, #tpu.memory_space<hbm>>) dst(%dma_wait3A_201 : memref<2560xi32, #tpu.memory_space<vmem>>)
      %dma_wait3A_204 = arith.constant 0 : i32
      %dma_wait3A_205 = tpu.memref_slice %arg18[%dma_wait3A_204] : memref<3328xf32, #tpu.memory_space<vmem>> -> memref<2048xf32, #tpu.memory_space<vmem>>
      %dma_wait3A_206 = arith.constant 26624 : i32
      %dma_wait3A_207 = tpu.memref_slice %arg3[%dma_wait3A_206] : memref<106496xf32, #tpu.memory_space<hbm>> -> memref<2048xf32, #tpu.memory_space<hbm>>
      %dma_wait3A_208 = arith.constant 0 : i32
      %dma_wait3A_209 = tpu.memref_slice %arg18[%dma_wait3A_208] : memref<3328xf32, #tpu.memory_space<vmem>> -> memref<2048xf32, #tpu.memory_space<vmem>>
      %dma_wait3A_210 = arith.constant 26624 : i32
      %dma_wait3A_211 = tpu.memref_slice %arg3[%dma_wait3A_210] : memref<106496xf32, #tpu.memory_space<hbm>> -> memref<2048xf32, #tpu.memory_space<hbm>>
      tpu.wait_dma2 semaphore(%arg19 : memref<!tpu.dma_semaphore, #tpu.memory_space<semaphore_mem>>) src(%dma_wait3A_211 : memref<2048xf32, #tpu.memory_space<hbm>>) dst(%dma_wait3A_209 : memref<2048xf32, #tpu.memory_space<vmem>>)
      %dma_wait3A_212 = arith.constant 2048 : i32
      %dma_wait3A_213 = tpu.memref_slice %arg18[%dma_wait3A_212] : memref<3328xf32, #tpu.memory_space<vmem>> -> memref<1280xf32, #tpu.memory_space<vmem>>
      %dma_wait3A_214 = arith.constant 28672 : i32
      %dma_wait3A_215 = tpu.memref_slice %arg3[%dma_wait3A_214] : memref<106496xf32, #tpu.memory_space<hbm>> -> memref<1280xf32, #tpu.memory_space<hbm>>
      %dma_wait3A_216 = arith.constant 2048 : i32
      %dma_wait3A_217 = tpu.memref_slice %arg18[%dma_wait3A_216] : memref<3328xf32, #tpu.memory_space<vmem>> -> memref<1280xf32, #tpu.memory_space<vmem>>
      %dma_wait3A_218 = arith.constant 28672 : i32
      %dma_wait3A_219 = tpu.memref_slice %arg3[%dma_wait3A_218] : memref<106496xf32, #tpu.memory_space<hbm>> -> memref<1280xf32, #tpu.memory_space<hbm>>
      tpu.wait_dma2 semaphore(%arg19 : memref<!tpu.dma_semaphore, #tpu.memory_space<semaphore_mem>>) src(%dma_wait3A_219 : memref<1280xf32, #tpu.memory_space<hbm>>) dst(%dma_wait3A_217 : memref<1280xf32, #tpu.memory_space<vmem>>)
      %dma_start3A_220 = arith.constant 0 : i32
      %dma_start3A_221 = tpu.memref_slice %arg17[%dma_start3A_220] : memref<6656xi32, #tpu.memory_space<vmem>> -> memref<4096xi32, #tpu.memory_space<vmem>>
      %dma_start3A_222 = arith.constant 24576 : i32
      %dma_start3A_223 = tpu.memref_slice %arg7[%dma_start3A_222] : memref<28672xi32, #tpu.memory_space<hbm>> -> memref<4096xi32, #tpu.memory_space<hbm>>
      %dma_start3A_224 = arith.constant 24576 : i32
      %dma_start3A_225 = tpu.memref_slice %arg7[%dma_start3A_224] : memref<28672xi32, #tpu.memory_space<hbm>> -> memref<4096xi32, #tpu.memory_space<hbm>>
      %dma_start3A_226 = arith.constant 0 : i32
      %dma_start3A_227 = tpu.memref_slice %arg17[%dma_start3A_226] : memref<6656xi32, #tpu.memory_space<vmem>> -> memref<4096xi32, #tpu.memory_space<vmem>>
      tpu.enqueue_dma source(%dma_start3A_227 : memref<4096xi32, #tpu.memory_space<vmem>>) target(%dma_start3A_225 : memref<4096xi32, #tpu.memory_space<hbm>>) target_semaphore(%arg19 : memref<!tpu.dma_semaphore, #tpu.memory_space<semaphore_mem>>)
      %dma_start3A_228 = arith.constant 4096 : i32
      %dma_start3A_229 = tpu.memref_slice %arg17[%dma_start3A_228] : memref<6656xi32, #tpu.memory_space<vmem>> -> memref<2560xi32, #tpu.memory_space<vmem>>
      %dma_start3A_230 = arith.constant 0 : i32
      %dma_start3A_231 = tpu.memref_slice %arg8[%dma_start3A_230] : memref<28672xi32, #tpu.memory_space<hbm>> -> memref<2560xi32, #tpu.memory_space<hbm>>
      %dma_start3A_232 = arith.constant 0 : i32
      %dma_start3A_233 = tpu.memref_slice %arg8[%dma_start3A_232] : memref<28672xi32, #tpu.memory_space<hbm>> -> memref<2560xi32, #tpu.memory_space<hbm>>
      %dma_start3A_234 = arith.constant 4096 : i32
      %dma_start3A_235 = tpu.memref_slice %arg17[%dma_start3A_234] : memref<6656xi32, #tpu.memory_space<vmem>> -> memref<2560xi32, #tpu.memory_space<vmem>>
      tpu.enqueue_dma source(%dma_start3A_235 : memref<2560xi32, #tpu.memory_space<vmem>>) target(%dma_start3A_233 : memref<2560xi32, #tpu.memory_space<hbm>>) target_semaphore(%arg19 : memref<!tpu.dma_semaphore, #tpu.memory_space<semaphore_mem>>)
      %dma_start3A_236 = arith.constant 0 : i32
      %dma_start3A_237 = tpu.memref_slice %arg18[%dma_start3A_236] : memref<3328xf32, #tpu.memory_space<vmem>> -> memref<2048xf32, #tpu.memory_space<vmem>>
      %dma_start3A_238 = arith.constant 26624 : i32
      %dma_start3A_239 = tpu.memref_slice %arg6[%dma_start3A_238] : memref<28672xf32, #tpu.memory_space<hbm>> -> memref<2048xf32, #tpu.memory_space<hbm>>
      %dma_start3A_240 = arith.constant 26624 : i32
      %dma_start3A_241 = tpu.memref_slice %arg6[%dma_start3A_240] : memref<28672xf32, #tpu.memory_space<hbm>> -> memref<2048xf32, #tpu.memory_space<hbm>>
      %dma_start3A_242 = arith.constant 0 : i32
      %dma_start3A_243 = tpu.memref_slice %arg18[%dma_start3A_242] : memref<3328xf32, #tpu.memory_space<vmem>> -> memref<2048xf32, #tpu.memory_space<vmem>>
      tpu.enqueue_dma source(%dma_start3A_243 : memref<2048xf32, #tpu.memory_space<vmem>>) target(%dma_start3A_241 : memref<2048xf32, #tpu.memory_space<hbm>>) target_semaphore(%arg19 : memref<!tpu.dma_semaphore, #tpu.memory_space<semaphore_mem>>)
      %dma_start3A_244 = arith.constant 2048 : i32
      %dma_start3A_245 = tpu.memref_slice %arg18[%dma_start3A_244] : memref<3328xf32, #tpu.memory_space<vmem>> -> memref<1280xf32, #tpu.memory_space<vmem>>
      %dma_start3A_246 = arith.constant 0 : i32
      %dma_start3A_247 = tpu.memref_slice %arg9[%dma_start3A_246] : memref<28672xf32, #tpu.memory_space<hbm>> -> memref<1280xf32, #tpu.memory_space<hbm>>
      %dma_start3A_248 = arith.constant 0 : i32
      %dma_start3A_249 = tpu.memref_slice %arg9[%dma_start3A_248] : memref<28672xf32, #tpu.memory_space<hbm>> -> memref<1280xf32, #tpu.memory_space<hbm>>
      %dma_start3A_250 = arith.constant 2048 : i32
      %dma_start3A_251 = tpu.memref_slice %arg18[%dma_start3A_250] : memref<3328xf32, #tpu.memory_space<vmem>> -> memref<1280xf32, #tpu.memory_space<vmem>>
      tpu.enqueue_dma source(%dma_start3A_251 : memref<1280xf32, #tpu.memory_space<vmem>>) target(%dma_start3A_249 : memref<1280xf32, #tpu.memory_space<hbm>>) target_semaphore(%arg19 : memref<!tpu.dma_semaphore, #tpu.memory_space<semaphore_mem>>)
      %dma_wait3A_252 = arith.constant 0 : i32
      %dma_wait3A_253 = tpu.memref_slice %arg17[%dma_wait3A_252] : memref<6656xi32, #tpu.memory_space<vmem>> -> memref<4096xi32, #tpu.memory_space<vmem>>
      %dma_wait3A_254 = arith.constant 24576 : i32
      %dma_wait3A_255 = tpu.memref_slice %arg7[%dma_wait3A_254] : memref<28672xi32, #tpu.memory_space<hbm>> -> memref<4096xi32, #tpu.memory_space<hbm>>
      %dma_wait3A_256 = arith.constant 24576 : i32
      %dma_wait3A_257 = tpu.memref_slice %arg7[%dma_wait3A_256] : memref<28672xi32, #tpu.memory_space<hbm>> -> memref<4096xi32, #tpu.memory_space<hbm>>
      %dma_wait3A_258 = arith.constant 0 : i32
      %dma_wait3A_259 = tpu.memref_slice %arg17[%dma_wait3A_258] : memref<6656xi32, #tpu.memory_space<vmem>> -> memref<4096xi32, #tpu.memory_space<vmem>>
      tpu.wait_dma2 semaphore(%arg19 : memref<!tpu.dma_semaphore, #tpu.memory_space<semaphore_mem>>) src(%dma_wait3A_259 : memref<4096xi32, #tpu.memory_space<vmem>>) dst(%dma_wait3A_257 : memref<4096xi32, #tpu.memory_space<hbm>>)
      %dma_wait3A_260 = arith.constant 4096 : i32
      %dma_wait3A_261 = tpu.memref_slice %arg17[%dma_wait3A_260] : memref<6656xi32, #tpu.memory_space<vmem>> -> memref<2560xi32, #tpu.memory_space<vmem>>
      %dma_wait3A_262 = arith.constant 0 : i32
      %dma_wait3A_263 = tpu.memref_slice %arg8[%dma_wait3A_262] : memref<28672xi32, #tpu.memory_space<hbm>> -> memref<2560xi32, #tpu.memory_space<hbm>>
      %dma_wait3A_264 = arith.constant 0 : i32
      %dma_wait3A_265 = tpu.memref_slice %arg8[%dma_wait3A_264] : memref<28672xi32, #tpu.memory_space<hbm>> -> memref<2560xi32, #tpu.memory_space<hbm>>
      %dma_wait3A_266 = arith.constant 4096 : i32
      %dma_wait3A_267 = tpu.memref_slice %arg17[%dma_wait3A_266] : memref<6656xi32, #tpu.memory_space<vmem>> -> memref<2560xi32, #tpu.memory_space<vmem>>
      tpu.wait_dma2 semaphore(%arg19 : memref<!tpu.dma_semaphore, #tpu.memory_space<semaphore_mem>>) src(%dma_wait3A_267 : memref<2560xi32, #tpu.memory_space<vmem>>) dst(%dma_wait3A_265 : memref<2560xi32, #tpu.memory_space<hbm>>)
      %dma_wait3A_268 = arith.constant 0 : i32
      %dma_wait3A_269 = tpu.memref_slice %arg18[%dma_wait3A_268] : memref<3328xf32, #tpu.memory_space<vmem>> -> memref<2048xf32, #tpu.memory_space<vmem>>
      %dma_wait3A_270 = arith.constant 26624 : i32
      %dma_wait3A_271 = tpu.memref_slice %arg6[%dma_wait3A_270] : memref<28672xf32, #tpu.memory_space<hbm>> -> memref<2048xf32, #tpu.memory_space<hbm>>
      %dma_wait3A_272 = arith.constant 26624 : i32
      %dma_wait3A_273 = tpu.memref_slice %arg6[%dma_wait3A_272] : memref<28672xf32, #tpu.memory_space<hbm>> -> memref<2048xf32, #tpu.memory_space<hbm>>
      %dma_wait3A_274 = arith.constant 0 : i32
      %dma_wait3A_275 = tpu.memref_slice %arg18[%dma_wait3A_274] : memref<3328xf32, #tpu.memory_space<vmem>> -> memref<2048xf32, #tpu.memory_space<vmem>>
      tpu.wait_dma2 semaphore(%arg19 : memref<!tpu.dma_semaphore, #tpu.memory_space<semaphore_mem>>) src(%dma_wait3A_275 : memref<2048xf32, #tpu.memory_space<vmem>>) dst(%dma_wait3A_273 : memref<2048xf32, #tpu.memory_space<hbm>>)
      %dma_wait3A_276 = arith.constant 2048 : i32
      %dma_wait3A_277 = tpu.memref_slice %arg18[%dma_wait3A_276] : memref<3328xf32, #tpu.memory_space<vmem>> -> memref<1280xf32, #tpu.memory_space<vmem>>
      %dma_wait3A_278 = arith.constant 0 : i32
      %dma_wait3A_279 = tpu.memref_slice %arg9[%dma_wait3A_278] : memref<28672xf32, #tpu.memory_space<hbm>> -> memref<1280xf32, #tpu.memory_space<hbm>>
      %dma_wait3A_280 = arith.constant 0 : i32
      %dma_wait3A_281 = tpu.memref_slice %arg9[%dma_wait3A_280] : memref<28672xf32, #tpu.memory_space<hbm>> -> memref<1280xf32, #tpu.memory_space<hbm>>
      %dma_wait3A_282 = arith.constant 2048 : i32
      %dma_wait3A_283 = tpu.memref_slice %arg18[%dma_wait3A_282] : memref<3328xf32, #tpu.memory_space<vmem>> -> memref<1280xf32, #tpu.memory_space<vmem>>
      tpu.wait_dma2 semaphore(%arg19 : memref<!tpu.dma_semaphore, #tpu.memory_space<semaphore_mem>>) src(%dma_wait3A_283 : memref<1280xf32, #tpu.memory_space<vmem>>) dst(%dma_wait3A_281 : memref<1280xf32, #tpu.memory_space<hbm>>)
    } else {
    }
    %eq3A_43 = arith.constant 9 : i32
    %eq3A_44 = arith.cmpi eq, %add3A, %eq3A_43 : i32
    %convert_element_type3A_45 = arith.extui %eq3A_44 : i1 to i32
    %cond3A_46 = arith.constant 0 : i32
    %cond3A_47 = arith.cmpi ne, %convert_element_type3A_45, %cond3A_46 : i32
    scf.if %cond3A_47 {
      %dma_start3A = arith.constant 0 : i32
      %dma_start3A_158 = tpu.memref_slice %arg17[%dma_start3A] : memref<6656xi32, #tpu.memory_space<vmem>> -> memref<6656xi32, #tpu.memory_space<vmem>>
      %dma_start3A_159 = arith.constant 31232 : i32
      %dma_start3A_160 = tpu.memref_slice %arg2[%dma_start3A_159] : memref<106496xi32, #tpu.memory_space<hbm>> -> memref<6656xi32, #tpu.memory_space<hbm>>
      %dma_start3A_161 = arith.constant 0 : i32
      %dma_start3A_162 = tpu.memref_slice %arg17[%dma_start3A_161] : memref<6656xi32, #tpu.memory_space<vmem>> -> memref<6656xi32, #tpu.memory_space<vmem>>
      %dma_start3A_163 = arith.constant 31232 : i32
      %dma_start3A_164 = tpu.memref_slice %arg2[%dma_start3A_163] : memref<106496xi32, #tpu.memory_space<hbm>> -> memref<6656xi32, #tpu.memory_space<hbm>>
      tpu.enqueue_dma source(%dma_start3A_164 : memref<6656xi32, #tpu.memory_space<hbm>>) target(%dma_start3A_162 : memref<6656xi32, #tpu.memory_space<vmem>>) target_semaphore(%arg19 : memref<!tpu.dma_semaphore, #tpu.memory_space<semaphore_mem>>)
      %dma_start3A_165 = arith.constant 0 : i32
      %dma_start3A_166 = tpu.memref_slice %arg18[%dma_start3A_165] : memref<3328xf32, #tpu.memory_space<vmem>> -> memref<3328xf32, #tpu.memory_space<vmem>>
      %dma_start3A_167 = arith.constant 29952 : i32
      %dma_start3A_168 = tpu.memref_slice %arg3[%dma_start3A_167] : memref<106496xf32, #tpu.memory_space<hbm>> -> memref<3328xf32, #tpu.memory_space<hbm>>
      %dma_start3A_169 = arith.constant 0 : i32
      %dma_start3A_170 = tpu.memref_slice %arg18[%dma_start3A_169] : memref<3328xf32, #tpu.memory_space<vmem>> -> memref<3328xf32, #tpu.memory_space<vmem>>
      %dma_start3A_171 = arith.constant 29952 : i32
      %dma_start3A_172 = tpu.memref_slice %arg3[%dma_start3A_171] : memref<106496xf32, #tpu.memory_space<hbm>> -> memref<3328xf32, #tpu.memory_space<hbm>>
      tpu.enqueue_dma source(%dma_start3A_172 : memref<3328xf32, #tpu.memory_space<hbm>>) target(%dma_start3A_170 : memref<3328xf32, #tpu.memory_space<vmem>>) target_semaphore(%arg19 : memref<!tpu.dma_semaphore, #tpu.memory_space<semaphore_mem>>)
      %dma_wait3A = arith.constant 0 : i32
      %dma_wait3A_173 = tpu.memref_slice %arg17[%dma_wait3A] : memref<6656xi32, #tpu.memory_space<vmem>> -> memref<6656xi32, #tpu.memory_space<vmem>>
      %dma_wait3A_174 = arith.constant 31232 : i32
      %dma_wait3A_175 = tpu.memref_slice %arg2[%dma_wait3A_174] : memref<106496xi32, #tpu.memory_space<hbm>> -> memref<6656xi32, #tpu.memory_space<hbm>>
      %dma_wait3A_176 = arith.constant 0 : i32
      %dma_wait3A_177 = tpu.memref_slice %arg17[%dma_wait3A_176] : memref<6656xi32, #tpu.memory_space<vmem>> -> memref<6656xi32, #tpu.memory_space<vmem>>
      %dma_wait3A_178 = arith.constant 31232 : i32
      %dma_wait3A_179 = tpu.memref_slice %arg2[%dma_wait3A_178] : memref<106496xi32, #tpu.memory_space<hbm>> -> memref<6656xi32, #tpu.memory_space<hbm>>
      tpu.wait_dma2 semaphore(%arg19 : memref<!tpu.dma_semaphore, #tpu.memory_space<semaphore_mem>>) src(%dma_wait3A_179 : memref<6656xi32, #tpu.memory_space<hbm>>) dst(%dma_wait3A_177 : memref<6656xi32, #tpu.memory_space<vmem>>)
      %dma_wait3A_180 = arith.constant 0 : i32
      %dma_wait3A_181 = tpu.memref_slice %arg18[%dma_wait3A_180] : memref<3328xf32, #tpu.memory_space<vmem>> -> memref<3328xf32, #tpu.memory_space<vmem>>
      %dma_wait3A_182 = arith.constant 29952 : i32
      %dma_wait3A_183 = tpu.memref_slice %arg3[%dma_wait3A_182] : memref<106496xf32, #tpu.memory_space<hbm>> -> memref<3328xf32, #tpu.memory_space<hbm>>
      %dma_wait3A_184 = arith.constant 0 : i32
      %dma_wait3A_185 = tpu.memref_slice %arg18[%dma_wait3A_184] : memref<3328xf32, #tpu.memory_space<vmem>> -> memref<3328xf32, #tpu.memory_space<vmem>>
      %dma_wait3A_186 = arith.constant 29952 : i32
      %dma_wait3A_187 = tpu.memref_slice %arg3[%dma_wait3A_186] : memref<106496xf32, #tpu.memory_space<hbm>> -> memref<3328xf32, #tpu.memory_space<hbm>>
      tpu.wait_dma2 semaphore(%arg19 : memref<!tpu.dma_semaphore, #tpu.memory_space<semaphore_mem>>) src(%dma_wait3A_187 : memref<3328xf32, #tpu.memory_space<hbm>>) dst(%dma_wait3A_185 : memref<3328xf32, #tpu.memory_space<vmem>>)
      %dma_start3A_188 = arith.constant 0 : i32
      %dma_start3A_189 = tpu.memref_slice %arg17[%dma_start3A_188] : memref<6656xi32, #tpu.memory_space<vmem>> -> memref<6656xi32, #tpu.memory_space<vmem>>
      %dma_start3A_190 = arith.constant 2560 : i32
      %dma_start3A_191 = tpu.memref_slice %arg8[%dma_start3A_190] : memref<28672xi32, #tpu.memory_space<hbm>> -> memref<6656xi32, #tpu.memory_space<hbm>>
      %dma_start3A_192 = arith.constant 2560 : i32
      %dma_start3A_193 = tpu.memref_slice %arg8[%dma_start3A_192] : memref<28672xi32, #tpu.memory_space<hbm>> -> memref<6656xi32, #tpu.memory_space<hbm>>
      %dma_start3A_194 = arith.constant 0 : i32
      %dma_start3A_195 = tpu.memref_slice %arg17[%dma_start3A_194] : memref<6656xi32, #tpu.memory_space<vmem>> -> memref<6656xi32, #tpu.memory_space<vmem>>
      tpu.enqueue_dma source(%dma_start3A_195 : memref<6656xi32, #tpu.memory_space<vmem>>) target(%dma_start3A_193 : memref<6656xi32, #tpu.memory_space<hbm>>) target_semaphore(%arg19 : memref<!tpu.dma_semaphore, #tpu.memory_space<semaphore_mem>>)
      %dma_start3A_196 = arith.constant 0 : i32
      %dma_start3A_197 = tpu.memref_slice %arg18[%dma_start3A_196] : memref<3328xf32, #tpu.memory_space<vmem>> -> memref<3328xf32, #tpu.memory_space<vmem>>
      %dma_start3A_198 = arith.constant 1280 : i32
      %dma_start3A_199 = tpu.memref_slice %arg9[%dma_start3A_198] : memref<28672xf32, #tpu.memory_space<hbm>> -> memref<3328xf32, #tpu.memory_space<hbm>>
      %dma_start3A_200 = arith.constant 1280 : i32
      %dma_start3A_201 = tpu.memref_slice %arg9[%dma_start3A_200] : memref<28672xf32, #tpu.memory_space<hbm>> -> memref<3328xf32, #tpu.memory_space<hbm>>
      %dma_start3A_202 = arith.constant 0 : i32
      %dma_start3A_203 = tpu.memref_slice %arg18[%dma_start3A_202] : memref<3328xf32, #tpu.memory_space<vmem>> -> memref<3328xf32, #tpu.memory_space<vmem>>
      tpu.enqueue_dma source(%dma_start3A_203 : memref<3328xf32, #tpu.memory_space<vmem>>) target(%dma_start3A_201 : memref<3328xf32, #tpu.memory_space<hbm>>) target_semaphore(%arg19 : memref<!tpu.dma_semaphore, #tpu.memory_space<semaphore_mem>>)
      %dma_wait3A_204 = arith.constant 0 : i32
      %dma_wait3A_205 = tpu.memref_slice %arg17[%dma_wait3A_204] : memref<6656xi32, #tpu.memory_space<vmem>> -> memref<6656xi32, #tpu.memory_space<vmem>>
      %dma_wait3A_206 = arith.constant 2560 : i32
      %dma_wait3A_207 = tpu.memref_slice %arg8[%dma_wait3A_206] : memref<28672xi32, #tpu.memory_space<hbm>> -> memref<6656xi32, #tpu.memory_space<hbm>>
      %dma_wait3A_208 = arith.constant 2560 : i32
      %dma_wait3A_209 = tpu.memref_slice %arg8[%dma_wait3A_208] : memref<28672xi32, #tpu.memory_space<hbm>> -> memref<6656xi32, #tpu.memory_space<hbm>>
      %dma_wait3A_210 = arith.constant 0 : i32
      %dma_wait3A_211 = tpu.memref_slice %arg17[%dma_wait3A_210] : memref<6656xi32, #tpu.memory_space<vmem>> -> memref<6656xi32, #tpu.memory_space<vmem>>
      tpu.wait_dma2 semaphore(%arg19 : memref<!tpu.dma_semaphore, #tpu.memory_space<semaphore_mem>>) src(%dma_wait3A_211 : memref<6656xi32, #tpu.memory_space<vmem>>) dst(%dma_wait3A_209 : memref<6656xi32, #tpu.memory_space<hbm>>)
      %dma_wait3A_212 = arith.constant 0 : i32
      %dma_wait3A_213 = tpu.memref_slice %arg18[%dma_wait3A_212] : memref<3328xf32, #tpu.memory_space<vmem>> -> memref<3328xf32, #tpu.memory_space<vmem>>
      %dma_wait3A_214 = arith.constant 1280 : i32
      %dma_wait3A_215 = tpu.memref_slice %arg9[%dma_wait3A_214] : memref<28672xf32, #tpu.memory_space<hbm>> -> memref<3328xf32, #tpu.memory_space<hbm>>
      %dma_wait3A_216 = arith.constant 1280 : i32
      %dma_wait3A_217 = tpu.memref_slice %arg9[%dma_wait3A_216] : memref<28672xf32, #tpu.memory_space<hbm>> -> memref<3328xf32, #tpu.memory_space<hbm>>
      %dma_wait3A_218 = arith.constant 0 : i32
      %dma_wait3A_219 = tpu.memref_slice %arg18[%dma_wait3A_218] : memref<3328xf32, #tpu.memory_space<vmem>> -> memref<3328xf32, #tpu.memory_space<vmem>>
      tpu.wait_dma2 semaphore(%arg19 : memref<!tpu.dma_semaphore, #tpu.memory_space<semaphore_mem>>) src(%dma_wait3A_219 : memref<3328xf32, #tpu.memory_space<vmem>>) dst(%dma_wait3A_217 : memref<3328xf32, #tpu.memory_space<hbm>>)
    } else {
    }
    %eq3A_48 = arith.constant 10 : i32
    %eq3A_49 = arith.cmpi eq, %add3A, %eq3A_48 : i32
    %convert_element_type3A_50 = arith.extui %eq3A_49 : i1 to i32
    %cond3A_51 = arith.constant 0 : i32
    %cond3A_52 = arith.cmpi ne, %convert_element_type3A_50, %cond3A_51 : i32
    scf.if %cond3A_52 {
      %dma_start3A = arith.constant 0 : i32
      %dma_start3A_158 = tpu.memref_slice %arg17[%dma_start3A] : memref<6656xi32, #tpu.memory_space<vmem>> -> memref<6656xi32, #tpu.memory_space<vmem>>
      %dma_start3A_159 = arith.constant 37888 : i32
      %dma_start3A_160 = tpu.memref_slice %arg2[%dma_start3A_159] : memref<106496xi32, #tpu.memory_space<hbm>> -> memref<6656xi32, #tpu.memory_space<hbm>>
      %dma_start3A_161 = arith.constant 0 : i32
      %dma_start3A_162 = tpu.memref_slice %arg17[%dma_start3A_161] : memref<6656xi32, #tpu.memory_space<vmem>> -> memref<6656xi32, #tpu.memory_space<vmem>>
      %dma_start3A_163 = arith.constant 37888 : i32
      %dma_start3A_164 = tpu.memref_slice %arg2[%dma_start3A_163] : memref<106496xi32, #tpu.memory_space<hbm>> -> memref<6656xi32, #tpu.memory_space<hbm>>
      tpu.enqueue_dma source(%dma_start3A_164 : memref<6656xi32, #tpu.memory_space<hbm>>) target(%dma_start3A_162 : memref<6656xi32, #tpu.memory_space<vmem>>) target_semaphore(%arg19 : memref<!tpu.dma_semaphore, #tpu.memory_space<semaphore_mem>>)
      %dma_start3A_165 = arith.constant 0 : i32
      %dma_start3A_166 = tpu.memref_slice %arg18[%dma_start3A_165] : memref<3328xf32, #tpu.memory_space<vmem>> -> memref<3328xf32, #tpu.memory_space<vmem>>
      %dma_start3A_167 = arith.constant 33280 : i32
      %dma_start3A_168 = tpu.memref_slice %arg3[%dma_start3A_167] : memref<106496xf32, #tpu.memory_space<hbm>> -> memref<3328xf32, #tpu.memory_space<hbm>>
      %dma_start3A_169 = arith.constant 0 : i32
      %dma_start3A_170 = tpu.memref_slice %arg18[%dma_start3A_169] : memref<3328xf32, #tpu.memory_space<vmem>> -> memref<3328xf32, #tpu.memory_space<vmem>>
      %dma_start3A_171 = arith.constant 33280 : i32
      %dma_start3A_172 = tpu.memref_slice %arg3[%dma_start3A_171] : memref<106496xf32, #tpu.memory_space<hbm>> -> memref<3328xf32, #tpu.memory_space<hbm>>
      tpu.enqueue_dma source(%dma_start3A_172 : memref<3328xf32, #tpu.memory_space<hbm>>) target(%dma_start3A_170 : memref<3328xf32, #tpu.memory_space<vmem>>) target_semaphore(%arg19 : memref<!tpu.dma_semaphore, #tpu.memory_space<semaphore_mem>>)
      %dma_wait3A = arith.constant 0 : i32
      %dma_wait3A_173 = tpu.memref_slice %arg17[%dma_wait3A] : memref<6656xi32, #tpu.memory_space<vmem>> -> memref<6656xi32, #tpu.memory_space<vmem>>
      %dma_wait3A_174 = arith.constant 37888 : i32
      %dma_wait3A_175 = tpu.memref_slice %arg2[%dma_wait3A_174] : memref<106496xi32, #tpu.memory_space<hbm>> -> memref<6656xi32, #tpu.memory_space<hbm>>
      %dma_wait3A_176 = arith.constant 0 : i32
      %dma_wait3A_177 = tpu.memref_slice %arg17[%dma_wait3A_176] : memref<6656xi32, #tpu.memory_space<vmem>> -> memref<6656xi32, #tpu.memory_space<vmem>>
      %dma_wait3A_178 = arith.constant 37888 : i32
      %dma_wait3A_179 = tpu.memref_slice %arg2[%dma_wait3A_178] : memref<106496xi32, #tpu.memory_space<hbm>> -> memref<6656xi32, #tpu.memory_space<hbm>>
      tpu.wait_dma2 semaphore(%arg19 : memref<!tpu.dma_semaphore, #tpu.memory_space<semaphore_mem>>) src(%dma_wait3A_179 : memref<6656xi32, #tpu.memory_space<hbm>>) dst(%dma_wait3A_177 : memref<6656xi32, #tpu.memory_space<vmem>>)
      %dma_wait3A_180 = arith.constant 0 : i32
      %dma_wait3A_181 = tpu.memref_slice %arg18[%dma_wait3A_180] : memref<3328xf32, #tpu.memory_space<vmem>> -> memref<3328xf32, #tpu.memory_space<vmem>>
      %dma_wait3A_182 = arith.constant 33280 : i32
      %dma_wait3A_183 = tpu.memref_slice %arg3[%dma_wait3A_182] : memref<106496xf32, #tpu.memory_space<hbm>> -> memref<3328xf32, #tpu.memory_space<hbm>>
      %dma_wait3A_184 = arith.constant 0 : i32
      %dma_wait3A_185 = tpu.memref_slice %arg18[%dma_wait3A_184] : memref<3328xf32, #tpu.memory_space<vmem>> -> memref<3328xf32, #tpu.memory_space<vmem>>
      %dma_wait3A_186 = arith.constant 33280 : i32
      %dma_wait3A_187 = tpu.memref_slice %arg3[%dma_wait3A_186] : memref<106496xf32, #tpu.memory_space<hbm>> -> memref<3328xf32, #tpu.memory_space<hbm>>
      tpu.wait_dma2 semaphore(%arg19 : memref<!tpu.dma_semaphore, #tpu.memory_space<semaphore_mem>>) src(%dma_wait3A_187 : memref<3328xf32, #tpu.memory_space<hbm>>) dst(%dma_wait3A_185 : memref<3328xf32, #tpu.memory_space<vmem>>)
      %dma_start3A_188 = arith.constant 0 : i32
      %dma_start3A_189 = tpu.memref_slice %arg17[%dma_start3A_188] : memref<6656xi32, #tpu.memory_space<vmem>> -> memref<6656xi32, #tpu.memory_space<vmem>>
      %dma_start3A_190 = arith.constant 9216 : i32
      %dma_start3A_191 = tpu.memref_slice %arg8[%dma_start3A_190] : memref<28672xi32, #tpu.memory_space<hbm>> -> memref<6656xi32, #tpu.memory_space<hbm>>
      %dma_start3A_192 = arith.constant 9216 : i32
      %dma_start3A_193 = tpu.memref_slice %arg8[%dma_start3A_192] : memref<28672xi32, #tpu.memory_space<hbm>> -> memref<6656xi32, #tpu.memory_space<hbm>>
      %dma_start3A_194 = arith.constant 0 : i32
      %dma_start3A_195 = tpu.memref_slice %arg17[%dma_start3A_194] : memref<6656xi32, #tpu.memory_space<vmem>> -> memref<6656xi32, #tpu.memory_space<vmem>>
      tpu.enqueue_dma source(%dma_start3A_195 : memref<6656xi32, #tpu.memory_space<vmem>>) target(%dma_start3A_193 : memref<6656xi32, #tpu.memory_space<hbm>>) target_semaphore(%arg19 : memref<!tpu.dma_semaphore, #tpu.memory_space<semaphore_mem>>)
      %dma_start3A_196 = arith.constant 0 : i32
      %dma_start3A_197 = tpu.memref_slice %arg18[%dma_start3A_196] : memref<3328xf32, #tpu.memory_space<vmem>> -> memref<3328xf32, #tpu.memory_space<vmem>>
      %dma_start3A_198 = arith.constant 4608 : i32
      %dma_start3A_199 = tpu.memref_slice %arg9[%dma_start3A_198] : memref<28672xf32, #tpu.memory_space<hbm>> -> memref<3328xf32, #tpu.memory_space<hbm>>
      %dma_start3A_200 = arith.constant 4608 : i32
      %dma_start3A_201 = tpu.memref_slice %arg9[%dma_start3A_200] : memref<28672xf32, #tpu.memory_space<hbm>> -> memref<3328xf32, #tpu.memory_space<hbm>>
      %dma_start3A_202 = arith.constant 0 : i32
      %dma_start3A_203 = tpu.memref_slice %arg18[%dma_start3A_202] : memref<3328xf32, #tpu.memory_space<vmem>> -> memref<3328xf32, #tpu.memory_space<vmem>>
      tpu.enqueue_dma source(%dma_start3A_203 : memref<3328xf32, #tpu.memory_space<vmem>>) target(%dma_start3A_201 : memref<3328xf32, #tpu.memory_space<hbm>>) target_semaphore(%arg19 : memref<!tpu.dma_semaphore, #tpu.memory_space<semaphore_mem>>)
      %dma_wait3A_204 = arith.constant 0 : i32
      %dma_wait3A_205 = tpu.memref_slice %arg17[%dma_wait3A_204] : memref<6656xi32, #tpu.memory_space<vmem>> -> memref<6656xi32, #tpu.memory_space<vmem>>
      %dma_wait3A_206 = arith.constant 9216 : i32
      %dma_wait3A_207 = tpu.memref_slice %arg8[%dma_wait3A_206] : memref<28672xi32, #tpu.memory_space<hbm>> -> memref<6656xi32, #tpu.memory_space<hbm>>
      %dma_wait3A_208 = arith.constant 9216 : i32
      %dma_wait3A_209 = tpu.memref_slice %arg8[%dma_wait3A_208] : memref<28672xi32, #tpu.memory_space<hbm>> -> memref<6656xi32, #tpu.memory_space<hbm>>
      %dma_wait3A_210 = arith.constant 0 : i32
      %dma_wait3A_211 = tpu.memref_slice %arg17[%dma_wait3A_210] : memref<6656xi32, #tpu.memory_space<vmem>> -> memref<6656xi32, #tpu.memory_space<vmem>>
      tpu.wait_dma2 semaphore(%arg19 : memref<!tpu.dma_semaphore, #tpu.memory_space<semaphore_mem>>) src(%dma_wait3A_211 : memref<6656xi32, #tpu.memory_space<vmem>>) dst(%dma_wait3A_209 : memref<6656xi32, #tpu.memory_space<hbm>>)
      %dma_wait3A_212 = arith.constant 0 : i32
      %dma_wait3A_213 = tpu.memref_slice %arg18[%dma_wait3A_212] : memref<3328xf32, #tpu.memory_space<vmem>> -> memref<3328xf32, #tpu.memory_space<vmem>>
      %dma_wait3A_214 = arith.constant 4608 : i32
      %dma_wait3A_215 = tpu.memref_slice %arg9[%dma_wait3A_214] : memref<28672xf32, #tpu.memory_space<hbm>> -> memref<3328xf32, #tpu.memory_space<hbm>>
      %dma_wait3A_216 = arith.constant 4608 : i32
      %dma_wait3A_217 = tpu.memref_slice %arg9[%dma_wait3A_216] : memref<28672xf32, #tpu.memory_space<hbm>> -> memref<3328xf32, #tpu.memory_space<hbm>>
      %dma_wait3A_218 = arith.constant 0 : i32
      %dma_wait3A_219 = tpu.memref_slice %arg18[%dma_wait3A_218] : memref<3328xf32, #tpu.memory_space<vmem>> -> memref<3328xf32, #tpu.memory_space<vmem>>
      tpu.wait_dma2 semaphore(%arg19 : memref<!tpu.dma_semaphore, #tpu.memory_space<semaphore_mem>>) src(%dma_wait3A_219 : memref<3328xf32, #tpu.memory_space<vmem>>) dst(%dma_wait3A_217 : memref<3328xf32, #tpu.memory_space<hbm>>)
    } else {
    }
    %eq3A_53 = arith.constant 11 : i32
    %eq3A_54 = arith.cmpi eq, %add3A, %eq3A_53 : i32
    %convert_element_type3A_55 = arith.extui %eq3A_54 : i1 to i32
    %cond3A_56 = arith.constant 0 : i32
    %cond3A_57 = arith.cmpi ne, %convert_element_type3A_55, %cond3A_56 : i32
    scf.if %cond3A_57 {
      %dma_start3A = arith.constant 0 : i32
      %dma_start3A_158 = tpu.memref_slice %arg17[%dma_start3A] : memref<6656xi32, #tpu.memory_space<vmem>> -> memref<6656xi32, #tpu.memory_space<vmem>>
      %dma_start3A_159 = arith.constant 44544 : i32
      %dma_start3A_160 = tpu.memref_slice %arg2[%dma_start3A_159] : memref<106496xi32, #tpu.memory_space<hbm>> -> memref<6656xi32, #tpu.memory_space<hbm>>
      %dma_start3A_161 = arith.constant 0 : i32
      %dma_start3A_162 = tpu.memref_slice %arg17[%dma_start3A_161] : memref<6656xi32, #tpu.memory_space<vmem>> -> memref<6656xi32, #tpu.memory_space<vmem>>
      %dma_start3A_163 = arith.constant 44544 : i32
      %dma_start3A_164 = tpu.memref_slice %arg2[%dma_start3A_163] : memref<106496xi32, #tpu.memory_space<hbm>> -> memref<6656xi32, #tpu.memory_space<hbm>>
      tpu.enqueue_dma source(%dma_start3A_164 : memref<6656xi32, #tpu.memory_space<hbm>>) target(%dma_start3A_162 : memref<6656xi32, #tpu.memory_space<vmem>>) target_semaphore(%arg19 : memref<!tpu.dma_semaphore, #tpu.memory_space<semaphore_mem>>)
      %dma_start3A_165 = arith.constant 0 : i32
      %dma_start3A_166 = tpu.memref_slice %arg18[%dma_start3A_165] : memref<3328xf32, #tpu.memory_space<vmem>> -> memref<3328xf32, #tpu.memory_space<vmem>>
      %dma_start3A_167 = arith.constant 36608 : i32
      %dma_start3A_168 = tpu.memref_slice %arg3[%dma_start3A_167] : memref<106496xf32, #tpu.memory_space<hbm>> -> memref<3328xf32, #tpu.memory_space<hbm>>
      %dma_start3A_169 = arith.constant 0 : i32
      %dma_start3A_170 = tpu.memref_slice %arg18[%dma_start3A_169] : memref<3328xf32, #tpu.memory_space<vmem>> -> memref<3328xf32, #tpu.memory_space<vmem>>
      %dma_start3A_171 = arith.constant 36608 : i32
      %dma_start3A_172 = tpu.memref_slice %arg3[%dma_start3A_171] : memref<106496xf32, #tpu.memory_space<hbm>> -> memref<3328xf32, #tpu.memory_space<hbm>>
      tpu.enqueue_dma source(%dma_start3A_172 : memref<3328xf32, #tpu.memory_space<hbm>>) target(%dma_start3A_170 : memref<3328xf32, #tpu.memory_space<vmem>>) target_semaphore(%arg19 : memref<!tpu.dma_semaphore, #tpu.memory_space<semaphore_mem>>)
      %dma_wait3A = arith.constant 0 : i32
      %dma_wait3A_173 = tpu.memref_slice %arg17[%dma_wait3A] : memref<6656xi32, #tpu.memory_space<vmem>> -> memref<6656xi32, #tpu.memory_space<vmem>>
      %dma_wait3A_174 = arith.constant 44544 : i32
      %dma_wait3A_175 = tpu.memref_slice %arg2[%dma_wait3A_174] : memref<106496xi32, #tpu.memory_space<hbm>> -> memref<6656xi32, #tpu.memory_space<hbm>>
      %dma_wait3A_176 = arith.constant 0 : i32
      %dma_wait3A_177 = tpu.memref_slice %arg17[%dma_wait3A_176] : memref<6656xi32, #tpu.memory_space<vmem>> -> memref<6656xi32, #tpu.memory_space<vmem>>
      %dma_wait3A_178 = arith.constant 44544 : i32
      %dma_wait3A_179 = tpu.memref_slice %arg2[%dma_wait3A_178] : memref<106496xi32, #tpu.memory_space<hbm>> -> memref<6656xi32, #tpu.memory_space<hbm>>
      tpu.wait_dma2 semaphore(%arg19 : memref<!tpu.dma_semaphore, #tpu.memory_space<semaphore_mem>>) src(%dma_wait3A_179 : memref<6656xi32, #tpu.memory_space<hbm>>) dst(%dma_wait3A_177 : memref<6656xi32, #tpu.memory_space<vmem>>)
      %dma_wait3A_180 = arith.constant 0 : i32
      %dma_wait3A_181 = tpu.memref_slice %arg18[%dma_wait3A_180] : memref<3328xf32, #tpu.memory_space<vmem>> -> memref<3328xf32, #tpu.memory_space<vmem>>
      %dma_wait3A_182 = arith.constant 36608 : i32
      %dma_wait3A_183 = tpu.memref_slice %arg3[%dma_wait3A_182] : memref<106496xf32, #tpu.memory_space<hbm>> -> memref<3328xf32, #tpu.memory_space<hbm>>
      %dma_wait3A_184 = arith.constant 0 : i32
      %dma_wait3A_185 = tpu.memref_slice %arg18[%dma_wait3A_184] : memref<3328xf32, #tpu.memory_space<vmem>> -> memref<3328xf32, #tpu.memory_space<vmem>>
      %dma_wait3A_186 = arith.constant 36608 : i32
      %dma_wait3A_187 = tpu.memref_slice %arg3[%dma_wait3A_186] : memref<106496xf32, #tpu.memory_space<hbm>> -> memref<3328xf32, #tpu.memory_space<hbm>>
      tpu.wait_dma2 semaphore(%arg19 : memref<!tpu.dma_semaphore, #tpu.memory_space<semaphore_mem>>) src(%dma_wait3A_187 : memref<3328xf32, #tpu.memory_space<hbm>>) dst(%dma_wait3A_185 : memref<3328xf32, #tpu.memory_space<vmem>>)
      %dma_start3A_188 = arith.constant 0 : i32
      %dma_start3A_189 = tpu.memref_slice %arg17[%dma_start3A_188] : memref<6656xi32, #tpu.memory_space<vmem>> -> memref<6656xi32, #tpu.memory_space<vmem>>
      %dma_start3A_190 = arith.constant 15872 : i32
      %dma_start3A_191 = tpu.memref_slice %arg8[%dma_start3A_190] : memref<28672xi32, #tpu.memory_space<hbm>> -> memref<6656xi32, #tpu.memory_space<hbm>>
      %dma_start3A_192 = arith.constant 15872 : i32
      %dma_start3A_193 = tpu.memref_slice %arg8[%dma_start3A_192] : memref<28672xi32, #tpu.memory_space<hbm>> -> memref<6656xi32, #tpu.memory_space<hbm>>
      %dma_start3A_194 = arith.constant 0 : i32
      %dma_start3A_195 = tpu.memref_slice %arg17[%dma_start3A_194] : memref<6656xi32, #tpu.memory_space<vmem>> -> memref<6656xi32, #tpu.memory_space<vmem>>
      tpu.enqueue_dma source(%dma_start3A_195 : memref<6656xi32, #tpu.memory_space<vmem>>) target(%dma_start3A_193 : memref<6656xi32, #tpu.memory_space<hbm>>) target_semaphore(%arg19 : memref<!tpu.dma_semaphore, #tpu.memory_space<semaphore_mem>>)
      %dma_start3A_196 = arith.constant 0 : i32
      %dma_start3A_197 = tpu.memref_slice %arg18[%dma_start3A_196] : memref<3328xf32, #tpu.memory_space<vmem>> -> memref<3328xf32, #tpu.memory_space<vmem>>
      %dma_start3A_198 = arith.constant 7936 : i32
      %dma_start3A_199 = tpu.memref_slice %arg9[%dma_start3A_198] : memref<28672xf32, #tpu.memory_space<hbm>> -> memref<3328xf32, #tpu.memory_space<hbm>>
      %dma_start3A_200 = arith.constant 7936 : i32
      %dma_start3A_201 = tpu.memref_slice %arg9[%dma_start3A_200] : memref<28672xf32, #tpu.memory_space<hbm>> -> memref<3328xf32, #tpu.memory_space<hbm>>
      %dma_start3A_202 = arith.constant 0 : i32
      %dma_start3A_203 = tpu.memref_slice %arg18[%dma_start3A_202] : memref<3328xf32, #tpu.memory_space<vmem>> -> memref<3328xf32, #tpu.memory_space<vmem>>
      tpu.enqueue_dma source(%dma_start3A_203 : memref<3328xf32, #tpu.memory_space<vmem>>) target(%dma_start3A_201 : memref<3328xf32, #tpu.memory_space<hbm>>) target_semaphore(%arg19 : memref<!tpu.dma_semaphore, #tpu.memory_space<semaphore_mem>>)
      %dma_wait3A_204 = arith.constant 0 : i32
      %dma_wait3A_205 = tpu.memref_slice %arg17[%dma_wait3A_204] : memref<6656xi32, #tpu.memory_space<vmem>> -> memref<6656xi32, #tpu.memory_space<vmem>>
      %dma_wait3A_206 = arith.constant 15872 : i32
      %dma_wait3A_207 = tpu.memref_slice %arg8[%dma_wait3A_206] : memref<28672xi32, #tpu.memory_space<hbm>> -> memref<6656xi32, #tpu.memory_space<hbm>>
      %dma_wait3A_208 = arith.constant 15872 : i32
      %dma_wait3A_209 = tpu.memref_slice %arg8[%dma_wait3A_208] : memref<28672xi32, #tpu.memory_space<hbm>> -> memref<6656xi32, #tpu.memory_space<hbm>>
      %dma_wait3A_210 = arith.constant 0 : i32
      %dma_wait3A_211 = tpu.memref_slice %arg17[%dma_wait3A_210] : memref<6656xi32, #tpu.memory_space<vmem>> -> memref<6656xi32, #tpu.memory_space<vmem>>
      tpu.wait_dma2 semaphore(%arg19 : memref<!tpu.dma_semaphore, #tpu.memory_space<semaphore_mem>>) src(%dma_wait3A_211 : memref<6656xi32, #tpu.memory_space<vmem>>) dst(%dma_wait3A_209 : memref<6656xi32, #tpu.memory_space<hbm>>)
      %dma_wait3A_212 = arith.constant 0 : i32
      %dma_wait3A_213 = tpu.memref_slice %arg18[%dma_wait3A_212] : memref<3328xf32, #tpu.memory_space<vmem>> -> memref<3328xf32, #tpu.memory_space<vmem>>
      %dma_wait3A_214 = arith.constant 7936 : i32
      %dma_wait3A_215 = tpu.memref_slice %arg9[%dma_wait3A_214] : memref<28672xf32, #tpu.memory_space<hbm>> -> memref<3328xf32, #tpu.memory_space<hbm>>
      %dma_wait3A_216 = arith.constant 7936 : i32
      %dma_wait3A_217 = tpu.memref_slice %arg9[%dma_wait3A_216] : memref<28672xf32, #tpu.memory_space<hbm>> -> memref<3328xf32, #tpu.memory_space<hbm>>
      %dma_wait3A_218 = arith.constant 0 : i32
      %dma_wait3A_219 = tpu.memref_slice %arg18[%dma_wait3A_218] : memref<3328xf32, #tpu.memory_space<vmem>> -> memref<3328xf32, #tpu.memory_space<vmem>>
      tpu.wait_dma2 semaphore(%arg19 : memref<!tpu.dma_semaphore, #tpu.memory_space<semaphore_mem>>) src(%dma_wait3A_219 : memref<3328xf32, #tpu.memory_space<vmem>>) dst(%dma_wait3A_217 : memref<3328xf32, #tpu.memory_space<hbm>>)
    } else {
    }
    %eq3A_58 = arith.constant 12 : i32
    %eq3A_59 = arith.cmpi eq, %add3A, %eq3A_58 : i32
    %convert_element_type3A_60 = arith.extui %eq3A_59 : i1 to i32
    %cond3A_61 = arith.constant 0 : i32
    %cond3A_62 = arith.cmpi ne, %convert_element_type3A_60, %cond3A_61 : i32
    scf.if %cond3A_62 {
      %dma_start3A = arith.constant 0 : i32
      %dma_start3A_158 = tpu.memref_slice %arg17[%dma_start3A] : memref<6656xi32, #tpu.memory_space<vmem>> -> memref<6144xi32, #tpu.memory_space<vmem>>
      %dma_start3A_159 = arith.constant 51200 : i32
      %dma_start3A_160 = tpu.memref_slice %arg2[%dma_start3A_159] : memref<106496xi32, #tpu.memory_space<hbm>> -> memref<6144xi32, #tpu.memory_space<hbm>>
      %dma_start3A_161 = arith.constant 0 : i32
      %dma_start3A_162 = tpu.memref_slice %arg17[%dma_start3A_161] : memref<6656xi32, #tpu.memory_space<vmem>> -> memref<6144xi32, #tpu.memory_space<vmem>>
      %dma_start3A_163 = arith.constant 51200 : i32
      %dma_start3A_164 = tpu.memref_slice %arg2[%dma_start3A_163] : memref<106496xi32, #tpu.memory_space<hbm>> -> memref<6144xi32, #tpu.memory_space<hbm>>
      tpu.enqueue_dma source(%dma_start3A_164 : memref<6144xi32, #tpu.memory_space<hbm>>) target(%dma_start3A_162 : memref<6144xi32, #tpu.memory_space<vmem>>) target_semaphore(%arg19 : memref<!tpu.dma_semaphore, #tpu.memory_space<semaphore_mem>>)
      %dma_start3A_165 = arith.constant 6144 : i32
      %dma_start3A_166 = tpu.memref_slice %arg17[%dma_start3A_165] : memref<6656xi32, #tpu.memory_space<vmem>> -> memref<512xi32, #tpu.memory_space<vmem>>
      %dma_start3A_167 = arith.constant 28672 : i32
      %dma_start3A_168 = tpu.memref_slice %arg4[%dma_start3A_167] : memref<106496xi32, #tpu.memory_space<hbm>> -> memref<512xi32, #tpu.memory_space<hbm>>
      %dma_start3A_169 = arith.constant 6144 : i32
      %dma_start3A_170 = tpu.memref_slice %arg17[%dma_start3A_169] : memref<6656xi32, #tpu.memory_space<vmem>> -> memref<512xi32, #tpu.memory_space<vmem>>
      %dma_start3A_171 = arith.constant 28672 : i32
      %dma_start3A_172 = tpu.memref_slice %arg4[%dma_start3A_171] : memref<106496xi32, #tpu.memory_space<hbm>> -> memref<512xi32, #tpu.memory_space<hbm>>
      tpu.enqueue_dma source(%dma_start3A_172 : memref<512xi32, #tpu.memory_space<hbm>>) target(%dma_start3A_170 : memref<512xi32, #tpu.memory_space<vmem>>) target_semaphore(%arg19 : memref<!tpu.dma_semaphore, #tpu.memory_space<semaphore_mem>>)
      %dma_start3A_173 = arith.constant 0 : i32
      %dma_start3A_174 = tpu.memref_slice %arg18[%dma_start3A_173] : memref<3328xf32, #tpu.memory_space<vmem>> -> memref<3328xf32, #tpu.memory_space<vmem>>
      %dma_start3A_175 = arith.constant 39936 : i32
      %dma_start3A_176 = tpu.memref_slice %arg3[%dma_start3A_175] : memref<106496xf32, #tpu.memory_space<hbm>> -> memref<3328xf32, #tpu.memory_space<hbm>>
      %dma_start3A_177 = arith.constant 0 : i32
      %dma_start3A_178 = tpu.memref_slice %arg18[%dma_start3A_177] : memref<3328xf32, #tpu.memory_space<vmem>> -> memref<3328xf32, #tpu.memory_space<vmem>>
      %dma_start3A_179 = arith.constant 39936 : i32
      %dma_start3A_180 = tpu.memref_slice %arg3[%dma_start3A_179] : memref<106496xf32, #tpu.memory_space<hbm>> -> memref<3328xf32, #tpu.memory_space<hbm>>
      tpu.enqueue_dma source(%dma_start3A_180 : memref<3328xf32, #tpu.memory_space<hbm>>) target(%dma_start3A_178 : memref<3328xf32, #tpu.memory_space<vmem>>) target_semaphore(%arg19 : memref<!tpu.dma_semaphore, #tpu.memory_space<semaphore_mem>>)
      %dma_wait3A = arith.constant 0 : i32
      %dma_wait3A_181 = tpu.memref_slice %arg17[%dma_wait3A] : memref<6656xi32, #tpu.memory_space<vmem>> -> memref<6144xi32, #tpu.memory_space<vmem>>
      %dma_wait3A_182 = arith.constant 51200 : i32
      %dma_wait3A_183 = tpu.memref_slice %arg2[%dma_wait3A_182] : memref<106496xi32, #tpu.memory_space<hbm>> -> memref<6144xi32, #tpu.memory_space<hbm>>
      %dma_wait3A_184 = arith.constant 0 : i32
      %dma_wait3A_185 = tpu.memref_slice %arg17[%dma_wait3A_184] : memref<6656xi32, #tpu.memory_space<vmem>> -> memref<6144xi32, #tpu.memory_space<vmem>>
      %dma_wait3A_186 = arith.constant 51200 : i32
      %dma_wait3A_187 = tpu.memref_slice %arg2[%dma_wait3A_186] : memref<106496xi32, #tpu.memory_space<hbm>> -> memref<6144xi32, #tpu.memory_space<hbm>>
      tpu.wait_dma2 semaphore(%arg19 : memref<!tpu.dma_semaphore, #tpu.memory_space<semaphore_mem>>) src(%dma_wait3A_187 : memref<6144xi32, #tpu.memory_space<hbm>>) dst(%dma_wait3A_185 : memref<6144xi32, #tpu.memory_space<vmem>>)
      %dma_wait3A_188 = arith.constant 6144 : i32
      %dma_wait3A_189 = tpu.memref_slice %arg17[%dma_wait3A_188] : memref<6656xi32, #tpu.memory_space<vmem>> -> memref<512xi32, #tpu.memory_space<vmem>>
      %dma_wait3A_190 = arith.constant 28672 : i32
      %dma_wait3A_191 = tpu.memref_slice %arg4[%dma_wait3A_190] : memref<106496xi32, #tpu.memory_space<hbm>> -> memref<512xi32, #tpu.memory_space<hbm>>
      %dma_wait3A_192 = arith.constant 6144 : i32
      %dma_wait3A_193 = tpu.memref_slice %arg17[%dma_wait3A_192] : memref<6656xi32, #tpu.memory_space<vmem>> -> memref<512xi32, #tpu.memory_space<vmem>>
      %dma_wait3A_194 = arith.constant 28672 : i32
      %dma_wait3A_195 = tpu.memref_slice %arg4[%dma_wait3A_194] : memref<106496xi32, #tpu.memory_space<hbm>> -> memref<512xi32, #tpu.memory_space<hbm>>
      tpu.wait_dma2 semaphore(%arg19 : memref<!tpu.dma_semaphore, #tpu.memory_space<semaphore_mem>>) src(%dma_wait3A_195 : memref<512xi32, #tpu.memory_space<hbm>>) dst(%dma_wait3A_193 : memref<512xi32, #tpu.memory_space<vmem>>)
      %dma_wait3A_196 = arith.constant 0 : i32
      %dma_wait3A_197 = tpu.memref_slice %arg18[%dma_wait3A_196] : memref<3328xf32, #tpu.memory_space<vmem>> -> memref<3328xf32, #tpu.memory_space<vmem>>
      %dma_wait3A_198 = arith.constant 39936 : i32
      %dma_wait3A_199 = tpu.memref_slice %arg3[%dma_wait3A_198] : memref<106496xf32, #tpu.memory_space<hbm>> -> memref<3328xf32, #tpu.memory_space<hbm>>
      %dma_wait3A_200 = arith.constant 0 : i32
      %dma_wait3A_201 = tpu.memref_slice %arg18[%dma_wait3A_200] : memref<3328xf32, #tpu.memory_space<vmem>> -> memref<3328xf32, #tpu.memory_space<vmem>>
      %dma_wait3A_202 = arith.constant 39936 : i32
      %dma_wait3A_203 = tpu.memref_slice %arg3[%dma_wait3A_202] : memref<106496xf32, #tpu.memory_space<hbm>> -> memref<3328xf32, #tpu.memory_space<hbm>>
      tpu.wait_dma2 semaphore(%arg19 : memref<!tpu.dma_semaphore, #tpu.memory_space<semaphore_mem>>) src(%dma_wait3A_203 : memref<3328xf32, #tpu.memory_space<hbm>>) dst(%dma_wait3A_201 : memref<3328xf32, #tpu.memory_space<vmem>>)
      %dma_start3A_204 = arith.constant 0 : i32
      %dma_start3A_205 = tpu.memref_slice %arg17[%dma_start3A_204] : memref<6656xi32, #tpu.memory_space<vmem>> -> memref<6144xi32, #tpu.memory_space<vmem>>
      %dma_start3A_206 = arith.constant 22528 : i32
      %dma_start3A_207 = tpu.memref_slice %arg8[%dma_start3A_206] : memref<28672xi32, #tpu.memory_space<hbm>> -> memref<6144xi32, #tpu.memory_space<hbm>>
      %dma_start3A_208 = arith.constant 22528 : i32
      %dma_start3A_209 = tpu.memref_slice %arg8[%dma_start3A_208] : memref<28672xi32, #tpu.memory_space<hbm>> -> memref<6144xi32, #tpu.memory_space<hbm>>
      %dma_start3A_210 = arith.constant 0 : i32
      %dma_start3A_211 = tpu.memref_slice %arg17[%dma_start3A_210] : memref<6656xi32, #tpu.memory_space<vmem>> -> memref<6144xi32, #tpu.memory_space<vmem>>
      tpu.enqueue_dma source(%dma_start3A_211 : memref<6144xi32, #tpu.memory_space<vmem>>) target(%dma_start3A_209 : memref<6144xi32, #tpu.memory_space<hbm>>) target_semaphore(%arg19 : memref<!tpu.dma_semaphore, #tpu.memory_space<semaphore_mem>>)
      %dma_start3A_212 = arith.constant 6144 : i32
      %dma_start3A_213 = tpu.memref_slice %arg17[%dma_start3A_212] : memref<6656xi32, #tpu.memory_space<vmem>> -> memref<512xi32, #tpu.memory_space<vmem>>
      %dma_start3A_214 = arith.constant 0 : i32
      %dma_start3A_215 = tpu.memref_slice %arg10[%dma_start3A_214] : memref<28672xi32, #tpu.memory_space<hbm>> -> memref<512xi32, #tpu.memory_space<hbm>>
      %dma_start3A_216 = arith.constant 0 : i32
      %dma_start3A_217 = tpu.memref_slice %arg10[%dma_start3A_216] : memref<28672xi32, #tpu.memory_space<hbm>> -> memref<512xi32, #tpu.memory_space<hbm>>
      %dma_start3A_218 = arith.constant 6144 : i32
      %dma_start3A_219 = tpu.memref_slice %arg17[%dma_start3A_218] : memref<6656xi32, #tpu.memory_space<vmem>> -> memref<512xi32, #tpu.memory_space<vmem>>
      tpu.enqueue_dma source(%dma_start3A_219 : memref<512xi32, #tpu.memory_space<vmem>>) target(%dma_start3A_217 : memref<512xi32, #tpu.memory_space<hbm>>) target_semaphore(%arg19 : memref<!tpu.dma_semaphore, #tpu.memory_space<semaphore_mem>>)
      %dma_start3A_220 = arith.constant 0 : i32
      %dma_start3A_221 = tpu.memref_slice %arg18[%dma_start3A_220] : memref<3328xf32, #tpu.memory_space<vmem>> -> memref<3328xf32, #tpu.memory_space<vmem>>
      %dma_start3A_222 = arith.constant 11264 : i32
      %dma_start3A_223 = tpu.memref_slice %arg9[%dma_start3A_222] : memref<28672xf32, #tpu.memory_space<hbm>> -> memref<3328xf32, #tpu.memory_space<hbm>>
      %dma_start3A_224 = arith.constant 11264 : i32
      %dma_start3A_225 = tpu.memref_slice %arg9[%dma_start3A_224] : memref<28672xf32, #tpu.memory_space<hbm>> -> memref<3328xf32, #tpu.memory_space<hbm>>
      %dma_start3A_226 = arith.constant 0 : i32
      %dma_start3A_227 = tpu.memref_slice %arg18[%dma_start3A_226] : memref<3328xf32, #tpu.memory_space<vmem>> -> memref<3328xf32, #tpu.memory_space<vmem>>
      tpu.enqueue_dma source(%dma_start3A_227 : memref<3328xf32, #tpu.memory_space<vmem>>) target(%dma_start3A_225 : memref<3328xf32, #tpu.memory_space<hbm>>) target_semaphore(%arg19 : memref<!tpu.dma_semaphore, #tpu.memory_space<semaphore_mem>>)
      %dma_wait3A_228 = arith.constant 0 : i32
      %dma_wait3A_229 = tpu.memref_slice %arg17[%dma_wait3A_228] : memref<6656xi32, #tpu.memory_space<vmem>> -> memref<6144xi32, #tpu.memory_space<vmem>>
      %dma_wait3A_230 = arith.constant 22528 : i32
      %dma_wait3A_231 = tpu.memref_slice %arg8[%dma_wait3A_230] : memref<28672xi32, #tpu.memory_space<hbm>> -> memref<6144xi32, #tpu.memory_space<hbm>>
      %dma_wait3A_232 = arith.constant 22528 : i32
      %dma_wait3A_233 = tpu.memref_slice %arg8[%dma_wait3A_232] : memref<28672xi32, #tpu.memory_space<hbm>> -> memref<6144xi32, #tpu.memory_space<hbm>>
      %dma_wait3A_234 = arith.constant 0 : i32
      %dma_wait3A_235 = tpu.memref_slice %arg17[%dma_wait3A_234] : memref<6656xi32, #tpu.memory_space<vmem>> -> memref<6144xi32, #tpu.memory_space<vmem>>
      tpu.wait_dma2 semaphore(%arg19 : memref<!tpu.dma_semaphore, #tpu.memory_space<semaphore_mem>>) src(%dma_wait3A_235 : memref<6144xi32, #tpu.memory_space<vmem>>) dst(%dma_wait3A_233 : memref<6144xi32, #tpu.memory_space<hbm>>)
      %dma_wait3A_236 = arith.constant 6144 : i32
      %dma_wait3A_237 = tpu.memref_slice %arg17[%dma_wait3A_236] : memref<6656xi32, #tpu.memory_space<vmem>> -> memref<512xi32, #tpu.memory_space<vmem>>
      %dma_wait3A_238 = arith.constant 0 : i32
      %dma_wait3A_239 = tpu.memref_slice %arg10[%dma_wait3A_238] : memref<28672xi32, #tpu.memory_space<hbm>> -> memref<512xi32, #tpu.memory_space<hbm>>
      %dma_wait3A_240 = arith.constant 0 : i32
      %dma_wait3A_241 = tpu.memref_slice %arg10[%dma_wait3A_240] : memref<28672xi32, #tpu.memory_space<hbm>> -> memref<512xi32, #tpu.memory_space<hbm>>
      %dma_wait3A_242 = arith.constant 6144 : i32
      %dma_wait3A_243 = tpu.memref_slice %arg17[%dma_wait3A_242] : memref<6656xi32, #tpu.memory_space<vmem>> -> memref<512xi32, #tpu.memory_space<vmem>>
      tpu.wait_dma2 semaphore(%arg19 : memref<!tpu.dma_semaphore, #tpu.memory_space<semaphore_mem>>) src(%dma_wait3A_243 : memref<512xi32, #tpu.memory_space<vmem>>) dst(%dma_wait3A_241 : memref<512xi32, #tpu.memory_space<hbm>>)
      %dma_wait3A_244 = arith.constant 0 : i32
      %dma_wait3A_245 = tpu.memref_slice %arg18[%dma_wait3A_244] : memref<3328xf32, #tpu.memory_space<vmem>> -> memref<3328xf32, #tpu.memory_space<vmem>>
      %dma_wait3A_246 = arith.constant 11264 : i32
      %dma_wait3A_247 = tpu.memref_slice %arg9[%dma_wait3A_246] : memref<28672xf32, #tpu.memory_space<hbm>> -> memref<3328xf32, #tpu.memory_space<hbm>>
      %dma_wait3A_248 = arith.constant 11264 : i32
      %dma_wait3A_249 = tpu.memref_slice %arg9[%dma_wait3A_248] : memref<28672xf32, #tpu.memory_space<hbm>> -> memref<3328xf32, #tpu.memory_space<hbm>>
      %dma_wait3A_250 = arith.constant 0 : i32
      %dma_wait3A_251 = tpu.memref_slice %arg18[%dma_wait3A_250] : memref<3328xf32, #tpu.memory_space<vmem>> -> memref<3328xf32, #tpu.memory_space<vmem>>
      tpu.wait_dma2 semaphore(%arg19 : memref<!tpu.dma_semaphore, #tpu.memory_space<semaphore_mem>>) src(%dma_wait3A_251 : memref<3328xf32, #tpu.memory_space<vmem>>) dst(%dma_wait3A_249 : memref<3328xf32, #tpu.memory_space<hbm>>)
    } else {
    }
    %eq3A_63 = arith.constant 13 : i32
    %eq3A_64 = arith.cmpi eq, %add3A, %eq3A_63 : i32
    %convert_element_type3A_65 = arith.extui %eq3A_64 : i1 to i32
    %cond3A_66 = arith.constant 0 : i32
    %cond3A_67 = arith.cmpi ne, %convert_element_type3A_65, %cond3A_66 : i32
    scf.if %cond3A_67 {
      %dma_start3A = arith.constant 0 : i32
      %dma_start3A_158 = tpu.memref_slice %arg17[%dma_start3A] : memref<6656xi32, #tpu.memory_space<vmem>> -> memref<6656xi32, #tpu.memory_space<vmem>>
      %dma_start3A_159 = arith.constant 29184 : i32
      %dma_start3A_160 = tpu.memref_slice %arg4[%dma_start3A_159] : memref<106496xi32, #tpu.memory_space<hbm>> -> memref<6656xi32, #tpu.memory_space<hbm>>
      %dma_start3A_161 = arith.constant 0 : i32
      %dma_start3A_162 = tpu.memref_slice %arg17[%dma_start3A_161] : memref<6656xi32, #tpu.memory_space<vmem>> -> memref<6656xi32, #tpu.memory_space<vmem>>
      %dma_start3A_163 = arith.constant 29184 : i32
      %dma_start3A_164 = tpu.memref_slice %arg4[%dma_start3A_163] : memref<106496xi32, #tpu.memory_space<hbm>> -> memref<6656xi32, #tpu.memory_space<hbm>>
      tpu.enqueue_dma source(%dma_start3A_164 : memref<6656xi32, #tpu.memory_space<hbm>>) target(%dma_start3A_162 : memref<6656xi32, #tpu.memory_space<vmem>>) target_semaphore(%arg19 : memref<!tpu.dma_semaphore, #tpu.memory_space<semaphore_mem>>)
      %dma_start3A_165 = arith.constant 0 : i32
      %dma_start3A_166 = tpu.memref_slice %arg18[%dma_start3A_165] : memref<3328xf32, #tpu.memory_space<vmem>> -> memref<3328xf32, #tpu.memory_space<vmem>>
      %dma_start3A_167 = arith.constant 43264 : i32
      %dma_start3A_168 = tpu.memref_slice %arg3[%dma_start3A_167] : memref<106496xf32, #tpu.memory_space<hbm>> -> memref<3328xf32, #tpu.memory_space<hbm>>
      %dma_start3A_169 = arith.constant 0 : i32
      %dma_start3A_170 = tpu.memref_slice %arg18[%dma_start3A_169] : memref<3328xf32, #tpu.memory_space<vmem>> -> memref<3328xf32, #tpu.memory_space<vmem>>
      %dma_start3A_171 = arith.constant 43264 : i32
      %dma_start3A_172 = tpu.memref_slice %arg3[%dma_start3A_171] : memref<106496xf32, #tpu.memory_space<hbm>> -> memref<3328xf32, #tpu.memory_space<hbm>>
      tpu.enqueue_dma source(%dma_start3A_172 : memref<3328xf32, #tpu.memory_space<hbm>>) target(%dma_start3A_170 : memref<3328xf32, #tpu.memory_space<vmem>>) target_semaphore(%arg19 : memref<!tpu.dma_semaphore, #tpu.memory_space<semaphore_mem>>)
      %dma_wait3A = arith.constant 0 : i32
      %dma_wait3A_173 = tpu.memref_slice %arg17[%dma_wait3A] : memref<6656xi32, #tpu.memory_space<vmem>> -> memref<6656xi32, #tpu.memory_space<vmem>>
      %dma_wait3A_174 = arith.constant 29184 : i32
      %dma_wait3A_175 = tpu.memref_slice %arg4[%dma_wait3A_174] : memref<106496xi32, #tpu.memory_space<hbm>> -> memref<6656xi32, #tpu.memory_space<hbm>>
      %dma_wait3A_176 = arith.constant 0 : i32
      %dma_wait3A_177 = tpu.memref_slice %arg17[%dma_wait3A_176] : memref<6656xi32, #tpu.memory_space<vmem>> -> memref<6656xi32, #tpu.memory_space<vmem>>
      %dma_wait3A_178 = arith.constant 29184 : i32
      %dma_wait3A_179 = tpu.memref_slice %arg4[%dma_wait3A_178] : memref<106496xi32, #tpu.memory_space<hbm>> -> memref<6656xi32, #tpu.memory_space<hbm>>
      tpu.wait_dma2 semaphore(%arg19 : memref<!tpu.dma_semaphore, #tpu.memory_space<semaphore_mem>>) src(%dma_wait3A_179 : memref<6656xi32, #tpu.memory_space<hbm>>) dst(%dma_wait3A_177 : memref<6656xi32, #tpu.memory_space<vmem>>)
      %dma_wait3A_180 = arith.constant 0 : i32
      %dma_wait3A_181 = tpu.memref_slice %arg18[%dma_wait3A_180] : memref<3328xf32, #tpu.memory_space<vmem>> -> memref<3328xf32, #tpu.memory_space<vmem>>
      %dma_wait3A_182 = arith.constant 43264 : i32
      %dma_wait3A_183 = tpu.memref_slice %arg3[%dma_wait3A_182] : memref<106496xf32, #tpu.memory_space<hbm>> -> memref<3328xf32, #tpu.memory_space<hbm>>
      %dma_wait3A_184 = arith.constant 0 : i32
      %dma_wait3A_185 = tpu.memref_slice %arg18[%dma_wait3A_184] : memref<3328xf32, #tpu.memory_space<vmem>> -> memref<3328xf32, #tpu.memory_space<vmem>>
      %dma_wait3A_186 = arith.constant 43264 : i32
      %dma_wait3A_187 = tpu.memref_slice %arg3[%dma_wait3A_186] : memref<106496xf32, #tpu.memory_space<hbm>> -> memref<3328xf32, #tpu.memory_space<hbm>>
      tpu.wait_dma2 semaphore(%arg19 : memref<!tpu.dma_semaphore, #tpu.memory_space<semaphore_mem>>) src(%dma_wait3A_187 : memref<3328xf32, #tpu.memory_space<hbm>>) dst(%dma_wait3A_185 : memref<3328xf32, #tpu.memory_space<vmem>>)
      %dma_start3A_188 = arith.constant 0 : i32
      %dma_start3A_189 = tpu.memref_slice %arg17[%dma_start3A_188] : memref<6656xi32, #tpu.memory_space<vmem>> -> memref<6656xi32, #tpu.memory_space<vmem>>
      %dma_start3A_190 = arith.constant 512 : i32
      %dma_start3A_191 = tpu.memref_slice %arg10[%dma_start3A_190] : memref<28672xi32, #tpu.memory_space<hbm>> -> memref<6656xi32, #tpu.memory_space<hbm>>
      %dma_start3A_192 = arith.constant 512 : i32
      %dma_start3A_193 = tpu.memref_slice %arg10[%dma_start3A_192] : memref<28672xi32, #tpu.memory_space<hbm>> -> memref<6656xi32, #tpu.memory_space<hbm>>
      %dma_start3A_194 = arith.constant 0 : i32
      %dma_start3A_195 = tpu.memref_slice %arg17[%dma_start3A_194] : memref<6656xi32, #tpu.memory_space<vmem>> -> memref<6656xi32, #tpu.memory_space<vmem>>
      tpu.enqueue_dma source(%dma_start3A_195 : memref<6656xi32, #tpu.memory_space<vmem>>) target(%dma_start3A_193 : memref<6656xi32, #tpu.memory_space<hbm>>) target_semaphore(%arg19 : memref<!tpu.dma_semaphore, #tpu.memory_space<semaphore_mem>>)
      %dma_start3A_196 = arith.constant 0 : i32
      %dma_start3A_197 = tpu.memref_slice %arg18[%dma_start3A_196] : memref<3328xf32, #tpu.memory_space<vmem>> -> memref<3328xf32, #tpu.memory_space<vmem>>
      %dma_start3A_198 = arith.constant 14592 : i32
      %dma_start3A_199 = tpu.memref_slice %arg9[%dma_start3A_198] : memref<28672xf32, #tpu.memory_space<hbm>> -> memref<3328xf32, #tpu.memory_space<hbm>>
      %dma_start3A_200 = arith.constant 14592 : i32
      %dma_start3A_201 = tpu.memref_slice %arg9[%dma_start3A_200] : memref<28672xf32, #tpu.memory_space<hbm>> -> memref<3328xf32, #tpu.memory_space<hbm>>
      %dma_start3A_202 = arith.constant 0 : i32
      %dma_start3A_203 = tpu.memref_slice %arg18[%dma_start3A_202] : memref<3328xf32, #tpu.memory_space<vmem>> -> memref<3328xf32, #tpu.memory_space<vmem>>
      tpu.enqueue_dma source(%dma_start3A_203 : memref<3328xf32, #tpu.memory_space<vmem>>) target(%dma_start3A_201 : memref<3328xf32, #tpu.memory_space<hbm>>) target_semaphore(%arg19 : memref<!tpu.dma_semaphore, #tpu.memory_space<semaphore_mem>>)
      %dma_wait3A_204 = arith.constant 0 : i32
      %dma_wait3A_205 = tpu.memref_slice %arg17[%dma_wait3A_204] : memref<6656xi32, #tpu.memory_space<vmem>> -> memref<6656xi32, #tpu.memory_space<vmem>>
      %dma_wait3A_206 = arith.constant 512 : i32
      %dma_wait3A_207 = tpu.memref_slice %arg10[%dma_wait3A_206] : memref<28672xi32, #tpu.memory_space<hbm>> -> memref<6656xi32, #tpu.memory_space<hbm>>
      %dma_wait3A_208 = arith.constant 512 : i32
      %dma_wait3A_209 = tpu.memref_slice %arg10[%dma_wait3A_208] : memref<28672xi32, #tpu.memory_space<hbm>> -> memref<6656xi32, #tpu.memory_space<hbm>>
      %dma_wait3A_210 = arith.constant 0 : i32
      %dma_wait3A_211 = tpu.memref_slice %arg17[%dma_wait3A_210] : memref<6656xi32, #tpu.memory_space<vmem>> -> memref<6656xi32, #tpu.memory_space<vmem>>
      tpu.wait_dma2 semaphore(%arg19 : memref<!tpu.dma_semaphore, #tpu.memory_space<semaphore_mem>>) src(%dma_wait3A_211 : memref<6656xi32, #tpu.memory_space<vmem>>) dst(%dma_wait3A_209 : memref<6656xi32, #tpu.memory_space<hbm>>)
      %dma_wait3A_212 = arith.constant 0 : i32
      %dma_wait3A_213 = tpu.memref_slice %arg18[%dma_wait3A_212] : memref<3328xf32, #tpu.memory_space<vmem>> -> memref<3328xf32, #tpu.memory_space<vmem>>
      %dma_wait3A_214 = arith.constant 14592 : i32
      %dma_wait3A_215 = tpu.memref_slice %arg9[%dma_wait3A_214] : memref<28672xf32, #tpu.memory_space<hbm>> -> memref<3328xf32, #tpu.memory_space<hbm>>
      %dma_wait3A_216 = arith.constant 14592 : i32
      %dma_wait3A_217 = tpu.memref_slice %arg9[%dma_wait3A_216] : memref<28672xf32, #tpu.memory_space<hbm>> -> memref<3328xf32, #tpu.memory_space<hbm>>
      %dma_wait3A_218 = arith.constant 0 : i32
      %dma_wait3A_219 = tpu.memref_slice %arg18[%dma_wait3A_218] : memref<3328xf32, #tpu.memory_space<vmem>> -> memref<3328xf32, #tpu.memory_space<vmem>>
      tpu.wait_dma2 semaphore(%arg19 : memref<!tpu.dma_semaphore, #tpu.memory_space<semaphore_mem>>) src(%dma_wait3A_219 : memref<3328xf32, #tpu.memory_space<vmem>>) dst(%dma_wait3A_217 : memref<3328xf32, #tpu.memory_space<hbm>>)
    } else {
    }
    %eq3A_68 = arith.constant 14 : i32
    %eq3A_69 = arith.cmpi eq, %add3A, %eq3A_68 : i32
    %convert_element_type3A_70 = arith.extui %eq3A_69 : i1 to i32
    %cond3A_71 = arith.constant 0 : i32
    %cond3A_72 = arith.cmpi ne, %convert_element_type3A_70, %cond3A_71 : i32
    scf.if %cond3A_72 {
      %dma_start3A = arith.constant 0 : i32
      %dma_start3A_158 = tpu.memref_slice %arg17[%dma_start3A] : memref<6656xi32, #tpu.memory_space<vmem>> -> memref<6656xi32, #tpu.memory_space<vmem>>
      %dma_start3A_159 = arith.constant 35840 : i32
      %dma_start3A_160 = tpu.memref_slice %arg4[%dma_start3A_159] : memref<106496xi32, #tpu.memory_space<hbm>> -> memref<6656xi32, #tpu.memory_space<hbm>>
      %dma_start3A_161 = arith.constant 0 : i32
      %dma_start3A_162 = tpu.memref_slice %arg17[%dma_start3A_161] : memref<6656xi32, #tpu.memory_space<vmem>> -> memref<6656xi32, #tpu.memory_space<vmem>>
      %dma_start3A_163 = arith.constant 35840 : i32
      %dma_start3A_164 = tpu.memref_slice %arg4[%dma_start3A_163] : memref<106496xi32, #tpu.memory_space<hbm>> -> memref<6656xi32, #tpu.memory_space<hbm>>
      tpu.enqueue_dma source(%dma_start3A_164 : memref<6656xi32, #tpu.memory_space<hbm>>) target(%dma_start3A_162 : memref<6656xi32, #tpu.memory_space<vmem>>) target_semaphore(%arg19 : memref<!tpu.dma_semaphore, #tpu.memory_space<semaphore_mem>>)
      %dma_start3A_165 = arith.constant 0 : i32
      %dma_start3A_166 = tpu.memref_slice %arg18[%dma_start3A_165] : memref<3328xf32, #tpu.memory_space<vmem>> -> memref<3328xf32, #tpu.memory_space<vmem>>
      %dma_start3A_167 = arith.constant 46592 : i32
      %dma_start3A_168 = tpu.memref_slice %arg3[%dma_start3A_167] : memref<106496xf32, #tpu.memory_space<hbm>> -> memref<3328xf32, #tpu.memory_space<hbm>>
      %dma_start3A_169 = arith.constant 0 : i32
      %dma_start3A_170 = tpu.memref_slice %arg18[%dma_start3A_169] : memref<3328xf32, #tpu.memory_space<vmem>> -> memref<3328xf32, #tpu.memory_space<vmem>>
      %dma_start3A_171 = arith.constant 46592 : i32
      %dma_start3A_172 = tpu.memref_slice %arg3[%dma_start3A_171] : memref<106496xf32, #tpu.memory_space<hbm>> -> memref<3328xf32, #tpu.memory_space<hbm>>
      tpu.enqueue_dma source(%dma_start3A_172 : memref<3328xf32, #tpu.memory_space<hbm>>) target(%dma_start3A_170 : memref<3328xf32, #tpu.memory_space<vmem>>) target_semaphore(%arg19 : memref<!tpu.dma_semaphore, #tpu.memory_space<semaphore_mem>>)
      %dma_wait3A = arith.constant 0 : i32
      %dma_wait3A_173 = tpu.memref_slice %arg17[%dma_wait3A] : memref<6656xi32, #tpu.memory_space<vmem>> -> memref<6656xi32, #tpu.memory_space<vmem>>
      %dma_wait3A_174 = arith.constant 35840 : i32
      %dma_wait3A_175 = tpu.memref_slice %arg4[%dma_wait3A_174] : memref<106496xi32, #tpu.memory_space<hbm>> -> memref<6656xi32, #tpu.memory_space<hbm>>
      %dma_wait3A_176 = arith.constant 0 : i32
      %dma_wait3A_177 = tpu.memref_slice %arg17[%dma_wait3A_176] : memref<6656xi32, #tpu.memory_space<vmem>> -> memref<6656xi32, #tpu.memory_space<vmem>>
      %dma_wait3A_178 = arith.constant 35840 : i32
      %dma_wait3A_179 = tpu.memref_slice %arg4[%dma_wait3A_178] : memref<106496xi32, #tpu.memory_space<hbm>> -> memref<6656xi32, #tpu.memory_space<hbm>>
      tpu.wait_dma2 semaphore(%arg19 : memref<!tpu.dma_semaphore, #tpu.memory_space<semaphore_mem>>) src(%dma_wait3A_179 : memref<6656xi32, #tpu.memory_space<hbm>>) dst(%dma_wait3A_177 : memref<6656xi32, #tpu.memory_space<vmem>>)
      %dma_wait3A_180 = arith.constant 0 : i32
      %dma_wait3A_181 = tpu.memref_slice %arg18[%dma_wait3A_180] : memref<3328xf32, #tpu.memory_space<vmem>> -> memref<3328xf32, #tpu.memory_space<vmem>>
      %dma_wait3A_182 = arith.constant 46592 : i32
      %dma_wait3A_183 = tpu.memref_slice %arg3[%dma_wait3A_182] : memref<106496xf32, #tpu.memory_space<hbm>> -> memref<3328xf32, #tpu.memory_space<hbm>>
      %dma_wait3A_184 = arith.constant 0 : i32
      %dma_wait3A_185 = tpu.memref_slice %arg18[%dma_wait3A_184] : memref<3328xf32, #tpu.memory_space<vmem>> -> memref<3328xf32, #tpu.memory_space<vmem>>
      %dma_wait3A_186 = arith.constant 46592 : i32
      %dma_wait3A_187 = tpu.memref_slice %arg3[%dma_wait3A_186] : memref<106496xf32, #tpu.memory_space<hbm>> -> memref<3328xf32, #tpu.memory_space<hbm>>
      tpu.wait_dma2 semaphore(%arg19 : memref<!tpu.dma_semaphore, #tpu.memory_space<semaphore_mem>>) src(%dma_wait3A_187 : memref<3328xf32, #tpu.memory_space<hbm>>) dst(%dma_wait3A_185 : memref<3328xf32, #tpu.memory_space<vmem>>)
      %dma_start3A_188 = arith.constant 0 : i32
      %dma_start3A_189 = tpu.memref_slice %arg17[%dma_start3A_188] : memref<6656xi32, #tpu.memory_space<vmem>> -> memref<6656xi32, #tpu.memory_space<vmem>>
      %dma_start3A_190 = arith.constant 7168 : i32
      %dma_start3A_191 = tpu.memref_slice %arg10[%dma_start3A_190] : memref<28672xi32, #tpu.memory_space<hbm>> -> memref<6656xi32, #tpu.memory_space<hbm>>
      %dma_start3A_192 = arith.constant 7168 : i32
      %dma_start3A_193 = tpu.memref_slice %arg10[%dma_start3A_192] : memref<28672xi32, #tpu.memory_space<hbm>> -> memref<6656xi32, #tpu.memory_space<hbm>>
      %dma_start3A_194 = arith.constant 0 : i32
      %dma_start3A_195 = tpu.memref_slice %arg17[%dma_start3A_194] : memref<6656xi32, #tpu.memory_space<vmem>> -> memref<6656xi32, #tpu.memory_space<vmem>>
      tpu.enqueue_dma source(%dma_start3A_195 : memref<6656xi32, #tpu.memory_space<vmem>>) target(%dma_start3A_193 : memref<6656xi32, #tpu.memory_space<hbm>>) target_semaphore(%arg19 : memref<!tpu.dma_semaphore, #tpu.memory_space<semaphore_mem>>)
      %dma_start3A_196 = arith.constant 0 : i32
      %dma_start3A_197 = tpu.memref_slice %arg18[%dma_start3A_196] : memref<3328xf32, #tpu.memory_space<vmem>> -> memref<3328xf32, #tpu.memory_space<vmem>>
      %dma_start3A_198 = arith.constant 17920 : i32
      %dma_start3A_199 = tpu.memref_slice %arg9[%dma_start3A_198] : memref<28672xf32, #tpu.memory_space<hbm>> -> memref<3328xf32, #tpu.memory_space<hbm>>
      %dma_start3A_200 = arith.constant 17920 : i32
      %dma_start3A_201 = tpu.memref_slice %arg9[%dma_start3A_200] : memref<28672xf32, #tpu.memory_space<hbm>> -> memref<3328xf32, #tpu.memory_space<hbm>>
      %dma_start3A_202 = arith.constant 0 : i32
      %dma_start3A_203 = tpu.memref_slice %arg18[%dma_start3A_202] : memref<3328xf32, #tpu.memory_space<vmem>> -> memref<3328xf32, #tpu.memory_space<vmem>>
      tpu.enqueue_dma source(%dma_start3A_203 : memref<3328xf32, #tpu.memory_space<vmem>>) target(%dma_start3A_201 : memref<3328xf32, #tpu.memory_space<hbm>>) target_semaphore(%arg19 : memref<!tpu.dma_semaphore, #tpu.memory_space<semaphore_mem>>)
      %dma_wait3A_204 = arith.constant 0 : i32
      %dma_wait3A_205 = tpu.memref_slice %arg17[%dma_wait3A_204] : memref<6656xi32, #tpu.memory_space<vmem>> -> memref<6656xi32, #tpu.memory_space<vmem>>
      %dma_wait3A_206 = arith.constant 7168 : i32
      %dma_wait3A_207 = tpu.memref_slice %arg10[%dma_wait3A_206] : memref<28672xi32, #tpu.memory_space<hbm>> -> memref<6656xi32, #tpu.memory_space<hbm>>
      %dma_wait3A_208 = arith.constant 7168 : i32
      %dma_wait3A_209 = tpu.memref_slice %arg10[%dma_wait3A_208] : memref<28672xi32, #tpu.memory_space<hbm>> -> memref<6656xi32, #tpu.memory_space<hbm>>
      %dma_wait3A_210 = arith.constant 0 : i32
      %dma_wait3A_211 = tpu.memref_slice %arg17[%dma_wait3A_210] : memref<6656xi32, #tpu.memory_space<vmem>> -> memref<6656xi32, #tpu.memory_space<vmem>>
      tpu.wait_dma2 semaphore(%arg19 : memref<!tpu.dma_semaphore, #tpu.memory_space<semaphore_mem>>) src(%dma_wait3A_211 : memref<6656xi32, #tpu.memory_space<vmem>>) dst(%dma_wait3A_209 : memref<6656xi32, #tpu.memory_space<hbm>>)
      %dma_wait3A_212 = arith.constant 0 : i32
      %dma_wait3A_213 = tpu.memref_slice %arg18[%dma_wait3A_212] : memref<3328xf32, #tpu.memory_space<vmem>> -> memref<3328xf32, #tpu.memory_space<vmem>>
      %dma_wait3A_214 = arith.constant 17920 : i32
      %dma_wait3A_215 = tpu.memref_slice %arg9[%dma_wait3A_214] : memref<28672xf32, #tpu.memory_space<hbm>> -> memref<3328xf32, #tpu.memory_space<hbm>>
      %dma_wait3A_216 = arith.constant 17920 : i32
      %dma_wait3A_217 = tpu.memref_slice %arg9[%dma_wait3A_216] : memref<28672xf32, #tpu.memory_space<hbm>> -> memref<3328xf32, #tpu.memory_space<hbm>>
      %dma_wait3A_218 = arith.constant 0 : i32
      %dma_wait3A_219 = tpu.memref_slice %arg18[%dma_wait3A_218] : memref<3328xf32, #tpu.memory_space<vmem>> -> memref<3328xf32, #tpu.memory_space<vmem>>
      tpu.wait_dma2 semaphore(%arg19 : memref<!tpu.dma_semaphore, #tpu.memory_space<semaphore_mem>>) src(%dma_wait3A_219 : memref<3328xf32, #tpu.memory_space<vmem>>) dst(%dma_wait3A_217 : memref<3328xf32, #tpu.memory_space<hbm>>)
    } else {
    }
    %eq3A_73 = arith.constant 15 : i32
    %eq3A_74 = arith.cmpi eq, %add3A, %eq3A_73 : i32
    %convert_element_type3A_75 = arith.extui %eq3A_74 : i1 to i32
    %cond3A_76 = arith.constant 0 : i32
    %cond3A_77 = arith.cmpi ne, %convert_element_type3A_75, %cond3A_76 : i32
    scf.if %cond3A_77 {
      %dma_start3A = arith.constant 0 : i32
      %dma_start3A_158 = tpu.memref_slice %arg17[%dma_start3A] : memref<6656xi32, #tpu.memory_space<vmem>> -> memref<6656xi32, #tpu.memory_space<vmem>>
      %dma_start3A_159 = arith.constant 42496 : i32
      %dma_start3A_160 = tpu.memref_slice %arg4[%dma_start3A_159] : memref<106496xi32, #tpu.memory_space<hbm>> -> memref<6656xi32, #tpu.memory_space<hbm>>
      %dma_start3A_161 = arith.constant 0 : i32
      %dma_start3A_162 = tpu.memref_slice %arg17[%dma_start3A_161] : memref<6656xi32, #tpu.memory_space<vmem>> -> memref<6656xi32, #tpu.memory_space<vmem>>
      %dma_start3A_163 = arith.constant 42496 : i32
      %dma_start3A_164 = tpu.memref_slice %arg4[%dma_start3A_163] : memref<106496xi32, #tpu.memory_space<hbm>> -> memref<6656xi32, #tpu.memory_space<hbm>>
      tpu.enqueue_dma source(%dma_start3A_164 : memref<6656xi32, #tpu.memory_space<hbm>>) target(%dma_start3A_162 : memref<6656xi32, #tpu.memory_space<vmem>>) target_semaphore(%arg19 : memref<!tpu.dma_semaphore, #tpu.memory_space<semaphore_mem>>)
      %dma_start3A_165 = arith.constant 0 : i32
      %dma_start3A_166 = tpu.memref_slice %arg18[%dma_start3A_165] : memref<3328xf32, #tpu.memory_space<vmem>> -> memref<3328xf32, #tpu.memory_space<vmem>>
      %dma_start3A_167 = arith.constant 49920 : i32
      %dma_start3A_168 = tpu.memref_slice %arg3[%dma_start3A_167] : memref<106496xf32, #tpu.memory_space<hbm>> -> memref<3328xf32, #tpu.memory_space<hbm>>
      %dma_start3A_169 = arith.constant 0 : i32
      %dma_start3A_170 = tpu.memref_slice %arg18[%dma_start3A_169] : memref<3328xf32, #tpu.memory_space<vmem>> -> memref<3328xf32, #tpu.memory_space<vmem>>
      %dma_start3A_171 = arith.constant 49920 : i32
      %dma_start3A_172 = tpu.memref_slice %arg3[%dma_start3A_171] : memref<106496xf32, #tpu.memory_space<hbm>> -> memref<3328xf32, #tpu.memory_space<hbm>>
      tpu.enqueue_dma source(%dma_start3A_172 : memref<3328xf32, #tpu.memory_space<hbm>>) target(%dma_start3A_170 : memref<3328xf32, #tpu.memory_space<vmem>>) target_semaphore(%arg19 : memref<!tpu.dma_semaphore, #tpu.memory_space<semaphore_mem>>)
      %dma_wait3A = arith.constant 0 : i32
      %dma_wait3A_173 = tpu.memref_slice %arg17[%dma_wait3A] : memref<6656xi32, #tpu.memory_space<vmem>> -> memref<6656xi32, #tpu.memory_space<vmem>>
      %dma_wait3A_174 = arith.constant 42496 : i32
      %dma_wait3A_175 = tpu.memref_slice %arg4[%dma_wait3A_174] : memref<106496xi32, #tpu.memory_space<hbm>> -> memref<6656xi32, #tpu.memory_space<hbm>>
      %dma_wait3A_176 = arith.constant 0 : i32
      %dma_wait3A_177 = tpu.memref_slice %arg17[%dma_wait3A_176] : memref<6656xi32, #tpu.memory_space<vmem>> -> memref<6656xi32, #tpu.memory_space<vmem>>
      %dma_wait3A_178 = arith.constant 42496 : i32
      %dma_wait3A_179 = tpu.memref_slice %arg4[%dma_wait3A_178] : memref<106496xi32, #tpu.memory_space<hbm>> -> memref<6656xi32, #tpu.memory_space<hbm>>
      tpu.wait_dma2 semaphore(%arg19 : memref<!tpu.dma_semaphore, #tpu.memory_space<semaphore_mem>>) src(%dma_wait3A_179 : memref<6656xi32, #tpu.memory_space<hbm>>) dst(%dma_wait3A_177 : memref<6656xi32, #tpu.memory_space<vmem>>)
      %dma_wait3A_180 = arith.constant 0 : i32
      %dma_wait3A_181 = tpu.memref_slice %arg18[%dma_wait3A_180] : memref<3328xf32, #tpu.memory_space<vmem>> -> memref<3328xf32, #tpu.memory_space<vmem>>
      %dma_wait3A_182 = arith.constant 49920 : i32
      %dma_wait3A_183 = tpu.memref_slice %arg3[%dma_wait3A_182] : memref<106496xf32, #tpu.memory_space<hbm>> -> memref<3328xf32, #tpu.memory_space<hbm>>
      %dma_wait3A_184 = arith.constant 0 : i32
      %dma_wait3A_185 = tpu.memref_slice %arg18[%dma_wait3A_184] : memref<3328xf32, #tpu.memory_space<vmem>> -> memref<3328xf32, #tpu.memory_space<vmem>>
      %dma_wait3A_186 = arith.constant 49920 : i32
      %dma_wait3A_187 = tpu.memref_slice %arg3[%dma_wait3A_186] : memref<106496xf32, #tpu.memory_space<hbm>> -> memref<3328xf32, #tpu.memory_space<hbm>>
      tpu.wait_dma2 semaphore(%arg19 : memref<!tpu.dma_semaphore, #tpu.memory_space<semaphore_mem>>) src(%dma_wait3A_187 : memref<3328xf32, #tpu.memory_space<hbm>>) dst(%dma_wait3A_185 : memref<3328xf32, #tpu.memory_space<vmem>>)
      %dma_start3A_188 = arith.constant 0 : i32
      %dma_start3A_189 = tpu.memref_slice %arg17[%dma_start3A_188] : memref<6656xi32, #tpu.memory_space<vmem>> -> memref<6656xi32, #tpu.memory_space<vmem>>
      %dma_start3A_190 = arith.constant 13824 : i32
      %dma_start3A_191 = tpu.memref_slice %arg10[%dma_start3A_190] : memref<28672xi32, #tpu.memory_space<hbm>> -> memref<6656xi32, #tpu.memory_space<hbm>>
      %dma_start3A_192 = arith.constant 13824 : i32
      %dma_start3A_193 = tpu.memref_slice %arg10[%dma_start3A_192] : memref<28672xi32, #tpu.memory_space<hbm>> -> memref<6656xi32, #tpu.memory_space<hbm>>
      %dma_start3A_194 = arith.constant 0 : i32
      %dma_start3A_195 = tpu.memref_slice %arg17[%dma_start3A_194] : memref<6656xi32, #tpu.memory_space<vmem>> -> memref<6656xi32, #tpu.memory_space<vmem>>
      tpu.enqueue_dma source(%dma_start3A_195 : memref<6656xi32, #tpu.memory_space<vmem>>) target(%dma_start3A_193 : memref<6656xi32, #tpu.memory_space<hbm>>) target_semaphore(%arg19 : memref<!tpu.dma_semaphore, #tpu.memory_space<semaphore_mem>>)
      %dma_start3A_196 = arith.constant 0 : i32
      %dma_start3A_197 = tpu.memref_slice %arg18[%dma_start3A_196] : memref<3328xf32, #tpu.memory_space<vmem>> -> memref<3328xf32, #tpu.memory_space<vmem>>
      %dma_start3A_198 = arith.constant 21248 : i32
      %dma_start3A_199 = tpu.memref_slice %arg9[%dma_start3A_198] : memref<28672xf32, #tpu.memory_space<hbm>> -> memref<3328xf32, #tpu.memory_space<hbm>>
      %dma_start3A_200 = arith.constant 21248 : i32
      %dma_start3A_201 = tpu.memref_slice %arg9[%dma_start3A_200] : memref<28672xf32, #tpu.memory_space<hbm>> -> memref<3328xf32, #tpu.memory_space<hbm>>
      %dma_start3A_202 = arith.constant 0 : i32
      %dma_start3A_203 = tpu.memref_slice %arg18[%dma_start3A_202] : memref<3328xf32, #tpu.memory_space<vmem>> -> memref<3328xf32, #tpu.memory_space<vmem>>
      tpu.enqueue_dma source(%dma_start3A_203 : memref<3328xf32, #tpu.memory_space<vmem>>) target(%dma_start3A_201 : memref<3328xf32, #tpu.memory_space<hbm>>) target_semaphore(%arg19 : memref<!tpu.dma_semaphore, #tpu.memory_space<semaphore_mem>>)
      %dma_wait3A_204 = arith.constant 0 : i32
      %dma_wait3A_205 = tpu.memref_slice %arg17[%dma_wait3A_204] : memref<6656xi32, #tpu.memory_space<vmem>> -> memref<6656xi32, #tpu.memory_space<vmem>>
      %dma_wait3A_206 = arith.constant 13824 : i32
      %dma_wait3A_207 = tpu.memref_slice %arg10[%dma_wait3A_206] : memref<28672xi32, #tpu.memory_space<hbm>> -> memref<6656xi32, #tpu.memory_space<hbm>>
      %dma_wait3A_208 = arith.constant 13824 : i32
      %dma_wait3A_209 = tpu.memref_slice %arg10[%dma_wait3A_208] : memref<28672xi32, #tpu.memory_space<hbm>> -> memref<6656xi32, #tpu.memory_space<hbm>>
      %dma_wait3A_210 = arith.constant 0 : i32
      %dma_wait3A_211 = tpu.memref_slice %arg17[%dma_wait3A_210] : memref<6656xi32, #tpu.memory_space<vmem>> -> memref<6656xi32, #tpu.memory_space<vmem>>
      tpu.wait_dma2 semaphore(%arg19 : memref<!tpu.dma_semaphore, #tpu.memory_space<semaphore_mem>>) src(%dma_wait3A_211 : memref<6656xi32, #tpu.memory_space<vmem>>) dst(%dma_wait3A_209 : memref<6656xi32, #tpu.memory_space<hbm>>)
      %dma_wait3A_212 = arith.constant 0 : i32
      %dma_wait3A_213 = tpu.memref_slice %arg18[%dma_wait3A_212] : memref<3328xf32, #tpu.memory_space<vmem>> -> memref<3328xf32, #tpu.memory_space<vmem>>
      %dma_wait3A_214 = arith.constant 21248 : i32
      %dma_wait3A_215 = tpu.memref_slice %arg9[%dma_wait3A_214] : memref<28672xf32, #tpu.memory_space<hbm>> -> memref<3328xf32, #tpu.memory_space<hbm>>
      %dma_wait3A_216 = arith.constant 21248 : i32
      %dma_wait3A_217 = tpu.memref_slice %arg9[%dma_wait3A_216] : memref<28672xf32, #tpu.memory_space<hbm>> -> memref<3328xf32, #tpu.memory_space<hbm>>
      %dma_wait3A_218 = arith.constant 0 : i32
      %dma_wait3A_219 = tpu.memref_slice %arg18[%dma_wait3A_218] : memref<3328xf32, #tpu.memory_space<vmem>> -> memref<3328xf32, #tpu.memory_space<vmem>>
      tpu.wait_dma2 semaphore(%arg19 : memref<!tpu.dma_semaphore, #tpu.memory_space<semaphore_mem>>) src(%dma_wait3A_219 : memref<3328xf32, #tpu.memory_space<vmem>>) dst(%dma_wait3A_217 : memref<3328xf32, #tpu.memory_space<hbm>>)
    } else {
    }
    %eq3A_78 = arith.constant 16 : i32
    %eq3A_79 = arith.cmpi eq, %add3A, %eq3A_78 : i32
    %convert_element_type3A_80 = arith.extui %eq3A_79 : i1 to i32
    %cond3A_81 = arith.constant 0 : i32
    %cond3A_82 = arith.cmpi ne, %convert_element_type3A_80, %cond3A_81 : i32
    scf.if %cond3A_82 {
      %dma_start3A = arith.constant 0 : i32
      %dma_start3A_158 = tpu.memref_slice %arg17[%dma_start3A] : memref<6656xi32, #tpu.memory_space<vmem>> -> memref<6656xi32, #tpu.memory_space<vmem>>
      %dma_start3A_159 = arith.constant 49152 : i32
      %dma_start3A_160 = tpu.memref_slice %arg4[%dma_start3A_159] : memref<106496xi32, #tpu.memory_space<hbm>> -> memref<6656xi32, #tpu.memory_space<hbm>>
      %dma_start3A_161 = arith.constant 0 : i32
      %dma_start3A_162 = tpu.memref_slice %arg17[%dma_start3A_161] : memref<6656xi32, #tpu.memory_space<vmem>> -> memref<6656xi32, #tpu.memory_space<vmem>>
      %dma_start3A_163 = arith.constant 49152 : i32
      %dma_start3A_164 = tpu.memref_slice %arg4[%dma_start3A_163] : memref<106496xi32, #tpu.memory_space<hbm>> -> memref<6656xi32, #tpu.memory_space<hbm>>
      tpu.enqueue_dma source(%dma_start3A_164 : memref<6656xi32, #tpu.memory_space<hbm>>) target(%dma_start3A_162 : memref<6656xi32, #tpu.memory_space<vmem>>) target_semaphore(%arg19 : memref<!tpu.dma_semaphore, #tpu.memory_space<semaphore_mem>>)
      %dma_start3A_165 = arith.constant 0 : i32
      %dma_start3A_166 = tpu.memref_slice %arg18[%dma_start3A_165] : memref<3328xf32, #tpu.memory_space<vmem>> -> memref<3328xf32, #tpu.memory_space<vmem>>
      %dma_start3A_167 = arith.constant 53248 : i32
      %dma_start3A_168 = tpu.memref_slice %arg3[%dma_start3A_167] : memref<106496xf32, #tpu.memory_space<hbm>> -> memref<3328xf32, #tpu.memory_space<hbm>>
      %dma_start3A_169 = arith.constant 0 : i32
      %dma_start3A_170 = tpu.memref_slice %arg18[%dma_start3A_169] : memref<3328xf32, #tpu.memory_space<vmem>> -> memref<3328xf32, #tpu.memory_space<vmem>>
      %dma_start3A_171 = arith.constant 53248 : i32
      %dma_start3A_172 = tpu.memref_slice %arg3[%dma_start3A_171] : memref<106496xf32, #tpu.memory_space<hbm>> -> memref<3328xf32, #tpu.memory_space<hbm>>
      tpu.enqueue_dma source(%dma_start3A_172 : memref<3328xf32, #tpu.memory_space<hbm>>) target(%dma_start3A_170 : memref<3328xf32, #tpu.memory_space<vmem>>) target_semaphore(%arg19 : memref<!tpu.dma_semaphore, #tpu.memory_space<semaphore_mem>>)
      %dma_wait3A = arith.constant 0 : i32
      %dma_wait3A_173 = tpu.memref_slice %arg17[%dma_wait3A] : memref<6656xi32, #tpu.memory_space<vmem>> -> memref<6656xi32, #tpu.memory_space<vmem>>
      %dma_wait3A_174 = arith.constant 49152 : i32
      %dma_wait3A_175 = tpu.memref_slice %arg4[%dma_wait3A_174] : memref<106496xi32, #tpu.memory_space<hbm>> -> memref<6656xi32, #tpu.memory_space<hbm>>
      %dma_wait3A_176 = arith.constant 0 : i32
      %dma_wait3A_177 = tpu.memref_slice %arg17[%dma_wait3A_176] : memref<6656xi32, #tpu.memory_space<vmem>> -> memref<6656xi32, #tpu.memory_space<vmem>>
      %dma_wait3A_178 = arith.constant 49152 : i32
      %dma_wait3A_179 = tpu.memref_slice %arg4[%dma_wait3A_178] : memref<106496xi32, #tpu.memory_space<hbm>> -> memref<6656xi32, #tpu.memory_space<hbm>>
      tpu.wait_dma2 semaphore(%arg19 : memref<!tpu.dma_semaphore, #tpu.memory_space<semaphore_mem>>) src(%dma_wait3A_179 : memref<6656xi32, #tpu.memory_space<hbm>>) dst(%dma_wait3A_177 : memref<6656xi32, #tpu.memory_space<vmem>>)
      %dma_wait3A_180 = arith.constant 0 : i32
      %dma_wait3A_181 = tpu.memref_slice %arg18[%dma_wait3A_180] : memref<3328xf32, #tpu.memory_space<vmem>> -> memref<3328xf32, #tpu.memory_space<vmem>>
      %dma_wait3A_182 = arith.constant 53248 : i32
      %dma_wait3A_183 = tpu.memref_slice %arg3[%dma_wait3A_182] : memref<106496xf32, #tpu.memory_space<hbm>> -> memref<3328xf32, #tpu.memory_space<hbm>>
      %dma_wait3A_184 = arith.constant 0 : i32
      %dma_wait3A_185 = tpu.memref_slice %arg18[%dma_wait3A_184] : memref<3328xf32, #tpu.memory_space<vmem>> -> memref<3328xf32, #tpu.memory_space<vmem>>
      %dma_wait3A_186 = arith.constant 53248 : i32
      %dma_wait3A_187 = tpu.memref_slice %arg3[%dma_wait3A_186] : memref<106496xf32, #tpu.memory_space<hbm>> -> memref<3328xf32, #tpu.memory_space<hbm>>
      tpu.wait_dma2 semaphore(%arg19 : memref<!tpu.dma_semaphore, #tpu.memory_space<semaphore_mem>>) src(%dma_wait3A_187 : memref<3328xf32, #tpu.memory_space<hbm>>) dst(%dma_wait3A_185 : memref<3328xf32, #tpu.memory_space<vmem>>)
      %dma_start3A_188 = arith.constant 0 : i32
      %dma_start3A_189 = tpu.memref_slice %arg17[%dma_start3A_188] : memref<6656xi32, #tpu.memory_space<vmem>> -> memref<6656xi32, #tpu.memory_space<vmem>>
      %dma_start3A_190 = arith.constant 20480 : i32
      %dma_start3A_191 = tpu.memref_slice %arg10[%dma_start3A_190] : memref<28672xi32, #tpu.memory_space<hbm>> -> memref<6656xi32, #tpu.memory_space<hbm>>
      %dma_start3A_192 = arith.constant 20480 : i32
      %dma_start3A_193 = tpu.memref_slice %arg10[%dma_start3A_192] : memref<28672xi32, #tpu.memory_space<hbm>> -> memref<6656xi32, #tpu.memory_space<hbm>>
      %dma_start3A_194 = arith.constant 0 : i32
      %dma_start3A_195 = tpu.memref_slice %arg17[%dma_start3A_194] : memref<6656xi32, #tpu.memory_space<vmem>> -> memref<6656xi32, #tpu.memory_space<vmem>>
      tpu.enqueue_dma source(%dma_start3A_195 : memref<6656xi32, #tpu.memory_space<vmem>>) target(%dma_start3A_193 : memref<6656xi32, #tpu.memory_space<hbm>>) target_semaphore(%arg19 : memref<!tpu.dma_semaphore, #tpu.memory_space<semaphore_mem>>)
      %dma_start3A_196 = arith.constant 0 : i32
      %dma_start3A_197 = tpu.memref_slice %arg18[%dma_start3A_196] : memref<3328xf32, #tpu.memory_space<vmem>> -> memref<3328xf32, #tpu.memory_space<vmem>>
      %dma_start3A_198 = arith.constant 24576 : i32
      %dma_start3A_199 = tpu.memref_slice %arg9[%dma_start3A_198] : memref<28672xf32, #tpu.memory_space<hbm>> -> memref<3328xf32, #tpu.memory_space<hbm>>
      %dma_start3A_200 = arith.constant 24576 : i32
      %dma_start3A_201 = tpu.memref_slice %arg9[%dma_start3A_200] : memref<28672xf32, #tpu.memory_space<hbm>> -> memref<3328xf32, #tpu.memory_space<hbm>>
      %dma_start3A_202 = arith.constant 0 : i32
      %dma_start3A_203 = tpu.memref_slice %arg18[%dma_start3A_202] : memref<3328xf32, #tpu.memory_space<vmem>> -> memref<3328xf32, #tpu.memory_space<vmem>>
      tpu.enqueue_dma source(%dma_start3A_203 : memref<3328xf32, #tpu.memory_space<vmem>>) target(%dma_start3A_201 : memref<3328xf32, #tpu.memory_space<hbm>>) target_semaphore(%arg19 : memref<!tpu.dma_semaphore, #tpu.memory_space<semaphore_mem>>)
      %dma_wait3A_204 = arith.constant 0 : i32
      %dma_wait3A_205 = tpu.memref_slice %arg17[%dma_wait3A_204] : memref<6656xi32, #tpu.memory_space<vmem>> -> memref<6656xi32, #tpu.memory_space<vmem>>
      %dma_wait3A_206 = arith.constant 20480 : i32
      %dma_wait3A_207 = tpu.memref_slice %arg10[%dma_wait3A_206] : memref<28672xi32, #tpu.memory_space<hbm>> -> memref<6656xi32, #tpu.memory_space<hbm>>
      %dma_wait3A_208 = arith.constant 20480 : i32
      %dma_wait3A_209 = tpu.memref_slice %arg10[%dma_wait3A_208] : memref<28672xi32, #tpu.memory_space<hbm>> -> memref<6656xi32, #tpu.memory_space<hbm>>
      %dma_wait3A_210 = arith.constant 0 : i32
      %dma_wait3A_211 = tpu.memref_slice %arg17[%dma_wait3A_210] : memref<6656xi32, #tpu.memory_space<vmem>> -> memref<6656xi32, #tpu.memory_space<vmem>>
      tpu.wait_dma2 semaphore(%arg19 : memref<!tpu.dma_semaphore, #tpu.memory_space<semaphore_mem>>) src(%dma_wait3A_211 : memref<6656xi32, #tpu.memory_space<vmem>>) dst(%dma_wait3A_209 : memref<6656xi32, #tpu.memory_space<hbm>>)
      %dma_wait3A_212 = arith.constant 0 : i32
      %dma_wait3A_213 = tpu.memref_slice %arg18[%dma_wait3A_212] : memref<3328xf32, #tpu.memory_space<vmem>> -> memref<3328xf32, #tpu.memory_space<vmem>>
      %dma_wait3A_214 = arith.constant 24576 : i32
      %dma_wait3A_215 = tpu.memref_slice %arg9[%dma_wait3A_214] : memref<28672xf32, #tpu.memory_space<hbm>> -> memref<3328xf32, #tpu.memory_space<hbm>>
      %dma_wait3A_216 = arith.constant 24576 : i32
      %dma_wait3A_217 = tpu.memref_slice %arg9[%dma_wait3A_216] : memref<28672xf32, #tpu.memory_space<hbm>> -> memref<3328xf32, #tpu.memory_space<hbm>>
      %dma_wait3A_218 = arith.constant 0 : i32
      %dma_wait3A_219 = tpu.memref_slice %arg18[%dma_wait3A_218] : memref<3328xf32, #tpu.memory_space<vmem>> -> memref<3328xf32, #tpu.memory_space<vmem>>
      tpu.wait_dma2 semaphore(%arg19 : memref<!tpu.dma_semaphore, #tpu.memory_space<semaphore_mem>>) src(%dma_wait3A_219 : memref<3328xf32, #tpu.memory_space<vmem>>) dst(%dma_wait3A_217 : memref<3328xf32, #tpu.memory_space<hbm>>)
    } else {
    }
    %eq3A_83 = arith.constant 17 : i32
    %eq3A_84 = arith.cmpi eq, %add3A, %eq3A_83 : i32
    %convert_element_type3A_85 = arith.extui %eq3A_84 : i1 to i32
    %cond3A_86 = arith.constant 0 : i32
    %cond3A_87 = arith.cmpi ne, %convert_element_type3A_85, %cond3A_86 : i32
    scf.if %cond3A_87 {
      %dma_start3A = arith.constant 0 : i32
      %dma_start3A_158 = tpu.memref_slice %arg17[%dma_start3A] : memref<6656xi32, #tpu.memory_space<vmem>> -> memref<1536xi32, #tpu.memory_space<vmem>>
      %dma_start3A_159 = arith.constant 55808 : i32
      %dma_start3A_160 = tpu.memref_slice %arg4[%dma_start3A_159] : memref<106496xi32, #tpu.memory_space<hbm>> -> memref<1536xi32, #tpu.memory_space<hbm>>
      %dma_start3A_161 = arith.constant 0 : i32
      %dma_start3A_162 = tpu.memref_slice %arg17[%dma_start3A_161] : memref<6656xi32, #tpu.memory_space<vmem>> -> memref<1536xi32, #tpu.memory_space<vmem>>
      %dma_start3A_163 = arith.constant 55808 : i32
      %dma_start3A_164 = tpu.memref_slice %arg4[%dma_start3A_163] : memref<106496xi32, #tpu.memory_space<hbm>> -> memref<1536xi32, #tpu.memory_space<hbm>>
      tpu.enqueue_dma source(%dma_start3A_164 : memref<1536xi32, #tpu.memory_space<hbm>>) target(%dma_start3A_162 : memref<1536xi32, #tpu.memory_space<vmem>>) target_semaphore(%arg19 : memref<!tpu.dma_semaphore, #tpu.memory_space<semaphore_mem>>)
      %dma_start3A_165 = arith.constant 1536 : i32
      %dma_start3A_166 = tpu.memref_slice %arg17[%dma_start3A_165] : memref<6656xi32, #tpu.memory_space<vmem>> -> memref<5120xi32, #tpu.memory_space<vmem>>
      %dma_start3A_167 = arith.constant 57344 : i32
      %dma_start3A_168 = tpu.memref_slice %arg2[%dma_start3A_167] : memref<106496xi32, #tpu.memory_space<hbm>> -> memref<5120xi32, #tpu.memory_space<hbm>>
      %dma_start3A_169 = arith.constant 1536 : i32
      %dma_start3A_170 = tpu.memref_slice %arg17[%dma_start3A_169] : memref<6656xi32, #tpu.memory_space<vmem>> -> memref<5120xi32, #tpu.memory_space<vmem>>
      %dma_start3A_171 = arith.constant 57344 : i32
      %dma_start3A_172 = tpu.memref_slice %arg2[%dma_start3A_171] : memref<106496xi32, #tpu.memory_space<hbm>> -> memref<5120xi32, #tpu.memory_space<hbm>>
      tpu.enqueue_dma source(%dma_start3A_172 : memref<5120xi32, #tpu.memory_space<hbm>>) target(%dma_start3A_170 : memref<5120xi32, #tpu.memory_space<vmem>>) target_semaphore(%arg19 : memref<!tpu.dma_semaphore, #tpu.memory_space<semaphore_mem>>)
      %dma_start3A_173 = arith.constant 0 : i32
      %dma_start3A_174 = tpu.memref_slice %arg18[%dma_start3A_173] : memref<3328xf32, #tpu.memory_space<vmem>> -> memref<768xf32, #tpu.memory_space<vmem>>
      %dma_start3A_175 = arith.constant 56576 : i32
      %dma_start3A_176 = tpu.memref_slice %arg3[%dma_start3A_175] : memref<106496xf32, #tpu.memory_space<hbm>> -> memref<768xf32, #tpu.memory_space<hbm>>
      %dma_start3A_177 = arith.constant 0 : i32
      %dma_start3A_178 = tpu.memref_slice %arg18[%dma_start3A_177] : memref<3328xf32, #tpu.memory_space<vmem>> -> memref<768xf32, #tpu.memory_space<vmem>>
      %dma_start3A_179 = arith.constant 56576 : i32
      %dma_start3A_180 = tpu.memref_slice %arg3[%dma_start3A_179] : memref<106496xf32, #tpu.memory_space<hbm>> -> memref<768xf32, #tpu.memory_space<hbm>>
      tpu.enqueue_dma source(%dma_start3A_180 : memref<768xf32, #tpu.memory_space<hbm>>) target(%dma_start3A_178 : memref<768xf32, #tpu.memory_space<vmem>>) target_semaphore(%arg19 : memref<!tpu.dma_semaphore, #tpu.memory_space<semaphore_mem>>)
      %dma_start3A_181 = arith.constant 768 : i32
      %dma_start3A_182 = tpu.memref_slice %arg18[%dma_start3A_181] : memref<3328xf32, #tpu.memory_space<vmem>> -> memref<2560xf32, #tpu.memory_space<vmem>>
      %dma_start3A_183 = arith.constant 57344 : i32
      %dma_start3A_184 = tpu.memref_slice %arg3[%dma_start3A_183] : memref<106496xf32, #tpu.memory_space<hbm>> -> memref<2560xf32, #tpu.memory_space<hbm>>
      %dma_start3A_185 = arith.constant 768 : i32
      %dma_start3A_186 = tpu.memref_slice %arg18[%dma_start3A_185] : memref<3328xf32, #tpu.memory_space<vmem>> -> memref<2560xf32, #tpu.memory_space<vmem>>
      %dma_start3A_187 = arith.constant 57344 : i32
      %dma_start3A_188 = tpu.memref_slice %arg3[%dma_start3A_187] : memref<106496xf32, #tpu.memory_space<hbm>> -> memref<2560xf32, #tpu.memory_space<hbm>>
      tpu.enqueue_dma source(%dma_start3A_188 : memref<2560xf32, #tpu.memory_space<hbm>>) target(%dma_start3A_186 : memref<2560xf32, #tpu.memory_space<vmem>>) target_semaphore(%arg19 : memref<!tpu.dma_semaphore, #tpu.memory_space<semaphore_mem>>)
      %dma_wait3A = arith.constant 0 : i32
      %dma_wait3A_189 = tpu.memref_slice %arg17[%dma_wait3A] : memref<6656xi32, #tpu.memory_space<vmem>> -> memref<1536xi32, #tpu.memory_space<vmem>>
      %dma_wait3A_190 = arith.constant 55808 : i32
      %dma_wait3A_191 = tpu.memref_slice %arg4[%dma_wait3A_190] : memref<106496xi32, #tpu.memory_space<hbm>> -> memref<1536xi32, #tpu.memory_space<hbm>>
      %dma_wait3A_192 = arith.constant 0 : i32
      %dma_wait3A_193 = tpu.memref_slice %arg17[%dma_wait3A_192] : memref<6656xi32, #tpu.memory_space<vmem>> -> memref<1536xi32, #tpu.memory_space<vmem>>
      %dma_wait3A_194 = arith.constant 55808 : i32
      %dma_wait3A_195 = tpu.memref_slice %arg4[%dma_wait3A_194] : memref<106496xi32, #tpu.memory_space<hbm>> -> memref<1536xi32, #tpu.memory_space<hbm>>
      tpu.wait_dma2 semaphore(%arg19 : memref<!tpu.dma_semaphore, #tpu.memory_space<semaphore_mem>>) src(%dma_wait3A_195 : memref<1536xi32, #tpu.memory_space<hbm>>) dst(%dma_wait3A_193 : memref<1536xi32, #tpu.memory_space<vmem>>)
      %dma_wait3A_196 = arith.constant 1536 : i32
      %dma_wait3A_197 = tpu.memref_slice %arg17[%dma_wait3A_196] : memref<6656xi32, #tpu.memory_space<vmem>> -> memref<5120xi32, #tpu.memory_space<vmem>>
      %dma_wait3A_198 = arith.constant 57344 : i32
      %dma_wait3A_199 = tpu.memref_slice %arg2[%dma_wait3A_198] : memref<106496xi32, #tpu.memory_space<hbm>> -> memref<5120xi32, #tpu.memory_space<hbm>>
      %dma_wait3A_200 = arith.constant 1536 : i32
      %dma_wait3A_201 = tpu.memref_slice %arg17[%dma_wait3A_200] : memref<6656xi32, #tpu.memory_space<vmem>> -> memref<5120xi32, #tpu.memory_space<vmem>>
      %dma_wait3A_202 = arith.constant 57344 : i32
      %dma_wait3A_203 = tpu.memref_slice %arg2[%dma_wait3A_202] : memref<106496xi32, #tpu.memory_space<hbm>> -> memref<5120xi32, #tpu.memory_space<hbm>>
      tpu.wait_dma2 semaphore(%arg19 : memref<!tpu.dma_semaphore, #tpu.memory_space<semaphore_mem>>) src(%dma_wait3A_203 : memref<5120xi32, #tpu.memory_space<hbm>>) dst(%dma_wait3A_201 : memref<5120xi32, #tpu.memory_space<vmem>>)
      %dma_wait3A_204 = arith.constant 0 : i32
      %dma_wait3A_205 = tpu.memref_slice %arg18[%dma_wait3A_204] : memref<3328xf32, #tpu.memory_space<vmem>> -> memref<768xf32, #tpu.memory_space<vmem>>
      %dma_wait3A_206 = arith.constant 56576 : i32
      %dma_wait3A_207 = tpu.memref_slice %arg3[%dma_wait3A_206] : memref<106496xf32, #tpu.memory_space<hbm>> -> memref<768xf32, #tpu.memory_space<hbm>>
      %dma_wait3A_208 = arith.constant 0 : i32
      %dma_wait3A_209 = tpu.memref_slice %arg18[%dma_wait3A_208] : memref<3328xf32, #tpu.memory_space<vmem>> -> memref<768xf32, #tpu.memory_space<vmem>>
      %dma_wait3A_210 = arith.constant 56576 : i32
      %dma_wait3A_211 = tpu.memref_slice %arg3[%dma_wait3A_210] : memref<106496xf32, #tpu.memory_space<hbm>> -> memref<768xf32, #tpu.memory_space<hbm>>
      tpu.wait_dma2 semaphore(%arg19 : memref<!tpu.dma_semaphore, #tpu.memory_space<semaphore_mem>>) src(%dma_wait3A_211 : memref<768xf32, #tpu.memory_space<hbm>>) dst(%dma_wait3A_209 : memref<768xf32, #tpu.memory_space<vmem>>)
      %dma_wait3A_212 = arith.constant 768 : i32
      %dma_wait3A_213 = tpu.memref_slice %arg18[%dma_wait3A_212] : memref<3328xf32, #tpu.memory_space<vmem>> -> memref<2560xf32, #tpu.memory_space<vmem>>
      %dma_wait3A_214 = arith.constant 57344 : i32
      %dma_wait3A_215 = tpu.memref_slice %arg3[%dma_wait3A_214] : memref<106496xf32, #tpu.memory_space<hbm>> -> memref<2560xf32, #tpu.memory_space<hbm>>
      %dma_wait3A_216 = arith.constant 768 : i32
      %dma_wait3A_217 = tpu.memref_slice %arg18[%dma_wait3A_216] : memref<3328xf32, #tpu.memory_space<vmem>> -> memref<2560xf32, #tpu.memory_space<vmem>>
      %dma_wait3A_218 = arith.constant 57344 : i32
      %dma_wait3A_219 = tpu.memref_slice %arg3[%dma_wait3A_218] : memref<106496xf32, #tpu.memory_space<hbm>> -> memref<2560xf32, #tpu.memory_space<hbm>>
      tpu.wait_dma2 semaphore(%arg19 : memref<!tpu.dma_semaphore, #tpu.memory_space<semaphore_mem>>) src(%dma_wait3A_219 : memref<2560xf32, #tpu.memory_space<hbm>>) dst(%dma_wait3A_217 : memref<2560xf32, #tpu.memory_space<vmem>>)
      %dma_start3A_220 = arith.constant 0 : i32
      %dma_start3A_221 = tpu.memref_slice %arg17[%dma_start3A_220] : memref<6656xi32, #tpu.memory_space<vmem>> -> memref<1536xi32, #tpu.memory_space<vmem>>
      %dma_start3A_222 = arith.constant 27136 : i32
      %dma_start3A_223 = tpu.memref_slice %arg10[%dma_start3A_222] : memref<28672xi32, #tpu.memory_space<hbm>> -> memref<1536xi32, #tpu.memory_space<hbm>>
      %dma_start3A_224 = arith.constant 27136 : i32
      %dma_start3A_225 = tpu.memref_slice %arg10[%dma_start3A_224] : memref<28672xi32, #tpu.memory_space<hbm>> -> memref<1536xi32, #tpu.memory_space<hbm>>
      %dma_start3A_226 = arith.constant 0 : i32
      %dma_start3A_227 = tpu.memref_slice %arg17[%dma_start3A_226] : memref<6656xi32, #tpu.memory_space<vmem>> -> memref<1536xi32, #tpu.memory_space<vmem>>
      tpu.enqueue_dma source(%dma_start3A_227 : memref<1536xi32, #tpu.memory_space<vmem>>) target(%dma_start3A_225 : memref<1536xi32, #tpu.memory_space<hbm>>) target_semaphore(%arg19 : memref<!tpu.dma_semaphore, #tpu.memory_space<semaphore_mem>>)
      %dma_start3A_228 = arith.constant 1536 : i32
      %dma_start3A_229 = tpu.memref_slice %arg17[%dma_start3A_228] : memref<6656xi32, #tpu.memory_space<vmem>> -> memref<5120xi32, #tpu.memory_space<vmem>>
      %dma_start3A_230 = arith.constant 0 : i32
      %dma_start3A_231 = tpu.memref_slice %arg11[%dma_start3A_230] : memref<24576xi32, #tpu.memory_space<hbm>> -> memref<5120xi32, #tpu.memory_space<hbm>>
      %dma_start3A_232 = arith.constant 0 : i32
      %dma_start3A_233 = tpu.memref_slice %arg11[%dma_start3A_232] : memref<24576xi32, #tpu.memory_space<hbm>> -> memref<5120xi32, #tpu.memory_space<hbm>>
      %dma_start3A_234 = arith.constant 1536 : i32
      %dma_start3A_235 = tpu.memref_slice %arg17[%dma_start3A_234] : memref<6656xi32, #tpu.memory_space<vmem>> -> memref<5120xi32, #tpu.memory_space<vmem>>
      tpu.enqueue_dma source(%dma_start3A_235 : memref<5120xi32, #tpu.memory_space<vmem>>) target(%dma_start3A_233 : memref<5120xi32, #tpu.memory_space<hbm>>) target_semaphore(%arg19 : memref<!tpu.dma_semaphore, #tpu.memory_space<semaphore_mem>>)
      %dma_start3A_236 = arith.constant 0 : i32
      %dma_start3A_237 = tpu.memref_slice %arg18[%dma_start3A_236] : memref<3328xf32, #tpu.memory_space<vmem>> -> memref<768xf32, #tpu.memory_space<vmem>>
      %dma_start3A_238 = arith.constant 27904 : i32
      %dma_start3A_239 = tpu.memref_slice %arg9[%dma_start3A_238] : memref<28672xf32, #tpu.memory_space<hbm>> -> memref<768xf32, #tpu.memory_space<hbm>>
      %dma_start3A_240 = arith.constant 27904 : i32
      %dma_start3A_241 = tpu.memref_slice %arg9[%dma_start3A_240] : memref<28672xf32, #tpu.memory_space<hbm>> -> memref<768xf32, #tpu.memory_space<hbm>>
      %dma_start3A_242 = arith.constant 0 : i32
      %dma_start3A_243 = tpu.memref_slice %arg18[%dma_start3A_242] : memref<3328xf32, #tpu.memory_space<vmem>> -> memref<768xf32, #tpu.memory_space<vmem>>
      tpu.enqueue_dma source(%dma_start3A_243 : memref<768xf32, #tpu.memory_space<vmem>>) target(%dma_start3A_241 : memref<768xf32, #tpu.memory_space<hbm>>) target_semaphore(%arg19 : memref<!tpu.dma_semaphore, #tpu.memory_space<semaphore_mem>>)
      %dma_start3A_244 = arith.constant 768 : i32
      %dma_start3A_245 = tpu.memref_slice %arg18[%dma_start3A_244] : memref<3328xf32, #tpu.memory_space<vmem>> -> memref<2560xf32, #tpu.memory_space<vmem>>
      %dma_start3A_246 = arith.constant 0 : i32
      %dma_start3A_247 = tpu.memref_slice %arg12[%dma_start3A_246] : memref<24576xf32, #tpu.memory_space<hbm>> -> memref<2560xf32, #tpu.memory_space<hbm>>
      %dma_start3A_248 = arith.constant 0 : i32
      %dma_start3A_249 = tpu.memref_slice %arg12[%dma_start3A_248] : memref<24576xf32, #tpu.memory_space<hbm>> -> memref<2560xf32, #tpu.memory_space<hbm>>
      %dma_start3A_250 = arith.constant 768 : i32
      %dma_start3A_251 = tpu.memref_slice %arg18[%dma_start3A_250] : memref<3328xf32, #tpu.memory_space<vmem>> -> memref<2560xf32, #tpu.memory_space<vmem>>
      tpu.enqueue_dma source(%dma_start3A_251 : memref<2560xf32, #tpu.memory_space<vmem>>) target(%dma_start3A_249 : memref<2560xf32, #tpu.memory_space<hbm>>) target_semaphore(%arg19 : memref<!tpu.dma_semaphore, #tpu.memory_space<semaphore_mem>>)
      %dma_wait3A_252 = arith.constant 0 : i32
      %dma_wait3A_253 = tpu.memref_slice %arg17[%dma_wait3A_252] : memref<6656xi32, #tpu.memory_space<vmem>> -> memref<1536xi32, #tpu.memory_space<vmem>>
      %dma_wait3A_254 = arith.constant 27136 : i32
      %dma_wait3A_255 = tpu.memref_slice %arg10[%dma_wait3A_254] : memref<28672xi32, #tpu.memory_space<hbm>> -> memref<1536xi32, #tpu.memory_space<hbm>>
      %dma_wait3A_256 = arith.constant 27136 : i32
      %dma_wait3A_257 = tpu.memref_slice %arg10[%dma_wait3A_256] : memref<28672xi32, #tpu.memory_space<hbm>> -> memref<1536xi32, #tpu.memory_space<hbm>>
      %dma_wait3A_258 = arith.constant 0 : i32
      %dma_wait3A_259 = tpu.memref_slice %arg17[%dma_wait3A_258] : memref<6656xi32, #tpu.memory_space<vmem>> -> memref<1536xi32, #tpu.memory_space<vmem>>
      tpu.wait_dma2 semaphore(%arg19 : memref<!tpu.dma_semaphore, #tpu.memory_space<semaphore_mem>>) src(%dma_wait3A_259 : memref<1536xi32, #tpu.memory_space<vmem>>) dst(%dma_wait3A_257 : memref<1536xi32, #tpu.memory_space<hbm>>)
      %dma_wait3A_260 = arith.constant 1536 : i32
      %dma_wait3A_261 = tpu.memref_slice %arg17[%dma_wait3A_260] : memref<6656xi32, #tpu.memory_space<vmem>> -> memref<5120xi32, #tpu.memory_space<vmem>>
      %dma_wait3A_262 = arith.constant 0 : i32
      %dma_wait3A_263 = tpu.memref_slice %arg11[%dma_wait3A_262] : memref<24576xi32, #tpu.memory_space<hbm>> -> memref<5120xi32, #tpu.memory_space<hbm>>
      %dma_wait3A_264 = arith.constant 0 : i32
      %dma_wait3A_265 = tpu.memref_slice %arg11[%dma_wait3A_264] : memref<24576xi32, #tpu.memory_space<hbm>> -> memref<5120xi32, #tpu.memory_space<hbm>>
      %dma_wait3A_266 = arith.constant 1536 : i32
      %dma_wait3A_267 = tpu.memref_slice %arg17[%dma_wait3A_266] : memref<6656xi32, #tpu.memory_space<vmem>> -> memref<5120xi32, #tpu.memory_space<vmem>>
      tpu.wait_dma2 semaphore(%arg19 : memref<!tpu.dma_semaphore, #tpu.memory_space<semaphore_mem>>) src(%dma_wait3A_267 : memref<5120xi32, #tpu.memory_space<vmem>>) dst(%dma_wait3A_265 : memref<5120xi32, #tpu.memory_space<hbm>>)
      %dma_wait3A_268 = arith.constant 0 : i32
      %dma_wait3A_269 = tpu.memref_slice %arg18[%dma_wait3A_268] : memref<3328xf32, #tpu.memory_space<vmem>> -> memref<768xf32, #tpu.memory_space<vmem>>
      %dma_wait3A_270 = arith.constant 27904 : i32
      %dma_wait3A_271 = tpu.memref_slice %arg9[%dma_wait3A_270] : memref<28672xf32, #tpu.memory_space<hbm>> -> memref<768xf32, #tpu.memory_space<hbm>>
      %dma_wait3A_272 = arith.constant 27904 : i32
      %dma_wait3A_273 = tpu.memref_slice %arg9[%dma_wait3A_272] : memref<28672xf32, #tpu.memory_space<hbm>> -> memref<768xf32, #tpu.memory_space<hbm>>
      %dma_wait3A_274 = arith.constant 0 : i32
      %dma_wait3A_275 = tpu.memref_slice %arg18[%dma_wait3A_274] : memref<3328xf32, #tpu.memory_space<vmem>> -> memref<768xf32, #tpu.memory_space<vmem>>
      tpu.wait_dma2 semaphore(%arg19 : memref<!tpu.dma_semaphore, #tpu.memory_space<semaphore_mem>>) src(%dma_wait3A_275 : memref<768xf32, #tpu.memory_space<vmem>>) dst(%dma_wait3A_273 : memref<768xf32, #tpu.memory_space<hbm>>)
      %dma_wait3A_276 = arith.constant 768 : i32
      %dma_wait3A_277 = tpu.memref_slice %arg18[%dma_wait3A_276] : memref<3328xf32, #tpu.memory_space<vmem>> -> memref<2560xf32, #tpu.memory_space<vmem>>
      %dma_wait3A_278 = arith.constant 0 : i32
      %dma_wait3A_279 = tpu.memref_slice %arg12[%dma_wait3A_278] : memref<24576xf32, #tpu.memory_space<hbm>> -> memref<2560xf32, #tpu.memory_space<hbm>>
      %dma_wait3A_280 = arith.constant 0 : i32
      %dma_wait3A_281 = tpu.memref_slice %arg12[%dma_wait3A_280] : memref<24576xf32, #tpu.memory_space<hbm>> -> memref<2560xf32, #tpu.memory_space<hbm>>
      %dma_wait3A_282 = arith.constant 768 : i32
      %dma_wait3A_283 = tpu.memref_slice %arg18[%dma_wait3A_282] : memref<3328xf32, #tpu.memory_space<vmem>> -> memref<2560xf32, #tpu.memory_space<vmem>>
      tpu.wait_dma2 semaphore(%arg19 : memref<!tpu.dma_semaphore, #tpu.memory_space<semaphore_mem>>) src(%dma_wait3A_283 : memref<2560xf32, #tpu.memory_space<vmem>>) dst(%dma_wait3A_281 : memref<2560xf32, #tpu.memory_space<hbm>>)
    } else {
    }
    %eq3A_88 = arith.constant 18 : i32
    %eq3A_89 = arith.cmpi eq, %add3A, %eq3A_88 : i32
    %convert_element_type3A_90 = arith.extui %eq3A_89 : i1 to i32
    %cond3A_91 = arith.constant 0 : i32
    %cond3A_92 = arith.cmpi ne, %convert_element_type3A_90, %cond3A_91 : i32
    scf.if %cond3A_92 {
      %dma_start3A = arith.constant 0 : i32
      %dma_start3A_158 = tpu.memref_slice %arg17[%dma_start3A] : memref<6656xi32, #tpu.memory_space<vmem>> -> memref<6656xi32, #tpu.memory_space<vmem>>
      %dma_start3A_159 = arith.constant 62464 : i32
      %dma_start3A_160 = tpu.memref_slice %arg2[%dma_start3A_159] : memref<106496xi32, #tpu.memory_space<hbm>> -> memref<6656xi32, #tpu.memory_space<hbm>>
      %dma_start3A_161 = arith.constant 0 : i32
      %dma_start3A_162 = tpu.memref_slice %arg17[%dma_start3A_161] : memref<6656xi32, #tpu.memory_space<vmem>> -> memref<6656xi32, #tpu.memory_space<vmem>>
      %dma_start3A_163 = arith.constant 62464 : i32
      %dma_start3A_164 = tpu.memref_slice %arg2[%dma_start3A_163] : memref<106496xi32, #tpu.memory_space<hbm>> -> memref<6656xi32, #tpu.memory_space<hbm>>
      tpu.enqueue_dma source(%dma_start3A_164 : memref<6656xi32, #tpu.memory_space<hbm>>) target(%dma_start3A_162 : memref<6656xi32, #tpu.memory_space<vmem>>) target_semaphore(%arg19 : memref<!tpu.dma_semaphore, #tpu.memory_space<semaphore_mem>>)
      %dma_start3A_165 = arith.constant 0 : i32
      %dma_start3A_166 = tpu.memref_slice %arg18[%dma_start3A_165] : memref<3328xf32, #tpu.memory_space<vmem>> -> memref<3328xf32, #tpu.memory_space<vmem>>
      %dma_start3A_167 = arith.constant 59904 : i32
      %dma_start3A_168 = tpu.memref_slice %arg3[%dma_start3A_167] : memref<106496xf32, #tpu.memory_space<hbm>> -> memref<3328xf32, #tpu.memory_space<hbm>>
      %dma_start3A_169 = arith.constant 0 : i32
      %dma_start3A_170 = tpu.memref_slice %arg18[%dma_start3A_169] : memref<3328xf32, #tpu.memory_space<vmem>> -> memref<3328xf32, #tpu.memory_space<vmem>>
      %dma_start3A_171 = arith.constant 59904 : i32
      %dma_start3A_172 = tpu.memref_slice %arg3[%dma_start3A_171] : memref<106496xf32, #tpu.memory_space<hbm>> -> memref<3328xf32, #tpu.memory_space<hbm>>
      tpu.enqueue_dma source(%dma_start3A_172 : memref<3328xf32, #tpu.memory_space<hbm>>) target(%dma_start3A_170 : memref<3328xf32, #tpu.memory_space<vmem>>) target_semaphore(%arg19 : memref<!tpu.dma_semaphore, #tpu.memory_space<semaphore_mem>>)
      %dma_wait3A = arith.constant 0 : i32
      %dma_wait3A_173 = tpu.memref_slice %arg17[%dma_wait3A] : memref<6656xi32, #tpu.memory_space<vmem>> -> memref<6656xi32, #tpu.memory_space<vmem>>
      %dma_wait3A_174 = arith.constant 62464 : i32
      %dma_wait3A_175 = tpu.memref_slice %arg2[%dma_wait3A_174] : memref<106496xi32, #tpu.memory_space<hbm>> -> memref<6656xi32, #tpu.memory_space<hbm>>
      %dma_wait3A_176 = arith.constant 0 : i32
      %dma_wait3A_177 = tpu.memref_slice %arg17[%dma_wait3A_176] : memref<6656xi32, #tpu.memory_space<vmem>> -> memref<6656xi32, #tpu.memory_space<vmem>>
      %dma_wait3A_178 = arith.constant 62464 : i32
      %dma_wait3A_179 = tpu.memref_slice %arg2[%dma_wait3A_178] : memref<106496xi32, #tpu.memory_space<hbm>> -> memref<6656xi32, #tpu.memory_space<hbm>>
      tpu.wait_dma2 semaphore(%arg19 : memref<!tpu.dma_semaphore, #tpu.memory_space<semaphore_mem>>) src(%dma_wait3A_179 : memref<6656xi32, #tpu.memory_space<hbm>>) dst(%dma_wait3A_177 : memref<6656xi32, #tpu.memory_space<vmem>>)
      %dma_wait3A_180 = arith.constant 0 : i32
      %dma_wait3A_181 = tpu.memref_slice %arg18[%dma_wait3A_180] : memref<3328xf32, #tpu.memory_space<vmem>> -> memref<3328xf32, #tpu.memory_space<vmem>>
      %dma_wait3A_182 = arith.constant 59904 : i32
      %dma_wait3A_183 = tpu.memref_slice %arg3[%dma_wait3A_182] : memref<106496xf32, #tpu.memory_space<hbm>> -> memref<3328xf32, #tpu.memory_space<hbm>>
      %dma_wait3A_184 = arith.constant 0 : i32
      %dma_wait3A_185 = tpu.memref_slice %arg18[%dma_wait3A_184] : memref<3328xf32, #tpu.memory_space<vmem>> -> memref<3328xf32, #tpu.memory_space<vmem>>
      %dma_wait3A_186 = arith.constant 59904 : i32
      %dma_wait3A_187 = tpu.memref_slice %arg3[%dma_wait3A_186] : memref<106496xf32, #tpu.memory_space<hbm>> -> memref<3328xf32, #tpu.memory_space<hbm>>
      tpu.wait_dma2 semaphore(%arg19 : memref<!tpu.dma_semaphore, #tpu.memory_space<semaphore_mem>>) src(%dma_wait3A_187 : memref<3328xf32, #tpu.memory_space<hbm>>) dst(%dma_wait3A_185 : memref<3328xf32, #tpu.memory_space<vmem>>)
      %dma_start3A_188 = arith.constant 0 : i32
      %dma_start3A_189 = tpu.memref_slice %arg17[%dma_start3A_188] : memref<6656xi32, #tpu.memory_space<vmem>> -> memref<6656xi32, #tpu.memory_space<vmem>>
      %dma_start3A_190 = arith.constant 5120 : i32
      %dma_start3A_191 = tpu.memref_slice %arg11[%dma_start3A_190] : memref<24576xi32, #tpu.memory_space<hbm>> -> memref<6656xi32, #tpu.memory_space<hbm>>
      %dma_start3A_192 = arith.constant 5120 : i32
      %dma_start3A_193 = tpu.memref_slice %arg11[%dma_start3A_192] : memref<24576xi32, #tpu.memory_space<hbm>> -> memref<6656xi32, #tpu.memory_space<hbm>>
      %dma_start3A_194 = arith.constant 0 : i32
      %dma_start3A_195 = tpu.memref_slice %arg17[%dma_start3A_194] : memref<6656xi32, #tpu.memory_space<vmem>> -> memref<6656xi32, #tpu.memory_space<vmem>>
      tpu.enqueue_dma source(%dma_start3A_195 : memref<6656xi32, #tpu.memory_space<vmem>>) target(%dma_start3A_193 : memref<6656xi32, #tpu.memory_space<hbm>>) target_semaphore(%arg19 : memref<!tpu.dma_semaphore, #tpu.memory_space<semaphore_mem>>)
      %dma_start3A_196 = arith.constant 0 : i32
      %dma_start3A_197 = tpu.memref_slice %arg18[%dma_start3A_196] : memref<3328xf32, #tpu.memory_space<vmem>> -> memref<3328xf32, #tpu.memory_space<vmem>>
      %dma_start3A_198 = arith.constant 2560 : i32
      %dma_start3A_199 = tpu.memref_slice %arg12[%dma_start3A_198] : memref<24576xf32, #tpu.memory_space<hbm>> -> memref<3328xf32, #tpu.memory_space<hbm>>
      %dma_start3A_200 = arith.constant 2560 : i32
      %dma_start3A_201 = tpu.memref_slice %arg12[%dma_start3A_200] : memref<24576xf32, #tpu.memory_space<hbm>> -> memref<3328xf32, #tpu.memory_space<hbm>>
      %dma_start3A_202 = arith.constant 0 : i32
      %dma_start3A_203 = tpu.memref_slice %arg18[%dma_start3A_202] : memref<3328xf32, #tpu.memory_space<vmem>> -> memref<3328xf32, #tpu.memory_space<vmem>>
      tpu.enqueue_dma source(%dma_start3A_203 : memref<3328xf32, #tpu.memory_space<vmem>>) target(%dma_start3A_201 : memref<3328xf32, #tpu.memory_space<hbm>>) target_semaphore(%arg19 : memref<!tpu.dma_semaphore, #tpu.memory_space<semaphore_mem>>)
      %dma_wait3A_204 = arith.constant 0 : i32
      %dma_wait3A_205 = tpu.memref_slice %arg17[%dma_wait3A_204] : memref<6656xi32, #tpu.memory_space<vmem>> -> memref<6656xi32, #tpu.memory_space<vmem>>
      %dma_wait3A_206 = arith.constant 5120 : i32
      %dma_wait3A_207 = tpu.memref_slice %arg11[%dma_wait3A_206] : memref<24576xi32, #tpu.memory_space<hbm>> -> memref<6656xi32, #tpu.memory_space<hbm>>
      %dma_wait3A_208 = arith.constant 5120 : i32
      %dma_wait3A_209 = tpu.memref_slice %arg11[%dma_wait3A_208] : memref<24576xi32, #tpu.memory_space<hbm>> -> memref<6656xi32, #tpu.memory_space<hbm>>
      %dma_wait3A_210 = arith.constant 0 : i32
      %dma_wait3A_211 = tpu.memref_slice %arg17[%dma_wait3A_210] : memref<6656xi32, #tpu.memory_space<vmem>> -> memref<6656xi32, #tpu.memory_space<vmem>>
      tpu.wait_dma2 semaphore(%arg19 : memref<!tpu.dma_semaphore, #tpu.memory_space<semaphore_mem>>) src(%dma_wait3A_211 : memref<6656xi32, #tpu.memory_space<vmem>>) dst(%dma_wait3A_209 : memref<6656xi32, #tpu.memory_space<hbm>>)
      %dma_wait3A_212 = arith.constant 0 : i32
      %dma_wait3A_213 = tpu.memref_slice %arg18[%dma_wait3A_212] : memref<3328xf32, #tpu.memory_space<vmem>> -> memref<3328xf32, #tpu.memory_space<vmem>>
      %dma_wait3A_214 = arith.constant 2560 : i32
      %dma_wait3A_215 = tpu.memref_slice %arg12[%dma_wait3A_214] : memref<24576xf32, #tpu.memory_space<hbm>> -> memref<3328xf32, #tpu.memory_space<hbm>>
      %dma_wait3A_216 = arith.constant 2560 : i32
      %dma_wait3A_217 = tpu.memref_slice %arg12[%dma_wait3A_216] : memref<24576xf32, #tpu.memory_space<hbm>> -> memref<3328xf32, #tpu.memory_space<hbm>>
      %dma_wait3A_218 = arith.constant 0 : i32
      %dma_wait3A_219 = tpu.memref_slice %arg18[%dma_wait3A_218] : memref<3328xf32, #tpu.memory_space<vmem>> -> memref<3328xf32, #tpu.memory_space<vmem>>
      tpu.wait_dma2 semaphore(%arg19 : memref<!tpu.dma_semaphore, #tpu.memory_space<semaphore_mem>>) src(%dma_wait3A_219 : memref<3328xf32, #tpu.memory_space<vmem>>) dst(%dma_wait3A_217 : memref<3328xf32, #tpu.memory_space<hbm>>)
    } else {
    }
    %eq3A_93 = arith.constant 19 : i32
    %eq3A_94 = arith.cmpi eq, %add3A, %eq3A_93 : i32
    %convert_element_type3A_95 = arith.extui %eq3A_94 : i1 to i32
    %cond3A_96 = arith.constant 0 : i32
    %cond3A_97 = arith.cmpi ne, %convert_element_type3A_95, %cond3A_96 : i32
    scf.if %cond3A_97 {
      %dma_start3A = arith.constant 0 : i32
      %dma_start3A_158 = tpu.memref_slice %arg17[%dma_start3A] : memref<6656xi32, #tpu.memory_space<vmem>> -> memref<6656xi32, #tpu.memory_space<vmem>>
      %dma_start3A_159 = arith.constant 69120 : i32
      %dma_start3A_160 = tpu.memref_slice %arg2[%dma_start3A_159] : memref<106496xi32, #tpu.memory_space<hbm>> -> memref<6656xi32, #tpu.memory_space<hbm>>
      %dma_start3A_161 = arith.constant 0 : i32
      %dma_start3A_162 = tpu.memref_slice %arg17[%dma_start3A_161] : memref<6656xi32, #tpu.memory_space<vmem>> -> memref<6656xi32, #tpu.memory_space<vmem>>
      %dma_start3A_163 = arith.constant 69120 : i32
      %dma_start3A_164 = tpu.memref_slice %arg2[%dma_start3A_163] : memref<106496xi32, #tpu.memory_space<hbm>> -> memref<6656xi32, #tpu.memory_space<hbm>>
      tpu.enqueue_dma source(%dma_start3A_164 : memref<6656xi32, #tpu.memory_space<hbm>>) target(%dma_start3A_162 : memref<6656xi32, #tpu.memory_space<vmem>>) target_semaphore(%arg19 : memref<!tpu.dma_semaphore, #tpu.memory_space<semaphore_mem>>)
      %dma_start3A_165 = arith.constant 0 : i32
      %dma_start3A_166 = tpu.memref_slice %arg18[%dma_start3A_165] : memref<3328xf32, #tpu.memory_space<vmem>> -> memref<3328xf32, #tpu.memory_space<vmem>>
      %dma_start3A_167 = arith.constant 63232 : i32
      %dma_start3A_168 = tpu.memref_slice %arg3[%dma_start3A_167] : memref<106496xf32, #tpu.memory_space<hbm>> -> memref<3328xf32, #tpu.memory_space<hbm>>
      %dma_start3A_169 = arith.constant 0 : i32
      %dma_start3A_170 = tpu.memref_slice %arg18[%dma_start3A_169] : memref<3328xf32, #tpu.memory_space<vmem>> -> memref<3328xf32, #tpu.memory_space<vmem>>
      %dma_start3A_171 = arith.constant 63232 : i32
      %dma_start3A_172 = tpu.memref_slice %arg3[%dma_start3A_171] : memref<106496xf32, #tpu.memory_space<hbm>> -> memref<3328xf32, #tpu.memory_space<hbm>>
      tpu.enqueue_dma source(%dma_start3A_172 : memref<3328xf32, #tpu.memory_space<hbm>>) target(%dma_start3A_170 : memref<3328xf32, #tpu.memory_space<vmem>>) target_semaphore(%arg19 : memref<!tpu.dma_semaphore, #tpu.memory_space<semaphore_mem>>)
      %dma_wait3A = arith.constant 0 : i32
      %dma_wait3A_173 = tpu.memref_slice %arg17[%dma_wait3A] : memref<6656xi32, #tpu.memory_space<vmem>> -> memref<6656xi32, #tpu.memory_space<vmem>>
      %dma_wait3A_174 = arith.constant 69120 : i32
      %dma_wait3A_175 = tpu.memref_slice %arg2[%dma_wait3A_174] : memref<106496xi32, #tpu.memory_space<hbm>> -> memref<6656xi32, #tpu.memory_space<hbm>>
      %dma_wait3A_176 = arith.constant 0 : i32
      %dma_wait3A_177 = tpu.memref_slice %arg17[%dma_wait3A_176] : memref<6656xi32, #tpu.memory_space<vmem>> -> memref<6656xi32, #tpu.memory_space<vmem>>
      %dma_wait3A_178 = arith.constant 69120 : i32
      %dma_wait3A_179 = tpu.memref_slice %arg2[%dma_wait3A_178] : memref<106496xi32, #tpu.memory_space<hbm>> -> memref<6656xi32, #tpu.memory_space<hbm>>
      tpu.wait_dma2 semaphore(%arg19 : memref<!tpu.dma_semaphore, #tpu.memory_space<semaphore_mem>>) src(%dma_wait3A_179 : memref<6656xi32, #tpu.memory_space<hbm>>) dst(%dma_wait3A_177 : memref<6656xi32, #tpu.memory_space<vmem>>)
      %dma_wait3A_180 = arith.constant 0 : i32
      %dma_wait3A_181 = tpu.memref_slice %arg18[%dma_wait3A_180] : memref<3328xf32, #tpu.memory_space<vmem>> -> memref<3328xf32, #tpu.memory_space<vmem>>
      %dma_wait3A_182 = arith.constant 63232 : i32
      %dma_wait3A_183 = tpu.memref_slice %arg3[%dma_wait3A_182] : memref<106496xf32, #tpu.memory_space<hbm>> -> memref<3328xf32, #tpu.memory_space<hbm>>
      %dma_wait3A_184 = arith.constant 0 : i32
      %dma_wait3A_185 = tpu.memref_slice %arg18[%dma_wait3A_184] : memref<3328xf32, #tpu.memory_space<vmem>> -> memref<3328xf32, #tpu.memory_space<vmem>>
      %dma_wait3A_186 = arith.constant 63232 : i32
      %dma_wait3A_187 = tpu.memref_slice %arg3[%dma_wait3A_186] : memref<106496xf32, #tpu.memory_space<hbm>> -> memref<3328xf32, #tpu.memory_space<hbm>>
      tpu.wait_dma2 semaphore(%arg19 : memref<!tpu.dma_semaphore, #tpu.memory_space<semaphore_mem>>) src(%dma_wait3A_187 : memref<3328xf32, #tpu.memory_space<hbm>>) dst(%dma_wait3A_185 : memref<3328xf32, #tpu.memory_space<vmem>>)
      %dma_start3A_188 = arith.constant 0 : i32
      %dma_start3A_189 = tpu.memref_slice %arg17[%dma_start3A_188] : memref<6656xi32, #tpu.memory_space<vmem>> -> memref<6656xi32, #tpu.memory_space<vmem>>
      %dma_start3A_190 = arith.constant 11776 : i32
      %dma_start3A_191 = tpu.memref_slice %arg11[%dma_start3A_190] : memref<24576xi32, #tpu.memory_space<hbm>> -> memref<6656xi32, #tpu.memory_space<hbm>>
      %dma_start3A_192 = arith.constant 11776 : i32
      %dma_start3A_193 = tpu.memref_slice %arg11[%dma_start3A_192] : memref<24576xi32, #tpu.memory_space<hbm>> -> memref<6656xi32, #tpu.memory_space<hbm>>
      %dma_start3A_194 = arith.constant 0 : i32
      %dma_start3A_195 = tpu.memref_slice %arg17[%dma_start3A_194] : memref<6656xi32, #tpu.memory_space<vmem>> -> memref<6656xi32, #tpu.memory_space<vmem>>
      tpu.enqueue_dma source(%dma_start3A_195 : memref<6656xi32, #tpu.memory_space<vmem>>) target(%dma_start3A_193 : memref<6656xi32, #tpu.memory_space<hbm>>) target_semaphore(%arg19 : memref<!tpu.dma_semaphore, #tpu.memory_space<semaphore_mem>>)
      %dma_start3A_196 = arith.constant 0 : i32
      %dma_start3A_197 = tpu.memref_slice %arg18[%dma_start3A_196] : memref<3328xf32, #tpu.memory_space<vmem>> -> memref<3328xf32, #tpu.memory_space<vmem>>
      %dma_start3A_198 = arith.constant 5888 : i32
      %dma_start3A_199 = tpu.memref_slice %arg12[%dma_start3A_198] : memref<24576xf32, #tpu.memory_space<hbm>> -> memref<3328xf32, #tpu.memory_space<hbm>>
      %dma_start3A_200 = arith.constant 5888 : i32
      %dma_start3A_201 = tpu.memref_slice %arg12[%dma_start3A_200] : memref<24576xf32, #tpu.memory_space<hbm>> -> memref<3328xf32, #tpu.memory_space<hbm>>
      %dma_start3A_202 = arith.constant 0 : i32
      %dma_start3A_203 = tpu.memref_slice %arg18[%dma_start3A_202] : memref<3328xf32, #tpu.memory_space<vmem>> -> memref<3328xf32, #tpu.memory_space<vmem>>
      tpu.enqueue_dma source(%dma_start3A_203 : memref<3328xf32, #tpu.memory_space<vmem>>) target(%dma_start3A_201 : memref<3328xf32, #tpu.memory_space<hbm>>) target_semaphore(%arg19 : memref<!tpu.dma_semaphore, #tpu.memory_space<semaphore_mem>>)
      %dma_wait3A_204 = arith.constant 0 : i32
      %dma_wait3A_205 = tpu.memref_slice %arg17[%dma_wait3A_204] : memref<6656xi32, #tpu.memory_space<vmem>> -> memref<6656xi32, #tpu.memory_space<vmem>>
      %dma_wait3A_206 = arith.constant 11776 : i32
      %dma_wait3A_207 = tpu.memref_slice %arg11[%dma_wait3A_206] : memref<24576xi32, #tpu.memory_space<hbm>> -> memref<6656xi32, #tpu.memory_space<hbm>>
      %dma_wait3A_208 = arith.constant 11776 : i32
      %dma_wait3A_209 = tpu.memref_slice %arg11[%dma_wait3A_208] : memref<24576xi32, #tpu.memory_space<hbm>> -> memref<6656xi32, #tpu.memory_space<hbm>>
      %dma_wait3A_210 = arith.constant 0 : i32
      %dma_wait3A_211 = tpu.memref_slice %arg17[%dma_wait3A_210] : memref<6656xi32, #tpu.memory_space<vmem>> -> memref<6656xi32, #tpu.memory_space<vmem>>
      tpu.wait_dma2 semaphore(%arg19 : memref<!tpu.dma_semaphore, #tpu.memory_space<semaphore_mem>>) src(%dma_wait3A_211 : memref<6656xi32, #tpu.memory_space<vmem>>) dst(%dma_wait3A_209 : memref<6656xi32, #tpu.memory_space<hbm>>)
      %dma_wait3A_212 = arith.constant 0 : i32
      %dma_wait3A_213 = tpu.memref_slice %arg18[%dma_wait3A_212] : memref<3328xf32, #tpu.memory_space<vmem>> -> memref<3328xf32, #tpu.memory_space<vmem>>
      %dma_wait3A_214 = arith.constant 5888 : i32
      %dma_wait3A_215 = tpu.memref_slice %arg12[%dma_wait3A_214] : memref<24576xf32, #tpu.memory_space<hbm>> -> memref<3328xf32, #tpu.memory_space<hbm>>
      %dma_wait3A_216 = arith.constant 5888 : i32
      %dma_wait3A_217 = tpu.memref_slice %arg12[%dma_wait3A_216] : memref<24576xf32, #tpu.memory_space<hbm>> -> memref<3328xf32, #tpu.memory_space<hbm>>
      %dma_wait3A_218 = arith.constant 0 : i32
      %dma_wait3A_219 = tpu.memref_slice %arg18[%dma_wait3A_218] : memref<3328xf32, #tpu.memory_space<vmem>> -> memref<3328xf32, #tpu.memory_space<vmem>>
      tpu.wait_dma2 semaphore(%arg19 : memref<!tpu.dma_semaphore, #tpu.memory_space<semaphore_mem>>) src(%dma_wait3A_219 : memref<3328xf32, #tpu.memory_space<vmem>>) dst(%dma_wait3A_217 : memref<3328xf32, #tpu.memory_space<hbm>>)
    } else {
    }
    %eq3A_98 = arith.constant 20 : i32
    %eq3A_99 = arith.cmpi eq, %add3A, %eq3A_98 : i32
    %convert_element_type3A_100 = arith.extui %eq3A_99 : i1 to i32
    %cond3A_101 = arith.constant 0 : i32
    %cond3A_102 = arith.cmpi ne, %convert_element_type3A_100, %cond3A_101 : i32
    scf.if %cond3A_102 {
      %dma_start3A = arith.constant 0 : i32
      %dma_start3A_158 = tpu.memref_slice %arg17[%dma_start3A] : memref<6656xi32, #tpu.memory_space<vmem>> -> memref<6144xi32, #tpu.memory_space<vmem>>
      %dma_start3A_159 = arith.constant 75776 : i32
      %dma_start3A_160 = tpu.memref_slice %arg2[%dma_start3A_159] : memref<106496xi32, #tpu.memory_space<hbm>> -> memref<6144xi32, #tpu.memory_space<hbm>>
      %dma_start3A_161 = arith.constant 0 : i32
      %dma_start3A_162 = tpu.memref_slice %arg17[%dma_start3A_161] : memref<6656xi32, #tpu.memory_space<vmem>> -> memref<6144xi32, #tpu.memory_space<vmem>>
      %dma_start3A_163 = arith.constant 75776 : i32
      %dma_start3A_164 = tpu.memref_slice %arg2[%dma_start3A_163] : memref<106496xi32, #tpu.memory_space<hbm>> -> memref<6144xi32, #tpu.memory_space<hbm>>
      tpu.enqueue_dma source(%dma_start3A_164 : memref<6144xi32, #tpu.memory_space<hbm>>) target(%dma_start3A_162 : memref<6144xi32, #tpu.memory_space<vmem>>) target_semaphore(%arg19 : memref<!tpu.dma_semaphore, #tpu.memory_space<semaphore_mem>>)
      %dma_start3A_165 = arith.constant 6144 : i32
      %dma_start3A_166 = tpu.memref_slice %arg17[%dma_start3A_165] : memref<6656xi32, #tpu.memory_space<vmem>> -> memref<512xi32, #tpu.memory_space<vmem>>
      %dma_start3A_167 = arith.constant 57344 : i32
      %dma_start3A_168 = tpu.memref_slice %arg4[%dma_start3A_167] : memref<106496xi32, #tpu.memory_space<hbm>> -> memref<512xi32, #tpu.memory_space<hbm>>
      %dma_start3A_169 = arith.constant 6144 : i32
      %dma_start3A_170 = tpu.memref_slice %arg17[%dma_start3A_169] : memref<6656xi32, #tpu.memory_space<vmem>> -> memref<512xi32, #tpu.memory_space<vmem>>
      %dma_start3A_171 = arith.constant 57344 : i32
      %dma_start3A_172 = tpu.memref_slice %arg4[%dma_start3A_171] : memref<106496xi32, #tpu.memory_space<hbm>> -> memref<512xi32, #tpu.memory_space<hbm>>
      tpu.enqueue_dma source(%dma_start3A_172 : memref<512xi32, #tpu.memory_space<hbm>>) target(%dma_start3A_170 : memref<512xi32, #tpu.memory_space<vmem>>) target_semaphore(%arg19 : memref<!tpu.dma_semaphore, #tpu.memory_space<semaphore_mem>>)
      %dma_start3A_173 = arith.constant 0 : i32
      %dma_start3A_174 = tpu.memref_slice %arg18[%dma_start3A_173] : memref<3328xf32, #tpu.memory_space<vmem>> -> memref<3328xf32, #tpu.memory_space<vmem>>
      %dma_start3A_175 = arith.constant 66560 : i32
      %dma_start3A_176 = tpu.memref_slice %arg3[%dma_start3A_175] : memref<106496xf32, #tpu.memory_space<hbm>> -> memref<3328xf32, #tpu.memory_space<hbm>>
      %dma_start3A_177 = arith.constant 0 : i32
      %dma_start3A_178 = tpu.memref_slice %arg18[%dma_start3A_177] : memref<3328xf32, #tpu.memory_space<vmem>> -> memref<3328xf32, #tpu.memory_space<vmem>>
      %dma_start3A_179 = arith.constant 66560 : i32
      %dma_start3A_180 = tpu.memref_slice %arg3[%dma_start3A_179] : memref<106496xf32, #tpu.memory_space<hbm>> -> memref<3328xf32, #tpu.memory_space<hbm>>
      tpu.enqueue_dma source(%dma_start3A_180 : memref<3328xf32, #tpu.memory_space<hbm>>) target(%dma_start3A_178 : memref<3328xf32, #tpu.memory_space<vmem>>) target_semaphore(%arg19 : memref<!tpu.dma_semaphore, #tpu.memory_space<semaphore_mem>>)
      %dma_wait3A = arith.constant 0 : i32
      %dma_wait3A_181 = tpu.memref_slice %arg17[%dma_wait3A] : memref<6656xi32, #tpu.memory_space<vmem>> -> memref<6144xi32, #tpu.memory_space<vmem>>
      %dma_wait3A_182 = arith.constant 75776 : i32
      %dma_wait3A_183 = tpu.memref_slice %arg2[%dma_wait3A_182] : memref<106496xi32, #tpu.memory_space<hbm>> -> memref<6144xi32, #tpu.memory_space<hbm>>
      %dma_wait3A_184 = arith.constant 0 : i32
      %dma_wait3A_185 = tpu.memref_slice %arg17[%dma_wait3A_184] : memref<6656xi32, #tpu.memory_space<vmem>> -> memref<6144xi32, #tpu.memory_space<vmem>>
      %dma_wait3A_186 = arith.constant 75776 : i32
      %dma_wait3A_187 = tpu.memref_slice %arg2[%dma_wait3A_186] : memref<106496xi32, #tpu.memory_space<hbm>> -> memref<6144xi32, #tpu.memory_space<hbm>>
      tpu.wait_dma2 semaphore(%arg19 : memref<!tpu.dma_semaphore, #tpu.memory_space<semaphore_mem>>) src(%dma_wait3A_187 : memref<6144xi32, #tpu.memory_space<hbm>>) dst(%dma_wait3A_185 : memref<6144xi32, #tpu.memory_space<vmem>>)
      %dma_wait3A_188 = arith.constant 6144 : i32
      %dma_wait3A_189 = tpu.memref_slice %arg17[%dma_wait3A_188] : memref<6656xi32, #tpu.memory_space<vmem>> -> memref<512xi32, #tpu.memory_space<vmem>>
      %dma_wait3A_190 = arith.constant 57344 : i32
      %dma_wait3A_191 = tpu.memref_slice %arg4[%dma_wait3A_190] : memref<106496xi32, #tpu.memory_space<hbm>> -> memref<512xi32, #tpu.memory_space<hbm>>
      %dma_wait3A_192 = arith.constant 6144 : i32
      %dma_wait3A_193 = tpu.memref_slice %arg17[%dma_wait3A_192] : memref<6656xi32, #tpu.memory_space<vmem>> -> memref<512xi32, #tpu.memory_space<vmem>>
      %dma_wait3A_194 = arith.constant 57344 : i32
      %dma_wait3A_195 = tpu.memref_slice %arg4[%dma_wait3A_194] : memref<106496xi32, #tpu.memory_space<hbm>> -> memref<512xi32, #tpu.memory_space<hbm>>
      tpu.wait_dma2 semaphore(%arg19 : memref<!tpu.dma_semaphore, #tpu.memory_space<semaphore_mem>>) src(%dma_wait3A_195 : memref<512xi32, #tpu.memory_space<hbm>>) dst(%dma_wait3A_193 : memref<512xi32, #tpu.memory_space<vmem>>)
      %dma_wait3A_196 = arith.constant 0 : i32
      %dma_wait3A_197 = tpu.memref_slice %arg18[%dma_wait3A_196] : memref<3328xf32, #tpu.memory_space<vmem>> -> memref<3328xf32, #tpu.memory_space<vmem>>
      %dma_wait3A_198 = arith.constant 66560 : i32
      %dma_wait3A_199 = tpu.memref_slice %arg3[%dma_wait3A_198] : memref<106496xf32, #tpu.memory_space<hbm>> -> memref<3328xf32, #tpu.memory_space<hbm>>
      %dma_wait3A_200 = arith.constant 0 : i32
      %dma_wait3A_201 = tpu.memref_slice %arg18[%dma_wait3A_200] : memref<3328xf32, #tpu.memory_space<vmem>> -> memref<3328xf32, #tpu.memory_space<vmem>>
      %dma_wait3A_202 = arith.constant 66560 : i32
      %dma_wait3A_203 = tpu.memref_slice %arg3[%dma_wait3A_202] : memref<106496xf32, #tpu.memory_space<hbm>> -> memref<3328xf32, #tpu.memory_space<hbm>>
      tpu.wait_dma2 semaphore(%arg19 : memref<!tpu.dma_semaphore, #tpu.memory_space<semaphore_mem>>) src(%dma_wait3A_203 : memref<3328xf32, #tpu.memory_space<hbm>>) dst(%dma_wait3A_201 : memref<3328xf32, #tpu.memory_space<vmem>>)
      %dma_start3A_204 = arith.constant 0 : i32
      %dma_start3A_205 = tpu.memref_slice %arg17[%dma_start3A_204] : memref<6656xi32, #tpu.memory_space<vmem>> -> memref<6144xi32, #tpu.memory_space<vmem>>
      %dma_start3A_206 = arith.constant 18432 : i32
      %dma_start3A_207 = tpu.memref_slice %arg11[%dma_start3A_206] : memref<24576xi32, #tpu.memory_space<hbm>> -> memref<6144xi32, #tpu.memory_space<hbm>>
      %dma_start3A_208 = arith.constant 18432 : i32
      %dma_start3A_209 = tpu.memref_slice %arg11[%dma_start3A_208] : memref<24576xi32, #tpu.memory_space<hbm>> -> memref<6144xi32, #tpu.memory_space<hbm>>
      %dma_start3A_210 = arith.constant 0 : i32
      %dma_start3A_211 = tpu.memref_slice %arg17[%dma_start3A_210] : memref<6656xi32, #tpu.memory_space<vmem>> -> memref<6144xi32, #tpu.memory_space<vmem>>
      tpu.enqueue_dma source(%dma_start3A_211 : memref<6144xi32, #tpu.memory_space<vmem>>) target(%dma_start3A_209 : memref<6144xi32, #tpu.memory_space<hbm>>) target_semaphore(%arg19 : memref<!tpu.dma_semaphore, #tpu.memory_space<semaphore_mem>>)
      %dma_start3A_212 = arith.constant 6144 : i32
      %dma_start3A_213 = tpu.memref_slice %arg17[%dma_start3A_212] : memref<6656xi32, #tpu.memory_space<vmem>> -> memref<512xi32, #tpu.memory_space<vmem>>
      %dma_start3A_214 = arith.constant 0 : i32
      %dma_start3A_215 = tpu.memref_slice %arg13[%dma_start3A_214] : memref<24576xi32, #tpu.memory_space<hbm>> -> memref<512xi32, #tpu.memory_space<hbm>>
      %dma_start3A_216 = arith.constant 0 : i32
      %dma_start3A_217 = tpu.memref_slice %arg13[%dma_start3A_216] : memref<24576xi32, #tpu.memory_space<hbm>> -> memref<512xi32, #tpu.memory_space<hbm>>
      %dma_start3A_218 = arith.constant 6144 : i32
      %dma_start3A_219 = tpu.memref_slice %arg17[%dma_start3A_218] : memref<6656xi32, #tpu.memory_space<vmem>> -> memref<512xi32, #tpu.memory_space<vmem>>
      tpu.enqueue_dma source(%dma_start3A_219 : memref<512xi32, #tpu.memory_space<vmem>>) target(%dma_start3A_217 : memref<512xi32, #tpu.memory_space<hbm>>) target_semaphore(%arg19 : memref<!tpu.dma_semaphore, #tpu.memory_space<semaphore_mem>>)
      %dma_start3A_220 = arith.constant 0 : i32
      %dma_start3A_221 = tpu.memref_slice %arg18[%dma_start3A_220] : memref<3328xf32, #tpu.memory_space<vmem>> -> memref<3328xf32, #tpu.memory_space<vmem>>
      %dma_start3A_222 = arith.constant 9216 : i32
      %dma_start3A_223 = tpu.memref_slice %arg12[%dma_start3A_222] : memref<24576xf32, #tpu.memory_space<hbm>> -> memref<3328xf32, #tpu.memory_space<hbm>>
      %dma_start3A_224 = arith.constant 9216 : i32
      %dma_start3A_225 = tpu.memref_slice %arg12[%dma_start3A_224] : memref<24576xf32, #tpu.memory_space<hbm>> -> memref<3328xf32, #tpu.memory_space<hbm>>
      %dma_start3A_226 = arith.constant 0 : i32
      %dma_start3A_227 = tpu.memref_slice %arg18[%dma_start3A_226] : memref<3328xf32, #tpu.memory_space<vmem>> -> memref<3328xf32, #tpu.memory_space<vmem>>
      tpu.enqueue_dma source(%dma_start3A_227 : memref<3328xf32, #tpu.memory_space<vmem>>) target(%dma_start3A_225 : memref<3328xf32, #tpu.memory_space<hbm>>) target_semaphore(%arg19 : memref<!tpu.dma_semaphore, #tpu.memory_space<semaphore_mem>>)
      %dma_wait3A_228 = arith.constant 0 : i32
      %dma_wait3A_229 = tpu.memref_slice %arg17[%dma_wait3A_228] : memref<6656xi32, #tpu.memory_space<vmem>> -> memref<6144xi32, #tpu.memory_space<vmem>>
      %dma_wait3A_230 = arith.constant 18432 : i32
      %dma_wait3A_231 = tpu.memref_slice %arg11[%dma_wait3A_230] : memref<24576xi32, #tpu.memory_space<hbm>> -> memref<6144xi32, #tpu.memory_space<hbm>>
      %dma_wait3A_232 = arith.constant 18432 : i32
      %dma_wait3A_233 = tpu.memref_slice %arg11[%dma_wait3A_232] : memref<24576xi32, #tpu.memory_space<hbm>> -> memref<6144xi32, #tpu.memory_space<hbm>>
      %dma_wait3A_234 = arith.constant 0 : i32
      %dma_wait3A_235 = tpu.memref_slice %arg17[%dma_wait3A_234] : memref<6656xi32, #tpu.memory_space<vmem>> -> memref<6144xi32, #tpu.memory_space<vmem>>
      tpu.wait_dma2 semaphore(%arg19 : memref<!tpu.dma_semaphore, #tpu.memory_space<semaphore_mem>>) src(%dma_wait3A_235 : memref<6144xi32, #tpu.memory_space<vmem>>) dst(%dma_wait3A_233 : memref<6144xi32, #tpu.memory_space<hbm>>)
      %dma_wait3A_236 = arith.constant 6144 : i32
      %dma_wait3A_237 = tpu.memref_slice %arg17[%dma_wait3A_236] : memref<6656xi32, #tpu.memory_space<vmem>> -> memref<512xi32, #tpu.memory_space<vmem>>
      %dma_wait3A_238 = arith.constant 0 : i32
      %dma_wait3A_239 = tpu.memref_slice %arg13[%dma_wait3A_238] : memref<24576xi32, #tpu.memory_space<hbm>> -> memref<512xi32, #tpu.memory_space<hbm>>
      %dma_wait3A_240 = arith.constant 0 : i32
      %dma_wait3A_241 = tpu.memref_slice %arg13[%dma_wait3A_240] : memref<24576xi32, #tpu.memory_space<hbm>> -> memref<512xi32, #tpu.memory_space<hbm>>
      %dma_wait3A_242 = arith.constant 6144 : i32
      %dma_wait3A_243 = tpu.memref_slice %arg17[%dma_wait3A_242] : memref<6656xi32, #tpu.memory_space<vmem>> -> memref<512xi32, #tpu.memory_space<vmem>>
      tpu.wait_dma2 semaphore(%arg19 : memref<!tpu.dma_semaphore, #tpu.memory_space<semaphore_mem>>) src(%dma_wait3A_243 : memref<512xi32, #tpu.memory_space<vmem>>) dst(%dma_wait3A_241 : memref<512xi32, #tpu.memory_space<hbm>>)
      %dma_wait3A_244 = arith.constant 0 : i32
      %dma_wait3A_245 = tpu.memref_slice %arg18[%dma_wait3A_244] : memref<3328xf32, #tpu.memory_space<vmem>> -> memref<3328xf32, #tpu.memory_space<vmem>>
      %dma_wait3A_246 = arith.constant 9216 : i32
      %dma_wait3A_247 = tpu.memref_slice %arg12[%dma_wait3A_246] : memref<24576xf32, #tpu.memory_space<hbm>> -> memref<3328xf32, #tpu.memory_space<hbm>>
      %dma_wait3A_248 = arith.constant 9216 : i32
      %dma_wait3A_249 = tpu.memref_slice %arg12[%dma_wait3A_248] : memref<24576xf32, #tpu.memory_space<hbm>> -> memref<3328xf32, #tpu.memory_space<hbm>>
      %dma_wait3A_250 = arith.constant 0 : i32
      %dma_wait3A_251 = tpu.memref_slice %arg18[%dma_wait3A_250] : memref<3328xf32, #tpu.memory_space<vmem>> -> memref<3328xf32, #tpu.memory_space<vmem>>
      tpu.wait_dma2 semaphore(%arg19 : memref<!tpu.dma_semaphore, #tpu.memory_space<semaphore_mem>>) src(%dma_wait3A_251 : memref<3328xf32, #tpu.memory_space<vmem>>) dst(%dma_wait3A_249 : memref<3328xf32, #tpu.memory_space<hbm>>)
    } else {
    }
    %eq3A_103 = arith.constant 21 : i32
    %eq3A_104 = arith.cmpi eq, %add3A, %eq3A_103 : i32
    %convert_element_type3A_105 = arith.extui %eq3A_104 : i1 to i32
    %cond3A_106 = arith.constant 0 : i32
    %cond3A_107 = arith.cmpi ne, %convert_element_type3A_105, %cond3A_106 : i32
    scf.if %cond3A_107 {
      %dma_start3A = arith.constant 0 : i32
      %dma_start3A_158 = tpu.memref_slice %arg17[%dma_start3A] : memref<6656xi32, #tpu.memory_space<vmem>> -> memref<6656xi32, #tpu.memory_space<vmem>>
      %dma_start3A_159 = arith.constant 57856 : i32
      %dma_start3A_160 = tpu.memref_slice %arg4[%dma_start3A_159] : memref<106496xi32, #tpu.memory_space<hbm>> -> memref<6656xi32, #tpu.memory_space<hbm>>
      %dma_start3A_161 = arith.constant 0 : i32
      %dma_start3A_162 = tpu.memref_slice %arg17[%dma_start3A_161] : memref<6656xi32, #tpu.memory_space<vmem>> -> memref<6656xi32, #tpu.memory_space<vmem>>
      %dma_start3A_163 = arith.constant 57856 : i32
      %dma_start3A_164 = tpu.memref_slice %arg4[%dma_start3A_163] : memref<106496xi32, #tpu.memory_space<hbm>> -> memref<6656xi32, #tpu.memory_space<hbm>>
      tpu.enqueue_dma source(%dma_start3A_164 : memref<6656xi32, #tpu.memory_space<hbm>>) target(%dma_start3A_162 : memref<6656xi32, #tpu.memory_space<vmem>>) target_semaphore(%arg19 : memref<!tpu.dma_semaphore, #tpu.memory_space<semaphore_mem>>)
      %dma_start3A_165 = arith.constant 0 : i32
      %dma_start3A_166 = tpu.memref_slice %arg18[%dma_start3A_165] : memref<3328xf32, #tpu.memory_space<vmem>> -> memref<3328xf32, #tpu.memory_space<vmem>>
      %dma_start3A_167 = arith.constant 69888 : i32
      %dma_start3A_168 = tpu.memref_slice %arg3[%dma_start3A_167] : memref<106496xf32, #tpu.memory_space<hbm>> -> memref<3328xf32, #tpu.memory_space<hbm>>
      %dma_start3A_169 = arith.constant 0 : i32
      %dma_start3A_170 = tpu.memref_slice %arg18[%dma_start3A_169] : memref<3328xf32, #tpu.memory_space<vmem>> -> memref<3328xf32, #tpu.memory_space<vmem>>
      %dma_start3A_171 = arith.constant 69888 : i32
      %dma_start3A_172 = tpu.memref_slice %arg3[%dma_start3A_171] : memref<106496xf32, #tpu.memory_space<hbm>> -> memref<3328xf32, #tpu.memory_space<hbm>>
      tpu.enqueue_dma source(%dma_start3A_172 : memref<3328xf32, #tpu.memory_space<hbm>>) target(%dma_start3A_170 : memref<3328xf32, #tpu.memory_space<vmem>>) target_semaphore(%arg19 : memref<!tpu.dma_semaphore, #tpu.memory_space<semaphore_mem>>)
      %dma_wait3A = arith.constant 0 : i32
      %dma_wait3A_173 = tpu.memref_slice %arg17[%dma_wait3A] : memref<6656xi32, #tpu.memory_space<vmem>> -> memref<6656xi32, #tpu.memory_space<vmem>>
      %dma_wait3A_174 = arith.constant 57856 : i32
      %dma_wait3A_175 = tpu.memref_slice %arg4[%dma_wait3A_174] : memref<106496xi32, #tpu.memory_space<hbm>> -> memref<6656xi32, #tpu.memory_space<hbm>>
      %dma_wait3A_176 = arith.constant 0 : i32
      %dma_wait3A_177 = tpu.memref_slice %arg17[%dma_wait3A_176] : memref<6656xi32, #tpu.memory_space<vmem>> -> memref<6656xi32, #tpu.memory_space<vmem>>
      %dma_wait3A_178 = arith.constant 57856 : i32
      %dma_wait3A_179 = tpu.memref_slice %arg4[%dma_wait3A_178] : memref<106496xi32, #tpu.memory_space<hbm>> -> memref<6656xi32, #tpu.memory_space<hbm>>
      tpu.wait_dma2 semaphore(%arg19 : memref<!tpu.dma_semaphore, #tpu.memory_space<semaphore_mem>>) src(%dma_wait3A_179 : memref<6656xi32, #tpu.memory_space<hbm>>) dst(%dma_wait3A_177 : memref<6656xi32, #tpu.memory_space<vmem>>)
      %dma_wait3A_180 = arith.constant 0 : i32
      %dma_wait3A_181 = tpu.memref_slice %arg18[%dma_wait3A_180] : memref<3328xf32, #tpu.memory_space<vmem>> -> memref<3328xf32, #tpu.memory_space<vmem>>
      %dma_wait3A_182 = arith.constant 69888 : i32
      %dma_wait3A_183 = tpu.memref_slice %arg3[%dma_wait3A_182] : memref<106496xf32, #tpu.memory_space<hbm>> -> memref<3328xf32, #tpu.memory_space<hbm>>
      %dma_wait3A_184 = arith.constant 0 : i32
      %dma_wait3A_185 = tpu.memref_slice %arg18[%dma_wait3A_184] : memref<3328xf32, #tpu.memory_space<vmem>> -> memref<3328xf32, #tpu.memory_space<vmem>>
      %dma_wait3A_186 = arith.constant 69888 : i32
      %dma_wait3A_187 = tpu.memref_slice %arg3[%dma_wait3A_186] : memref<106496xf32, #tpu.memory_space<hbm>> -> memref<3328xf32, #tpu.memory_space<hbm>>
      tpu.wait_dma2 semaphore(%arg19 : memref<!tpu.dma_semaphore, #tpu.memory_space<semaphore_mem>>) src(%dma_wait3A_187 : memref<3328xf32, #tpu.memory_space<hbm>>) dst(%dma_wait3A_185 : memref<3328xf32, #tpu.memory_space<vmem>>)
      %dma_start3A_188 = arith.constant 0 : i32
      %dma_start3A_189 = tpu.memref_slice %arg17[%dma_start3A_188] : memref<6656xi32, #tpu.memory_space<vmem>> -> memref<6656xi32, #tpu.memory_space<vmem>>
      %dma_start3A_190 = arith.constant 512 : i32
      %dma_start3A_191 = tpu.memref_slice %arg13[%dma_start3A_190] : memref<24576xi32, #tpu.memory_space<hbm>> -> memref<6656xi32, #tpu.memory_space<hbm>>
      %dma_start3A_192 = arith.constant 512 : i32
      %dma_start3A_193 = tpu.memref_slice %arg13[%dma_start3A_192] : memref<24576xi32, #tpu.memory_space<hbm>> -> memref<6656xi32, #tpu.memory_space<hbm>>
      %dma_start3A_194 = arith.constant 0 : i32
      %dma_start3A_195 = tpu.memref_slice %arg17[%dma_start3A_194] : memref<6656xi32, #tpu.memory_space<vmem>> -> memref<6656xi32, #tpu.memory_space<vmem>>
      tpu.enqueue_dma source(%dma_start3A_195 : memref<6656xi32, #tpu.memory_space<vmem>>) target(%dma_start3A_193 : memref<6656xi32, #tpu.memory_space<hbm>>) target_semaphore(%arg19 : memref<!tpu.dma_semaphore, #tpu.memory_space<semaphore_mem>>)
      %dma_start3A_196 = arith.constant 0 : i32
      %dma_start3A_197 = tpu.memref_slice %arg18[%dma_start3A_196] : memref<3328xf32, #tpu.memory_space<vmem>> -> memref<3328xf32, #tpu.memory_space<vmem>>
      %dma_start3A_198 = arith.constant 12544 : i32
      %dma_start3A_199 = tpu.memref_slice %arg12[%dma_start3A_198] : memref<24576xf32, #tpu.memory_space<hbm>> -> memref<3328xf32, #tpu.memory_space<hbm>>
      %dma_start3A_200 = arith.constant 12544 : i32
      %dma_start3A_201 = tpu.memref_slice %arg12[%dma_start3A_200] : memref<24576xf32, #tpu.memory_space<hbm>> -> memref<3328xf32, #tpu.memory_space<hbm>>
      %dma_start3A_202 = arith.constant 0 : i32
      %dma_start3A_203 = tpu.memref_slice %arg18[%dma_start3A_202] : memref<3328xf32, #tpu.memory_space<vmem>> -> memref<3328xf32, #tpu.memory_space<vmem>>
      tpu.enqueue_dma source(%dma_start3A_203 : memref<3328xf32, #tpu.memory_space<vmem>>) target(%dma_start3A_201 : memref<3328xf32, #tpu.memory_space<hbm>>) target_semaphore(%arg19 : memref<!tpu.dma_semaphore, #tpu.memory_space<semaphore_mem>>)
      %dma_wait3A_204 = arith.constant 0 : i32
      %dma_wait3A_205 = tpu.memref_slice %arg17[%dma_wait3A_204] : memref<6656xi32, #tpu.memory_space<vmem>> -> memref<6656xi32, #tpu.memory_space<vmem>>
      %dma_wait3A_206 = arith.constant 512 : i32
      %dma_wait3A_207 = tpu.memref_slice %arg13[%dma_wait3A_206] : memref<24576xi32, #tpu.memory_space<hbm>> -> memref<6656xi32, #tpu.memory_space<hbm>>
      %dma_wait3A_208 = arith.constant 512 : i32
      %dma_wait3A_209 = tpu.memref_slice %arg13[%dma_wait3A_208] : memref<24576xi32, #tpu.memory_space<hbm>> -> memref<6656xi32, #tpu.memory_space<hbm>>
      %dma_wait3A_210 = arith.constant 0 : i32
      %dma_wait3A_211 = tpu.memref_slice %arg17[%dma_wait3A_210] : memref<6656xi32, #tpu.memory_space<vmem>> -> memref<6656xi32, #tpu.memory_space<vmem>>
      tpu.wait_dma2 semaphore(%arg19 : memref<!tpu.dma_semaphore, #tpu.memory_space<semaphore_mem>>) src(%dma_wait3A_211 : memref<6656xi32, #tpu.memory_space<vmem>>) dst(%dma_wait3A_209 : memref<6656xi32, #tpu.memory_space<hbm>>)
      %dma_wait3A_212 = arith.constant 0 : i32
      %dma_wait3A_213 = tpu.memref_slice %arg18[%dma_wait3A_212] : memref<3328xf32, #tpu.memory_space<vmem>> -> memref<3328xf32, #tpu.memory_space<vmem>>
      %dma_wait3A_214 = arith.constant 12544 : i32
      %dma_wait3A_215 = tpu.memref_slice %arg12[%dma_wait3A_214] : memref<24576xf32, #tpu.memory_space<hbm>> -> memref<3328xf32, #tpu.memory_space<hbm>>
      %dma_wait3A_216 = arith.constant 12544 : i32
      %dma_wait3A_217 = tpu.memref_slice %arg12[%dma_wait3A_216] : memref<24576xf32, #tpu.memory_space<hbm>> -> memref<3328xf32, #tpu.memory_space<hbm>>
      %dma_wait3A_218 = arith.constant 0 : i32
      %dma_wait3A_219 = tpu.memref_slice %arg18[%dma_wait3A_218] : memref<3328xf32, #tpu.memory_space<vmem>> -> memref<3328xf32, #tpu.memory_space<vmem>>
      tpu.wait_dma2 semaphore(%arg19 : memref<!tpu.dma_semaphore, #tpu.memory_space<semaphore_mem>>) src(%dma_wait3A_219 : memref<3328xf32, #tpu.memory_space<vmem>>) dst(%dma_wait3A_217 : memref<3328xf32, #tpu.memory_space<hbm>>)
    } else {
    }
    %eq3A_108 = arith.constant 22 : i32
    %eq3A_109 = arith.cmpi eq, %add3A, %eq3A_108 : i32
    %convert_element_type3A_110 = arith.extui %eq3A_109 : i1 to i32
    %cond3A_111 = arith.constant 0 : i32
    %cond3A_112 = arith.cmpi ne, %convert_element_type3A_110, %cond3A_111 : i32
    scf.if %cond3A_112 {
      %dma_start3A = arith.constant 0 : i32
      %dma_start3A_158 = tpu.memref_slice %arg17[%dma_start3A] : memref<6656xi32, #tpu.memory_space<vmem>> -> memref<6656xi32, #tpu.memory_space<vmem>>
      %dma_start3A_159 = arith.constant 64512 : i32
      %dma_start3A_160 = tpu.memref_slice %arg4[%dma_start3A_159] : memref<106496xi32, #tpu.memory_space<hbm>> -> memref<6656xi32, #tpu.memory_space<hbm>>
      %dma_start3A_161 = arith.constant 0 : i32
      %dma_start3A_162 = tpu.memref_slice %arg17[%dma_start3A_161] : memref<6656xi32, #tpu.memory_space<vmem>> -> memref<6656xi32, #tpu.memory_space<vmem>>
      %dma_start3A_163 = arith.constant 64512 : i32
      %dma_start3A_164 = tpu.memref_slice %arg4[%dma_start3A_163] : memref<106496xi32, #tpu.memory_space<hbm>> -> memref<6656xi32, #tpu.memory_space<hbm>>
      tpu.enqueue_dma source(%dma_start3A_164 : memref<6656xi32, #tpu.memory_space<hbm>>) target(%dma_start3A_162 : memref<6656xi32, #tpu.memory_space<vmem>>) target_semaphore(%arg19 : memref<!tpu.dma_semaphore, #tpu.memory_space<semaphore_mem>>)
      %dma_start3A_165 = arith.constant 0 : i32
      %dma_start3A_166 = tpu.memref_slice %arg18[%dma_start3A_165] : memref<3328xf32, #tpu.memory_space<vmem>> -> memref<3328xf32, #tpu.memory_space<vmem>>
      %dma_start3A_167 = arith.constant 73216 : i32
      %dma_start3A_168 = tpu.memref_slice %arg3[%dma_start3A_167] : memref<106496xf32, #tpu.memory_space<hbm>> -> memref<3328xf32, #tpu.memory_space<hbm>>
      %dma_start3A_169 = arith.constant 0 : i32
      %dma_start3A_170 = tpu.memref_slice %arg18[%dma_start3A_169] : memref<3328xf32, #tpu.memory_space<vmem>> -> memref<3328xf32, #tpu.memory_space<vmem>>
      %dma_start3A_171 = arith.constant 73216 : i32
      %dma_start3A_172 = tpu.memref_slice %arg3[%dma_start3A_171] : memref<106496xf32, #tpu.memory_space<hbm>> -> memref<3328xf32, #tpu.memory_space<hbm>>
      tpu.enqueue_dma source(%dma_start3A_172 : memref<3328xf32, #tpu.memory_space<hbm>>) target(%dma_start3A_170 : memref<3328xf32, #tpu.memory_space<vmem>>) target_semaphore(%arg19 : memref<!tpu.dma_semaphore, #tpu.memory_space<semaphore_mem>>)
      %dma_wait3A = arith.constant 0 : i32
      %dma_wait3A_173 = tpu.memref_slice %arg17[%dma_wait3A] : memref<6656xi32, #tpu.memory_space<vmem>> -> memref<6656xi32, #tpu.memory_space<vmem>>
      %dma_wait3A_174 = arith.constant 64512 : i32
      %dma_wait3A_175 = tpu.memref_slice %arg4[%dma_wait3A_174] : memref<106496xi32, #tpu.memory_space<hbm>> -> memref<6656xi32, #tpu.memory_space<hbm>>
      %dma_wait3A_176 = arith.constant 0 : i32
      %dma_wait3A_177 = tpu.memref_slice %arg17[%dma_wait3A_176] : memref<6656xi32, #tpu.memory_space<vmem>> -> memref<6656xi32, #tpu.memory_space<vmem>>
      %dma_wait3A_178 = arith.constant 64512 : i32
      %dma_wait3A_179 = tpu.memref_slice %arg4[%dma_wait3A_178] : memref<106496xi32, #tpu.memory_space<hbm>> -> memref<6656xi32, #tpu.memory_space<hbm>>
      tpu.wait_dma2 semaphore(%arg19 : memref<!tpu.dma_semaphore, #tpu.memory_space<semaphore_mem>>) src(%dma_wait3A_179 : memref<6656xi32, #tpu.memory_space<hbm>>) dst(%dma_wait3A_177 : memref<6656xi32, #tpu.memory_space<vmem>>)
      %dma_wait3A_180 = arith.constant 0 : i32
      %dma_wait3A_181 = tpu.memref_slice %arg18[%dma_wait3A_180] : memref<3328xf32, #tpu.memory_space<vmem>> -> memref<3328xf32, #tpu.memory_space<vmem>>
      %dma_wait3A_182 = arith.constant 73216 : i32
      %dma_wait3A_183 = tpu.memref_slice %arg3[%dma_wait3A_182] : memref<106496xf32, #tpu.memory_space<hbm>> -> memref<3328xf32, #tpu.memory_space<hbm>>
      %dma_wait3A_184 = arith.constant 0 : i32
      %dma_wait3A_185 = tpu.memref_slice %arg18[%dma_wait3A_184] : memref<3328xf32, #tpu.memory_space<vmem>> -> memref<3328xf32, #tpu.memory_space<vmem>>
      %dma_wait3A_186 = arith.constant 73216 : i32
      %dma_wait3A_187 = tpu.memref_slice %arg3[%dma_wait3A_186] : memref<106496xf32, #tpu.memory_space<hbm>> -> memref<3328xf32, #tpu.memory_space<hbm>>
      tpu.wait_dma2 semaphore(%arg19 : memref<!tpu.dma_semaphore, #tpu.memory_space<semaphore_mem>>) src(%dma_wait3A_187 : memref<3328xf32, #tpu.memory_space<hbm>>) dst(%dma_wait3A_185 : memref<3328xf32, #tpu.memory_space<vmem>>)
      %dma_start3A_188 = arith.constant 0 : i32
      %dma_start3A_189 = tpu.memref_slice %arg17[%dma_start3A_188] : memref<6656xi32, #tpu.memory_space<vmem>> -> memref<6656xi32, #tpu.memory_space<vmem>>
      %dma_start3A_190 = arith.constant 7168 : i32
      %dma_start3A_191 = tpu.memref_slice %arg13[%dma_start3A_190] : memref<24576xi32, #tpu.memory_space<hbm>> -> memref<6656xi32, #tpu.memory_space<hbm>>
      %dma_start3A_192 = arith.constant 7168 : i32
      %dma_start3A_193 = tpu.memref_slice %arg13[%dma_start3A_192] : memref<24576xi32, #tpu.memory_space<hbm>> -> memref<6656xi32, #tpu.memory_space<hbm>>
      %dma_start3A_194 = arith.constant 0 : i32
      %dma_start3A_195 = tpu.memref_slice %arg17[%dma_start3A_194] : memref<6656xi32, #tpu.memory_space<vmem>> -> memref<6656xi32, #tpu.memory_space<vmem>>
      tpu.enqueue_dma source(%dma_start3A_195 : memref<6656xi32, #tpu.memory_space<vmem>>) target(%dma_start3A_193 : memref<6656xi32, #tpu.memory_space<hbm>>) target_semaphore(%arg19 : memref<!tpu.dma_semaphore, #tpu.memory_space<semaphore_mem>>)
      %dma_start3A_196 = arith.constant 0 : i32
      %dma_start3A_197 = tpu.memref_slice %arg18[%dma_start3A_196] : memref<3328xf32, #tpu.memory_space<vmem>> -> memref<3328xf32, #tpu.memory_space<vmem>>
      %dma_start3A_198 = arith.constant 15872 : i32
      %dma_start3A_199 = tpu.memref_slice %arg12[%dma_start3A_198] : memref<24576xf32, #tpu.memory_space<hbm>> -> memref<3328xf32, #tpu.memory_space<hbm>>
      %dma_start3A_200 = arith.constant 15872 : i32
      %dma_start3A_201 = tpu.memref_slice %arg12[%dma_start3A_200] : memref<24576xf32, #tpu.memory_space<hbm>> -> memref<3328xf32, #tpu.memory_space<hbm>>
      %dma_start3A_202 = arith.constant 0 : i32
      %dma_start3A_203 = tpu.memref_slice %arg18[%dma_start3A_202] : memref<3328xf32, #tpu.memory_space<vmem>> -> memref<3328xf32, #tpu.memory_space<vmem>>
      tpu.enqueue_dma source(%dma_start3A_203 : memref<3328xf32, #tpu.memory_space<vmem>>) target(%dma_start3A_201 : memref<3328xf32, #tpu.memory_space<hbm>>) target_semaphore(%arg19 : memref<!tpu.dma_semaphore, #tpu.memory_space<semaphore_mem>>)
      %dma_wait3A_204 = arith.constant 0 : i32
      %dma_wait3A_205 = tpu.memref_slice %arg17[%dma_wait3A_204] : memref<6656xi32, #tpu.memory_space<vmem>> -> memref<6656xi32, #tpu.memory_space<vmem>>
      %dma_wait3A_206 = arith.constant 7168 : i32
      %dma_wait3A_207 = tpu.memref_slice %arg13[%dma_wait3A_206] : memref<24576xi32, #tpu.memory_space<hbm>> -> memref<6656xi32, #tpu.memory_space<hbm>>
      %dma_wait3A_208 = arith.constant 7168 : i32
      %dma_wait3A_209 = tpu.memref_slice %arg13[%dma_wait3A_208] : memref<24576xi32, #tpu.memory_space<hbm>> -> memref<6656xi32, #tpu.memory_space<hbm>>
      %dma_wait3A_210 = arith.constant 0 : i32
      %dma_wait3A_211 = tpu.memref_slice %arg17[%dma_wait3A_210] : memref<6656xi32, #tpu.memory_space<vmem>> -> memref<6656xi32, #tpu.memory_space<vmem>>
      tpu.wait_dma2 semaphore(%arg19 : memref<!tpu.dma_semaphore, #tpu.memory_space<semaphore_mem>>) src(%dma_wait3A_211 : memref<6656xi32, #tpu.memory_space<vmem>>) dst(%dma_wait3A_209 : memref<6656xi32, #tpu.memory_space<hbm>>)
      %dma_wait3A_212 = arith.constant 0 : i32
      %dma_wait3A_213 = tpu.memref_slice %arg18[%dma_wait3A_212] : memref<3328xf32, #tpu.memory_space<vmem>> -> memref<3328xf32, #tpu.memory_space<vmem>>
      %dma_wait3A_214 = arith.constant 15872 : i32
      %dma_wait3A_215 = tpu.memref_slice %arg12[%dma_wait3A_214] : memref<24576xf32, #tpu.memory_space<hbm>> -> memref<3328xf32, #tpu.memory_space<hbm>>
      %dma_wait3A_216 = arith.constant 15872 : i32
      %dma_wait3A_217 = tpu.memref_slice %arg12[%dma_wait3A_216] : memref<24576xf32, #tpu.memory_space<hbm>> -> memref<3328xf32, #tpu.memory_space<hbm>>
      %dma_wait3A_218 = arith.constant 0 : i32
      %dma_wait3A_219 = tpu.memref_slice %arg18[%dma_wait3A_218] : memref<3328xf32, #tpu.memory_space<vmem>> -> memref<3328xf32, #tpu.memory_space<vmem>>
      tpu.wait_dma2 semaphore(%arg19 : memref<!tpu.dma_semaphore, #tpu.memory_space<semaphore_mem>>) src(%dma_wait3A_219 : memref<3328xf32, #tpu.memory_space<vmem>>) dst(%dma_wait3A_217 : memref<3328xf32, #tpu.memory_space<hbm>>)
    } else {
    }
    %eq3A_113 = arith.constant 23 : i32
    %eq3A_114 = arith.cmpi eq, %add3A, %eq3A_113 : i32
    %convert_element_type3A_115 = arith.extui %eq3A_114 : i1 to i32
    %cond3A_116 = arith.constant 0 : i32
    %cond3A_117 = arith.cmpi ne, %convert_element_type3A_115, %cond3A_116 : i32
    scf.if %cond3A_117 {
      %dma_start3A = arith.constant 0 : i32
      %dma_start3A_158 = tpu.memref_slice %arg17[%dma_start3A] : memref<6656xi32, #tpu.memory_space<vmem>> -> memref<6656xi32, #tpu.memory_space<vmem>>
      %dma_start3A_159 = arith.constant 71168 : i32
      %dma_start3A_160 = tpu.memref_slice %arg4[%dma_start3A_159] : memref<106496xi32, #tpu.memory_space<hbm>> -> memref<6656xi32, #tpu.memory_space<hbm>>
      %dma_start3A_161 = arith.constant 0 : i32
      %dma_start3A_162 = tpu.memref_slice %arg17[%dma_start3A_161] : memref<6656xi32, #tpu.memory_space<vmem>> -> memref<6656xi32, #tpu.memory_space<vmem>>
      %dma_start3A_163 = arith.constant 71168 : i32
      %dma_start3A_164 = tpu.memref_slice %arg4[%dma_start3A_163] : memref<106496xi32, #tpu.memory_space<hbm>> -> memref<6656xi32, #tpu.memory_space<hbm>>
      tpu.enqueue_dma source(%dma_start3A_164 : memref<6656xi32, #tpu.memory_space<hbm>>) target(%dma_start3A_162 : memref<6656xi32, #tpu.memory_space<vmem>>) target_semaphore(%arg19 : memref<!tpu.dma_semaphore, #tpu.memory_space<semaphore_mem>>)
      %dma_start3A_165 = arith.constant 0 : i32
      %dma_start3A_166 = tpu.memref_slice %arg18[%dma_start3A_165] : memref<3328xf32, #tpu.memory_space<vmem>> -> memref<3328xf32, #tpu.memory_space<vmem>>
      %dma_start3A_167 = arith.constant 76544 : i32
      %dma_start3A_168 = tpu.memref_slice %arg3[%dma_start3A_167] : memref<106496xf32, #tpu.memory_space<hbm>> -> memref<3328xf32, #tpu.memory_space<hbm>>
      %dma_start3A_169 = arith.constant 0 : i32
      %dma_start3A_170 = tpu.memref_slice %arg18[%dma_start3A_169] : memref<3328xf32, #tpu.memory_space<vmem>> -> memref<3328xf32, #tpu.memory_space<vmem>>
      %dma_start3A_171 = arith.constant 76544 : i32
      %dma_start3A_172 = tpu.memref_slice %arg3[%dma_start3A_171] : memref<106496xf32, #tpu.memory_space<hbm>> -> memref<3328xf32, #tpu.memory_space<hbm>>
      tpu.enqueue_dma source(%dma_start3A_172 : memref<3328xf32, #tpu.memory_space<hbm>>) target(%dma_start3A_170 : memref<3328xf32, #tpu.memory_space<vmem>>) target_semaphore(%arg19 : memref<!tpu.dma_semaphore, #tpu.memory_space<semaphore_mem>>)
      %dma_wait3A = arith.constant 0 : i32
      %dma_wait3A_173 = tpu.memref_slice %arg17[%dma_wait3A] : memref<6656xi32, #tpu.memory_space<vmem>> -> memref<6656xi32, #tpu.memory_space<vmem>>
      %dma_wait3A_174 = arith.constant 71168 : i32
      %dma_wait3A_175 = tpu.memref_slice %arg4[%dma_wait3A_174] : memref<106496xi32, #tpu.memory_space<hbm>> -> memref<6656xi32, #tpu.memory_space<hbm>>
      %dma_wait3A_176 = arith.constant 0 : i32
      %dma_wait3A_177 = tpu.memref_slice %arg17[%dma_wait3A_176] : memref<6656xi32, #tpu.memory_space<vmem>> -> memref<6656xi32, #tpu.memory_space<vmem>>
      %dma_wait3A_178 = arith.constant 71168 : i32
      %dma_wait3A_179 = tpu.memref_slice %arg4[%dma_wait3A_178] : memref<106496xi32, #tpu.memory_space<hbm>> -> memref<6656xi32, #tpu.memory_space<hbm>>
      tpu.wait_dma2 semaphore(%arg19 : memref<!tpu.dma_semaphore, #tpu.memory_space<semaphore_mem>>) src(%dma_wait3A_179 : memref<6656xi32, #tpu.memory_space<hbm>>) dst(%dma_wait3A_177 : memref<6656xi32, #tpu.memory_space<vmem>>)
      %dma_wait3A_180 = arith.constant 0 : i32
      %dma_wait3A_181 = tpu.memref_slice %arg18[%dma_wait3A_180] : memref<3328xf32, #tpu.memory_space<vmem>> -> memref<3328xf32, #tpu.memory_space<vmem>>
      %dma_wait3A_182 = arith.constant 76544 : i32
      %dma_wait3A_183 = tpu.memref_slice %arg3[%dma_wait3A_182] : memref<106496xf32, #tpu.memory_space<hbm>> -> memref<3328xf32, #tpu.memory_space<hbm>>
      %dma_wait3A_184 = arith.constant 0 : i32
      %dma_wait3A_185 = tpu.memref_slice %arg18[%dma_wait3A_184] : memref<3328xf32, #tpu.memory_space<vmem>> -> memref<3328xf32, #tpu.memory_space<vmem>>
      %dma_wait3A_186 = arith.constant 76544 : i32
      %dma_wait3A_187 = tpu.memref_slice %arg3[%dma_wait3A_186] : memref<106496xf32, #tpu.memory_space<hbm>> -> memref<3328xf32, #tpu.memory_space<hbm>>
      tpu.wait_dma2 semaphore(%arg19 : memref<!tpu.dma_semaphore, #tpu.memory_space<semaphore_mem>>) src(%dma_wait3A_187 : memref<3328xf32, #tpu.memory_space<hbm>>) dst(%dma_wait3A_185 : memref<3328xf32, #tpu.memory_space<vmem>>)
      %dma_start3A_188 = arith.constant 0 : i32
      %dma_start3A_189 = tpu.memref_slice %arg17[%dma_start3A_188] : memref<6656xi32, #tpu.memory_space<vmem>> -> memref<6656xi32, #tpu.memory_space<vmem>>
      %dma_start3A_190 = arith.constant 13824 : i32
      %dma_start3A_191 = tpu.memref_slice %arg13[%dma_start3A_190] : memref<24576xi32, #tpu.memory_space<hbm>> -> memref<6656xi32, #tpu.memory_space<hbm>>
      %dma_start3A_192 = arith.constant 13824 : i32
      %dma_start3A_193 = tpu.memref_slice %arg13[%dma_start3A_192] : memref<24576xi32, #tpu.memory_space<hbm>> -> memref<6656xi32, #tpu.memory_space<hbm>>
      %dma_start3A_194 = arith.constant 0 : i32
      %dma_start3A_195 = tpu.memref_slice %arg17[%dma_start3A_194] : memref<6656xi32, #tpu.memory_space<vmem>> -> memref<6656xi32, #tpu.memory_space<vmem>>
      tpu.enqueue_dma source(%dma_start3A_195 : memref<6656xi32, #tpu.memory_space<vmem>>) target(%dma_start3A_193 : memref<6656xi32, #tpu.memory_space<hbm>>) target_semaphore(%arg19 : memref<!tpu.dma_semaphore, #tpu.memory_space<semaphore_mem>>)
      %dma_start3A_196 = arith.constant 0 : i32
      %dma_start3A_197 = tpu.memref_slice %arg18[%dma_start3A_196] : memref<3328xf32, #tpu.memory_space<vmem>> -> memref<3328xf32, #tpu.memory_space<vmem>>
      %dma_start3A_198 = arith.constant 19200 : i32
      %dma_start3A_199 = tpu.memref_slice %arg12[%dma_start3A_198] : memref<24576xf32, #tpu.memory_space<hbm>> -> memref<3328xf32, #tpu.memory_space<hbm>>
      %dma_start3A_200 = arith.constant 19200 : i32
      %dma_start3A_201 = tpu.memref_slice %arg12[%dma_start3A_200] : memref<24576xf32, #tpu.memory_space<hbm>> -> memref<3328xf32, #tpu.memory_space<hbm>>
      %dma_start3A_202 = arith.constant 0 : i32
      %dma_start3A_203 = tpu.memref_slice %arg18[%dma_start3A_202] : memref<3328xf32, #tpu.memory_space<vmem>> -> memref<3328xf32, #tpu.memory_space<vmem>>
      tpu.enqueue_dma source(%dma_start3A_203 : memref<3328xf32, #tpu.memory_space<vmem>>) target(%dma_start3A_201 : memref<3328xf32, #tpu.memory_space<hbm>>) target_semaphore(%arg19 : memref<!tpu.dma_semaphore, #tpu.memory_space<semaphore_mem>>)
      %dma_wait3A_204 = arith.constant 0 : i32
      %dma_wait3A_205 = tpu.memref_slice %arg17[%dma_wait3A_204] : memref<6656xi32, #tpu.memory_space<vmem>> -> memref<6656xi32, #tpu.memory_space<vmem>>
      %dma_wait3A_206 = arith.constant 13824 : i32
      %dma_wait3A_207 = tpu.memref_slice %arg13[%dma_wait3A_206] : memref<24576xi32, #tpu.memory_space<hbm>> -> memref<6656xi32, #tpu.memory_space<hbm>>
      %dma_wait3A_208 = arith.constant 13824 : i32
      %dma_wait3A_209 = tpu.memref_slice %arg13[%dma_wait3A_208] : memref<24576xi32, #tpu.memory_space<hbm>> -> memref<6656xi32, #tpu.memory_space<hbm>>
      %dma_wait3A_210 = arith.constant 0 : i32
      %dma_wait3A_211 = tpu.memref_slice %arg17[%dma_wait3A_210] : memref<6656xi32, #tpu.memory_space<vmem>> -> memref<6656xi32, #tpu.memory_space<vmem>>
      tpu.wait_dma2 semaphore(%arg19 : memref<!tpu.dma_semaphore, #tpu.memory_space<semaphore_mem>>) src(%dma_wait3A_211 : memref<6656xi32, #tpu.memory_space<vmem>>) dst(%dma_wait3A_209 : memref<6656xi32, #tpu.memory_space<hbm>>)
      %dma_wait3A_212 = arith.constant 0 : i32
      %dma_wait3A_213 = tpu.memref_slice %arg18[%dma_wait3A_212] : memref<3328xf32, #tpu.memory_space<vmem>> -> memref<3328xf32, #tpu.memory_space<vmem>>
      %dma_wait3A_214 = arith.constant 19200 : i32
      %dma_wait3A_215 = tpu.memref_slice %arg12[%dma_wait3A_214] : memref<24576xf32, #tpu.memory_space<hbm>> -> memref<3328xf32, #tpu.memory_space<hbm>>
      %dma_wait3A_216 = arith.constant 19200 : i32
      %dma_wait3A_217 = tpu.memref_slice %arg12[%dma_wait3A_216] : memref<24576xf32, #tpu.memory_space<hbm>> -> memref<3328xf32, #tpu.memory_space<hbm>>
      %dma_wait3A_218 = arith.constant 0 : i32
      %dma_wait3A_219 = tpu.memref_slice %arg18[%dma_wait3A_218] : memref<3328xf32, #tpu.memory_space<vmem>> -> memref<3328xf32, #tpu.memory_space<vmem>>
      tpu.wait_dma2 semaphore(%arg19 : memref<!tpu.dma_semaphore, #tpu.memory_space<semaphore_mem>>) src(%dma_wait3A_219 : memref<3328xf32, #tpu.memory_space<vmem>>) dst(%dma_wait3A_217 : memref<3328xf32, #tpu.memory_space<hbm>>)
    } else {
    }
    %eq3A_118 = arith.constant 24 : i32
    %eq3A_119 = arith.cmpi eq, %add3A, %eq3A_118 : i32
    %convert_element_type3A_120 = arith.extui %eq3A_119 : i1 to i32
    %cond3A_121 = arith.constant 0 : i32
    %cond3A_122 = arith.cmpi ne, %convert_element_type3A_120, %cond3A_121 : i32
    scf.if %cond3A_122 {
      %dma_start3A = arith.constant 0 : i32
      %dma_start3A_158 = tpu.memref_slice %arg17[%dma_start3A] : memref<6656xi32, #tpu.memory_space<vmem>> -> memref<4096xi32, #tpu.memory_space<vmem>>
      %dma_start3A_159 = arith.constant 77824 : i32
      %dma_start3A_160 = tpu.memref_slice %arg4[%dma_start3A_159] : memref<106496xi32, #tpu.memory_space<hbm>> -> memref<4096xi32, #tpu.memory_space<hbm>>
      %dma_start3A_161 = arith.constant 0 : i32
      %dma_start3A_162 = tpu.memref_slice %arg17[%dma_start3A_161] : memref<6656xi32, #tpu.memory_space<vmem>> -> memref<4096xi32, #tpu.memory_space<vmem>>
      %dma_start3A_163 = arith.constant 77824 : i32
      %dma_start3A_164 = tpu.memref_slice %arg4[%dma_start3A_163] : memref<106496xi32, #tpu.memory_space<hbm>> -> memref<4096xi32, #tpu.memory_space<hbm>>
      tpu.enqueue_dma source(%dma_start3A_164 : memref<4096xi32, #tpu.memory_space<hbm>>) target(%dma_start3A_162 : memref<4096xi32, #tpu.memory_space<vmem>>) target_semaphore(%arg19 : memref<!tpu.dma_semaphore, #tpu.memory_space<semaphore_mem>>)
      %dma_start3A_165 = arith.constant 4096 : i32
      %dma_start3A_166 = tpu.memref_slice %arg17[%dma_start3A_165] : memref<6656xi32, #tpu.memory_space<vmem>> -> memref<2560xi32, #tpu.memory_space<vmem>>
      %dma_start3A_167 = arith.constant 81920 : i32
      %dma_start3A_168 = tpu.memref_slice %arg2[%dma_start3A_167] : memref<106496xi32, #tpu.memory_space<hbm>> -> memref<2560xi32, #tpu.memory_space<hbm>>
      %dma_start3A_169 = arith.constant 4096 : i32
      %dma_start3A_170 = tpu.memref_slice %arg17[%dma_start3A_169] : memref<6656xi32, #tpu.memory_space<vmem>> -> memref<2560xi32, #tpu.memory_space<vmem>>
      %dma_start3A_171 = arith.constant 81920 : i32
      %dma_start3A_172 = tpu.memref_slice %arg2[%dma_start3A_171] : memref<106496xi32, #tpu.memory_space<hbm>> -> memref<2560xi32, #tpu.memory_space<hbm>>
      tpu.enqueue_dma source(%dma_start3A_172 : memref<2560xi32, #tpu.memory_space<hbm>>) target(%dma_start3A_170 : memref<2560xi32, #tpu.memory_space<vmem>>) target_semaphore(%arg19 : memref<!tpu.dma_semaphore, #tpu.memory_space<semaphore_mem>>)
      %dma_start3A_173 = arith.constant 0 : i32
      %dma_start3A_174 = tpu.memref_slice %arg18[%dma_start3A_173] : memref<3328xf32, #tpu.memory_space<vmem>> -> memref<2048xf32, #tpu.memory_space<vmem>>
      %dma_start3A_175 = arith.constant 79872 : i32
      %dma_start3A_176 = tpu.memref_slice %arg3[%dma_start3A_175] : memref<106496xf32, #tpu.memory_space<hbm>> -> memref<2048xf32, #tpu.memory_space<hbm>>
      %dma_start3A_177 = arith.constant 0 : i32
      %dma_start3A_178 = tpu.memref_slice %arg18[%dma_start3A_177] : memref<3328xf32, #tpu.memory_space<vmem>> -> memref<2048xf32, #tpu.memory_space<vmem>>
      %dma_start3A_179 = arith.constant 79872 : i32
      %dma_start3A_180 = tpu.memref_slice %arg3[%dma_start3A_179] : memref<106496xf32, #tpu.memory_space<hbm>> -> memref<2048xf32, #tpu.memory_space<hbm>>
      tpu.enqueue_dma source(%dma_start3A_180 : memref<2048xf32, #tpu.memory_space<hbm>>) target(%dma_start3A_178 : memref<2048xf32, #tpu.memory_space<vmem>>) target_semaphore(%arg19 : memref<!tpu.dma_semaphore, #tpu.memory_space<semaphore_mem>>)
      %dma_start3A_181 = arith.constant 2048 : i32
      %dma_start3A_182 = tpu.memref_slice %arg18[%dma_start3A_181] : memref<3328xf32, #tpu.memory_space<vmem>> -> memref<1280xf32, #tpu.memory_space<vmem>>
      %dma_start3A_183 = arith.constant 81920 : i32
      %dma_start3A_184 = tpu.memref_slice %arg3[%dma_start3A_183] : memref<106496xf32, #tpu.memory_space<hbm>> -> memref<1280xf32, #tpu.memory_space<hbm>>
      %dma_start3A_185 = arith.constant 2048 : i32
      %dma_start3A_186 = tpu.memref_slice %arg18[%dma_start3A_185] : memref<3328xf32, #tpu.memory_space<vmem>> -> memref<1280xf32, #tpu.memory_space<vmem>>
      %dma_start3A_187 = arith.constant 81920 : i32
      %dma_start3A_188 = tpu.memref_slice %arg3[%dma_start3A_187] : memref<106496xf32, #tpu.memory_space<hbm>> -> memref<1280xf32, #tpu.memory_space<hbm>>
      tpu.enqueue_dma source(%dma_start3A_188 : memref<1280xf32, #tpu.memory_space<hbm>>) target(%dma_start3A_186 : memref<1280xf32, #tpu.memory_space<vmem>>) target_semaphore(%arg19 : memref<!tpu.dma_semaphore, #tpu.memory_space<semaphore_mem>>)
      %dma_wait3A = arith.constant 0 : i32
      %dma_wait3A_189 = tpu.memref_slice %arg17[%dma_wait3A] : memref<6656xi32, #tpu.memory_space<vmem>> -> memref<4096xi32, #tpu.memory_space<vmem>>
      %dma_wait3A_190 = arith.constant 77824 : i32
      %dma_wait3A_191 = tpu.memref_slice %arg4[%dma_wait3A_190] : memref<106496xi32, #tpu.memory_space<hbm>> -> memref<4096xi32, #tpu.memory_space<hbm>>
      %dma_wait3A_192 = arith.constant 0 : i32
      %dma_wait3A_193 = tpu.memref_slice %arg17[%dma_wait3A_192] : memref<6656xi32, #tpu.memory_space<vmem>> -> memref<4096xi32, #tpu.memory_space<vmem>>
      %dma_wait3A_194 = arith.constant 77824 : i32
      %dma_wait3A_195 = tpu.memref_slice %arg4[%dma_wait3A_194] : memref<106496xi32, #tpu.memory_space<hbm>> -> memref<4096xi32, #tpu.memory_space<hbm>>
      tpu.wait_dma2 semaphore(%arg19 : memref<!tpu.dma_semaphore, #tpu.memory_space<semaphore_mem>>) src(%dma_wait3A_195 : memref<4096xi32, #tpu.memory_space<hbm>>) dst(%dma_wait3A_193 : memref<4096xi32, #tpu.memory_space<vmem>>)
      %dma_wait3A_196 = arith.constant 4096 : i32
      %dma_wait3A_197 = tpu.memref_slice %arg17[%dma_wait3A_196] : memref<6656xi32, #tpu.memory_space<vmem>> -> memref<2560xi32, #tpu.memory_space<vmem>>
      %dma_wait3A_198 = arith.constant 81920 : i32
      %dma_wait3A_199 = tpu.memref_slice %arg2[%dma_wait3A_198] : memref<106496xi32, #tpu.memory_space<hbm>> -> memref<2560xi32, #tpu.memory_space<hbm>>
      %dma_wait3A_200 = arith.constant 4096 : i32
      %dma_wait3A_201 = tpu.memref_slice %arg17[%dma_wait3A_200] : memref<6656xi32, #tpu.memory_space<vmem>> -> memref<2560xi32, #tpu.memory_space<vmem>>
      %dma_wait3A_202 = arith.constant 81920 : i32
      %dma_wait3A_203 = tpu.memref_slice %arg2[%dma_wait3A_202] : memref<106496xi32, #tpu.memory_space<hbm>> -> memref<2560xi32, #tpu.memory_space<hbm>>
      tpu.wait_dma2 semaphore(%arg19 : memref<!tpu.dma_semaphore, #tpu.memory_space<semaphore_mem>>) src(%dma_wait3A_203 : memref<2560xi32, #tpu.memory_space<hbm>>) dst(%dma_wait3A_201 : memref<2560xi32, #tpu.memory_space<vmem>>)
      %dma_wait3A_204 = arith.constant 0 : i32
      %dma_wait3A_205 = tpu.memref_slice %arg18[%dma_wait3A_204] : memref<3328xf32, #tpu.memory_space<vmem>> -> memref<2048xf32, #tpu.memory_space<vmem>>
      %dma_wait3A_206 = arith.constant 79872 : i32
      %dma_wait3A_207 = tpu.memref_slice %arg3[%dma_wait3A_206] : memref<106496xf32, #tpu.memory_space<hbm>> -> memref<2048xf32, #tpu.memory_space<hbm>>
      %dma_wait3A_208 = arith.constant 0 : i32
      %dma_wait3A_209 = tpu.memref_slice %arg18[%dma_wait3A_208] : memref<3328xf32, #tpu.memory_space<vmem>> -> memref<2048xf32, #tpu.memory_space<vmem>>
      %dma_wait3A_210 = arith.constant 79872 : i32
      %dma_wait3A_211 = tpu.memref_slice %arg3[%dma_wait3A_210] : memref<106496xf32, #tpu.memory_space<hbm>> -> memref<2048xf32, #tpu.memory_space<hbm>>
      tpu.wait_dma2 semaphore(%arg19 : memref<!tpu.dma_semaphore, #tpu.memory_space<semaphore_mem>>) src(%dma_wait3A_211 : memref<2048xf32, #tpu.memory_space<hbm>>) dst(%dma_wait3A_209 : memref<2048xf32, #tpu.memory_space<vmem>>)
      %dma_wait3A_212 = arith.constant 2048 : i32
      %dma_wait3A_213 = tpu.memref_slice %arg18[%dma_wait3A_212] : memref<3328xf32, #tpu.memory_space<vmem>> -> memref<1280xf32, #tpu.memory_space<vmem>>
      %dma_wait3A_214 = arith.constant 81920 : i32
      %dma_wait3A_215 = tpu.memref_slice %arg3[%dma_wait3A_214] : memref<106496xf32, #tpu.memory_space<hbm>> -> memref<1280xf32, #tpu.memory_space<hbm>>
      %dma_wait3A_216 = arith.constant 2048 : i32
      %dma_wait3A_217 = tpu.memref_slice %arg18[%dma_wait3A_216] : memref<3328xf32, #tpu.memory_space<vmem>> -> memref<1280xf32, #tpu.memory_space<vmem>>
      %dma_wait3A_218 = arith.constant 81920 : i32
      %dma_wait3A_219 = tpu.memref_slice %arg3[%dma_wait3A_218] : memref<106496xf32, #tpu.memory_space<hbm>> -> memref<1280xf32, #tpu.memory_space<hbm>>
      tpu.wait_dma2 semaphore(%arg19 : memref<!tpu.dma_semaphore, #tpu.memory_space<semaphore_mem>>) src(%dma_wait3A_219 : memref<1280xf32, #tpu.memory_space<hbm>>) dst(%dma_wait3A_217 : memref<1280xf32, #tpu.memory_space<vmem>>)
      %dma_start3A_220 = arith.constant 0 : i32
      %dma_start3A_221 = tpu.memref_slice %arg17[%dma_start3A_220] : memref<6656xi32, #tpu.memory_space<vmem>> -> memref<4096xi32, #tpu.memory_space<vmem>>
      %dma_start3A_222 = arith.constant 20480 : i32
      %dma_start3A_223 = tpu.memref_slice %arg13[%dma_start3A_222] : memref<24576xi32, #tpu.memory_space<hbm>> -> memref<4096xi32, #tpu.memory_space<hbm>>
      %dma_start3A_224 = arith.constant 20480 : i32
      %dma_start3A_225 = tpu.memref_slice %arg13[%dma_start3A_224] : memref<24576xi32, #tpu.memory_space<hbm>> -> memref<4096xi32, #tpu.memory_space<hbm>>
      %dma_start3A_226 = arith.constant 0 : i32
      %dma_start3A_227 = tpu.memref_slice %arg17[%dma_start3A_226] : memref<6656xi32, #tpu.memory_space<vmem>> -> memref<4096xi32, #tpu.memory_space<vmem>>
      tpu.enqueue_dma source(%dma_start3A_227 : memref<4096xi32, #tpu.memory_space<vmem>>) target(%dma_start3A_225 : memref<4096xi32, #tpu.memory_space<hbm>>) target_semaphore(%arg19 : memref<!tpu.dma_semaphore, #tpu.memory_space<semaphore_mem>>)
      %dma_start3A_228 = arith.constant 4096 : i32
      %dma_start3A_229 = tpu.memref_slice %arg17[%dma_start3A_228] : memref<6656xi32, #tpu.memory_space<vmem>> -> memref<2560xi32, #tpu.memory_space<vmem>>
      %dma_start3A_230 = arith.constant 0 : i32
      %dma_start3A_231 = tpu.memref_slice %arg14[%dma_start3A_230] : memref<24576xi32, #tpu.memory_space<hbm>> -> memref<2560xi32, #tpu.memory_space<hbm>>
      %dma_start3A_232 = arith.constant 0 : i32
      %dma_start3A_233 = tpu.memref_slice %arg14[%dma_start3A_232] : memref<24576xi32, #tpu.memory_space<hbm>> -> memref<2560xi32, #tpu.memory_space<hbm>>
      %dma_start3A_234 = arith.constant 4096 : i32
      %dma_start3A_235 = tpu.memref_slice %arg17[%dma_start3A_234] : memref<6656xi32, #tpu.memory_space<vmem>> -> memref<2560xi32, #tpu.memory_space<vmem>>
      tpu.enqueue_dma source(%dma_start3A_235 : memref<2560xi32, #tpu.memory_space<vmem>>) target(%dma_start3A_233 : memref<2560xi32, #tpu.memory_space<hbm>>) target_semaphore(%arg19 : memref<!tpu.dma_semaphore, #tpu.memory_space<semaphore_mem>>)
      %dma_start3A_236 = arith.constant 0 : i32
      %dma_start3A_237 = tpu.memref_slice %arg18[%dma_start3A_236] : memref<3328xf32, #tpu.memory_space<vmem>> -> memref<2048xf32, #tpu.memory_space<vmem>>
      %dma_start3A_238 = arith.constant 22528 : i32
      %dma_start3A_239 = tpu.memref_slice %arg12[%dma_start3A_238] : memref<24576xf32, #tpu.memory_space<hbm>> -> memref<2048xf32, #tpu.memory_space<hbm>>
      %dma_start3A_240 = arith.constant 22528 : i32
      %dma_start3A_241 = tpu.memref_slice %arg12[%dma_start3A_240] : memref<24576xf32, #tpu.memory_space<hbm>> -> memref<2048xf32, #tpu.memory_space<hbm>>
      %dma_start3A_242 = arith.constant 0 : i32
      %dma_start3A_243 = tpu.memref_slice %arg18[%dma_start3A_242] : memref<3328xf32, #tpu.memory_space<vmem>> -> memref<2048xf32, #tpu.memory_space<vmem>>
      tpu.enqueue_dma source(%dma_start3A_243 : memref<2048xf32, #tpu.memory_space<vmem>>) target(%dma_start3A_241 : memref<2048xf32, #tpu.memory_space<hbm>>) target_semaphore(%arg19 : memref<!tpu.dma_semaphore, #tpu.memory_space<semaphore_mem>>)
      %dma_start3A_244 = arith.constant 2048 : i32
      %dma_start3A_245 = tpu.memref_slice %arg18[%dma_start3A_244] : memref<3328xf32, #tpu.memory_space<vmem>> -> memref<1280xf32, #tpu.memory_space<vmem>>
      %dma_start3A_246 = arith.constant 0 : i32
      %dma_start3A_247 = tpu.memref_slice %arg15[%dma_start3A_246] : memref<24576xf32, #tpu.memory_space<hbm>> -> memref<1280xf32, #tpu.memory_space<hbm>>
      %dma_start3A_248 = arith.constant 0 : i32
      %dma_start3A_249 = tpu.memref_slice %arg15[%dma_start3A_248] : memref<24576xf32, #tpu.memory_space<hbm>> -> memref<1280xf32, #tpu.memory_space<hbm>>
      %dma_start3A_250 = arith.constant 2048 : i32
      %dma_start3A_251 = tpu.memref_slice %arg18[%dma_start3A_250] : memref<3328xf32, #tpu.memory_space<vmem>> -> memref<1280xf32, #tpu.memory_space<vmem>>
      tpu.enqueue_dma source(%dma_start3A_251 : memref<1280xf32, #tpu.memory_space<vmem>>) target(%dma_start3A_249 : memref<1280xf32, #tpu.memory_space<hbm>>) target_semaphore(%arg19 : memref<!tpu.dma_semaphore, #tpu.memory_space<semaphore_mem>>)
      %dma_wait3A_252 = arith.constant 0 : i32
      %dma_wait3A_253 = tpu.memref_slice %arg17[%dma_wait3A_252] : memref<6656xi32, #tpu.memory_space<vmem>> -> memref<4096xi32, #tpu.memory_space<vmem>>
      %dma_wait3A_254 = arith.constant 20480 : i32
      %dma_wait3A_255 = tpu.memref_slice %arg13[%dma_wait3A_254] : memref<24576xi32, #tpu.memory_space<hbm>> -> memref<4096xi32, #tpu.memory_space<hbm>>
      %dma_wait3A_256 = arith.constant 20480 : i32
      %dma_wait3A_257 = tpu.memref_slice %arg13[%dma_wait3A_256] : memref<24576xi32, #tpu.memory_space<hbm>> -> memref<4096xi32, #tpu.memory_space<hbm>>
      %dma_wait3A_258 = arith.constant 0 : i32
      %dma_wait3A_259 = tpu.memref_slice %arg17[%dma_wait3A_258] : memref<6656xi32, #tpu.memory_space<vmem>> -> memref<4096xi32, #tpu.memory_space<vmem>>
      tpu.wait_dma2 semaphore(%arg19 : memref<!tpu.dma_semaphore, #tpu.memory_space<semaphore_mem>>) src(%dma_wait3A_259 : memref<4096xi32, #tpu.memory_space<vmem>>) dst(%dma_wait3A_257 : memref<4096xi32, #tpu.memory_space<hbm>>)
      %dma_wait3A_260 = arith.constant 4096 : i32
      %dma_wait3A_261 = tpu.memref_slice %arg17[%dma_wait3A_260] : memref<6656xi32, #tpu.memory_space<vmem>> -> memref<2560xi32, #tpu.memory_space<vmem>>
      %dma_wait3A_262 = arith.constant 0 : i32
      %dma_wait3A_263 = tpu.memref_slice %arg14[%dma_wait3A_262] : memref<24576xi32, #tpu.memory_space<hbm>> -> memref<2560xi32, #tpu.memory_space<hbm>>
      %dma_wait3A_264 = arith.constant 0 : i32
      %dma_wait3A_265 = tpu.memref_slice %arg14[%dma_wait3A_264] : memref<24576xi32, #tpu.memory_space<hbm>> -> memref<2560xi32, #tpu.memory_space<hbm>>
      %dma_wait3A_266 = arith.constant 4096 : i32
      %dma_wait3A_267 = tpu.memref_slice %arg17[%dma_wait3A_266] : memref<6656xi32, #tpu.memory_space<vmem>> -> memref<2560xi32, #tpu.memory_space<vmem>>
      tpu.wait_dma2 semaphore(%arg19 : memref<!tpu.dma_semaphore, #tpu.memory_space<semaphore_mem>>) src(%dma_wait3A_267 : memref<2560xi32, #tpu.memory_space<vmem>>) dst(%dma_wait3A_265 : memref<2560xi32, #tpu.memory_space<hbm>>)
      %dma_wait3A_268 = arith.constant 0 : i32
      %dma_wait3A_269 = tpu.memref_slice %arg18[%dma_wait3A_268] : memref<3328xf32, #tpu.memory_space<vmem>> -> memref<2048xf32, #tpu.memory_space<vmem>>
      %dma_wait3A_270 = arith.constant 22528 : i32
      %dma_wait3A_271 = tpu.memref_slice %arg12[%dma_wait3A_270] : memref<24576xf32, #tpu.memory_space<hbm>> -> memref<2048xf32, #tpu.memory_space<hbm>>
      %dma_wait3A_272 = arith.constant 22528 : i32
      %dma_wait3A_273 = tpu.memref_slice %arg12[%dma_wait3A_272] : memref<24576xf32, #tpu.memory_space<hbm>> -> memref<2048xf32, #tpu.memory_space<hbm>>
      %dma_wait3A_274 = arith.constant 0 : i32
      %dma_wait3A_275 = tpu.memref_slice %arg18[%dma_wait3A_274] : memref<3328xf32, #tpu.memory_space<vmem>> -> memref<2048xf32, #tpu.memory_space<vmem>>
      tpu.wait_dma2 semaphore(%arg19 : memref<!tpu.dma_semaphore, #tpu.memory_space<semaphore_mem>>) src(%dma_wait3A_275 : memref<2048xf32, #tpu.memory_space<vmem>>) dst(%dma_wait3A_273 : memref<2048xf32, #tpu.memory_space<hbm>>)
      %dma_wait3A_276 = arith.constant 2048 : i32
      %dma_wait3A_277 = tpu.memref_slice %arg18[%dma_wait3A_276] : memref<3328xf32, #tpu.memory_space<vmem>> -> memref<1280xf32, #tpu.memory_space<vmem>>
      %dma_wait3A_278 = arith.constant 0 : i32
      %dma_wait3A_279 = tpu.memref_slice %arg15[%dma_wait3A_278] : memref<24576xf32, #tpu.memory_space<hbm>> -> memref<1280xf32, #tpu.memory_space<hbm>>
      %dma_wait3A_280 = arith.constant 0 : i32
      %dma_wait3A_281 = tpu.memref_slice %arg15[%dma_wait3A_280] : memref<24576xf32, #tpu.memory_space<hbm>> -> memref<1280xf32, #tpu.memory_space<hbm>>
      %dma_wait3A_282 = arith.constant 2048 : i32
      %dma_wait3A_283 = tpu.memref_slice %arg18[%dma_wait3A_282] : memref<3328xf32, #tpu.memory_space<vmem>> -> memref<1280xf32, #tpu.memory_space<vmem>>
      tpu.wait_dma2 semaphore(%arg19 : memref<!tpu.dma_semaphore, #tpu.memory_space<semaphore_mem>>) src(%dma_wait3A_283 : memref<1280xf32, #tpu.memory_space<vmem>>) dst(%dma_wait3A_281 : memref<1280xf32, #tpu.memory_space<hbm>>)
    } else {
    }
    %eq3A_123 = arith.constant 25 : i32
    %eq3A_124 = arith.cmpi eq, %add3A, %eq3A_123 : i32
    %convert_element_type3A_125 = arith.extui %eq3A_124 : i1 to i32
    %cond3A_126 = arith.constant 0 : i32
    %cond3A_127 = arith.cmpi ne, %convert_element_type3A_125, %cond3A_126 : i32
    scf.if %cond3A_127 {
      %dma_start3A = arith.constant 0 : i32
      %dma_start3A_158 = tpu.memref_slice %arg17[%dma_start3A] : memref<6656xi32, #tpu.memory_space<vmem>> -> memref<6656xi32, #tpu.memory_space<vmem>>
      %dma_start3A_159 = arith.constant 84480 : i32
      %dma_start3A_160 = tpu.memref_slice %arg2[%dma_start3A_159] : memref<106496xi32, #tpu.memory_space<hbm>> -> memref<6656xi32, #tpu.memory_space<hbm>>
      %dma_start3A_161 = arith.constant 0 : i32
      %dma_start3A_162 = tpu.memref_slice %arg17[%dma_start3A_161] : memref<6656xi32, #tpu.memory_space<vmem>> -> memref<6656xi32, #tpu.memory_space<vmem>>
      %dma_start3A_163 = arith.constant 84480 : i32
      %dma_start3A_164 = tpu.memref_slice %arg2[%dma_start3A_163] : memref<106496xi32, #tpu.memory_space<hbm>> -> memref<6656xi32, #tpu.memory_space<hbm>>
      tpu.enqueue_dma source(%dma_start3A_164 : memref<6656xi32, #tpu.memory_space<hbm>>) target(%dma_start3A_162 : memref<6656xi32, #tpu.memory_space<vmem>>) target_semaphore(%arg19 : memref<!tpu.dma_semaphore, #tpu.memory_space<semaphore_mem>>)
      %dma_start3A_165 = arith.constant 0 : i32
      %dma_start3A_166 = tpu.memref_slice %arg18[%dma_start3A_165] : memref<3328xf32, #tpu.memory_space<vmem>> -> memref<3328xf32, #tpu.memory_space<vmem>>
      %dma_start3A_167 = arith.constant 83200 : i32
      %dma_start3A_168 = tpu.memref_slice %arg3[%dma_start3A_167] : memref<106496xf32, #tpu.memory_space<hbm>> -> memref<3328xf32, #tpu.memory_space<hbm>>
      %dma_start3A_169 = arith.constant 0 : i32
      %dma_start3A_170 = tpu.memref_slice %arg18[%dma_start3A_169] : memref<3328xf32, #tpu.memory_space<vmem>> -> memref<3328xf32, #tpu.memory_space<vmem>>
      %dma_start3A_171 = arith.constant 83200 : i32
      %dma_start3A_172 = tpu.memref_slice %arg3[%dma_start3A_171] : memref<106496xf32, #tpu.memory_space<hbm>> -> memref<3328xf32, #tpu.memory_space<hbm>>
      tpu.enqueue_dma source(%dma_start3A_172 : memref<3328xf32, #tpu.memory_space<hbm>>) target(%dma_start3A_170 : memref<3328xf32, #tpu.memory_space<vmem>>) target_semaphore(%arg19 : memref<!tpu.dma_semaphore, #tpu.memory_space<semaphore_mem>>)
      %dma_wait3A = arith.constant 0 : i32
      %dma_wait3A_173 = tpu.memref_slice %arg17[%dma_wait3A] : memref<6656xi32, #tpu.memory_space<vmem>> -> memref<6656xi32, #tpu.memory_space<vmem>>
      %dma_wait3A_174 = arith.constant 84480 : i32
      %dma_wait3A_175 = tpu.memref_slice %arg2[%dma_wait3A_174] : memref<106496xi32, #tpu.memory_space<hbm>> -> memref<6656xi32, #tpu.memory_space<hbm>>
      %dma_wait3A_176 = arith.constant 0 : i32
      %dma_wait3A_177 = tpu.memref_slice %arg17[%dma_wait3A_176] : memref<6656xi32, #tpu.memory_space<vmem>> -> memref<6656xi32, #tpu.memory_space<vmem>>
      %dma_wait3A_178 = arith.constant 84480 : i32
      %dma_wait3A_179 = tpu.memref_slice %arg2[%dma_wait3A_178] : memref<106496xi32, #tpu.memory_space<hbm>> -> memref<6656xi32, #tpu.memory_space<hbm>>
      tpu.wait_dma2 semaphore(%arg19 : memref<!tpu.dma_semaphore, #tpu.memory_space<semaphore_mem>>) src(%dma_wait3A_179 : memref<6656xi32, #tpu.memory_space<hbm>>) dst(%dma_wait3A_177 : memref<6656xi32, #tpu.memory_space<vmem>>)
      %dma_wait3A_180 = arith.constant 0 : i32
      %dma_wait3A_181 = tpu.memref_slice %arg18[%dma_wait3A_180] : memref<3328xf32, #tpu.memory_space<vmem>> -> memref<3328xf32, #tpu.memory_space<vmem>>
      %dma_wait3A_182 = arith.constant 83200 : i32
      %dma_wait3A_183 = tpu.memref_slice %arg3[%dma_wait3A_182] : memref<106496xf32, #tpu.memory_space<hbm>> -> memref<3328xf32, #tpu.memory_space<hbm>>
      %dma_wait3A_184 = arith.constant 0 : i32
      %dma_wait3A_185 = tpu.memref_slice %arg18[%dma_wait3A_184] : memref<3328xf32, #tpu.memory_space<vmem>> -> memref<3328xf32, #tpu.memory_space<vmem>>
      %dma_wait3A_186 = arith.constant 83200 : i32
      %dma_wait3A_187 = tpu.memref_slice %arg3[%dma_wait3A_186] : memref<106496xf32, #tpu.memory_space<hbm>> -> memref<3328xf32, #tpu.memory_space<hbm>>
      tpu.wait_dma2 semaphore(%arg19 : memref<!tpu.dma_semaphore, #tpu.memory_space<semaphore_mem>>) src(%dma_wait3A_187 : memref<3328xf32, #tpu.memory_space<hbm>>) dst(%dma_wait3A_185 : memref<3328xf32, #tpu.memory_space<vmem>>)
      %dma_start3A_188 = arith.constant 0 : i32
      %dma_start3A_189 = tpu.memref_slice %arg17[%dma_start3A_188] : memref<6656xi32, #tpu.memory_space<vmem>> -> memref<6656xi32, #tpu.memory_space<vmem>>
      %dma_start3A_190 = arith.constant 2560 : i32
      %dma_start3A_191 = tpu.memref_slice %arg14[%dma_start3A_190] : memref<24576xi32, #tpu.memory_space<hbm>> -> memref<6656xi32, #tpu.memory_space<hbm>>
      %dma_start3A_192 = arith.constant 2560 : i32
      %dma_start3A_193 = tpu.memref_slice %arg14[%dma_start3A_192] : memref<24576xi32, #tpu.memory_space<hbm>> -> memref<6656xi32, #tpu.memory_space<hbm>>
      %dma_start3A_194 = arith.constant 0 : i32
      %dma_start3A_195 = tpu.memref_slice %arg17[%dma_start3A_194] : memref<6656xi32, #tpu.memory_space<vmem>> -> memref<6656xi32, #tpu.memory_space<vmem>>
      tpu.enqueue_dma source(%dma_start3A_195 : memref<6656xi32, #tpu.memory_space<vmem>>) target(%dma_start3A_193 : memref<6656xi32, #tpu.memory_space<hbm>>) target_semaphore(%arg19 : memref<!tpu.dma_semaphore, #tpu.memory_space<semaphore_mem>>)
      %dma_start3A_196 = arith.constant 0 : i32
      %dma_start3A_197 = tpu.memref_slice %arg18[%dma_start3A_196] : memref<3328xf32, #tpu.memory_space<vmem>> -> memref<3328xf32, #tpu.memory_space<vmem>>
      %dma_start3A_198 = arith.constant 1280 : i32
      %dma_start3A_199 = tpu.memref_slice %arg15[%dma_start3A_198] : memref<24576xf32, #tpu.memory_space<hbm>> -> memref<3328xf32, #tpu.memory_space<hbm>>
      %dma_start3A_200 = arith.constant 1280 : i32
      %dma_start3A_201 = tpu.memref_slice %arg15[%dma_start3A_200] : memref<24576xf32, #tpu.memory_space<hbm>> -> memref<3328xf32, #tpu.memory_space<hbm>>
      %dma_start3A_202 = arith.constant 0 : i32
      %dma_start3A_203 = tpu.memref_slice %arg18[%dma_start3A_202] : memref<3328xf32, #tpu.memory_space<vmem>> -> memref<3328xf32, #tpu.memory_space<vmem>>
      tpu.enqueue_dma source(%dma_start3A_203 : memref<3328xf32, #tpu.memory_space<vmem>>) target(%dma_start3A_201 : memref<3328xf32, #tpu.memory_space<hbm>>) target_semaphore(%arg19 : memref<!tpu.dma_semaphore, #tpu.memory_space<semaphore_mem>>)
      %dma_wait3A_204 = arith.constant 0 : i32
      %dma_wait3A_205 = tpu.memref_slice %arg17[%dma_wait3A_204] : memref<6656xi32, #tpu.memory_space<vmem>> -> memref<6656xi32, #tpu.memory_space<vmem>>
      %dma_wait3A_206 = arith.constant 2560 : i32
      %dma_wait3A_207 = tpu.memref_slice %arg14[%dma_wait3A_206] : memref<24576xi32, #tpu.memory_space<hbm>> -> memref<6656xi32, #tpu.memory_space<hbm>>
      %dma_wait3A_208 = arith.constant 2560 : i32
      %dma_wait3A_209 = tpu.memref_slice %arg14[%dma_wait3A_208] : memref<24576xi32, #tpu.memory_space<hbm>> -> memref<6656xi32, #tpu.memory_space<hbm>>
      %dma_wait3A_210 = arith.constant 0 : i32
      %dma_wait3A_211 = tpu.memref_slice %arg17[%dma_wait3A_210] : memref<6656xi32, #tpu.memory_space<vmem>> -> memref<6656xi32, #tpu.memory_space<vmem>>
      tpu.wait_dma2 semaphore(%arg19 : memref<!tpu.dma_semaphore, #tpu.memory_space<semaphore_mem>>) src(%dma_wait3A_211 : memref<6656xi32, #tpu.memory_space<vmem>>) dst(%dma_wait3A_209 : memref<6656xi32, #tpu.memory_space<hbm>>)
      %dma_wait3A_212 = arith.constant 0 : i32
      %dma_wait3A_213 = tpu.memref_slice %arg18[%dma_wait3A_212] : memref<3328xf32, #tpu.memory_space<vmem>> -> memref<3328xf32, #tpu.memory_space<vmem>>
      %dma_wait3A_214 = arith.constant 1280 : i32
      %dma_wait3A_215 = tpu.memref_slice %arg15[%dma_wait3A_214] : memref<24576xf32, #tpu.memory_space<hbm>> -> memref<3328xf32, #tpu.memory_space<hbm>>
      %dma_wait3A_216 = arith.constant 1280 : i32
      %dma_wait3A_217 = tpu.memref_slice %arg15[%dma_wait3A_216] : memref<24576xf32, #tpu.memory_space<hbm>> -> memref<3328xf32, #tpu.memory_space<hbm>>
      %dma_wait3A_218 = arith.constant 0 : i32
      %dma_wait3A_219 = tpu.memref_slice %arg18[%dma_wait3A_218] : memref<3328xf32, #tpu.memory_space<vmem>> -> memref<3328xf32, #tpu.memory_space<vmem>>
      tpu.wait_dma2 semaphore(%arg19 : memref<!tpu.dma_semaphore, #tpu.memory_space<semaphore_mem>>) src(%dma_wait3A_219 : memref<3328xf32, #tpu.memory_space<vmem>>) dst(%dma_wait3A_217 : memref<3328xf32, #tpu.memory_space<hbm>>)
    } else {
    }
    %eq3A_128 = arith.constant 26 : i32
    %eq3A_129 = arith.cmpi eq, %add3A, %eq3A_128 : i32
    %convert_element_type3A_130 = arith.extui %eq3A_129 : i1 to i32
    %cond3A_131 = arith.constant 0 : i32
    %cond3A_132 = arith.cmpi ne, %convert_element_type3A_130, %cond3A_131 : i32
    scf.if %cond3A_132 {
      %dma_start3A = arith.constant 0 : i32
      %dma_start3A_158 = tpu.memref_slice %arg17[%dma_start3A] : memref<6656xi32, #tpu.memory_space<vmem>> -> memref<6656xi32, #tpu.memory_space<vmem>>
      %dma_start3A_159 = arith.constant 91136 : i32
      %dma_start3A_160 = tpu.memref_slice %arg2[%dma_start3A_159] : memref<106496xi32, #tpu.memory_space<hbm>> -> memref<6656xi32, #tpu.memory_space<hbm>>
      %dma_start3A_161 = arith.constant 0 : i32
      %dma_start3A_162 = tpu.memref_slice %arg17[%dma_start3A_161] : memref<6656xi32, #tpu.memory_space<vmem>> -> memref<6656xi32, #tpu.memory_space<vmem>>
      %dma_start3A_163 = arith.constant 91136 : i32
      %dma_start3A_164 = tpu.memref_slice %arg2[%dma_start3A_163] : memref<106496xi32, #tpu.memory_space<hbm>> -> memref<6656xi32, #tpu.memory_space<hbm>>
      tpu.enqueue_dma source(%dma_start3A_164 : memref<6656xi32, #tpu.memory_space<hbm>>) target(%dma_start3A_162 : memref<6656xi32, #tpu.memory_space<vmem>>) target_semaphore(%arg19 : memref<!tpu.dma_semaphore, #tpu.memory_space<semaphore_mem>>)
      %dma_start3A_165 = arith.constant 0 : i32
      %dma_start3A_166 = tpu.memref_slice %arg18[%dma_start3A_165] : memref<3328xf32, #tpu.memory_space<vmem>> -> memref<3328xf32, #tpu.memory_space<vmem>>
      %dma_start3A_167 = arith.constant 86528 : i32
      %dma_start3A_168 = tpu.memref_slice %arg3[%dma_start3A_167] : memref<106496xf32, #tpu.memory_space<hbm>> -> memref<3328xf32, #tpu.memory_space<hbm>>
      %dma_start3A_169 = arith.constant 0 : i32
      %dma_start3A_170 = tpu.memref_slice %arg18[%dma_start3A_169] : memref<3328xf32, #tpu.memory_space<vmem>> -> memref<3328xf32, #tpu.memory_space<vmem>>
      %dma_start3A_171 = arith.constant 86528 : i32
      %dma_start3A_172 = tpu.memref_slice %arg3[%dma_start3A_171] : memref<106496xf32, #tpu.memory_space<hbm>> -> memref<3328xf32, #tpu.memory_space<hbm>>
      tpu.enqueue_dma source(%dma_start3A_172 : memref<3328xf32, #tpu.memory_space<hbm>>) target(%dma_start3A_170 : memref<3328xf32, #tpu.memory_space<vmem>>) target_semaphore(%arg19 : memref<!tpu.dma_semaphore, #tpu.memory_space<semaphore_mem>>)
      %dma_wait3A = arith.constant 0 : i32
      %dma_wait3A_173 = tpu.memref_slice %arg17[%dma_wait3A] : memref<6656xi32, #tpu.memory_space<vmem>> -> memref<6656xi32, #tpu.memory_space<vmem>>
      %dma_wait3A_174 = arith.constant 91136 : i32
      %dma_wait3A_175 = tpu.memref_slice %arg2[%dma_wait3A_174] : memref<106496xi32, #tpu.memory_space<hbm>> -> memref<6656xi32, #tpu.memory_space<hbm>>
      %dma_wait3A_176 = arith.constant 0 : i32
      %dma_wait3A_177 = tpu.memref_slice %arg17[%dma_wait3A_176] : memref<6656xi32, #tpu.memory_space<vmem>> -> memref<6656xi32, #tpu.memory_space<vmem>>
      %dma_wait3A_178 = arith.constant 91136 : i32
      %dma_wait3A_179 = tpu.memref_slice %arg2[%dma_wait3A_178] : memref<106496xi32, #tpu.memory_space<hbm>> -> memref<6656xi32, #tpu.memory_space<hbm>>
      tpu.wait_dma2 semaphore(%arg19 : memref<!tpu.dma_semaphore, #tpu.memory_space<semaphore_mem>>) src(%dma_wait3A_179 : memref<6656xi32, #tpu.memory_space<hbm>>) dst(%dma_wait3A_177 : memref<6656xi32, #tpu.memory_space<vmem>>)
      %dma_wait3A_180 = arith.constant 0 : i32
      %dma_wait3A_181 = tpu.memref_slice %arg18[%dma_wait3A_180] : memref<3328xf32, #tpu.memory_space<vmem>> -> memref<3328xf32, #tpu.memory_space<vmem>>
      %dma_wait3A_182 = arith.constant 86528 : i32
      %dma_wait3A_183 = tpu.memref_slice %arg3[%dma_wait3A_182] : memref<106496xf32, #tpu.memory_space<hbm>> -> memref<3328xf32, #tpu.memory_space<hbm>>
      %dma_wait3A_184 = arith.constant 0 : i32
      %dma_wait3A_185 = tpu.memref_slice %arg18[%dma_wait3A_184] : memref<3328xf32, #tpu.memory_space<vmem>> -> memref<3328xf32, #tpu.memory_space<vmem>>
      %dma_wait3A_186 = arith.constant 86528 : i32
      %dma_wait3A_187 = tpu.memref_slice %arg3[%dma_wait3A_186] : memref<106496xf32, #tpu.memory_space<hbm>> -> memref<3328xf32, #tpu.memory_space<hbm>>
      tpu.wait_dma2 semaphore(%arg19 : memref<!tpu.dma_semaphore, #tpu.memory_space<semaphore_mem>>) src(%dma_wait3A_187 : memref<3328xf32, #tpu.memory_space<hbm>>) dst(%dma_wait3A_185 : memref<3328xf32, #tpu.memory_space<vmem>>)
      %dma_start3A_188 = arith.constant 0 : i32
      %dma_start3A_189 = tpu.memref_slice %arg17[%dma_start3A_188] : memref<6656xi32, #tpu.memory_space<vmem>> -> memref<6656xi32, #tpu.memory_space<vmem>>
      %dma_start3A_190 = arith.constant 9216 : i32
      %dma_start3A_191 = tpu.memref_slice %arg14[%dma_start3A_190] : memref<24576xi32, #tpu.memory_space<hbm>> -> memref<6656xi32, #tpu.memory_space<hbm>>
      %dma_start3A_192 = arith.constant 9216 : i32
      %dma_start3A_193 = tpu.memref_slice %arg14[%dma_start3A_192] : memref<24576xi32, #tpu.memory_space<hbm>> -> memref<6656xi32, #tpu.memory_space<hbm>>
      %dma_start3A_194 = arith.constant 0 : i32
      %dma_start3A_195 = tpu.memref_slice %arg17[%dma_start3A_194] : memref<6656xi32, #tpu.memory_space<vmem>> -> memref<6656xi32, #tpu.memory_space<vmem>>
      tpu.enqueue_dma source(%dma_start3A_195 : memref<6656xi32, #tpu.memory_space<vmem>>) target(%dma_start3A_193 : memref<6656xi32, #tpu.memory_space<hbm>>) target_semaphore(%arg19 : memref<!tpu.dma_semaphore, #tpu.memory_space<semaphore_mem>>)
      %dma_start3A_196 = arith.constant 0 : i32
      %dma_start3A_197 = tpu.memref_slice %arg18[%dma_start3A_196] : memref<3328xf32, #tpu.memory_space<vmem>> -> memref<3328xf32, #tpu.memory_space<vmem>>
      %dma_start3A_198 = arith.constant 4608 : i32
      %dma_start3A_199 = tpu.memref_slice %arg15[%dma_start3A_198] : memref<24576xf32, #tpu.memory_space<hbm>> -> memref<3328xf32, #tpu.memory_space<hbm>>
      %dma_start3A_200 = arith.constant 4608 : i32
      %dma_start3A_201 = tpu.memref_slice %arg15[%dma_start3A_200] : memref<24576xf32, #tpu.memory_space<hbm>> -> memref<3328xf32, #tpu.memory_space<hbm>>
      %dma_start3A_202 = arith.constant 0 : i32
      %dma_start3A_203 = tpu.memref_slice %arg18[%dma_start3A_202] : memref<3328xf32, #tpu.memory_space<vmem>> -> memref<3328xf32, #tpu.memory_space<vmem>>
      tpu.enqueue_dma source(%dma_start3A_203 : memref<3328xf32, #tpu.memory_space<vmem>>) target(%dma_start3A_201 : memref<3328xf32, #tpu.memory_space<hbm>>) target_semaphore(%arg19 : memref<!tpu.dma_semaphore, #tpu.memory_space<semaphore_mem>>)
      %dma_wait3A_204 = arith.constant 0 : i32
      %dma_wait3A_205 = tpu.memref_slice %arg17[%dma_wait3A_204] : memref<6656xi32, #tpu.memory_space<vmem>> -> memref<6656xi32, #tpu.memory_space<vmem>>
      %dma_wait3A_206 = arith.constant 9216 : i32
      %dma_wait3A_207 = tpu.memref_slice %arg14[%dma_wait3A_206] : memref<24576xi32, #tpu.memory_space<hbm>> -> memref<6656xi32, #tpu.memory_space<hbm>>
      %dma_wait3A_208 = arith.constant 9216 : i32
      %dma_wait3A_209 = tpu.memref_slice %arg14[%dma_wait3A_208] : memref<24576xi32, #tpu.memory_space<hbm>> -> memref<6656xi32, #tpu.memory_space<hbm>>
      %dma_wait3A_210 = arith.constant 0 : i32
      %dma_wait3A_211 = tpu.memref_slice %arg17[%dma_wait3A_210] : memref<6656xi32, #tpu.memory_space<vmem>> -> memref<6656xi32, #tpu.memory_space<vmem>>
      tpu.wait_dma2 semaphore(%arg19 : memref<!tpu.dma_semaphore, #tpu.memory_space<semaphore_mem>>) src(%dma_wait3A_211 : memref<6656xi32, #tpu.memory_space<vmem>>) dst(%dma_wait3A_209 : memref<6656xi32, #tpu.memory_space<hbm>>)
      %dma_wait3A_212 = arith.constant 0 : i32
      %dma_wait3A_213 = tpu.memref_slice %arg18[%dma_wait3A_212] : memref<3328xf32, #tpu.memory_space<vmem>> -> memref<3328xf32, #tpu.memory_space<vmem>>
      %dma_wait3A_214 = arith.constant 4608 : i32
      %dma_wait3A_215 = tpu.memref_slice %arg15[%dma_wait3A_214] : memref<24576xf32, #tpu.memory_space<hbm>> -> memref<3328xf32, #tpu.memory_space<hbm>>
      %dma_wait3A_216 = arith.constant 4608 : i32
      %dma_wait3A_217 = tpu.memref_slice %arg15[%dma_wait3A_216] : memref<24576xf32, #tpu.memory_space<hbm>> -> memref<3328xf32, #tpu.memory_space<hbm>>
      %dma_wait3A_218 = arith.constant 0 : i32
      %dma_wait3A_219 = tpu.memref_slice %arg18[%dma_wait3A_218] : memref<3328xf32, #tpu.memory_space<vmem>> -> memref<3328xf32, #tpu.memory_space<vmem>>
      tpu.wait_dma2 semaphore(%arg19 : memref<!tpu.dma_semaphore, #tpu.memory_space<semaphore_mem>>) src(%dma_wait3A_219 : memref<3328xf32, #tpu.memory_space<vmem>>) dst(%dma_wait3A_217 : memref<3328xf32, #tpu.memory_space<hbm>>)
    } else {
    }
    %eq3A_133 = arith.constant 27 : i32
    %eq3A_134 = arith.cmpi eq, %add3A, %eq3A_133 : i32
    %convert_element_type3A_135 = arith.extui %eq3A_134 : i1 to i32
    %cond3A_136 = arith.constant 0 : i32
    %cond3A_137 = arith.cmpi ne, %convert_element_type3A_135, %cond3A_136 : i32
    scf.if %cond3A_137 {
      %dma_start3A = arith.constant 0 : i32
      %dma_start3A_158 = tpu.memref_slice %arg17[%dma_start3A] : memref<6656xi32, #tpu.memory_space<vmem>> -> memref<6656xi32, #tpu.memory_space<vmem>>
      %dma_start3A_159 = arith.constant 97792 : i32
      %dma_start3A_160 = tpu.memref_slice %arg2[%dma_start3A_159] : memref<106496xi32, #tpu.memory_space<hbm>> -> memref<6656xi32, #tpu.memory_space<hbm>>
      %dma_start3A_161 = arith.constant 0 : i32
      %dma_start3A_162 = tpu.memref_slice %arg17[%dma_start3A_161] : memref<6656xi32, #tpu.memory_space<vmem>> -> memref<6656xi32, #tpu.memory_space<vmem>>
      %dma_start3A_163 = arith.constant 97792 : i32
      %dma_start3A_164 = tpu.memref_slice %arg2[%dma_start3A_163] : memref<106496xi32, #tpu.memory_space<hbm>> -> memref<6656xi32, #tpu.memory_space<hbm>>
      tpu.enqueue_dma source(%dma_start3A_164 : memref<6656xi32, #tpu.memory_space<hbm>>) target(%dma_start3A_162 : memref<6656xi32, #tpu.memory_space<vmem>>) target_semaphore(%arg19 : memref<!tpu.dma_semaphore, #tpu.memory_space<semaphore_mem>>)
      %dma_start3A_165 = arith.constant 0 : i32
      %dma_start3A_166 = tpu.memref_slice %arg18[%dma_start3A_165] : memref<3328xf32, #tpu.memory_space<vmem>> -> memref<3328xf32, #tpu.memory_space<vmem>>
      %dma_start3A_167 = arith.constant 89856 : i32
      %dma_start3A_168 = tpu.memref_slice %arg3[%dma_start3A_167] : memref<106496xf32, #tpu.memory_space<hbm>> -> memref<3328xf32, #tpu.memory_space<hbm>>
      %dma_start3A_169 = arith.constant 0 : i32
      %dma_start3A_170 = tpu.memref_slice %arg18[%dma_start3A_169] : memref<3328xf32, #tpu.memory_space<vmem>> -> memref<3328xf32, #tpu.memory_space<vmem>>
      %dma_start3A_171 = arith.constant 89856 : i32
      %dma_start3A_172 = tpu.memref_slice %arg3[%dma_start3A_171] : memref<106496xf32, #tpu.memory_space<hbm>> -> memref<3328xf32, #tpu.memory_space<hbm>>
      tpu.enqueue_dma source(%dma_start3A_172 : memref<3328xf32, #tpu.memory_space<hbm>>) target(%dma_start3A_170 : memref<3328xf32, #tpu.memory_space<vmem>>) target_semaphore(%arg19 : memref<!tpu.dma_semaphore, #tpu.memory_space<semaphore_mem>>)
      %dma_wait3A = arith.constant 0 : i32
      %dma_wait3A_173 = tpu.memref_slice %arg17[%dma_wait3A] : memref<6656xi32, #tpu.memory_space<vmem>> -> memref<6656xi32, #tpu.memory_space<vmem>>
      %dma_wait3A_174 = arith.constant 97792 : i32
      %dma_wait3A_175 = tpu.memref_slice %arg2[%dma_wait3A_174] : memref<106496xi32, #tpu.memory_space<hbm>> -> memref<6656xi32, #tpu.memory_space<hbm>>
      %dma_wait3A_176 = arith.constant 0 : i32
      %dma_wait3A_177 = tpu.memref_slice %arg17[%dma_wait3A_176] : memref<6656xi32, #tpu.memory_space<vmem>> -> memref<6656xi32, #tpu.memory_space<vmem>>
      %dma_wait3A_178 = arith.constant 97792 : i32
      %dma_wait3A_179 = tpu.memref_slice %arg2[%dma_wait3A_178] : memref<106496xi32, #tpu.memory_space<hbm>> -> memref<6656xi32, #tpu.memory_space<hbm>>
      tpu.wait_dma2 semaphore(%arg19 : memref<!tpu.dma_semaphore, #tpu.memory_space<semaphore_mem>>) src(%dma_wait3A_179 : memref<6656xi32, #tpu.memory_space<hbm>>) dst(%dma_wait3A_177 : memref<6656xi32, #tpu.memory_space<vmem>>)
      %dma_wait3A_180 = arith.constant 0 : i32
      %dma_wait3A_181 = tpu.memref_slice %arg18[%dma_wait3A_180] : memref<3328xf32, #tpu.memory_space<vmem>> -> memref<3328xf32, #tpu.memory_space<vmem>>
      %dma_wait3A_182 = arith.constant 89856 : i32
      %dma_wait3A_183 = tpu.memref_slice %arg3[%dma_wait3A_182] : memref<106496xf32, #tpu.memory_space<hbm>> -> memref<3328xf32, #tpu.memory_space<hbm>>
      %dma_wait3A_184 = arith.constant 0 : i32
      %dma_wait3A_185 = tpu.memref_slice %arg18[%dma_wait3A_184] : memref<3328xf32, #tpu.memory_space<vmem>> -> memref<3328xf32, #tpu.memory_space<vmem>>
      %dma_wait3A_186 = arith.constant 89856 : i32
      %dma_wait3A_187 = tpu.memref_slice %arg3[%dma_wait3A_186] : memref<106496xf32, #tpu.memory_space<hbm>> -> memref<3328xf32, #tpu.memory_space<hbm>>
      tpu.wait_dma2 semaphore(%arg19 : memref<!tpu.dma_semaphore, #tpu.memory_space<semaphore_mem>>) src(%dma_wait3A_187 : memref<3328xf32, #tpu.memory_space<hbm>>) dst(%dma_wait3A_185 : memref<3328xf32, #tpu.memory_space<vmem>>)
      %dma_start3A_188 = arith.constant 0 : i32
      %dma_start3A_189 = tpu.memref_slice %arg17[%dma_start3A_188] : memref<6656xi32, #tpu.memory_space<vmem>> -> memref<6656xi32, #tpu.memory_space<vmem>>
      %dma_start3A_190 = arith.constant 15872 : i32
      %dma_start3A_191 = tpu.memref_slice %arg14[%dma_start3A_190] : memref<24576xi32, #tpu.memory_space<hbm>> -> memref<6656xi32, #tpu.memory_space<hbm>>
      %dma_start3A_192 = arith.constant 15872 : i32
      %dma_start3A_193 = tpu.memref_slice %arg14[%dma_start3A_192] : memref<24576xi32, #tpu.memory_space<hbm>> -> memref<6656xi32, #tpu.memory_space<hbm>>
      %dma_start3A_194 = arith.constant 0 : i32
      %dma_start3A_195 = tpu.memref_slice %arg17[%dma_start3A_194] : memref<6656xi32, #tpu.memory_space<vmem>> -> memref<6656xi32, #tpu.memory_space<vmem>>
      tpu.enqueue_dma source(%dma_start3A_195 : memref<6656xi32, #tpu.memory_space<vmem>>) target(%dma_start3A_193 : memref<6656xi32, #tpu.memory_space<hbm>>) target_semaphore(%arg19 : memref<!tpu.dma_semaphore, #tpu.memory_space<semaphore_mem>>)
      %dma_start3A_196 = arith.constant 0 : i32
      %dma_start3A_197 = tpu.memref_slice %arg18[%dma_start3A_196] : memref<3328xf32, #tpu.memory_space<vmem>> -> memref<3328xf32, #tpu.memory_space<vmem>>
      %dma_start3A_198 = arith.constant 7936 : i32
      %dma_start3A_199 = tpu.memref_slice %arg15[%dma_start3A_198] : memref<24576xf32, #tpu.memory_space<hbm>> -> memref<3328xf32, #tpu.memory_space<hbm>>
      %dma_start3A_200 = arith.constant 7936 : i32
      %dma_start3A_201 = tpu.memref_slice %arg15[%dma_start3A_200] : memref<24576xf32, #tpu.memory_space<hbm>> -> memref<3328xf32, #tpu.memory_space<hbm>>
      %dma_start3A_202 = arith.constant 0 : i32
      %dma_start3A_203 = tpu.memref_slice %arg18[%dma_start3A_202] : memref<3328xf32, #tpu.memory_space<vmem>> -> memref<3328xf32, #tpu.memory_space<vmem>>
      tpu.enqueue_dma source(%dma_start3A_203 : memref<3328xf32, #tpu.memory_space<vmem>>) target(%dma_start3A_201 : memref<3328xf32, #tpu.memory_space<hbm>>) target_semaphore(%arg19 : memref<!tpu.dma_semaphore, #tpu.memory_space<semaphore_mem>>)
      %dma_wait3A_204 = arith.constant 0 : i32
      %dma_wait3A_205 = tpu.memref_slice %arg17[%dma_wait3A_204] : memref<6656xi32, #tpu.memory_space<vmem>> -> memref<6656xi32, #tpu.memory_space<vmem>>
      %dma_wait3A_206 = arith.constant 15872 : i32
      %dma_wait3A_207 = tpu.memref_slice %arg14[%dma_wait3A_206] : memref<24576xi32, #tpu.memory_space<hbm>> -> memref<6656xi32, #tpu.memory_space<hbm>>
      %dma_wait3A_208 = arith.constant 15872 : i32
      %dma_wait3A_209 = tpu.memref_slice %arg14[%dma_wait3A_208] : memref<24576xi32, #tpu.memory_space<hbm>> -> memref<6656xi32, #tpu.memory_space<hbm>>
      %dma_wait3A_210 = arith.constant 0 : i32
      %dma_wait3A_211 = tpu.memref_slice %arg17[%dma_wait3A_210] : memref<6656xi32, #tpu.memory_space<vmem>> -> memref<6656xi32, #tpu.memory_space<vmem>>
      tpu.wait_dma2 semaphore(%arg19 : memref<!tpu.dma_semaphore, #tpu.memory_space<semaphore_mem>>) src(%dma_wait3A_211 : memref<6656xi32, #tpu.memory_space<vmem>>) dst(%dma_wait3A_209 : memref<6656xi32, #tpu.memory_space<hbm>>)
      %dma_wait3A_212 = arith.constant 0 : i32
      %dma_wait3A_213 = tpu.memref_slice %arg18[%dma_wait3A_212] : memref<3328xf32, #tpu.memory_space<vmem>> -> memref<3328xf32, #tpu.memory_space<vmem>>
      %dma_wait3A_214 = arith.constant 7936 : i32
      %dma_wait3A_215 = tpu.memref_slice %arg15[%dma_wait3A_214] : memref<24576xf32, #tpu.memory_space<hbm>> -> memref<3328xf32, #tpu.memory_space<hbm>>
      %dma_wait3A_216 = arith.constant 7936 : i32
      %dma_wait3A_217 = tpu.memref_slice %arg15[%dma_wait3A_216] : memref<24576xf32, #tpu.memory_space<hbm>> -> memref<3328xf32, #tpu.memory_space<hbm>>
      %dma_wait3A_218 = arith.constant 0 : i32
      %dma_wait3A_219 = tpu.memref_slice %arg18[%dma_wait3A_218] : memref<3328xf32, #tpu.memory_space<vmem>> -> memref<3328xf32, #tpu.memory_space<vmem>>
      tpu.wait_dma2 semaphore(%arg19 : memref<!tpu.dma_semaphore, #tpu.memory_space<semaphore_mem>>) src(%dma_wait3A_219 : memref<3328xf32, #tpu.memory_space<vmem>>) dst(%dma_wait3A_217 : memref<3328xf32, #tpu.memory_space<hbm>>)
    } else {
    }
    %eq3A_138 = arith.constant 28 : i32
    %eq3A_139 = arith.cmpi eq, %add3A, %eq3A_138 : i32
    %convert_element_type3A_140 = arith.extui %eq3A_139 : i1 to i32
    %cond3A_141 = arith.constant 0 : i32
    %cond3A_142 = arith.cmpi ne, %convert_element_type3A_140, %cond3A_141 : i32
    scf.if %cond3A_142 {
      %dma_start3A = arith.constant 0 : i32
      %dma_start3A_158 = tpu.memref_slice %arg17[%dma_start3A] : memref<6656xi32, #tpu.memory_space<vmem>> -> memref<2048xi32, #tpu.memory_space<vmem>>
      %dma_start3A_159 = arith.constant 104448 : i32
      %dma_start3A_160 = tpu.memref_slice %arg2[%dma_start3A_159] : memref<106496xi32, #tpu.memory_space<hbm>> -> memref<2048xi32, #tpu.memory_space<hbm>>
      %dma_start3A_161 = arith.constant 0 : i32
      %dma_start3A_162 = tpu.memref_slice %arg17[%dma_start3A_161] : memref<6656xi32, #tpu.memory_space<vmem>> -> memref<2048xi32, #tpu.memory_space<vmem>>
      %dma_start3A_163 = arith.constant 104448 : i32
      %dma_start3A_164 = tpu.memref_slice %arg2[%dma_start3A_163] : memref<106496xi32, #tpu.memory_space<hbm>> -> memref<2048xi32, #tpu.memory_space<hbm>>
      tpu.enqueue_dma source(%dma_start3A_164 : memref<2048xi32, #tpu.memory_space<hbm>>) target(%dma_start3A_162 : memref<2048xi32, #tpu.memory_space<vmem>>) target_semaphore(%arg19 : memref<!tpu.dma_semaphore, #tpu.memory_space<semaphore_mem>>)
      %dma_start3A_165 = arith.constant 2048 : i32
      %dma_start3A_166 = tpu.memref_slice %arg17[%dma_start3A_165] : memref<6656xi32, #tpu.memory_space<vmem>> -> memref<4608xi32, #tpu.memory_space<vmem>>
      %dma_start3A_167 = arith.constant 81920 : i32
      %dma_start3A_168 = tpu.memref_slice %arg4[%dma_start3A_167] : memref<106496xi32, #tpu.memory_space<hbm>> -> memref<4608xi32, #tpu.memory_space<hbm>>
      %dma_start3A_169 = arith.constant 2048 : i32
      %dma_start3A_170 = tpu.memref_slice %arg17[%dma_start3A_169] : memref<6656xi32, #tpu.memory_space<vmem>> -> memref<4608xi32, #tpu.memory_space<vmem>>
      %dma_start3A_171 = arith.constant 81920 : i32
      %dma_start3A_172 = tpu.memref_slice %arg4[%dma_start3A_171] : memref<106496xi32, #tpu.memory_space<hbm>> -> memref<4608xi32, #tpu.memory_space<hbm>>
      tpu.enqueue_dma source(%dma_start3A_172 : memref<4608xi32, #tpu.memory_space<hbm>>) target(%dma_start3A_170 : memref<4608xi32, #tpu.memory_space<vmem>>) target_semaphore(%arg19 : memref<!tpu.dma_semaphore, #tpu.memory_space<semaphore_mem>>)
      %dma_start3A_173 = arith.constant 0 : i32
      %dma_start3A_174 = tpu.memref_slice %arg18[%dma_start3A_173] : memref<3328xf32, #tpu.memory_space<vmem>> -> memref<3328xf32, #tpu.memory_space<vmem>>
      %dma_start3A_175 = arith.constant 93184 : i32
      %dma_start3A_176 = tpu.memref_slice %arg3[%dma_start3A_175] : memref<106496xf32, #tpu.memory_space<hbm>> -> memref<3328xf32, #tpu.memory_space<hbm>>
      %dma_start3A_177 = arith.constant 0 : i32
      %dma_start3A_178 = tpu.memref_slice %arg18[%dma_start3A_177] : memref<3328xf32, #tpu.memory_space<vmem>> -> memref<3328xf32, #tpu.memory_space<vmem>>
      %dma_start3A_179 = arith.constant 93184 : i32
      %dma_start3A_180 = tpu.memref_slice %arg3[%dma_start3A_179] : memref<106496xf32, #tpu.memory_space<hbm>> -> memref<3328xf32, #tpu.memory_space<hbm>>
      tpu.enqueue_dma source(%dma_start3A_180 : memref<3328xf32, #tpu.memory_space<hbm>>) target(%dma_start3A_178 : memref<3328xf32, #tpu.memory_space<vmem>>) target_semaphore(%arg19 : memref<!tpu.dma_semaphore, #tpu.memory_space<semaphore_mem>>)
      %dma_wait3A = arith.constant 0 : i32
      %dma_wait3A_181 = tpu.memref_slice %arg17[%dma_wait3A] : memref<6656xi32, #tpu.memory_space<vmem>> -> memref<2048xi32, #tpu.memory_space<vmem>>
      %dma_wait3A_182 = arith.constant 104448 : i32
      %dma_wait3A_183 = tpu.memref_slice %arg2[%dma_wait3A_182] : memref<106496xi32, #tpu.memory_space<hbm>> -> memref<2048xi32, #tpu.memory_space<hbm>>
      %dma_wait3A_184 = arith.constant 0 : i32
      %dma_wait3A_185 = tpu.memref_slice %arg17[%dma_wait3A_184] : memref<6656xi32, #tpu.memory_space<vmem>> -> memref<2048xi32, #tpu.memory_space<vmem>>
      %dma_wait3A_186 = arith.constant 104448 : i32
      %dma_wait3A_187 = tpu.memref_slice %arg2[%dma_wait3A_186] : memref<106496xi32, #tpu.memory_space<hbm>> -> memref<2048xi32, #tpu.memory_space<hbm>>
      tpu.wait_dma2 semaphore(%arg19 : memref<!tpu.dma_semaphore, #tpu.memory_space<semaphore_mem>>) src(%dma_wait3A_187 : memref<2048xi32, #tpu.memory_space<hbm>>) dst(%dma_wait3A_185 : memref<2048xi32, #tpu.memory_space<vmem>>)
      %dma_wait3A_188 = arith.constant 2048 : i32
      %dma_wait3A_189 = tpu.memref_slice %arg17[%dma_wait3A_188] : memref<6656xi32, #tpu.memory_space<vmem>> -> memref<4608xi32, #tpu.memory_space<vmem>>
      %dma_wait3A_190 = arith.constant 81920 : i32
      %dma_wait3A_191 = tpu.memref_slice %arg4[%dma_wait3A_190] : memref<106496xi32, #tpu.memory_space<hbm>> -> memref<4608xi32, #tpu.memory_space<hbm>>
      %dma_wait3A_192 = arith.constant 2048 : i32
      %dma_wait3A_193 = tpu.memref_slice %arg17[%dma_wait3A_192] : memref<6656xi32, #tpu.memory_space<vmem>> -> memref<4608xi32, #tpu.memory_space<vmem>>
      %dma_wait3A_194 = arith.constant 81920 : i32
      %dma_wait3A_195 = tpu.memref_slice %arg4[%dma_wait3A_194] : memref<106496xi32, #tpu.memory_space<hbm>> -> memref<4608xi32, #tpu.memory_space<hbm>>
      tpu.wait_dma2 semaphore(%arg19 : memref<!tpu.dma_semaphore, #tpu.memory_space<semaphore_mem>>) src(%dma_wait3A_195 : memref<4608xi32, #tpu.memory_space<hbm>>) dst(%dma_wait3A_193 : memref<4608xi32, #tpu.memory_space<vmem>>)
      %dma_wait3A_196 = arith.constant 0 : i32
      %dma_wait3A_197 = tpu.memref_slice %arg18[%dma_wait3A_196] : memref<3328xf32, #tpu.memory_space<vmem>> -> memref<3328xf32, #tpu.memory_space<vmem>>
      %dma_wait3A_198 = arith.constant 93184 : i32
      %dma_wait3A_199 = tpu.memref_slice %arg3[%dma_wait3A_198] : memref<106496xf32, #tpu.memory_space<hbm>> -> memref<3328xf32, #tpu.memory_space<hbm>>
      %dma_wait3A_200 = arith.constant 0 : i32
      %dma_wait3A_201 = tpu.memref_slice %arg18[%dma_wait3A_200] : memref<3328xf32, #tpu.memory_space<vmem>> -> memref<3328xf32, #tpu.memory_space<vmem>>
      %dma_wait3A_202 = arith.constant 93184 : i32
      %dma_wait3A_203 = tpu.memref_slice %arg3[%dma_wait3A_202] : memref<106496xf32, #tpu.memory_space<hbm>> -> memref<3328xf32, #tpu.memory_space<hbm>>
      tpu.wait_dma2 semaphore(%arg19 : memref<!tpu.dma_semaphore, #tpu.memory_space<semaphore_mem>>) src(%dma_wait3A_203 : memref<3328xf32, #tpu.memory_space<hbm>>) dst(%dma_wait3A_201 : memref<3328xf32, #tpu.memory_space<vmem>>)
      %dma_start3A_204 = arith.constant 0 : i32
      %dma_start3A_205 = tpu.memref_slice %arg17[%dma_start3A_204] : memref<6656xi32, #tpu.memory_space<vmem>> -> memref<2048xi32, #tpu.memory_space<vmem>>
      %dma_start3A_206 = arith.constant 22528 : i32
      %dma_start3A_207 = tpu.memref_slice %arg14[%dma_start3A_206] : memref<24576xi32, #tpu.memory_space<hbm>> -> memref<2048xi32, #tpu.memory_space<hbm>>
      %dma_start3A_208 = arith.constant 22528 : i32
      %dma_start3A_209 = tpu.memref_slice %arg14[%dma_start3A_208] : memref<24576xi32, #tpu.memory_space<hbm>> -> memref<2048xi32, #tpu.memory_space<hbm>>
      %dma_start3A_210 = arith.constant 0 : i32
      %dma_start3A_211 = tpu.memref_slice %arg17[%dma_start3A_210] : memref<6656xi32, #tpu.memory_space<vmem>> -> memref<2048xi32, #tpu.memory_space<vmem>>
      tpu.enqueue_dma source(%dma_start3A_211 : memref<2048xi32, #tpu.memory_space<vmem>>) target(%dma_start3A_209 : memref<2048xi32, #tpu.memory_space<hbm>>) target_semaphore(%arg19 : memref<!tpu.dma_semaphore, #tpu.memory_space<semaphore_mem>>)
      %dma_start3A_212 = arith.constant 2048 : i32
      %dma_start3A_213 = tpu.memref_slice %arg17[%dma_start3A_212] : memref<6656xi32, #tpu.memory_space<vmem>> -> memref<4608xi32, #tpu.memory_space<vmem>>
      %dma_start3A_214 = arith.constant 0 : i32
      %dma_start3A_215 = tpu.memref_slice %arg16[%dma_start3A_214] : memref<24576xi32, #tpu.memory_space<hbm>> -> memref<4608xi32, #tpu.memory_space<hbm>>
      %dma_start3A_216 = arith.constant 0 : i32
      %dma_start3A_217 = tpu.memref_slice %arg16[%dma_start3A_216] : memref<24576xi32, #tpu.memory_space<hbm>> -> memref<4608xi32, #tpu.memory_space<hbm>>
      %dma_start3A_218 = arith.constant 2048 : i32
      %dma_start3A_219 = tpu.memref_slice %arg17[%dma_start3A_218] : memref<6656xi32, #tpu.memory_space<vmem>> -> memref<4608xi32, #tpu.memory_space<vmem>>
      tpu.enqueue_dma source(%dma_start3A_219 : memref<4608xi32, #tpu.memory_space<vmem>>) target(%dma_start3A_217 : memref<4608xi32, #tpu.memory_space<hbm>>) target_semaphore(%arg19 : memref<!tpu.dma_semaphore, #tpu.memory_space<semaphore_mem>>)
      %dma_start3A_220 = arith.constant 0 : i32
      %dma_start3A_221 = tpu.memref_slice %arg18[%dma_start3A_220] : memref<3328xf32, #tpu.memory_space<vmem>> -> memref<3328xf32, #tpu.memory_space<vmem>>
      %dma_start3A_222 = arith.constant 11264 : i32
      %dma_start3A_223 = tpu.memref_slice %arg15[%dma_start3A_222] : memref<24576xf32, #tpu.memory_space<hbm>> -> memref<3328xf32, #tpu.memory_space<hbm>>
      %dma_start3A_224 = arith.constant 11264 : i32
      %dma_start3A_225 = tpu.memref_slice %arg15[%dma_start3A_224] : memref<24576xf32, #tpu.memory_space<hbm>> -> memref<3328xf32, #tpu.memory_space<hbm>>
      %dma_start3A_226 = arith.constant 0 : i32
      %dma_start3A_227 = tpu.memref_slice %arg18[%dma_start3A_226] : memref<3328xf32, #tpu.memory_space<vmem>> -> memref<3328xf32, #tpu.memory_space<vmem>>
      tpu.enqueue_dma source(%dma_start3A_227 : memref<3328xf32, #tpu.memory_space<vmem>>) target(%dma_start3A_225 : memref<3328xf32, #tpu.memory_space<hbm>>) target_semaphore(%arg19 : memref<!tpu.dma_semaphore, #tpu.memory_space<semaphore_mem>>)
      %dma_wait3A_228 = arith.constant 0 : i32
      %dma_wait3A_229 = tpu.memref_slice %arg17[%dma_wait3A_228] : memref<6656xi32, #tpu.memory_space<vmem>> -> memref<2048xi32, #tpu.memory_space<vmem>>
      %dma_wait3A_230 = arith.constant 22528 : i32
      %dma_wait3A_231 = tpu.memref_slice %arg14[%dma_wait3A_230] : memref<24576xi32, #tpu.memory_space<hbm>> -> memref<2048xi32, #tpu.memory_space<hbm>>
      %dma_wait3A_232 = arith.constant 22528 : i32
      %dma_wait3A_233 = tpu.memref_slice %arg14[%dma_wait3A_232] : memref<24576xi32, #tpu.memory_space<hbm>> -> memref<2048xi32, #tpu.memory_space<hbm>>
      %dma_wait3A_234 = arith.constant 0 : i32
      %dma_wait3A_235 = tpu.memref_slice %arg17[%dma_wait3A_234] : memref<6656xi32, #tpu.memory_space<vmem>> -> memref<2048xi32, #tpu.memory_space<vmem>>
      tpu.wait_dma2 semaphore(%arg19 : memref<!tpu.dma_semaphore, #tpu.memory_space<semaphore_mem>>) src(%dma_wait3A_235 : memref<2048xi32, #tpu.memory_space<vmem>>) dst(%dma_wait3A_233 : memref<2048xi32, #tpu.memory_space<hbm>>)
      %dma_wait3A_236 = arith.constant 2048 : i32
      %dma_wait3A_237 = tpu.memref_slice %arg17[%dma_wait3A_236] : memref<6656xi32, #tpu.memory_space<vmem>> -> memref<4608xi32, #tpu.memory_space<vmem>>
      %dma_wait3A_238 = arith.constant 0 : i32
      %dma_wait3A_239 = tpu.memref_slice %arg16[%dma_wait3A_238] : memref<24576xi32, #tpu.memory_space<hbm>> -> memref<4608xi32, #tpu.memory_space<hbm>>
      %dma_wait3A_240 = arith.constant 0 : i32
      %dma_wait3A_241 = tpu.memref_slice %arg16[%dma_wait3A_240] : memref<24576xi32, #tpu.memory_space<hbm>> -> memref<4608xi32, #tpu.memory_space<hbm>>
      %dma_wait3A_242 = arith.constant 2048 : i32
      %dma_wait3A_243 = tpu.memref_slice %arg17[%dma_wait3A_242] : memref<6656xi32, #tpu.memory_space<vmem>> -> memref<4608xi32, #tpu.memory_space<vmem>>
      tpu.wait_dma2 semaphore(%arg19 : memref<!tpu.dma_semaphore, #tpu.memory_space<semaphore_mem>>) src(%dma_wait3A_243 : memref<4608xi32, #tpu.memory_space<vmem>>) dst(%dma_wait3A_241 : memref<4608xi32, #tpu.memory_space<hbm>>)
      %dma_wait3A_244 = arith.constant 0 : i32
      %dma_wait3A_245 = tpu.memref_slice %arg18[%dma_wait3A_244] : memref<3328xf32, #tpu.memory_space<vmem>> -> memref<3328xf32, #tpu.memory_space<vmem>>
      %dma_wait3A_246 = arith.constant 11264 : i32
      %dma_wait3A_247 = tpu.memref_slice %arg15[%dma_wait3A_246] : memref<24576xf32, #tpu.memory_space<hbm>> -> memref<3328xf32, #tpu.memory_space<hbm>>
      %dma_wait3A_248 = arith.constant 11264 : i32
      %dma_wait3A_249 = tpu.memref_slice %arg15[%dma_wait3A_248] : memref<24576xf32, #tpu.memory_space<hbm>> -> memref<3328xf32, #tpu.memory_space<hbm>>
      %dma_wait3A_250 = arith.constant 0 : i32
      %dma_wait3A_251 = tpu.memref_slice %arg18[%dma_wait3A_250] : memref<3328xf32, #tpu.memory_space<vmem>> -> memref<3328xf32, #tpu.memory_space<vmem>>
      tpu.wait_dma2 semaphore(%arg19 : memref<!tpu.dma_semaphore, #tpu.memory_space<semaphore_mem>>) src(%dma_wait3A_251 : memref<3328xf32, #tpu.memory_space<vmem>>) dst(%dma_wait3A_249 : memref<3328xf32, #tpu.memory_space<hbm>>)
    } else {
    }
    %eq3A_143 = arith.constant 29 : i32
    %eq3A_144 = arith.cmpi eq, %add3A, %eq3A_143 : i32
    %convert_element_type3A_145 = arith.extui %eq3A_144 : i1 to i32
    %cond3A_146 = arith.constant 0 : i32
    %cond3A_147 = arith.cmpi ne, %convert_element_type3A_145, %cond3A_146 : i32
    scf.if %cond3A_147 {
      %dma_start3A = arith.constant 0 : i32
      %dma_start3A_158 = tpu.memref_slice %arg17[%dma_start3A] : memref<6656xi32, #tpu.memory_space<vmem>> -> memref<6656xi32, #tpu.memory_space<vmem>>
      %dma_start3A_159 = arith.constant 86528 : i32
      %dma_start3A_160 = tpu.memref_slice %arg4[%dma_start3A_159] : memref<106496xi32, #tpu.memory_space<hbm>> -> memref<6656xi32, #tpu.memory_space<hbm>>
      %dma_start3A_161 = arith.constant 0 : i32
      %dma_start3A_162 = tpu.memref_slice %arg17[%dma_start3A_161] : memref<6656xi32, #tpu.memory_space<vmem>> -> memref<6656xi32, #tpu.memory_space<vmem>>
      %dma_start3A_163 = arith.constant 86528 : i32
      %dma_start3A_164 = tpu.memref_slice %arg4[%dma_start3A_163] : memref<106496xi32, #tpu.memory_space<hbm>> -> memref<6656xi32, #tpu.memory_space<hbm>>
      tpu.enqueue_dma source(%dma_start3A_164 : memref<6656xi32, #tpu.memory_space<hbm>>) target(%dma_start3A_162 : memref<6656xi32, #tpu.memory_space<vmem>>) target_semaphore(%arg19 : memref<!tpu.dma_semaphore, #tpu.memory_space<semaphore_mem>>)
      %dma_start3A_165 = arith.constant 0 : i32
      %dma_start3A_166 = tpu.memref_slice %arg18[%dma_start3A_165] : memref<3328xf32, #tpu.memory_space<vmem>> -> memref<3328xf32, #tpu.memory_space<vmem>>
      %dma_start3A_167 = arith.constant 96512 : i32
      %dma_start3A_168 = tpu.memref_slice %arg3[%dma_start3A_167] : memref<106496xf32, #tpu.memory_space<hbm>> -> memref<3328xf32, #tpu.memory_space<hbm>>
      %dma_start3A_169 = arith.constant 0 : i32
      %dma_start3A_170 = tpu.memref_slice %arg18[%dma_start3A_169] : memref<3328xf32, #tpu.memory_space<vmem>> -> memref<3328xf32, #tpu.memory_space<vmem>>
      %dma_start3A_171 = arith.constant 96512 : i32
      %dma_start3A_172 = tpu.memref_slice %arg3[%dma_start3A_171] : memref<106496xf32, #tpu.memory_space<hbm>> -> memref<3328xf32, #tpu.memory_space<hbm>>
      tpu.enqueue_dma source(%dma_start3A_172 : memref<3328xf32, #tpu.memory_space<hbm>>) target(%dma_start3A_170 : memref<3328xf32, #tpu.memory_space<vmem>>) target_semaphore(%arg19 : memref<!tpu.dma_semaphore, #tpu.memory_space<semaphore_mem>>)
      %dma_wait3A = arith.constant 0 : i32
      %dma_wait3A_173 = tpu.memref_slice %arg17[%dma_wait3A] : memref<6656xi32, #tpu.memory_space<vmem>> -> memref<6656xi32, #tpu.memory_space<vmem>>
      %dma_wait3A_174 = arith.constant 86528 : i32
      %dma_wait3A_175 = tpu.memref_slice %arg4[%dma_wait3A_174] : memref<106496xi32, #tpu.memory_space<hbm>> -> memref<6656xi32, #tpu.memory_space<hbm>>
      %dma_wait3A_176 = arith.constant 0 : i32
      %dma_wait3A_177 = tpu.memref_slice %arg17[%dma_wait3A_176] : memref<6656xi32, #tpu.memory_space<vmem>> -> memref<6656xi32, #tpu.memory_space<vmem>>
      %dma_wait3A_178 = arith.constant 86528 : i32
      %dma_wait3A_179 = tpu.memref_slice %arg4[%dma_wait3A_178] : memref<106496xi32, #tpu.memory_space<hbm>> -> memref<6656xi32, #tpu.memory_space<hbm>>
      tpu.wait_dma2 semaphore(%arg19 : memref<!tpu.dma_semaphore, #tpu.memory_space<semaphore_mem>>) src(%dma_wait3A_179 : memref<6656xi32, #tpu.memory_space<hbm>>) dst(%dma_wait3A_177 : memref<6656xi32, #tpu.memory_space<vmem>>)
      %dma_wait3A_180 = arith.constant 0 : i32
      %dma_wait3A_181 = tpu.memref_slice %arg18[%dma_wait3A_180] : memref<3328xf32, #tpu.memory_space<vmem>> -> memref<3328xf32, #tpu.memory_space<vmem>>
      %dma_wait3A_182 = arith.constant 96512 : i32
      %dma_wait3A_183 = tpu.memref_slice %arg3[%dma_wait3A_182] : memref<106496xf32, #tpu.memory_space<hbm>> -> memref<3328xf32, #tpu.memory_space<hbm>>
      %dma_wait3A_184 = arith.constant 0 : i32
      %dma_wait3A_185 = tpu.memref_slice %arg18[%dma_wait3A_184] : memref<3328xf32, #tpu.memory_space<vmem>> -> memref<3328xf32, #tpu.memory_space<vmem>>
      %dma_wait3A_186 = arith.constant 96512 : i32
      %dma_wait3A_187 = tpu.memref_slice %arg3[%dma_wait3A_186] : memref<106496xf32, #tpu.memory_space<hbm>> -> memref<3328xf32, #tpu.memory_space<hbm>>
      tpu.wait_dma2 semaphore(%arg19 : memref<!tpu.dma_semaphore, #tpu.memory_space<semaphore_mem>>) src(%dma_wait3A_187 : memref<3328xf32, #tpu.memory_space<hbm>>) dst(%dma_wait3A_185 : memref<3328xf32, #tpu.memory_space<vmem>>)
      %dma_start3A_188 = arith.constant 0 : i32
      %dma_start3A_189 = tpu.memref_slice %arg17[%dma_start3A_188] : memref<6656xi32, #tpu.memory_space<vmem>> -> memref<6656xi32, #tpu.memory_space<vmem>>
      %dma_start3A_190 = arith.constant 4608 : i32
      %dma_start3A_191 = tpu.memref_slice %arg16[%dma_start3A_190] : memref<24576xi32, #tpu.memory_space<hbm>> -> memref<6656xi32, #tpu.memory_space<hbm>>
      %dma_start3A_192 = arith.constant 4608 : i32
      %dma_start3A_193 = tpu.memref_slice %arg16[%dma_start3A_192] : memref<24576xi32, #tpu.memory_space<hbm>> -> memref<6656xi32, #tpu.memory_space<hbm>>
      %dma_start3A_194 = arith.constant 0 : i32
      %dma_start3A_195 = tpu.memref_slice %arg17[%dma_start3A_194] : memref<6656xi32, #tpu.memory_space<vmem>> -> memref<6656xi32, #tpu.memory_space<vmem>>
      tpu.enqueue_dma source(%dma_start3A_195 : memref<6656xi32, #tpu.memory_space<vmem>>) target(%dma_start3A_193 : memref<6656xi32, #tpu.memory_space<hbm>>) target_semaphore(%arg19 : memref<!tpu.dma_semaphore, #tpu.memory_space<semaphore_mem>>)
      %dma_start3A_196 = arith.constant 0 : i32
      %dma_start3A_197 = tpu.memref_slice %arg18[%dma_start3A_196] : memref<3328xf32, #tpu.memory_space<vmem>> -> memref<3328xf32, #tpu.memory_space<vmem>>
      %dma_start3A_198 = arith.constant 14592 : i32
      %dma_start3A_199 = tpu.memref_slice %arg15[%dma_start3A_198] : memref<24576xf32, #tpu.memory_space<hbm>> -> memref<3328xf32, #tpu.memory_space<hbm>>
      %dma_start3A_200 = arith.constant 14592 : i32
      %dma_start3A_201 = tpu.memref_slice %arg15[%dma_start3A_200] : memref<24576xf32, #tpu.memory_space<hbm>> -> memref<3328xf32, #tpu.memory_space<hbm>>
      %dma_start3A_202 = arith.constant 0 : i32
      %dma_start3A_203 = tpu.memref_slice %arg18[%dma_start3A_202] : memref<3328xf32, #tpu.memory_space<vmem>> -> memref<3328xf32, #tpu.memory_space<vmem>>
      tpu.enqueue_dma source(%dma_start3A_203 : memref<3328xf32, #tpu.memory_space<vmem>>) target(%dma_start3A_201 : memref<3328xf32, #tpu.memory_space<hbm>>) target_semaphore(%arg19 : memref<!tpu.dma_semaphore, #tpu.memory_space<semaphore_mem>>)
      %dma_wait3A_204 = arith.constant 0 : i32
      %dma_wait3A_205 = tpu.memref_slice %arg17[%dma_wait3A_204] : memref<6656xi32, #tpu.memory_space<vmem>> -> memref<6656xi32, #tpu.memory_space<vmem>>
      %dma_wait3A_206 = arith.constant 4608 : i32
      %dma_wait3A_207 = tpu.memref_slice %arg16[%dma_wait3A_206] : memref<24576xi32, #tpu.memory_space<hbm>> -> memref<6656xi32, #tpu.memory_space<hbm>>
      %dma_wait3A_208 = arith.constant 4608 : i32
      %dma_wait3A_209 = tpu.memref_slice %arg16[%dma_wait3A_208] : memref<24576xi32, #tpu.memory_space<hbm>> -> memref<6656xi32, #tpu.memory_space<hbm>>
      %dma_wait3A_210 = arith.constant 0 : i32
      %dma_wait3A_211 = tpu.memref_slice %arg17[%dma_wait3A_210] : memref<6656xi32, #tpu.memory_space<vmem>> -> memref<6656xi32, #tpu.memory_space<vmem>>
      tpu.wait_dma2 semaphore(%arg19 : memref<!tpu.dma_semaphore, #tpu.memory_space<semaphore_mem>>) src(%dma_wait3A_211 : memref<6656xi32, #tpu.memory_space<vmem>>) dst(%dma_wait3A_209 : memref<6656xi32, #tpu.memory_space<hbm>>)
      %dma_wait3A_212 = arith.constant 0 : i32
      %dma_wait3A_213 = tpu.memref_slice %arg18[%dma_wait3A_212] : memref<3328xf32, #tpu.memory_space<vmem>> -> memref<3328xf32, #tpu.memory_space<vmem>>
      %dma_wait3A_214 = arith.constant 14592 : i32
      %dma_wait3A_215 = tpu.memref_slice %arg15[%dma_wait3A_214] : memref<24576xf32, #tpu.memory_space<hbm>> -> memref<3328xf32, #tpu.memory_space<hbm>>
      %dma_wait3A_216 = arith.constant 14592 : i32
      %dma_wait3A_217 = tpu.memref_slice %arg15[%dma_wait3A_216] : memref<24576xf32, #tpu.memory_space<hbm>> -> memref<3328xf32, #tpu.memory_space<hbm>>
      %dma_wait3A_218 = arith.constant 0 : i32
      %dma_wait3A_219 = tpu.memref_slice %arg18[%dma_wait3A_218] : memref<3328xf32, #tpu.memory_space<vmem>> -> memref<3328xf32, #tpu.memory_space<vmem>>
      tpu.wait_dma2 semaphore(%arg19 : memref<!tpu.dma_semaphore, #tpu.memory_space<semaphore_mem>>) src(%dma_wait3A_219 : memref<3328xf32, #tpu.memory_space<vmem>>) dst(%dma_wait3A_217 : memref<3328xf32, #tpu.memory_space<hbm>>)
    } else {
    }
    %eq3A_148 = arith.constant 30 : i32
    %eq3A_149 = arith.cmpi eq, %add3A, %eq3A_148 : i32
    %convert_element_type3A_150 = arith.extui %eq3A_149 : i1 to i32
    %cond3A_151 = arith.constant 0 : i32
    %cond3A_152 = arith.cmpi ne, %convert_element_type3A_150, %cond3A_151 : i32
    scf.if %cond3A_152 {
      %dma_start3A = arith.constant 0 : i32
      %dma_start3A_158 = tpu.memref_slice %arg17[%dma_start3A] : memref<6656xi32, #tpu.memory_space<vmem>> -> memref<6656xi32, #tpu.memory_space<vmem>>
      %dma_start3A_159 = arith.constant 93184 : i32
      %dma_start3A_160 = tpu.memref_slice %arg4[%dma_start3A_159] : memref<106496xi32, #tpu.memory_space<hbm>> -> memref<6656xi32, #tpu.memory_space<hbm>>
      %dma_start3A_161 = arith.constant 0 : i32
      %dma_start3A_162 = tpu.memref_slice %arg17[%dma_start3A_161] : memref<6656xi32, #tpu.memory_space<vmem>> -> memref<6656xi32, #tpu.memory_space<vmem>>
      %dma_start3A_163 = arith.constant 93184 : i32
      %dma_start3A_164 = tpu.memref_slice %arg4[%dma_start3A_163] : memref<106496xi32, #tpu.memory_space<hbm>> -> memref<6656xi32, #tpu.memory_space<hbm>>
      tpu.enqueue_dma source(%dma_start3A_164 : memref<6656xi32, #tpu.memory_space<hbm>>) target(%dma_start3A_162 : memref<6656xi32, #tpu.memory_space<vmem>>) target_semaphore(%arg19 : memref<!tpu.dma_semaphore, #tpu.memory_space<semaphore_mem>>)
      %dma_start3A_165 = arith.constant 0 : i32
      %dma_start3A_166 = tpu.memref_slice %arg18[%dma_start3A_165] : memref<3328xf32, #tpu.memory_space<vmem>> -> memref<3328xf32, #tpu.memory_space<vmem>>
      %dma_start3A_167 = arith.constant 99840 : i32
      %dma_start3A_168 = tpu.memref_slice %arg3[%dma_start3A_167] : memref<106496xf32, #tpu.memory_space<hbm>> -> memref<3328xf32, #tpu.memory_space<hbm>>
      %dma_start3A_169 = arith.constant 0 : i32
      %dma_start3A_170 = tpu.memref_slice %arg18[%dma_start3A_169] : memref<3328xf32, #tpu.memory_space<vmem>> -> memref<3328xf32, #tpu.memory_space<vmem>>
      %dma_start3A_171 = arith.constant 99840 : i32
      %dma_start3A_172 = tpu.memref_slice %arg3[%dma_start3A_171] : memref<106496xf32, #tpu.memory_space<hbm>> -> memref<3328xf32, #tpu.memory_space<hbm>>
      tpu.enqueue_dma source(%dma_start3A_172 : memref<3328xf32, #tpu.memory_space<hbm>>) target(%dma_start3A_170 : memref<3328xf32, #tpu.memory_space<vmem>>) target_semaphore(%arg19 : memref<!tpu.dma_semaphore, #tpu.memory_space<semaphore_mem>>)
      %dma_wait3A = arith.constant 0 : i32
      %dma_wait3A_173 = tpu.memref_slice %arg17[%dma_wait3A] : memref<6656xi32, #tpu.memory_space<vmem>> -> memref<6656xi32, #tpu.memory_space<vmem>>
      %dma_wait3A_174 = arith.constant 93184 : i32
      %dma_wait3A_175 = tpu.memref_slice %arg4[%dma_wait3A_174] : memref<106496xi32, #tpu.memory_space<hbm>> -> memref<6656xi32, #tpu.memory_space<hbm>>
      %dma_wait3A_176 = arith.constant 0 : i32
      %dma_wait3A_177 = tpu.memref_slice %arg17[%dma_wait3A_176] : memref<6656xi32, #tpu.memory_space<vmem>> -> memref<6656xi32, #tpu.memory_space<vmem>>
      %dma_wait3A_178 = arith.constant 93184 : i32
      %dma_wait3A_179 = tpu.memref_slice %arg4[%dma_wait3A_178] : memref<106496xi32, #tpu.memory_space<hbm>> -> memref<6656xi32, #tpu.memory_space<hbm>>
      tpu.wait_dma2 semaphore(%arg19 : memref<!tpu.dma_semaphore, #tpu.memory_space<semaphore_mem>>) src(%dma_wait3A_179 : memref<6656xi32, #tpu.memory_space<hbm>>) dst(%dma_wait3A_177 : memref<6656xi32, #tpu.memory_space<vmem>>)
      %dma_wait3A_180 = arith.constant 0 : i32
      %dma_wait3A_181 = tpu.memref_slice %arg18[%dma_wait3A_180] : memref<3328xf32, #tpu.memory_space<vmem>> -> memref<3328xf32, #tpu.memory_space<vmem>>
      %dma_wait3A_182 = arith.constant 99840 : i32
      %dma_wait3A_183 = tpu.memref_slice %arg3[%dma_wait3A_182] : memref<106496xf32, #tpu.memory_space<hbm>> -> memref<3328xf32, #tpu.memory_space<hbm>>
      %dma_wait3A_184 = arith.constant 0 : i32
      %dma_wait3A_185 = tpu.memref_slice %arg18[%dma_wait3A_184] : memref<3328xf32, #tpu.memory_space<vmem>> -> memref<3328xf32, #tpu.memory_space<vmem>>
      %dma_wait3A_186 = arith.constant 99840 : i32
      %dma_wait3A_187 = tpu.memref_slice %arg3[%dma_wait3A_186] : memref<106496xf32, #tpu.memory_space<hbm>> -> memref<3328xf32, #tpu.memory_space<hbm>>
      tpu.wait_dma2 semaphore(%arg19 : memref<!tpu.dma_semaphore, #tpu.memory_space<semaphore_mem>>) src(%dma_wait3A_187 : memref<3328xf32, #tpu.memory_space<hbm>>) dst(%dma_wait3A_185 : memref<3328xf32, #tpu.memory_space<vmem>>)
      %dma_start3A_188 = arith.constant 0 : i32
      %dma_start3A_189 = tpu.memref_slice %arg17[%dma_start3A_188] : memref<6656xi32, #tpu.memory_space<vmem>> -> memref<6656xi32, #tpu.memory_space<vmem>>
      %dma_start3A_190 = arith.constant 11264 : i32
      %dma_start3A_191 = tpu.memref_slice %arg16[%dma_start3A_190] : memref<24576xi32, #tpu.memory_space<hbm>> -> memref<6656xi32, #tpu.memory_space<hbm>>
      %dma_start3A_192 = arith.constant 11264 : i32
      %dma_start3A_193 = tpu.memref_slice %arg16[%dma_start3A_192] : memref<24576xi32, #tpu.memory_space<hbm>> -> memref<6656xi32, #tpu.memory_space<hbm>>
      %dma_start3A_194 = arith.constant 0 : i32
      %dma_start3A_195 = tpu.memref_slice %arg17[%dma_start3A_194] : memref<6656xi32, #tpu.memory_space<vmem>> -> memref<6656xi32, #tpu.memory_space<vmem>>
      tpu.enqueue_dma source(%dma_start3A_195 : memref<6656xi32, #tpu.memory_space<vmem>>) target(%dma_start3A_193 : memref<6656xi32, #tpu.memory_space<hbm>>) target_semaphore(%arg19 : memref<!tpu.dma_semaphore, #tpu.memory_space<semaphore_mem>>)
      %dma_start3A_196 = arith.constant 0 : i32
      %dma_start3A_197 = tpu.memref_slice %arg18[%dma_start3A_196] : memref<3328xf32, #tpu.memory_space<vmem>> -> memref<3328xf32, #tpu.memory_space<vmem>>
      %dma_start3A_198 = arith.constant 17920 : i32
      %dma_start3A_199 = tpu.memref_slice %arg15[%dma_start3A_198] : memref<24576xf32, #tpu.memory_space<hbm>> -> memref<3328xf32, #tpu.memory_space<hbm>>
      %dma_start3A_200 = arith.constant 17920 : i32
      %dma_start3A_201 = tpu.memref_slice %arg15[%dma_start3A_200] : memref<24576xf32, #tpu.memory_space<hbm>> -> memref<3328xf32, #tpu.memory_space<hbm>>
      %dma_start3A_202 = arith.constant 0 : i32
      %dma_start3A_203 = tpu.memref_slice %arg18[%dma_start3A_202] : memref<3328xf32, #tpu.memory_space<vmem>> -> memref<3328xf32, #tpu.memory_space<vmem>>
      tpu.enqueue_dma source(%dma_start3A_203 : memref<3328xf32, #tpu.memory_space<vmem>>) target(%dma_start3A_201 : memref<3328xf32, #tpu.memory_space<hbm>>) target_semaphore(%arg19 : memref<!tpu.dma_semaphore, #tpu.memory_space<semaphore_mem>>)
      %dma_wait3A_204 = arith.constant 0 : i32
      %dma_wait3A_205 = tpu.memref_slice %arg17[%dma_wait3A_204] : memref<6656xi32, #tpu.memory_space<vmem>> -> memref<6656xi32, #tpu.memory_space<vmem>>
      %dma_wait3A_206 = arith.constant 11264 : i32
      %dma_wait3A_207 = tpu.memref_slice %arg16[%dma_wait3A_206] : memref<24576xi32, #tpu.memory_space<hbm>> -> memref<6656xi32, #tpu.memory_space<hbm>>
      %dma_wait3A_208 = arith.constant 11264 : i32
      %dma_wait3A_209 = tpu.memref_slice %arg16[%dma_wait3A_208] : memref<24576xi32, #tpu.memory_space<hbm>> -> memref<6656xi32, #tpu.memory_space<hbm>>
      %dma_wait3A_210 = arith.constant 0 : i32
      %dma_wait3A_211 = tpu.memref_slice %arg17[%dma_wait3A_210] : memref<6656xi32, #tpu.memory_space<vmem>> -> memref<6656xi32, #tpu.memory_space<vmem>>
      tpu.wait_dma2 semaphore(%arg19 : memref<!tpu.dma_semaphore, #tpu.memory_space<semaphore_mem>>) src(%dma_wait3A_211 : memref<6656xi32, #tpu.memory_space<vmem>>) dst(%dma_wait3A_209 : memref<6656xi32, #tpu.memory_space<hbm>>)
      %dma_wait3A_212 = arith.constant 0 : i32
      %dma_wait3A_213 = tpu.memref_slice %arg18[%dma_wait3A_212] : memref<3328xf32, #tpu.memory_space<vmem>> -> memref<3328xf32, #tpu.memory_space<vmem>>
      %dma_wait3A_214 = arith.constant 17920 : i32
      %dma_wait3A_215 = tpu.memref_slice %arg15[%dma_wait3A_214] : memref<24576xf32, #tpu.memory_space<hbm>> -> memref<3328xf32, #tpu.memory_space<hbm>>
      %dma_wait3A_216 = arith.constant 17920 : i32
      %dma_wait3A_217 = tpu.memref_slice %arg15[%dma_wait3A_216] : memref<24576xf32, #tpu.memory_space<hbm>> -> memref<3328xf32, #tpu.memory_space<hbm>>
      %dma_wait3A_218 = arith.constant 0 : i32
      %dma_wait3A_219 = tpu.memref_slice %arg18[%dma_wait3A_218] : memref<3328xf32, #tpu.memory_space<vmem>> -> memref<3328xf32, #tpu.memory_space<vmem>>
      tpu.wait_dma2 semaphore(%arg19 : memref<!tpu.dma_semaphore, #tpu.memory_space<semaphore_mem>>) src(%dma_wait3A_219 : memref<3328xf32, #tpu.memory_space<vmem>>) dst(%dma_wait3A_217 : memref<3328xf32, #tpu.memory_space<hbm>>)
    } else {
    }
    %eq3A_153 = arith.constant 31 : i32
    %eq3A_154 = arith.cmpi eq, %add3A, %eq3A_153 : i32
    %convert_element_type3A_155 = arith.extui %eq3A_154 : i1 to i32
    %cond3A_156 = arith.constant 0 : i32
    %cond3A_157 = arith.cmpi ne, %convert_element_type3A_155, %cond3A_156 : i32
    scf.if %cond3A_157 {
      %dma_start3A = arith.constant 0 : i32
      %dma_start3A_158 = tpu.memref_slice %arg17[%dma_start3A] : memref<6656xi32, #tpu.memory_space<vmem>> -> memref<6656xi32, #tpu.memory_space<vmem>>
      %dma_start3A_159 = arith.constant 99840 : i32
      %dma_start3A_160 = tpu.memref_slice %arg4[%dma_start3A_159] : memref<106496xi32, #tpu.memory_space<hbm>> -> memref<6656xi32, #tpu.memory_space<hbm>>
      %dma_start3A_161 = arith.constant 0 : i32
      %dma_start3A_162 = tpu.memref_slice %arg17[%dma_start3A_161] : memref<6656xi32, #tpu.memory_space<vmem>> -> memref<6656xi32, #tpu.memory_space<vmem>>
      %dma_start3A_163 = arith.constant 99840 : i32
      %dma_start3A_164 = tpu.memref_slice %arg4[%dma_start3A_163] : memref<106496xi32, #tpu.memory_space<hbm>> -> memref<6656xi32, #tpu.memory_space<hbm>>
      tpu.enqueue_dma source(%dma_start3A_164 : memref<6656xi32, #tpu.memory_space<hbm>>) target(%dma_start3A_162 : memref<6656xi32, #tpu.memory_space<vmem>>) target_semaphore(%arg19 : memref<!tpu.dma_semaphore, #tpu.memory_space<semaphore_mem>>)
      %dma_start3A_165 = arith.constant 0 : i32
      %dma_start3A_166 = tpu.memref_slice %arg18[%dma_start3A_165] : memref<3328xf32, #tpu.memory_space<vmem>> -> memref<3328xf32, #tpu.memory_space<vmem>>
      %dma_start3A_167 = arith.constant 103168 : i32
      %dma_start3A_168 = tpu.memref_slice %arg3[%dma_start3A_167] : memref<106496xf32, #tpu.memory_space<hbm>> -> memref<3328xf32, #tpu.memory_space<hbm>>
      %dma_start3A_169 = arith.constant 0 : i32
      %dma_start3A_170 = tpu.memref_slice %arg18[%dma_start3A_169] : memref<3328xf32, #tpu.memory_space<vmem>> -> memref<3328xf32, #tpu.memory_space<vmem>>
      %dma_start3A_171 = arith.constant 103168 : i32
      %dma_start3A_172 = tpu.memref_slice %arg3[%dma_start3A_171] : memref<106496xf32, #tpu.memory_space<hbm>> -> memref<3328xf32, #tpu.memory_space<hbm>>
      tpu.enqueue_dma source(%dma_start3A_172 : memref<3328xf32, #tpu.memory_space<hbm>>) target(%dma_start3A_170 : memref<3328xf32, #tpu.memory_space<vmem>>) target_semaphore(%arg19 : memref<!tpu.dma_semaphore, #tpu.memory_space<semaphore_mem>>)
      %dma_wait3A = arith.constant 0 : i32
      %dma_wait3A_173 = tpu.memref_slice %arg17[%dma_wait3A] : memref<6656xi32, #tpu.memory_space<vmem>> -> memref<6656xi32, #tpu.memory_space<vmem>>
      %dma_wait3A_174 = arith.constant 99840 : i32
      %dma_wait3A_175 = tpu.memref_slice %arg4[%dma_wait3A_174] : memref<106496xi32, #tpu.memory_space<hbm>> -> memref<6656xi32, #tpu.memory_space<hbm>>
      %dma_wait3A_176 = arith.constant 0 : i32
      %dma_wait3A_177 = tpu.memref_slice %arg17[%dma_wait3A_176] : memref<6656xi32, #tpu.memory_space<vmem>> -> memref<6656xi32, #tpu.memory_space<vmem>>
      %dma_wait3A_178 = arith.constant 99840 : i32
      %dma_wait3A_179 = tpu.memref_slice %arg4[%dma_wait3A_178] : memref<106496xi32, #tpu.memory_space<hbm>> -> memref<6656xi32, #tpu.memory_space<hbm>>
      tpu.wait_dma2 semaphore(%arg19 : memref<!tpu.dma_semaphore, #tpu.memory_space<semaphore_mem>>) src(%dma_wait3A_179 : memref<6656xi32, #tpu.memory_space<hbm>>) dst(%dma_wait3A_177 : memref<6656xi32, #tpu.memory_space<vmem>>)
      %dma_wait3A_180 = arith.constant 0 : i32
      %dma_wait3A_181 = tpu.memref_slice %arg18[%dma_wait3A_180] : memref<3328xf32, #tpu.memory_space<vmem>> -> memref<3328xf32, #tpu.memory_space<vmem>>
      %dma_wait3A_182 = arith.constant 103168 : i32
      %dma_wait3A_183 = tpu.memref_slice %arg3[%dma_wait3A_182] : memref<106496xf32, #tpu.memory_space<hbm>> -> memref<3328xf32, #tpu.memory_space<hbm>>
      %dma_wait3A_184 = arith.constant 0 : i32
      %dma_wait3A_185 = tpu.memref_slice %arg18[%dma_wait3A_184] : memref<3328xf32, #tpu.memory_space<vmem>> -> memref<3328xf32, #tpu.memory_space<vmem>>
      %dma_wait3A_186 = arith.constant 103168 : i32
      %dma_wait3A_187 = tpu.memref_slice %arg3[%dma_wait3A_186] : memref<106496xf32, #tpu.memory_space<hbm>> -> memref<3328xf32, #tpu.memory_space<hbm>>
      tpu.wait_dma2 semaphore(%arg19 : memref<!tpu.dma_semaphore, #tpu.memory_space<semaphore_mem>>) src(%dma_wait3A_187 : memref<3328xf32, #tpu.memory_space<hbm>>) dst(%dma_wait3A_185 : memref<3328xf32, #tpu.memory_space<vmem>>)
      %dma_start3A_188 = arith.constant 0 : i32
      %dma_start3A_189 = tpu.memref_slice %arg17[%dma_start3A_188] : memref<6656xi32, #tpu.memory_space<vmem>> -> memref<6656xi32, #tpu.memory_space<vmem>>
      %dma_start3A_190 = arith.constant 17920 : i32
      %dma_start3A_191 = tpu.memref_slice %arg16[%dma_start3A_190] : memref<24576xi32, #tpu.memory_space<hbm>> -> memref<6656xi32, #tpu.memory_space<hbm>>
      %dma_start3A_192 = arith.constant 17920 : i32
      %dma_start3A_193 = tpu.memref_slice %arg16[%dma_start3A_192] : memref<24576xi32, #tpu.memory_space<hbm>> -> memref<6656xi32, #tpu.memory_space<hbm>>
      %dma_start3A_194 = arith.constant 0 : i32
      %dma_start3A_195 = tpu.memref_slice %arg17[%dma_start3A_194] : memref<6656xi32, #tpu.memory_space<vmem>> -> memref<6656xi32, #tpu.memory_space<vmem>>
      tpu.enqueue_dma source(%dma_start3A_195 : memref<6656xi32, #tpu.memory_space<vmem>>) target(%dma_start3A_193 : memref<6656xi32, #tpu.memory_space<hbm>>) target_semaphore(%arg19 : memref<!tpu.dma_semaphore, #tpu.memory_space<semaphore_mem>>)
      %dma_start3A_196 = arith.constant 0 : i32
      %dma_start3A_197 = tpu.memref_slice %arg18[%dma_start3A_196] : memref<3328xf32, #tpu.memory_space<vmem>> -> memref<3328xf32, #tpu.memory_space<vmem>>
      %dma_start3A_198 = arith.constant 21248 : i32
      %dma_start3A_199 = tpu.memref_slice %arg15[%dma_start3A_198] : memref<24576xf32, #tpu.memory_space<hbm>> -> memref<3328xf32, #tpu.memory_space<hbm>>
      %dma_start3A_200 = arith.constant 21248 : i32
      %dma_start3A_201 = tpu.memref_slice %arg15[%dma_start3A_200] : memref<24576xf32, #tpu.memory_space<hbm>> -> memref<3328xf32, #tpu.memory_space<hbm>>
      %dma_start3A_202 = arith.constant 0 : i32
      %dma_start3A_203 = tpu.memref_slice %arg18[%dma_start3A_202] : memref<3328xf32, #tpu.memory_space<vmem>> -> memref<3328xf32, #tpu.memory_space<vmem>>
      tpu.enqueue_dma source(%dma_start3A_203 : memref<3328xf32, #tpu.memory_space<vmem>>) target(%dma_start3A_201 : memref<3328xf32, #tpu.memory_space<hbm>>) target_semaphore(%arg19 : memref<!tpu.dma_semaphore, #tpu.memory_space<semaphore_mem>>)
      %dma_wait3A_204 = arith.constant 0 : i32
      %dma_wait3A_205 = tpu.memref_slice %arg17[%dma_wait3A_204] : memref<6656xi32, #tpu.memory_space<vmem>> -> memref<6656xi32, #tpu.memory_space<vmem>>
      %dma_wait3A_206 = arith.constant 17920 : i32
      %dma_wait3A_207 = tpu.memref_slice %arg16[%dma_wait3A_206] : memref<24576xi32, #tpu.memory_space<hbm>> -> memref<6656xi32, #tpu.memory_space<hbm>>
      %dma_wait3A_208 = arith.constant 17920 : i32
      %dma_wait3A_209 = tpu.memref_slice %arg16[%dma_wait3A_208] : memref<24576xi32, #tpu.memory_space<hbm>> -> memref<6656xi32, #tpu.memory_space<hbm>>
      %dma_wait3A_210 = arith.constant 0 : i32
      %dma_wait3A_211 = tpu.memref_slice %arg17[%dma_wait3A_210] : memref<6656xi32, #tpu.memory_space<vmem>> -> memref<6656xi32, #tpu.memory_space<vmem>>
      tpu.wait_dma2 semaphore(%arg19 : memref<!tpu.dma_semaphore, #tpu.memory_space<semaphore_mem>>) src(%dma_wait3A_211 : memref<6656xi32, #tpu.memory_space<vmem>>) dst(%dma_wait3A_209 : memref<6656xi32, #tpu.memory_space<hbm>>)
      %dma_wait3A_212 = arith.constant 0 : i32
      %dma_wait3A_213 = tpu.memref_slice %arg18[%dma_wait3A_212] : memref<3328xf32, #tpu.memory_space<vmem>> -> memref<3328xf32, #tpu.memory_space<vmem>>
      %dma_wait3A_214 = arith.constant 21248 : i32
      %dma_wait3A_215 = tpu.memref_slice %arg15[%dma_wait3A_214] : memref<24576xf32, #tpu.memory_space<hbm>> -> memref<3328xf32, #tpu.memory_space<hbm>>
      %dma_wait3A_216 = arith.constant 21248 : i32
      %dma_wait3A_217 = tpu.memref_slice %arg15[%dma_wait3A_216] : memref<24576xf32, #tpu.memory_space<hbm>> -> memref<3328xf32, #tpu.memory_space<hbm>>
      %dma_wait3A_218 = arith.constant 0 : i32
      %dma_wait3A_219 = tpu.memref_slice %arg18[%dma_wait3A_218] : memref<3328xf32, #tpu.memory_space<vmem>> -> memref<3328xf32, #tpu.memory_space<vmem>>
      tpu.wait_dma2 semaphore(%arg19 : memref<!tpu.dma_semaphore, #tpu.memory_space<semaphore_mem>>) src(%dma_wait3A_219 : memref<3328xf32, #tpu.memory_space<vmem>>) dst(%dma_wait3A_217 : memref<3328xf32, #tpu.memory_space<hbm>>)
    } else {
    }
    return
  }
}

module attributes {stable_mosaic.version = 14 : i64} {
  func.func @_tc_body(%arg0: memref<106496xi32, #tpu.memory_space<hbm>>, %arg1: memref<106496xi32, #tpu.memory_space<hbm>>, %arg2: memref<28672xi32, #tpu.memory_space<hbm>>, %arg3: memref<28672xi32, #tpu.memory_space<hbm>>, %arg4: memref<24576xi32, #tpu.memory_space<hbm>>, %arg5: memref<24576xi32, #tpu.memory_space<hbm>>, %arg6: memref<28672xi32, #tpu.memory_space<hbm>>, %arg7: memref<28672xi32, #tpu.memory_space<hbm>>, %arg8: memref<24576xi32, #tpu.memory_space<hbm>>, %arg9: memref<24576xi32, #tpu.memory_space<hbm>>, %arg10: memref<106496xi32, #tpu.memory_space<vmem>>, %arg11: memref<106496xi32, #tpu.memory_space<vmem>>, %arg12: memref<!tpu.dma_semaphore, #tpu.memory_space<semaphore_mem>>) attributes {dimension_semantics = [], scalar_prefetch = 0 : i64, scratch_operands = 3 : i64, tpu.core_type = #tpu.core_type<tc>} {
    %dma_start3A = arith.constant 0 : i32
    %dma_start3A_0 = tpu.memref_slice %arg10[%dma_start3A] : memref<106496xi32, #tpu.memory_space<vmem>> -> memref<28672xi32, #tpu.memory_space<vmem>>
    %dma_start3A_1 = arith.constant 0 : i32
    %dma_start3A_2 = tpu.memref_slice %arg0[%dma_start3A_1] : memref<106496xi32, #tpu.memory_space<hbm>> -> memref<28672xi32, #tpu.memory_space<hbm>>
    tpu.enqueue_dma source(%dma_start3A_2 : memref<28672xi32, #tpu.memory_space<hbm>>) target(%dma_start3A_0 : memref<28672xi32, #tpu.memory_space<vmem>>) target_semaphore(%arg12 : memref<!tpu.dma_semaphore, #tpu.memory_space<semaphore_mem>>)
    %dma_start3A_3 = arith.constant 28672 : i32
    %dma_start3A_4 = tpu.memref_slice %arg10[%dma_start3A_3] : memref<106496xi32, #tpu.memory_space<vmem>> -> memref<28672xi32, #tpu.memory_space<vmem>>
    %dma_start3A_5 = arith.constant 28672 : i32
    %dma_start3A_6 = tpu.memref_slice %arg0[%dma_start3A_5] : memref<106496xi32, #tpu.memory_space<hbm>> -> memref<28672xi32, #tpu.memory_space<hbm>>
    tpu.enqueue_dma source(%dma_start3A_6 : memref<28672xi32, #tpu.memory_space<hbm>>) target(%dma_start3A_4 : memref<28672xi32, #tpu.memory_space<vmem>>) target_semaphore(%arg12 : memref<!tpu.dma_semaphore, #tpu.memory_space<semaphore_mem>>)
    %dma_start3A_7 = arith.constant 57344 : i32
    %dma_start3A_8 = tpu.memref_slice %arg10[%dma_start3A_7] : memref<106496xi32, #tpu.memory_space<vmem>> -> memref<24576xi32, #tpu.memory_space<vmem>>
    %dma_start3A_9 = arith.constant 57344 : i32
    %dma_start3A_10 = tpu.memref_slice %arg0[%dma_start3A_9] : memref<106496xi32, #tpu.memory_space<hbm>> -> memref<24576xi32, #tpu.memory_space<hbm>>
    tpu.enqueue_dma source(%dma_start3A_10 : memref<24576xi32, #tpu.memory_space<hbm>>) target(%dma_start3A_8 : memref<24576xi32, #tpu.memory_space<vmem>>) target_semaphore(%arg12 : memref<!tpu.dma_semaphore, #tpu.memory_space<semaphore_mem>>)
    %dma_start3A_11 = arith.constant 81920 : i32
    %dma_start3A_12 = tpu.memref_slice %arg10[%dma_start3A_11] : memref<106496xi32, #tpu.memory_space<vmem>> -> memref<24576xi32, #tpu.memory_space<vmem>>
    %dma_start3A_13 = arith.constant 81920 : i32
    %dma_start3A_14 = tpu.memref_slice %arg0[%dma_start3A_13] : memref<106496xi32, #tpu.memory_space<hbm>> -> memref<24576xi32, #tpu.memory_space<hbm>>
    tpu.enqueue_dma source(%dma_start3A_14 : memref<24576xi32, #tpu.memory_space<hbm>>) target(%dma_start3A_12 : memref<24576xi32, #tpu.memory_space<vmem>>) target_semaphore(%arg12 : memref<!tpu.dma_semaphore, #tpu.memory_space<semaphore_mem>>)
    %dma_start3A_15 = arith.constant 0 : i32
    %dma_start3A_16 = tpu.memref_slice %arg11[%dma_start3A_15] : memref<106496xi32, #tpu.memory_space<vmem>> -> memref<28672xi32, #tpu.memory_space<vmem>>
    %dma_start3A_17 = arith.constant 0 : i32
    %dma_start3A_18 = tpu.memref_slice %arg1[%dma_start3A_17] : memref<106496xi32, #tpu.memory_space<hbm>> -> memref<28672xi32, #tpu.memory_space<hbm>>
    tpu.enqueue_dma source(%dma_start3A_18 : memref<28672xi32, #tpu.memory_space<hbm>>) target(%dma_start3A_16 : memref<28672xi32, #tpu.memory_space<vmem>>) target_semaphore(%arg12 : memref<!tpu.dma_semaphore, #tpu.memory_space<semaphore_mem>>)
    %dma_start3A_19 = arith.constant 28672 : i32
    %dma_start3A_20 = tpu.memref_slice %arg11[%dma_start3A_19] : memref<106496xi32, #tpu.memory_space<vmem>> -> memref<28672xi32, #tpu.memory_space<vmem>>
    %dma_start3A_21 = arith.constant 28672 : i32
    %dma_start3A_22 = tpu.memref_slice %arg1[%dma_start3A_21] : memref<106496xi32, #tpu.memory_space<hbm>> -> memref<28672xi32, #tpu.memory_space<hbm>>
    tpu.enqueue_dma source(%dma_start3A_22 : memref<28672xi32, #tpu.memory_space<hbm>>) target(%dma_start3A_20 : memref<28672xi32, #tpu.memory_space<vmem>>) target_semaphore(%arg12 : memref<!tpu.dma_semaphore, #tpu.memory_space<semaphore_mem>>)
    %dma_start3A_23 = arith.constant 57344 : i32
    %dma_start3A_24 = tpu.memref_slice %arg11[%dma_start3A_23] : memref<106496xi32, #tpu.memory_space<vmem>> -> memref<24576xi32, #tpu.memory_space<vmem>>
    %dma_start3A_25 = arith.constant 57344 : i32
    %dma_start3A_26 = tpu.memref_slice %arg1[%dma_start3A_25] : memref<106496xi32, #tpu.memory_space<hbm>> -> memref<24576xi32, #tpu.memory_space<hbm>>
    tpu.enqueue_dma source(%dma_start3A_26 : memref<24576xi32, #tpu.memory_space<hbm>>) target(%dma_start3A_24 : memref<24576xi32, #tpu.memory_space<vmem>>) target_semaphore(%arg12 : memref<!tpu.dma_semaphore, #tpu.memory_space<semaphore_mem>>)
    %dma_start3A_27 = arith.constant 81920 : i32
    %dma_start3A_28 = tpu.memref_slice %arg11[%dma_start3A_27] : memref<106496xi32, #tpu.memory_space<vmem>> -> memref<24576xi32, #tpu.memory_space<vmem>>
    %dma_start3A_29 = arith.constant 81920 : i32
    %dma_start3A_30 = tpu.memref_slice %arg1[%dma_start3A_29] : memref<106496xi32, #tpu.memory_space<hbm>> -> memref<24576xi32, #tpu.memory_space<hbm>>
    tpu.enqueue_dma source(%dma_start3A_30 : memref<24576xi32, #tpu.memory_space<hbm>>) target(%dma_start3A_28 : memref<24576xi32, #tpu.memory_space<vmem>>) target_semaphore(%arg12 : memref<!tpu.dma_semaphore, #tpu.memory_space<semaphore_mem>>)
    %dma_wait3A = arith.constant 0 : i32
    %dma_wait3A_31 = tpu.memref_slice %arg10[%dma_wait3A] : memref<106496xi32, #tpu.memory_space<vmem>> -> memref<28672xi32, #tpu.memory_space<vmem>>
    %dma_wait3A_32 = arith.constant 0 : i32
    %dma_wait3A_33 = tpu.memref_slice %arg0[%dma_wait3A_32] : memref<106496xi32, #tpu.memory_space<hbm>> -> memref<28672xi32, #tpu.memory_space<hbm>>
    tpu.wait_dma2 semaphore(%arg12 : memref<!tpu.dma_semaphore, #tpu.memory_space<semaphore_mem>>) src(%dma_wait3A_33 : memref<28672xi32, #tpu.memory_space<hbm>>) dst(%dma_wait3A_31 : memref<28672xi32, #tpu.memory_space<vmem>>)
    %dma_wait3A_34 = arith.constant 28672 : i32
    %dma_wait3A_35 = tpu.memref_slice %arg10[%dma_wait3A_34] : memref<106496xi32, #tpu.memory_space<vmem>> -> memref<28672xi32, #tpu.memory_space<vmem>>
    %dma_wait3A_36 = arith.constant 28672 : i32
    %dma_wait3A_37 = tpu.memref_slice %arg0[%dma_wait3A_36] : memref<106496xi32, #tpu.memory_space<hbm>> -> memref<28672xi32, #tpu.memory_space<hbm>>
    tpu.wait_dma2 semaphore(%arg12 : memref<!tpu.dma_semaphore, #tpu.memory_space<semaphore_mem>>) src(%dma_wait3A_37 : memref<28672xi32, #tpu.memory_space<hbm>>) dst(%dma_wait3A_35 : memref<28672xi32, #tpu.memory_space<vmem>>)
    %dma_wait3A_38 = arith.constant 57344 : i32
    %dma_wait3A_39 = tpu.memref_slice %arg10[%dma_wait3A_38] : memref<106496xi32, #tpu.memory_space<vmem>> -> memref<24576xi32, #tpu.memory_space<vmem>>
    %dma_wait3A_40 = arith.constant 57344 : i32
    %dma_wait3A_41 = tpu.memref_slice %arg0[%dma_wait3A_40] : memref<106496xi32, #tpu.memory_space<hbm>> -> memref<24576xi32, #tpu.memory_space<hbm>>
    tpu.wait_dma2 semaphore(%arg12 : memref<!tpu.dma_semaphore, #tpu.memory_space<semaphore_mem>>) src(%dma_wait3A_41 : memref<24576xi32, #tpu.memory_space<hbm>>) dst(%dma_wait3A_39 : memref<24576xi32, #tpu.memory_space<vmem>>)
    %dma_wait3A_42 = arith.constant 81920 : i32
    %dma_wait3A_43 = tpu.memref_slice %arg10[%dma_wait3A_42] : memref<106496xi32, #tpu.memory_space<vmem>> -> memref<24576xi32, #tpu.memory_space<vmem>>
    %dma_wait3A_44 = arith.constant 81920 : i32
    %dma_wait3A_45 = tpu.memref_slice %arg0[%dma_wait3A_44] : memref<106496xi32, #tpu.memory_space<hbm>> -> memref<24576xi32, #tpu.memory_space<hbm>>
    tpu.wait_dma2 semaphore(%arg12 : memref<!tpu.dma_semaphore, #tpu.memory_space<semaphore_mem>>) src(%dma_wait3A_45 : memref<24576xi32, #tpu.memory_space<hbm>>) dst(%dma_wait3A_43 : memref<24576xi32, #tpu.memory_space<vmem>>)
    %dma_wait3A_46 = arith.constant 0 : i32
    %dma_wait3A_47 = tpu.memref_slice %arg11[%dma_wait3A_46] : memref<106496xi32, #tpu.memory_space<vmem>> -> memref<28672xi32, #tpu.memory_space<vmem>>
    %dma_wait3A_48 = arith.constant 0 : i32
    %dma_wait3A_49 = tpu.memref_slice %arg1[%dma_wait3A_48] : memref<106496xi32, #tpu.memory_space<hbm>> -> memref<28672xi32, #tpu.memory_space<hbm>>
    tpu.wait_dma2 semaphore(%arg12 : memref<!tpu.dma_semaphore, #tpu.memory_space<semaphore_mem>>) src(%dma_wait3A_49 : memref<28672xi32, #tpu.memory_space<hbm>>) dst(%dma_wait3A_47 : memref<28672xi32, #tpu.memory_space<vmem>>)
    %dma_wait3A_50 = arith.constant 28672 : i32
    %dma_wait3A_51 = tpu.memref_slice %arg11[%dma_wait3A_50] : memref<106496xi32, #tpu.memory_space<vmem>> -> memref<28672xi32, #tpu.memory_space<vmem>>
    %dma_wait3A_52 = arith.constant 28672 : i32
    %dma_wait3A_53 = tpu.memref_slice %arg1[%dma_wait3A_52] : memref<106496xi32, #tpu.memory_space<hbm>> -> memref<28672xi32, #tpu.memory_space<hbm>>
    tpu.wait_dma2 semaphore(%arg12 : memref<!tpu.dma_semaphore, #tpu.memory_space<semaphore_mem>>) src(%dma_wait3A_53 : memref<28672xi32, #tpu.memory_space<hbm>>) dst(%dma_wait3A_51 : memref<28672xi32, #tpu.memory_space<vmem>>)
    %dma_wait3A_54 = arith.constant 57344 : i32
    %dma_wait3A_55 = tpu.memref_slice %arg11[%dma_wait3A_54] : memref<106496xi32, #tpu.memory_space<vmem>> -> memref<24576xi32, #tpu.memory_space<vmem>>
    %dma_wait3A_56 = arith.constant 57344 : i32
    %dma_wait3A_57 = tpu.memref_slice %arg1[%dma_wait3A_56] : memref<106496xi32, #tpu.memory_space<hbm>> -> memref<24576xi32, #tpu.memory_space<hbm>>
    tpu.wait_dma2 semaphore(%arg12 : memref<!tpu.dma_semaphore, #tpu.memory_space<semaphore_mem>>) src(%dma_wait3A_57 : memref<24576xi32, #tpu.memory_space<hbm>>) dst(%dma_wait3A_55 : memref<24576xi32, #tpu.memory_space<vmem>>)
    %dma_wait3A_58 = arith.constant 81920 : i32
    %dma_wait3A_59 = tpu.memref_slice %arg11[%dma_wait3A_58] : memref<106496xi32, #tpu.memory_space<vmem>> -> memref<24576xi32, #tpu.memory_space<vmem>>
    %dma_wait3A_60 = arith.constant 81920 : i32
    %dma_wait3A_61 = tpu.memref_slice %arg1[%dma_wait3A_60] : memref<106496xi32, #tpu.memory_space<hbm>> -> memref<24576xi32, #tpu.memory_space<hbm>>
    tpu.wait_dma2 semaphore(%arg12 : memref<!tpu.dma_semaphore, #tpu.memory_space<semaphore_mem>>) src(%dma_wait3A_61 : memref<24576xi32, #tpu.memory_space<hbm>>) dst(%dma_wait3A_59 : memref<24576xi32, #tpu.memory_space<vmem>>)
    %dma_start3A_62 = arith.constant 0 : i32
    %dma_start3A_63 = tpu.memref_slice %arg10[%dma_start3A_62] : memref<106496xi32, #tpu.memory_space<vmem>> -> memref<28672xi32, #tpu.memory_space<vmem>>
    tpu.enqueue_dma source(%dma_start3A_63 : memref<28672xi32, #tpu.memory_space<vmem>>) target(%arg2 : memref<28672xi32, #tpu.memory_space<hbm>>) target_semaphore(%arg12 : memref<!tpu.dma_semaphore, #tpu.memory_space<semaphore_mem>>)
    %dma_start3A_64 = arith.constant 28672 : i32
    %dma_start3A_65 = tpu.memref_slice %arg10[%dma_start3A_64] : memref<106496xi32, #tpu.memory_space<vmem>> -> memref<28672xi32, #tpu.memory_space<vmem>>
    tpu.enqueue_dma source(%dma_start3A_65 : memref<28672xi32, #tpu.memory_space<vmem>>) target(%arg3 : memref<28672xi32, #tpu.memory_space<hbm>>) target_semaphore(%arg12 : memref<!tpu.dma_semaphore, #tpu.memory_space<semaphore_mem>>)
    %dma_start3A_66 = arith.constant 57344 : i32
    %dma_start3A_67 = tpu.memref_slice %arg10[%dma_start3A_66] : memref<106496xi32, #tpu.memory_space<vmem>> -> memref<24576xi32, #tpu.memory_space<vmem>>
    tpu.enqueue_dma source(%dma_start3A_67 : memref<24576xi32, #tpu.memory_space<vmem>>) target(%arg4 : memref<24576xi32, #tpu.memory_space<hbm>>) target_semaphore(%arg12 : memref<!tpu.dma_semaphore, #tpu.memory_space<semaphore_mem>>)
    %dma_start3A_68 = arith.constant 81920 : i32
    %dma_start3A_69 = tpu.memref_slice %arg10[%dma_start3A_68] : memref<106496xi32, #tpu.memory_space<vmem>> -> memref<24576xi32, #tpu.memory_space<vmem>>
    tpu.enqueue_dma source(%dma_start3A_69 : memref<24576xi32, #tpu.memory_space<vmem>>) target(%arg5 : memref<24576xi32, #tpu.memory_space<hbm>>) target_semaphore(%arg12 : memref<!tpu.dma_semaphore, #tpu.memory_space<semaphore_mem>>)
    %dma_start3A_70 = arith.constant 0 : i32
    %dma_start3A_71 = tpu.memref_slice %arg11[%dma_start3A_70] : memref<106496xi32, #tpu.memory_space<vmem>> -> memref<28672xi32, #tpu.memory_space<vmem>>
    tpu.enqueue_dma source(%dma_start3A_71 : memref<28672xi32, #tpu.memory_space<vmem>>) target(%arg6 : memref<28672xi32, #tpu.memory_space<hbm>>) target_semaphore(%arg12 : memref<!tpu.dma_semaphore, #tpu.memory_space<semaphore_mem>>)
    %dma_start3A_72 = arith.constant 28672 : i32
    %dma_start3A_73 = tpu.memref_slice %arg11[%dma_start3A_72] : memref<106496xi32, #tpu.memory_space<vmem>> -> memref<28672xi32, #tpu.memory_space<vmem>>
    tpu.enqueue_dma source(%dma_start3A_73 : memref<28672xi32, #tpu.memory_space<vmem>>) target(%arg7 : memref<28672xi32, #tpu.memory_space<hbm>>) target_semaphore(%arg12 : memref<!tpu.dma_semaphore, #tpu.memory_space<semaphore_mem>>)
    %dma_start3A_74 = arith.constant 57344 : i32
    %dma_start3A_75 = tpu.memref_slice %arg11[%dma_start3A_74] : memref<106496xi32, #tpu.memory_space<vmem>> -> memref<24576xi32, #tpu.memory_space<vmem>>
    tpu.enqueue_dma source(%dma_start3A_75 : memref<24576xi32, #tpu.memory_space<vmem>>) target(%arg8 : memref<24576xi32, #tpu.memory_space<hbm>>) target_semaphore(%arg12 : memref<!tpu.dma_semaphore, #tpu.memory_space<semaphore_mem>>)
    %dma_start3A_76 = arith.constant 81920 : i32
    %dma_start3A_77 = tpu.memref_slice %arg11[%dma_start3A_76] : memref<106496xi32, #tpu.memory_space<vmem>> -> memref<24576xi32, #tpu.memory_space<vmem>>
    tpu.enqueue_dma source(%dma_start3A_77 : memref<24576xi32, #tpu.memory_space<vmem>>) target(%arg9 : memref<24576xi32, #tpu.memory_space<hbm>>) target_semaphore(%arg12 : memref<!tpu.dma_semaphore, #tpu.memory_space<semaphore_mem>>)
    %dma_wait3A_78 = arith.constant 0 : i32
    %dma_wait3A_79 = tpu.memref_slice %arg10[%dma_wait3A_78] : memref<106496xi32, #tpu.memory_space<vmem>> -> memref<28672xi32, #tpu.memory_space<vmem>>
    tpu.wait_dma2 semaphore(%arg12 : memref<!tpu.dma_semaphore, #tpu.memory_space<semaphore_mem>>) src(%dma_wait3A_79 : memref<28672xi32, #tpu.memory_space<vmem>>) dst(%arg2 : memref<28672xi32, #tpu.memory_space<hbm>>)
    %dma_wait3A_80 = arith.constant 28672 : i32
    %dma_wait3A_81 = tpu.memref_slice %arg10[%dma_wait3A_80] : memref<106496xi32, #tpu.memory_space<vmem>> -> memref<28672xi32, #tpu.memory_space<vmem>>
    tpu.wait_dma2 semaphore(%arg12 : memref<!tpu.dma_semaphore, #tpu.memory_space<semaphore_mem>>) src(%dma_wait3A_81 : memref<28672xi32, #tpu.memory_space<vmem>>) dst(%arg3 : memref<28672xi32, #tpu.memory_space<hbm>>)
    %dma_wait3A_82 = arith.constant 57344 : i32
    %dma_wait3A_83 = tpu.memref_slice %arg10[%dma_wait3A_82] : memref<106496xi32, #tpu.memory_space<vmem>> -> memref<24576xi32, #tpu.memory_space<vmem>>
    tpu.wait_dma2 semaphore(%arg12 : memref<!tpu.dma_semaphore, #tpu.memory_space<semaphore_mem>>) src(%dma_wait3A_83 : memref<24576xi32, #tpu.memory_space<vmem>>) dst(%arg4 : memref<24576xi32, #tpu.memory_space<hbm>>)
    %dma_wait3A_84 = arith.constant 81920 : i32
    %dma_wait3A_85 = tpu.memref_slice %arg10[%dma_wait3A_84] : memref<106496xi32, #tpu.memory_space<vmem>> -> memref<24576xi32, #tpu.memory_space<vmem>>
    tpu.wait_dma2 semaphore(%arg12 : memref<!tpu.dma_semaphore, #tpu.memory_space<semaphore_mem>>) src(%dma_wait3A_85 : memref<24576xi32, #tpu.memory_space<vmem>>) dst(%arg5 : memref<24576xi32, #tpu.memory_space<hbm>>)
    %dma_wait3A_86 = arith.constant 0 : i32
    %dma_wait3A_87 = tpu.memref_slice %arg11[%dma_wait3A_86] : memref<106496xi32, #tpu.memory_space<vmem>> -> memref<28672xi32, #tpu.memory_space<vmem>>
    tpu.wait_dma2 semaphore(%arg12 : memref<!tpu.dma_semaphore, #tpu.memory_space<semaphore_mem>>) src(%dma_wait3A_87 : memref<28672xi32, #tpu.memory_space<vmem>>) dst(%arg6 : memref<28672xi32, #tpu.memory_space<hbm>>)
    %dma_wait3A_88 = arith.constant 28672 : i32
    %dma_wait3A_89 = tpu.memref_slice %arg11[%dma_wait3A_88] : memref<106496xi32, #tpu.memory_space<vmem>> -> memref<28672xi32, #tpu.memory_space<vmem>>
    tpu.wait_dma2 semaphore(%arg12 : memref<!tpu.dma_semaphore, #tpu.memory_space<semaphore_mem>>) src(%dma_wait3A_89 : memref<28672xi32, #tpu.memory_space<vmem>>) dst(%arg7 : memref<28672xi32, #tpu.memory_space<hbm>>)
    %dma_wait3A_90 = arith.constant 57344 : i32
    %dma_wait3A_91 = tpu.memref_slice %arg11[%dma_wait3A_90] : memref<106496xi32, #tpu.memory_space<vmem>> -> memref<24576xi32, #tpu.memory_space<vmem>>
    tpu.wait_dma2 semaphore(%arg12 : memref<!tpu.dma_semaphore, #tpu.memory_space<semaphore_mem>>) src(%dma_wait3A_91 : memref<24576xi32, #tpu.memory_space<vmem>>) dst(%arg8 : memref<24576xi32, #tpu.memory_space<hbm>>)
    %dma_wait3A_92 = arith.constant 81920 : i32
    %dma_wait3A_93 = tpu.memref_slice %arg11[%dma_wait3A_92] : memref<106496xi32, #tpu.memory_space<vmem>> -> memref<24576xi32, #tpu.memory_space<vmem>>
    tpu.wait_dma2 semaphore(%arg12 : memref<!tpu.dma_semaphore, #tpu.memory_space<semaphore_mem>>) src(%dma_wait3A_93 : memref<24576xi32, #tpu.memory_space<vmem>>) dst(%arg9 : memref<24576xi32, #tpu.memory_space<hbm>>)
    return
  }
}

</mosaic_0001>

<sc_bundles>
// kernel: kernel.4.cloned.1.call-start
scs
__scs_entry_jumppad:
0x0: {  	(pc) =	sbr.rel $0x88, $3  }
0x1: {  	(tag) =	ssettag $0x0;
	lr =	simm.s32 $0x1  }
0x2: {  	[smem:$0x3F9C] =	sst lr;
	_ =	strace $0xD0000000  }
0x3: {  	_ = 	snop  }
0x4: {  	_ = 	snop  }
0x5: {  	_ = 	snop  }
0x6: {  	_ = 	snop  }
0x7: {  	_ = 	snop  }
__scs_overlays_trampoline_lowered:
0x8: {  	[smem:$0x3FAB] =	sst s0  }
0x9: {  	[smem:$0x3FAC] =	sst s1  }
0xa: {  	[smem:$0x3FAD] =	sst s2  }
0xb: {  	[smem:$0x3FAE] =	sst s3  }
0xc: {  	[smem:$0x3FAF] =	sst s4  }
0xd: {  	[smem:$0x3FB0] =	sst s5  }
0xe: {  	[smem:$0x3FB1] =	sst s6  }
0xf: {  	[smem:$0x3FB2] =	sst s7  }
0x10: {  	[smem:$0x3FB3] =	sst s8  }
0x11: {  	[smem:$0x3FB4] =	sst s9;
	s0 =	simm.s32 @!p0 $0x0  }
0x12: {  	s1 =	sld [smem:$0x3F9A];
	s0 =	simm.s32 @p0 $0x1  }
0x13: {  	[smem:$0x3FB5] =	sst s0;
	s0 =	simm.s32 @!p1 $0x0  }
0x14: {  	s2 =	sld [smem:$0x3F99];
	s0 =	simm.s32 @p1 $0x1  }
0x15: {  	[smem:$0x3FB6] =	sst s0;
	s0 =	simm.s32 @!p2 $0x0  }
0x16: {  	s3 =	sld [smem:$0x3FDB];
	s0 =	simm.s32 @p2 $0x1  }
0x17: {  	s4 =	simm.s32 $0x1BF5;
	[smem:$0x3FB8] =	sst s0  }
0x18: {  	s0 =	sld [smem:$0x3F9B];
	_ =	swait.ge [sflag:s4], $0x0  }
0x19: {  	s7 =	sld [smem:$0x3F9C]  }
0x1a: {  	s8 =	sadd.s32 $0xFFFFE003, lr  }
0x1b: {  	s9 =	sadd.s32 $0xFFFFFEF7, lr;
	s5 =	simm.s32 $0xFFFFFFFF;
	p2 =	slt.u32 s8, $0xFFFFF086  }
0x1c: {  	p1 =	slt.u32 s9, $0xF7A;
	s5 =	simm.s32 @!p2 $0x0  }
0x1d: {  	s5 =	simm.s32 @p1 $0x1;
	p0 =	seq.s32 s7, s2  }
0x1e: {  	s7 =	smul.u32 @!p0 $0xF7A, s2;
	p2 =	seq.s32 @!p0 s5, $0x0  }
0x1f: {  	s9 =	smul.u32 $0xF7A, s1;
	s8 =	simm.s32 @!p0 $0x1BF5;
	p2 =	por !p2, p0  }
0x20: {  	[sflag:s8] =	ssyncset.s32 @!p0 $0xFFFFF086;
	s6 =	sadd.s32 @!p0 s3, s7;
	s7 =	simm.s32 @!p0 $0x108  }
0x21: {  	s3 =	sadd.s32 s3, s9;
	s6 =	sadd.s32 @!p0 $0x88, s6;
	s7 =	simm.s32 @p2 $0x1082  }
0x22: {  	[simem:s7], [sflag:s8] =	dma.local @!p0 [hbm:s6], $0xF7A  }
0x23: {  	s9 =	sor.u32 $0xD0000000, s2;
	s6 =	simm.s32 $0x108;
	_ =	swait.ge @!p0 [sflag:s8], $0x0  }
0x24: {  	s3 =	sadd.s32 $0x88, s3;
	s6 =	simm.s32 @!p1 $0x1082;
	[sflag:s4] =	ssyncset.s32 $0xFFFFF086  }
0x25: {  	[simem:s6], [sflag:s4] =	dma.local [hbm:s3], $0xF7A  }
0x26: {  	[smem:$0x3F9C] =	sst s1;
	(tag) =	ssettag s2;
	_ =	strace s9  }
0x27: {  	s1 =	sld [smem:$0x3FAC]  }
0x28: {  	s2 =	sld [smem:$0x3FAD]  }
0x29: {  	s4 =	sld [smem:$0x3FAF]  }
0x2a: {  	p0 =	seq.s32 s5, $0x0;
	s5 =	sld [smem:$0x3FB0]  }
0x2b: {  	s6 =	sld [smem:$0x3FB1]  }
0x2c: {  	s7 =	sld [smem:$0x3FB2]  }
0x2d: {  	s3 =	simm.s32 $0x108;
	s8 =	sld [smem:$0x3FB3]  }
0x2e: {  	s3 =	simm.s32 @!p0 $0x1082;
	s9 =	sld [smem:$0x3FB4]  }
0x2f: {  	lr =	sadd.s32 s0, s3;
	s0 =	sld [smem:$0x3FAB]  }
0x30: {  	s3 =	sld [smem:$0x3FAE]  }
0x31: {  	[smem:$0x3FB7] =	sst s10  }
0x32: {  	s10 =	sld [smem:$0x3FB5];
	_ =	sdelay $0x3  }
0x33: {  	p0 =	seq.s32 s10, $0x1;
	s10 =	sld [smem:$0x3FB7];
	_ =	sdelay $0x3  }
0x34: {  	[smem:$0x3FB7] =	sst s10  }
0x35: {  	s10 =	sld [smem:$0x3FB6];
	_ =	sdelay $0x3  }
0x36: {  	p1 =	seq.s32 s10, $0x1;
	s10 =	sld [smem:$0x3FB7];
	_ =	sdelay $0x3  }
0x37: {  	[smem:$0x3FB7] =	sst s10  }
0x38: {  	s10 =	sld [smem:$0x3FB8]  }
0x39: {  	_ = 	snop;
	(pc) =	sbr.ind lr, $3  }
0x3a: {  	_ = 	snop  }
0x3b: {  	_ = 	snop  }
0x3c: {  	p2 =	seq.s32 s10, $0x1;
	s10 =	sld [smem:$0x3FB7]  }
0x3d: {  	_ =	shalt  }
0x3e: {  	_ =	shalt  }
0x3f: {  	_ =	shalt  }
0x40: {  	_ =	shalt  }
0x41: {  	_ =	shalt  }
0x42: {  	_ =	shalt  }
0x43: {  	_ =	shalt  }
0x44: {  	_ =	shalt  }
0x45: {  	_ =	shalt  }
0x46: {  	_ =	shalt  }
0x47: {  	_ =	shalt  }
0x48: {  	_ =	shalt  }
0x49: {  	_ =	shalt  }
0x4a: {  	_ =	shalt  }
0x4b: {  	_ =	shalt  }
0x4c: {  	_ =	shalt  }
0x4d: {  	_ =	shalt  }
0x4e: {  	_ =	shalt  }
0x4f: {  	_ =	shalt  }
0x50: {  	_ =	shalt  }
0x51: {  	_ =	shalt  }
0x52: {  	_ =	shalt  }
0x53: {  	_ =	shalt  }
0x54: {  	_ =	shalt  }
0x55: {  	_ =	shalt  }
0x56: {  	_ =	shalt  }
0x57: {  	_ =	shalt  }
0x58: {  	_ =	shalt  }
0x59: {  	_ =	shalt  }
0x5a: {  	_ =	shalt  }
0x5b: {  	_ =	shalt  }
0x5c: {  	_ =	shalt  }
0x5d: {  	_ =	shalt  }
0x5e: {  	_ =	shalt  }
0x5f: {  	_ =	shalt  }
0x60: {  	_ =	shalt  }
0x61: {  	_ =	shalt  }
0x62: {  	_ =	shalt  }
0x63: {  	_ =	shalt  }
0x64: {  	_ =	shalt  }
0x65: {  	_ =	shalt  }
0x66: {  	_ =	shalt  }
0x67: {  	_ =	shalt  }
0x68: {  	_ =	shalt  }
0x69: {  	_ =	shalt  }
0x6a: {  	_ =	shalt  }
0x6b: {  	_ =	shalt  }
0x6c: {  	_ =	shalt  }
0x6d: {  	_ =	shalt  }
0x6e: {  	_ =	shalt  }
0x6f: {  	_ =	shalt  }
0x70: {  	_ =	shalt  }
0x71: {  	_ =	shalt  }
0x72: {  	_ =	shalt  }
0x73: {  	_ =	shalt  }
0x74: {  	_ =	shalt  }
0x75: {  	_ =	shalt  }
0x76: {  	_ =	shalt  }
0x77: {  	_ =	shalt  }
0x78: {  	_ =	shalt  }
0x79: {  	_ =	shalt  }
0x7a: {  	_ =	shalt  }
0x7b: {  	_ =	shalt  }
0x7c: {  	_ =	shalt  }
0x7d: {  	_ =	shalt  }
0x7e: {  	_ =	shalt  }
0x7f: {  	_ =	shalt  }
0x80: {  	_ =	shalt  }
0x81: {  	_ =	shalt  }
0x82: {  	_ =	shalt  }
0x83: {  	_ =	shalt  }
0x84: {  	_ =	shalt  }
0x85: {  	_ =	shalt  }
0x86: {  	_ =	shalt  }
0x87: {  	_ =	shalt  }
.Lfunc_end0:
.L_simem_size_0:
called_computation_lowered:
.L_overlay_start_0:
0x88: {  	s2 =	sld [smem:$0x3FD9]  }
0x89: {  	s3 =	sld [smem:$0x3FFE];
	_ =	sdelay $0x1  }
0x8a: {  	s1 =	srdreg.scid  }
0x8b: {  	s0 =	sand.u32 $0x1, s1  }
0x8c: {  	s23 =	sshll.u32 s0, $0xA;
	s2 =	sadd.s32 s3, s2  }
0x8d: {  	s2 =	sadd.s32 s2, s23  }
0x8e: {  	[smem:$0x3FC3] =	sst s2  }
0x8f: {  	_ = 	snop  }
0x90: {  	s14 =	sld [smem:$0x3FD0]  }
0x91: {  	s2 =	sld [smem:$0x3FC8]  }
0x92: {  	s3 =	sld [smem:$0x3FC6]  }
0x93: {  	s16 =	simm.s32 $0xA;
	s15 =	simm.s32 $0x10;
	s4 =	sld [smem:$0x3FC5]  }
0x94: {  	[smem:s15], [sflag:s16] =	dma.local [hbm:s14], $0x1  }
0x95: {  	_ =	swait.eq [sflag:s16], $0x1  }
0x96: {  	s5 =	sld [smem:$0x11]  }
0x97: {  	s6 =	sld [smem:$0x13];
	[sflag:s16] =	ssyncset.done $0x0  }
0x98: {  	s7 =	sld [smem:$0x14];
	[sflag:s16] =	ssyncadd.s32 $0xFFFFFFFF  }
0x99: {  	s9 =	sadd.s32 $0x1, s14;
	s8 =	sld [smem:$0x16]  }
0x9a: {  	[smem:s15], [sflag:s16] =	dma.local [hbm:s9], $0x1  }
0x9b: {  	_ =	swait.eq [sflag:s16], $0x1  }
0x9c: {  	s9 =	sld [smem:$0x10]  }
0x9d: {  	s10 =	sld [smem:$0x11]  }
0x9e: {  	s11 =	sld [smem:$0x13];
	[sflag:s16] =	ssyncset.done $0x0  }
0x9f: {  	s12 =	sld [smem:$0x15];
	[sflag:s16] =	ssyncadd.s32 $0xFFFFFFFF  }
0xa0: {  	s14 =	sadd.s32 $0x2, s14;
	s13 =	sld [smem:$0x16]  }
0xa1: {  	[smem:s15], [sflag:s16] =	dma.local [hbm:s14], $0x1  }
0xa2: {  	_ =	swait.eq [sflag:s16], $0x1  }
0xa3: {  	s14 =	sld [smem:$0x10];
	[sflag:s16] =	ssyncset.done $0x0  }
0xa4: {  	s15 =	sld [smem:$0x12];
	[sflag:s16] =	ssyncadd.s32 $0xFFFFFFFF  }
0xa5: {  	s17 =	sld [smem:$0x13];
	(tm) =	ssettm $0x1  }
0xa6: {  	s24 =	sld [smem:$0x3FFB];
	_ =	sdelay $0x3  }
0xa7: {  	_ =	strace s24  }
0xa8: {  	s16 =	sld [smem:$0x3FFC];
	_ =	sdelay $0x3  }
0xa9: {  	_ =	strace s16  }
0xaa: {  	s16 =	sld [smem:$0x3FFD];
	_ =	sdelay $0x3  }
0xab: {  	_ =	strace s16  }
0xac: {  	_ =	strace $0x8FFFFFFF  }
0xad: {  	s25 =	sld [smem:$0x3FDB];
	_ =	sdelay $0x1  }
0xae: {  	s18 =	simm.s32 $_scs_section_size  }
0xaf: {  	s19 =	simm.s32 $_size__tile_task_arg_handler_lowered;
	s20 =	simm.s32 $_tile_task_arg_handler_lowered  }
0xb0: {  	s29 =	simm.s32 $0x1BFF;
	s28 =	sshll.u32 s20, $0x1;
	s18 =	sadd.s32 s18, s25  }
0xb1: {  	s21 =	simm.s32 $0x60;
	s26 =	sshll.u32 s19, $0x1;
	s19 =	sadd.s32 s28, s18  }
0xb2: {  	[timem:s21], [sflag:s29] =	dma.local [hbm:s19], s26  }
0xb3: {  	_ =	swait.ge [sflag:s29], s26  }
0xb4: {  	s30 =	simm.s32 $_tile_overlayer_lowered;
	s16 =	ssub.s32 $0x0, s26;
	[sflag:s29] =	ssyncset.done $0x0  }
0xb5: {  	s31 =	simm.s32 $_size__tile_overlayer_lowered;
	s19 =	sshll.u32 s30, $0x1;
	[sflag:s29] =	ssyncadd.s32 s16  }
0xb6: {  	s22 =	simm.s32 $0x0;
	s19 =	sadd.s32 s19, s18;
	s16 =	sshll.u32 s31, $0x1  }
0xb7: {  	[timem:s22], [sflag:s29] =	dma.local [hbm:s19], s16  }
0xb8: {  	_ =	swait.ge [sflag:s29], s16  }
0xb9: {  	s23 =	ssub.s32 $0x0, s16;
	[sflag:s29] =	ssyncset.done $0x0  }
0xba: {  	[sflag:s29] =	ssyncadd.s32 s23;
	_ =	sdelay $0x1  }
0xbb: {  	s24 =	simm.s32 $0x1B8B  }
0xbc: {  	_ =	swait.ge [sflag:s24], $0x1  }
0xbd: {  	[sflag:s24] =	ssyncset.done $0x0  }
0xbe: {  	s25 =	simm.s32 $0x1B8E;
	[sflag:s24] =	ssyncadd.s32 $0xFFFFFFFF  }
0xbf: {  	s26 =	simm.s32 $execute0_lowered;
	[smem:$0x3FD2] =	sst s25  }
0xc0: {  	s19 =	sshll.u32 s26, $0x1;
	_ =	strace $0x80000046;
	[dreg:$0x1] =	wrdreg $0xFFFFFFFF  }
0xc1: {  	s28 =	simm.s32 $_size_execute0_lowered;
	s18 =	sadd.s32 s18, s19;
	[dreg:$0x0] =	wrdreg $0x0  }
0xc2: {  	s19 =	sshll.u32 s28, $0x1;
	[dreg:$0x2] =	wrdreg s18  }
0xc3: {  	[dreg:$0x3] =	wrdreg s19  }
0xc4: {  	[dreg:$0x4] =	wrdreg $0xC0  }
0xc5: {  	_ =	task [dreg:s22], $0x5FFFF  }
0xc6: {  	[dreg:$0x1] =	wrdreg $0xFFFFFFFF  }
0xc7: {  	[dreg:$0x0] =	wrdreg $0x30  }
0xc8: {  	[dreg:$0x2] =	wrdreg $0x0  }
0xc9: {  	[dreg:$0x3] =	wrdreg s17  }
0xca: {  	[dreg:$0x4] =	wrdreg $0x9  }
0xcb: {  	_ =	task [dreg:s22], $0x5FFFF  }
0xcc: {  	[dreg:$0x1] =	wrdreg $0xFFFFFFFF  }
0xcd: {  	[dreg:$0x0] =	wrdreg $0x60  }
0xce: {  	[dreg:$0x2] =	wrdreg s2  }
0xcf: {  	[dreg:$0x3] =	wrdreg s3  }
0xd0: {  	[dreg:$0x4] =	wrdreg s4  }
0xd1: {  	[dreg:$0x5] =	wrdreg s5  }
0xd2: {  	[dreg:$0x6] =	wrdreg s6  }
0xd3: {  	[dreg:$0x7] =	wrdreg s7  }
0xd4: {  	[dreg:$0x8] =	wrdreg s8  }
0xd5: {  	[dreg:$0x9] =	wrdreg s9  }
0xd6: {  	[dreg:$0xa] =	wrdreg s10  }
0xd7: {  	[dreg:$0xb] =	wrdreg s11  }
0xd8: {  	[dreg:$0xc] =	wrdreg s12  }
0xd9: {  	[dreg:$0xd] =	wrdreg s13  }
0xda: {  	[dreg:$0xe] =	wrdreg s14  }
0xdb: {  	[dreg:$0xf] =	wrdreg s15  }
0xdc: {  	_ =	task.clear_ibuf [dreg:s22], $0x10FFFF;
	_ =	strace $0x90000046  }
0xdd: {  	s29 =	simm.s32 $0x9;
	_ =	strace $0x80000048  }
0xde: {  	_ =	swait.ge [sflag:s29], $0x1  }
0xdf: {  	[sflag:s29] =	ssyncadd.s32 $0xFFFFFFFF  }
0xe0: {  	_ =	strace $0x90000048  }
0xe1: {  	_ =	sfence  }
0xe2: {  	s30 =	sld [smem:$0x0];
	_ =	sdelay $0x2  }
0xe3: {  	s31 =	sshll.u32 s1, $0xD;
	s1 =	sshrl.u32 s1, $0x2  }
0xe4: {  	s3 =	sand.u32 $0x4000, s31;
	s1 =	sadd.s32 s1, s30  }
0xe5: {  	s0 =	sor.u32 s3, s0;
	s1 =	sshll.u32 s1, $0x11  }
0xe6: {  	s0 =	sor.u32 s1, s0  }
0xe7: {  	s0 =	sadd.s32 $0x8F2B, s0  }
0xe8: {  	[sflag:s0] =	ssyncadd.remote.s32 $0x1  }
0xe9: {  	_ =	sfence.sel $0xFFFF  }
0xea: {  	[dreg:$0x0] =	wrdreg $0xFFFFFFFF;
	(pc) =	sbr.abs _section_cstart, $3  }
0xeb: {  	[dreg:$0x1] =	wrdreg $0xFFFFFFFF  }
0xec: {  	_ =	task.clear_ibuf [dreg:s22], $0x2FFFF;
	_ =	strace $0x9FFFFFFF  }
0xed: {  	(tm) =	ssettm $0x7FFFFFFF  }
tec
_tile_task_arg_handler_lowered:
.L_overlay_start_1:
0x0: {  	(tag) =	ssettag $0x1  }
0x1: {  	s0 =	rddreg [dreg:$0x0]  }
0x2: {  	s1 =	rddreg [dreg:$0x1]  }
0x3: {  	s2 =	rddreg [dreg:$0x2]  }
0x4: {  	s3 =	rddreg [dreg:$0x3]  }
0x5: {  	s4 =	rddreg [dreg:$0x4]  }
0x6: {  	s5 =	rddreg [dreg:$0x5]  }
0x7: {  	s6 =	rddreg [dreg:$0x6]  }
0x8: {  	s7 =	rddreg [dreg:$0x7]  }
0x9: {  	s8 =	rddreg [dreg:$0x8]  }
0xa: {  	s9 =	rddreg [dreg:$0x9]  }
0xb: {  	s10 =	rddreg [dreg:$0xa]  }
0xc: {  	s11 =	rddreg [dreg:$0xb]  }
0xd: {  	s12 =	rddreg [dreg:$0xc]  }
0xe: {  	s13 =	rddreg [dreg:$0xd]  }
0xf: {  	[smem:s0] =	sst s1  }
0x10: {  	[smem:s0+$0x1] =	sst s2  }
0x11: {  	[smem:s0+$0x2] =	sst s3  }
0x12: {  	[smem:s0+$0x3] =	sst s4  }
0x13: {  	[smem:s0+$0x4] =	sst s5  }
0x14: {  	[smem:s0+$0x5] =	sst s6  }
0x15: {  	[smem:s0+$0x6] =	sst s7  }
0x16: {  	[smem:s0+$0x7] =	sst s8  }
0x17: {  	[smem:s0+$0x8] =	sst s9  }
0x18: {  	[smem:s0+$0x9] =	sst s10  }
0x19: {  	[smem:s0+$0xA] =	sst s11  }
0x1a: {  	[smem:s0+$0xB] =	sst s12  }
0x1b: {  	[smem:s0+$0xC] =	sst s13;
	_ =	shalt  }
.Lfunc_end2:
execute0_lowered:
.L_overlay_start_2:
0x1c: {  	(tag) =	ssettag $0x2  }
0x1d: {  	s3 =	srdreg.scid;
	s5 =	stileid.u32  }
0x1e: {  	s3 =	sand.u32 $0x1, s3;
	s5 =	sshll.u32 s5, $0x1  }
0x1f: {  	s13 =	sor.u32 s3, s5  }
0x20: {  	s0 =	rddreg [dreg:$0x0];
	p0 =	sgt.s32 s13, $0x1  }
0x21: {  	s1 =	rddreg [dreg:$0x1];
	p1 =	seq.s32 @p0 s13, $0x2  }
0x22: {  	s2 =	rddreg [dreg:$0x2];
	p2 =	por !p1, !p0  }
0x23: {  	s11 =	rddreg [dreg:$0x3];
	s17 =	simm.s32 @!p2 $0x0  }
0x24: {  	s4 =	rddreg [dreg:$0x4];
	p1 =	por p1, !p0;
	s17 =	simm.s32 @p2 $0x1  }
0x25: {  	p2 =	seq.s32 @!p0 s13, $0x0;
	[smem:$0x789] =	sst s17;
	s17 =	simm.s32 @!p1 $0x0  }
0x26: {  	s6 =	rddreg [dreg:$0x5];
	s17 =	simm.s32 @p1 $0x1;
	p1 =	por !p2, p0  }
0x27: {  	[smem:$0x78A] =	sst s17;
	s17 =	simm.s32 @!p1 $0x0  }
0x28: {  	p3 =	sgt.s32 s13, $0x5;
	p0 =	por p2, p0;
	s17 =	simm.s32 @p1 $0x1  }
0x29: {  	p1 =	seq.s32 @p3 s13, $0x6;
	[smem:$0x78B] =	sst s17;
	s17 =	simm.s32 @!p0 $0x0  }
0x2a: {  	s7 =	rddreg [dreg:$0x6];
	s17 =	simm.s32 @p0 $0x1;
	p0 =	por !p1, !p3  }
0x2b: {  	[smem:$0x78C] =	sst s17;
	s17 =	simm.s32 @!p0 $0x0  }
0x2c: {  	s8 =	rddreg [dreg:$0x7];
	p1 =	por p1, !p3;
	s17 =	simm.s32 @p0 $0x1  }
0x2d: {  	p0 =	seq.s32 @!p3 s13, $0x4;
	[smem:$0x78D] =	sst s17;
	s17 =	simm.s32 @!p1 $0x0  }
0x2e: {  	p6 =	por !p0, p3;
	p0 =	por p0, p3;
	s17 =	simm.s32 @p1 $0x1  }
0x2f: {  	p1 =	sgt.s32 s13, $0x9;
	[smem:$0x78E] =	sst s17;
	s17 =	simm.s32 @!p0 $0x0  }
0x30: {  	s9 =	rddreg [dreg:$0x8];
	s17 =	simm.s32 @p0 $0x1;
	p0 =	seq.s32 @p1 s13, $0xA  }
0x31: {  	s10 =	rddreg [dreg:$0x9];
	p2 =	por !p0, !p1  }
0x32: {  	s12 =	rddreg [dreg:$0xa];
	s5 =	simm.s32 @!p2 $0x0  }
0x33: {  	s14 =	rddreg [dreg:$0xb];
	p0 =	por p0, !p1;
	s5 =	simm.s32 @p2 $0x1  }
0x34: {  	s20 =	simm.s32 $0x0;
	[smem:$0x790] =	sst s5;
	s5 =	simm.s32 @!p0 $0x0  }
0x35: {  	[smem:$0x7FF] =	sst s20;
	s5 =	simm.s32 @p0 $0x1;
	p0 =	seq.s32 @!p1 s13, $0x8  }
0x36: {  	s21 =	sld [smem:$0x1];
	p3 =	por !p0, p1;
	p0 =	por p0, p1  }
0x37: {  	[smem:$0x791] =	sst s5;
	s5 =	simm.s32 @!p0 $0x0  }
0x38: {  	s16 =	rddreg [dreg:$0xc];
	s5 =	simm.s32 @p0 $0x1;
	p0 =	sgt.s32 s13, $0xD  }
0x39: {  	s15 =	rddreg [dreg:$0xd];
	p1 =	seq.s32 @p0 s13, $0xE  }
0x3a: {  	[dreg:$0xe] =	wrdreg s21;
	p4 =	por !p1, !p0  }
0x3b: {  	[smem:$0x78F] =	sst s17;
	s18 =	simm.s32 @!p4 $0x0  }
0x3c: {  	s17 =	sld [smem:$0x0];
	p1 =	por p1, !p0;
	s18 =	simm.s32 @p4 $0x1  }
0x3d: {  	p2 =	seq.s32 @!p0 s13, $0xC;
	[smem:$0x793] =	sst s18;
	s18 =	simm.s32 @!p1 $0x0  }
0x3e: {  	s18 =	simm.s32 @p1 $0x1;
	p1 =	por !p2, p0;
	p0 =	por p2, p0  }
0x3f: {  	[smem:$0x794] =	sst s18;
	s18 =	simm.s32 @!p0 $0x0  }
0x40: {  	[smem:$0x792] =	sst s5;
	s18 =	simm.s32 @p0 $0x1  }
0x41: {  	s23 =	sadd.s32 $0x30C0, s2;
	[smem:$0x795] =	sst s18  }
0x42: {  	s24 =	sadd.s32 $0x3260, s1;
	_ =	strace $0x80000047;
	[dreg:$0xf] =	wrdreg s23  }
0x43: {  	s25 =	sadd.s32 $0x8C0, s17;
	[dreg:$0x10] =	wrdreg s24  }
0x44: {  	s26 =	sadd.s32 $0xA60, s15;
	[dreg:$0x11] =	wrdreg s25  }
0x45: {  	s28 =	sadd.s32 $0x2D80, s2;
	[dreg:$0x12] =	wrdreg s26  }
0x46: {  	s29 =	sadd.s32 $0x30C0, s1;
	[dreg:$0x13] =	wrdreg s28  }
0x47: {  	s30 =	sadd.s32 $0x580, s17;
	[dreg:$0x14] =	wrdreg s29  }
0x48: {  	s31 =	sadd.s32 $0x8C0, s15;
	[dreg:$0x15] =	wrdreg s30  }
0x49: {  	s5 =	sadd.s32 $0x2A40, s2;
	[dreg:$0x16] =	wrdreg s31  }
0x4a: {  	s18 =	sadd.s32 $0x2F20, s1;
	[dreg:$0x17] =	wrdreg s5  }
0x4b: {  	s19 =	sadd.s32 $0x240, s17;
	[dreg:$0x18] =	wrdreg s18  }
0x4c: {  	s20 =	sadd.s32 $0x720, s15;
	s3 =	ssub.s32 $0x2, s3;
	[dreg:$0x19] =	wrdreg s19  }
0x4d: {  	s22 =	sshrl.u32 s3, $0x1;
	s21 =	sadd.s32 $0x3300, s0;
	[dreg:$0x1a] =	wrdreg s20  }
0x4e: {  	s3 =	ssub.s32 s3, s22;
	s22 =	sadd.s32 $0x2800, s2;
	[dreg:$0x1b] =	wrdreg s21  }
0x4f: {  	[dreg:$0x1c] =	wrdreg s22;
	s23 =	sadd.s32 $0x2D80, s1  }
0x50: {  	s24 =	sadd.s32 $0xB00, s16;
	[dreg:$0x1d] =	wrdreg s23  }
0x51: {  	s26 =	sadd.s32 $0x580, s15;
	[dreg:$0x1e] =	wrdreg s24  }
0x52: {  	s28 =	sadd.s32 $0x2FC0, s0;
	[dreg:$0x1f] =	wrdreg s26  }
0x53: {  	s29 =	sadd.s32 $0x2BE0, s1;
	[smem:$0x799] =	sst s28  }
0x54: {  	s30 =	sadd.s32 $0x7C0, s16;
	[smem:$0x79A] =	sst s29  }
0x55: {  	s31 =	sadd.s32 $0x3E0, s15;
	[smem:$0x79B] =	sst s30  }
0x56: {  	s5 =	sadd.s32 $0x2C80, s0;
	[smem:$0x79C] =	sst s31  }
0x57: {  	s18 =	sadd.s32 $0x2A40, s1;
	[smem:$0x79D] =	sst s5  }
0x58: {  	s19 =	sadd.s32 $0x480, s16;
	[smem:$0x79E] =	sst s18  }
0x59: {  	p0 =	sgt.s32 s13, $0x7;
	s20 =	sadd.s32 $0x240, s15;
	[smem:$0x79F] =	sst s19  }
0x5a: {  	s25 =	smax.u32 s3, $0x1;
	s21 =	sadd.s32 $0x2940, s0;
	[smem:$0x7A0] =	sst s20  }
0x5b: {  	s3 =	simm.s32 @!p0 $0x0;
	s22 =	sadd.s32 $0x28A0, s1;
	[smem:$0x7A1] =	sst s21  }
0x5c: {  	s3 =	simm.s32 @p0 $0x1;
	[smem:$0x7A2] =	sst s22  }
0x5d: {  	s23 =	sadd.s32 $0x140, s16;
	[smem:$0x796] =	sst s3  }
0x5e: {  	s24 =	sadd.s32 $0xA0, s15;
	[smem:$0x7A3] =	sst s23  }
0x5f: {  	s26 =	sadd.s32 $0x2600, s2;
	[smem:$0x7A4] =	sst s24  }
0x60: {  	s28 =	sadd.s32 $0x2800, s0;
	[smem:$0x7A5] =	sst s26  }
0x61: {  	s29 =	sadd.s32 $0x2700, s1;
	[smem:$0x7A6] =	sst s28  }
0x62: {  	s30 =	sadd.s32 $0x2800, s1;
	[smem:$0x7A7] =	sst s29  }
0x63: {  	s31 =	sadd.s32 $0xA00, s14;
	[smem:$0x7A8] =	sst s30  }
0x64: {  	s5 =	sadd.s32 $0xB00, s12;
	[smem:$0x7A9] =	sst s31  }
0x65: {  	s16 =	sadd.s32 $0x22C0, s2;
	[smem:$0x7AA] =	sst s5  }
0x66: {  	s18 =	sadd.s32 $0x2560, s1;
	[smem:$0x7AB] =	sst s16  }
0x67: {  	s19 =	sadd.s32 $0x6C0, s14;
	[smem:$0x7AC] =	sst s18  }
0x68: {  	s20 =	sadd.s32 $0x960, s12;
	[smem:$0x7AD] =	sst s19  }
0x69: {  	s21 =	sadd.s32 $0x1F80, s2;
	[smem:$0x7AE] =	sst s20  }
0x6a: {  	s22 =	sadd.s32 $0x23C0, s1;
	[smem:$0x7AF] =	sst s21  }
0x6b: {  	[smem:$0x7B0] =	sst s22;
	s23 =	sadd.s32 $0x380, s14  }
0x6c: {  	s24 =	sadd.s32 $0x7C0, s12;
	[smem:$0x7B1] =	sst s23  }
0x6d: {  	s26 =	sadd.s32 $0x1C40, s2;
	[smem:$0x7B2] =	sst s24  }
0x6e: {  	s28 =	sadd.s32 $0x2220, s1;
	[smem:$0x7B3] =	sst s26  }
0x6f: {  	s29 =	sadd.s32 $0x40, s14;
	[smem:$0x7B4] =	sst s28  }
0x70: {  	s30 =	sadd.s32 $0x620, s12;
	[smem:$0x7B5] =	sst s29  }
0x71: {  	s31 =	sadd.s32 $0x2500, s0;
	[smem:$0x7B6] =	sst s30  }
0x72: {  	s5 =	sadd.s32 $0x1C00, s2;
	[smem:$0x7B7] =	sst s31  }
0x73: {  	s14 =	sadd.s32 $0x2080, s1;
	[smem:$0x7B8] =	sst s5  }
0x74: {  	s16 =	sadd.s32 $0x900, s10;
	[smem:$0x7B9] =	sst s14  }
0x75: {  	s18 =	sadd.s32 $0x480, s12;
	[smem:$0x7BA] =	sst s16  }
0x76: {  	s19 =	sadd.s32 $0x21C0, s0;
	[smem:$0x7BB] =	sst s18  }
0x77: {  	s20 =	sadd.s32 $0x1EE0, s1;
	[smem:$0x7BC] =	sst s19  }
0x78: {  	p0 =	sgt.s32 s13, $0x3;
	s21 =	sadd.s32 $0x5C0, s10;
	[smem:$0x7BD] =	sst s20  }
0x79: {  	s3 =	simm.s32 @!p0 $0x0;
	s22 =	sadd.s32 $0x2E0, s12;
	[smem:$0x7BE] =	sst s21  }
0x7a: {  	s3 =	simm.s32 @p0 $0x1;
	[smem:$0x7BF] =	sst s22  }
0x7b: {  	s23 =	sadd.s32 $0x1E80, s0;
	[smem:$0x797] =	sst s3  }
0x7c: {  	s24 =	sadd.s32 $0x1D40, s1;
	[smem:$0x7C0] =	sst s23  }
0x7d: {  	s26 =	sadd.s32 $0x280, s10;
	[smem:$0x7C1] =	sst s24  }
0x7e: {  	s28 =	sadd.s32 $0x140, s12;
	[smem:$0x7C2] =	sst s26  }
0x7f: {  	s29 =	sadd.s32 $0x1B40, s2;
	[smem:$0x7C3] =	sst s28  }
0x80: {  	s30 =	sadd.s32 $0x1C00, s0;
	[smem:$0x7C4] =	sst s29  }
0x81: {  	s31 =	sadd.s32 $0x1BA0, s1;
	[smem:$0x7C5] =	sst s30  }
0x82: {  	s5 =	sadd.s32 $0x1C00, s1;
	[smem:$0x7C6] =	sst s31  }
0x83: {  	s10 =	sadd.s32 $0xD40, s9;
	[smem:$0x7C7] =	sst s5  }
0x84: {  	s12 =	sadd.s32 $0xDA0, s8;
	[smem:$0x7C8] =	sst s10  }
0x85: {  	s14 =	sadd.s32 $0x1800, s2;
	[smem:$0x7C9] =	sst s12  }
0x86: {  	s16 =	sadd.s32 $0x1A00, s1;
	[smem:$0x7CA] =	sst s14  }
0x87: {  	s18 =	sadd.s32 $0xA00, s9;
	[smem:$0x7CB] =	sst s16  }
0x88: {  	s19 =	sadd.s32 $0xC00, s8;
	[smem:$0x7CC] =	sst s18  }
0x89: {  	s20 =	sadd.s32 $0x14C0, s2;
	[smem:$0x7CD] =	sst s19  }
0x8a: {  	s21 =	sadd.s32 $0x1860, s1;
	[smem:$0x7CE] =	sst s20  }
0x8b: {  	s22 =	sadd.s32 $0x6C0, s9;
	[smem:$0x7CF] =	sst s21  }
0x8c: {  	[smem:$0x7D0] =	sst s22;
	s23 =	sadd.s32 $0xA60, s8  }
0x8d: {  	s24 =	sadd.s32 $0x1180, s2;
	[smem:$0x7D1] =	sst s23  }
0x8e: {  	s26 =	sadd.s32 $0x16C0, s1;
	[smem:$0x7D2] =	sst s24  }
0x8f: {  	s28 =	sadd.s32 $0x380, s9;
	[smem:$0x7D3] =	sst s26  }
0x90: {  	s29 =	sadd.s32 $0x8C0, s8;
	[smem:$0x7D4] =	sst s28  }
0x91: {  	s30 =	sadd.s32 $0xE40, s2;
	[smem:$0x7D5] =	sst s29  }
0x92: {  	s31 =	sadd.s32 $0x1520, s1;
	[smem:$0x7D6] =	sst s30  }
0x93: {  	s5 =	sadd.s32 $0x40, s9;
	[smem:$0x7D7] =	sst s31  }
0x94: {  	s9 =	sadd.s32 $0x720, s8;
	[smem:$0x7D8] =	sst s5  }
0x95: {  	s10 =	sadd.s32 $0x1900, s0;
	[smem:$0x7D9] =	sst s9  }
0x96: {  	s12 =	sadd.s32 $0xE00, s2;
	[smem:$0x7DA] =	sst s10  }
0x97: {  	s14 =	sadd.s32 $0x1380, s1;
	[smem:$0x7DB] =	sst s12  }
0x98: {  	s16 =	sadd.s32 $0xB00, s7;
	[smem:$0x7DC] =	sst s14  }
0x99: {  	s18 =	sadd.s32 $0x580, s8;
	[smem:$0x7DD] =	sst s16  }
0x9a: {  	s19 =	sadd.s32 $0x15C0, s0;
	[smem:$0x7DE] =	sst s18  }
0x9b: {  	s20 =	sadd.s32 $0x11E0, s1;
	[smem:$0x7DF] =	sst s19  }
0x9c: {  	p0 =	sgt.s32 s13, $0xB;
	s21 =	sadd.s32 $0x7C0, s7;
	[smem:$0x7E0] =	sst s20  }
0x9d: {  	s3 =	simm.s32 @!p0 $0x0;
	s22 =	sadd.s32 $0x3E0, s8;
	[smem:$0x7E1] =	sst s21  }
0x9e: {  	s3 =	simm.s32 @p0 $0x1;
	[smem:$0x7E2] =	sst s22  }
0x9f: {  	s23 =	sadd.s32 $0x1280, s0;
	[smem:$0x798] =	sst s3  }
0xa0: {  	s24 =	sadd.s32 $0x1040, s1;
	[smem:$0x7E3] =	sst s23  }
0xa1: {  	s26 =	sadd.s32 $0x480, s7;
	[smem:$0x7E4] =	sst s24  }
0xa2: {  	s28 =	sadd.s32 $0x240, s8;
	[smem:$0x7E5] =	sst s26  }
0xa3: {  	s29 =	sadd.s32 $0xF40, s0;
	[smem:$0x7E6] =	sst s28  }
0xa4: {  	s30 =	sadd.s32 $0xEA0, s1;
	[smem:$0x7E7] =	sst s29  }
0xa5: {  	s31 =	sadd.s32 $0x140, s7;
	[smem:$0x7E8] =	sst s30  }
0xa6: {  	s5 =	sadd.s32 $0xA0, s8;
	[smem:$0x7E9] =	sst s31  }
0xa7: {  	s7 =	sadd.s32 $0xC00, s2;
	[smem:$0x7EA] =	sst s5  }
0xa8: {  	s9 =	sadd.s32 $0xE00, s0;
	[smem:$0x7EB] =	sst s7  }
0xa9: {  	s10 =	sadd.s32 $0xD00, s1;
	[smem:$0x7EC] =	sst s9  }
0xaa: {  	s12 =	sadd.s32 $0xE00, s1;
	[smem:$0x7ED] =	sst s10  }
0xab: {  	s14 =	sadd.s32 $0xC00, s6;
	[smem:$0x7EE] =	sst s12  }
0xac: {  	s16 =	sadd.s32 $0xD00, s4;
	[smem:$0x7EF] =	sst s14  }
0xad: {  	s18 =	sadd.s32 $0x8C0, s2;
	[smem:$0x7F0] =	sst s16  }
0xae: {  	s19 =	sadd.s32 $0xB60, s1;
	[smem:$0x7F1] =	sst s18  }
0xaf: {  	s20 =	sadd.s32 $0x8C0, s6;
	[smem:$0x7F2] =	sst s19  }
0xb0: {  	s21 =	sadd.s32 $0xB60, s4;
	[smem:$0x7F3] =	sst s20  }
0xb1: {  	s22 =	sadd.s32 $0x580, s2;
	[smem:$0x7F4] =	sst s21  }
0xb2: {  	p2 =	sgt.s32 s13, $0xF;
	[smem:$0x7F5] =	sst s22;
	s23 =	sadd.s32 $0x9C0, s1  }
0xb3: {  	s24 =	sadd.s32 $0x580, s6;
	s26 =	sadd.s32 $0x9C0, s4;
	s28 =	sadd.s32 $0x240, s2  }
0xb4: {  	s29 =	sadd.s32 $0x820, s1;
	s30 =	sadd.s32 $0x240, s6;
	s31 =	sadd.s32 $0x820, s4  }
0xb5: {  	s7 =	sadd.s32 $0xD00, s0;
	s16 =	sadd.s32 $0x680, s1;
	s10 =	sadd.s32 $0xD00, s11  }
0xb6: {  	s3 =	sadd.s32 $0x680, s4;
	s5 =	sadd.s32 $0x9C0, s0;
	[smem:$0x7F6] =	sst s23  }
0xb7: {  	s6 =	sadd.s32 $0x4E0, s1;
	s12 =	sadd.s32 $0x9C0, s11;
	[smem:$0x7F7] =	sst s24  }
0xb8: {  	s14 =	sadd.s32 $0x4E0, s4;
	s9 =	sadd.s32 $0x680, s0;
	[smem:$0x7F8] =	sst s26  }
.Ltmp0:
0xb9: {  	s18 =	sadd.s32 $0x340, s1;
	[smem:$0x7F9] =	sst s28;
	(pc) =	sbr.rel .LBB3_1-.Ltmp0, $4  }
0xba: {  	s19 =	sadd.s32 $0x680, s11;
	s20 =	sadd.s32 $0x340, s4;
	[smem:$0x7FA] =	sst s29  }
0xbb: {  	[smem:$0x7FB] =	sst s30;
	s23 =	sadd.s32 $0x340, s11;
	s11 =	simm.s32 @!p2 $0x0  }
0xbc: {  	s21 =	sadd.s32 $0x340, s0;
	[smem:$0x7FC] =	sst s31;
	s11 =	simm.s32 @p2 $0x1  }
0xbd: {  	s22 =	sadd.s32 $0x1A0, s1;
	s24 =	sadd.s32 $0x1A0, s4;
	[smem:$0x7FD] =	sst s11  }
.LBB3_15:
0xbe: {  	p4 =	sgt.s32 s13, $0x1D  }
0xbf: {  	p0 =	seq.s32 @p4 s13, $0x1E  }
0xc0: {  	p5 =	por !p0, !p4  }
0xc1: {  	s26 =	rddreg [dreg:$0x13];
	s11 =	simm.s32 @!p5 $0x0  }
0xc2: {  	[tilespmem:s11], [sflag:$0x1] =	stream.linear.gather @!p5 [hbm4b:s26+s11], $0x1A00, $0x38;
	[tilespmem:$0x2700] =	vst v63  }
0xc3: {  	s28 =	rddreg [dreg:$0x14];
	s26 =	simm.s32 @!p5 $0x1A00  }
0xc4: {  	[tilespmem:s26], [sflag:$0x1] =	stream.linear.gather @!p5 [hbm4b:s28+s11], $0xD00, $0x38;
	[tilespmem:$0x2700] =	vst v63  }
0xc5: {  	s28 =	simm.s32 @!p5 $0x1  }
0xc6: {  	_ =	swait.ge @!p5 [sflag:s28], $0x1A00  }
0xc7: {  	[sflag:s28] =	ssyncset.done @!p5 $0x0  }
0xc8: {  	[sflag:s28] =	ssyncadd.s32 @!p5 $0xFFFFE600  }
0xc9: {  	_ =	swait.ge @!p5 [sflag:s28], $0xD00  }
0xca: {  	[sflag:s28] =	ssyncset.done @!p5 $0x0  }
0xcb: {  	s29 =	rddreg [dreg:$0x15];
	[sflag:s28] =	ssyncadd.s32 @!p5 $0xFFFFF300  }
0xcc: {  	[hbm4b:s29+s11] =	stream.linear.scatter @!p5 [tilespmem:s11], [sflag:$0x1], $0x1A00, $0x38;
	[tilespmem:$0x2700] =	vst v63  }
0xcd: {  	s29 =	rddreg [dreg:$0x16]  }
0xce: {  	[hbm4b:s29+s11] =	stream.linear.scatter @!p5 [tilespmem:s26], [sflag:$0x1], $0xD00, $0x38;
	[tilespmem:$0x2700] =	vst v63  }
0xcf: {  	_ =	swait.ge @!p5 [sflag:s28], $0x1A00  }
0xd0: {  	[sflag:s28] =	ssyncset.done @!p5 $0x0  }
0xd1: {  	[sflag:s28] =	ssyncadd.s32 @!p5 $0xFFFFE600  }
0xd2: {  	_ =	swait.ge @!p5 [sflag:s28], $0xD00  }
0xd3: {  	p2 =	por p0, !p4;
	[sflag:s28] =	ssyncset.done @!p5 $0x0  }
0xd4: {  	s11 =	simm.s32 @!p2 $0x0;
	s26 =	rddreg [dreg:$0xf];
	[sflag:s28] =	ssyncadd.s32 @!p5 $0xFFFFF300  }
0xd5: {  	[tilespmem:s11], [sflag:$0x1] =	stream.linear.gather @!p2 [hbm4b:s26+s11], $0x1A00, $0x38;
	[tilespmem:$0x2700] =	vst v63  }
0xd6: {  	s28 =	rddreg [dreg:$0x10];
	s26 =	simm.s32 @!p2 $0x1A00  }
0xd7: {  	[tilespmem:s26], [sflag:$0x1] =	stream.linear.gather @!p2 [hbm4b:s28+s11], $0xD00, $0x38;
	[tilespmem:$0x2700] =	vst v63  }
0xd8: {  	s28 =	simm.s32 @!p2 $0x1  }
0xd9: {  	_ =	swait.ge @!p2 [sflag:s28], $0x1A00  }
0xda: {  	[sflag:s28] =	ssyncset.done @!p2 $0x0  }
0xdb: {  	[sflag:s28] =	ssyncadd.s32 @!p2 $0xFFFFE600  }
0xdc: {  	_ =	swait.ge @!p2 [sflag:s28], $0xD00  }
0xdd: {  	[sflag:s28] =	ssyncset.done @!p2 $0x0  }
0xde: {  	s29 =	rddreg [dreg:$0x11];
	[sflag:s28] =	ssyncadd.s32 @!p2 $0xFFFFF300  }
0xdf: {  	[hbm4b:s29+s11] =	stream.linear.scatter @!p2 [tilespmem:s11], [sflag:$0x1], $0x1A00, $0x38;
	[tilespmem:$0x2700] =	vst v63  }
0xe0: {  	s29 =	rddreg [dreg:$0x12]  }
0xe1: {  	[hbm4b:s29+s11] =	stream.linear.scatter @!p2 [tilespmem:s26], [sflag:$0x1], $0xD00, $0x38;
	[tilespmem:$0x2700] =	vst v63  }
0xe2: {  	_ =	swait.ge @!p2 [sflag:s28], $0x1A00  }
0xe3: {  	[sflag:s28] =	ssyncset.done @!p2 $0x0  }
0xe4: {  	[sflag:s28] =	ssyncadd.s32 @!p2 $0xFFFFE600  }
0xe5: {  	p0 =	seq.s32 @!p4 s13, $0x1C;
	_ =	swait.ge @!p2 [sflag:s28], $0xD00  }
0xe6: {  	p5 =	por !p0, p4;
	[sflag:s28] =	ssyncset.done @!p2 $0x0  }
0xe7: {  	s11 =	simm.s32 @!p5 $0x0;
	s26 =	rddreg [dreg:$0x1b];
	[sflag:s28] =	ssyncadd.s32 @!p2 $0xFFFFF300  }
0xe8: {  	[tilespmem:s11], [sflag:$0x1] =	stream.linear.gather @!p5 [hbm4b:s26+s11], $0x800, $0x38;
	[tilespmem:$0x2700] =	vst v63  }
0xe9: {  	s28 =	rddreg [dreg:$0x1c];
	s26 =	simm.s32 @!p5 $0x800  }
0xea: {  	[tilespmem:s26], [sflag:$0x1] =	stream.linear.gather @!p5 [hbm4b:s28+s11], $0x1200, $0x38;
	[tilespmem:$0x2700] =	vst v63  }
0xeb: {  	s29 =	rddreg [dreg:$0x1d];
	s28 =	simm.s32 @!p5 $0x1A00  }
0xec: {  	[tilespmem:s28], [sflag:$0x1] =	stream.linear.gather @!p5 [hbm4b:s29+s11], $0xD00, $0x38;
	[tilespmem:$0x2700] =	vst v63  }
0xed: {  	s29 =	simm.s32 @!p5 $0x1  }
0xee: {  	_ =	swait.ge @!p5 [sflag:s29], $0x800  }
0xef: {  	[sflag:s29] =	ssyncset.done @!p5 $0x0  }
0xf0: {  	[sflag:s29] =	ssyncadd.s32 @!p5 $0xFFFFF800  }
0xf1: {  	_ =	swait.ge @!p5 [sflag:s29], $0x1200  }
0xf2: {  	[sflag:s29] =	ssyncset.done @!p5 $0x0  }
0xf3: {  	[sflag:s29] =	ssyncadd.s32 @!p5 $0xFFFFEE00  }
0xf4: {  	_ =	swait.ge @!p5 [sflag:s29], $0xD00  }
0xf5: {  	[sflag:s29] =	ssyncset.done @!p5 $0x0  }
0xf6: {  	s30 =	rddreg [dreg:$0x1e];
	[sflag:s29] =	ssyncadd.s32 @!p5 $0xFFFFF300  }
0xf7: {  	[hbm4b:s30+s11] =	stream.linear.scatter @!p5 [tilespmem:s11], [sflag:$0x1], $0x800, $0x38;
	[tilespmem:$0x2700] =	vst v63  }
0xf8: {  	_ = 	snop  }
0xf9: {  	[hbm4b:s17+s11] =	stream.linear.scatter @!p5 [tilespmem:s26], [sflag:$0x1], $0x1200, $0x38;
	[tilespmem:$0x2700] =	vst v63  }
0xfa: {  	s26 =	rddreg [dreg:$0x1f]  }
0xfb: {  	[hbm4b:s26+s11] =	stream.linear.scatter @!p5 [tilespmem:s28], [sflag:$0x1], $0xD00, $0x38;
	[tilespmem:$0x2700] =	vst v63  }
0xfc: {  	_ =	swait.ge @!p5 [sflag:s29], $0x800  }
0xfd: {  	[sflag:s29] =	ssyncset.done @!p5 $0x0  }
0xfe: {  	[sflag:s29] =	ssyncadd.s32 @!p5 $0xFFFFF800  }
0xff: {  	_ =	swait.ge @!p5 [sflag:s29], $0x1200  }
0x100: {  	[sflag:s29] =	ssyncset.done @!p5 $0x0  }
0x101: {  	[sflag:s29] =	ssyncadd.s32 @!p5 $0xFFFFEE00  }
0x102: {  	_ =	swait.ge @!p5 [sflag:s29], $0xD00  }
0x103: {  	p0 =	por p0, p4;
	[sflag:s29] =	ssyncset.done @!p5 $0x0  }
0x104: {  	s11 =	simm.s32 @!p0 $0x0;
	s26 =	rddreg [dreg:$0x17];
	[sflag:s29] =	ssyncadd.s32 @!p5 $0xFFFFF300  }
0x105: {  	[tilespmem:s11], [sflag:$0x1] =	stream.linear.gather @!p0 [hbm4b:s26+s11], $0x1A00, $0x38;
	[tilespmem:$0x2700] =	vst v63  }
0x106: {  	s28 =	rddreg [dreg:$0x18];
	s26 =	simm.s32 @!p0 $0x1A00  }
0x107: {  	[tilespmem:s26], [sflag:$0x1] =	stream.linear.gather @!p0 [hbm4b:s28+s11], $0xD00, $0x38;
	[tilespmem:$0x2700] =	vst v63  }
0x108: {  	s28 =	simm.s32 @!p0 $0x1  }
0x109: {  	_ =	swait.ge @!p0 [sflag:s28], $0x1A00  }
0x10a: {  	[sflag:s28] =	ssyncset.done @!p0 $0x0  }
0x10b: {  	[sflag:s28] =	ssyncadd.s32 @!p0 $0xFFFFE600  }
0x10c: {  	_ =	swait.ge @!p0 [sflag:s28], $0xD00  }
0x10d: {  	[sflag:s28] =	ssyncset.done @!p0 $0x0  }
0x10e: {  	s29 =	rddreg [dreg:$0x19];
	[sflag:s28] =	ssyncadd.s32 @!p0 $0xFFFFF300  }
0x10f: {  	[hbm4b:s29+s11] =	stream.linear.scatter @!p0 [tilespmem:s11], [sflag:$0x1], $0x1A00, $0x38;
	[tilespmem:$0x2700] =	vst v63  }
0x110: {  	s29 =	rddreg [dreg:$0x1a]  }
0x111: {  	[hbm4b:s29+s11] =	stream.linear.scatter @!p0 [tilespmem:s26], [sflag:$0x1], $0xD00, $0x38;
	[tilespmem:$0x2700] =	vst v63  }
0x112: {  	_ =	swait.ge @!p0 [sflag:s28], $0x1A00  }
0x113: {  	[sflag:s28] =	ssyncset.done @!p0 $0x0  }
0x114: {  	[sflag:s28] =	ssyncadd.s32 @!p0 $0xFFFFE600  }
0x115: {  	_ =	swait.ge @!p0 [sflag:s28], $0xD00  }
0x116: {  	s31 =	sld [smem:$0x7FD];
	_ =	sdelay $0x1  }
0x117: {  	[sflag:s28] =	ssyncset.done @!p0 $0x0  }
0x118: {  	[sflag:s28] =	ssyncadd.s32 @!p0 $0xFFFFF300;
	p2 =	seq.s32 s31, $0x1  }
.LBB3_16:
0x119: {  	s25 =	sadd.s32 $0xFFFFFFFF, s25  }
0x11a: {  	p0 =	sne.s32 s25, $0x0  }
.Ltmp1:
0x11b: {  	_ = 	snop;
	(pc) =	sbr.rel @!p0 .LBB3_17-.Ltmp1, $1  }
0x11c: {  	_ =	sdelay $0x3  }
.LBB3_1:
.Ltmp2:
0x11d: {  	(pc) =	sbr.rel @p2 .LBB3_9-.Ltmp2, $1  }
0x11e: {  	_ =	sdelay $0x3  }
0x11f: {  	s11 =	sld [smem:$0x796];
	_ =	sdelay $0x2  }
0x120: {  	p0 =	seq.s32 s11, $0x1  }
.Ltmp3:
0x121: {  	_ = 	snop;
	(pc) =	sbr.rel @p0 .LBB3_6-.Ltmp3, $1  }
0x122: {  	_ =	sdelay $0x3  }
0x123: {  	s11 =	sld [smem:$0x797];
	_ =	sdelay $0x2  }
0x124: {  	p0 =	seq.s32 s11, $0x1  }
.Ltmp4:
0x125: {  	_ = 	snop;
	(pc) =	sbr.rel @p0 .LBB3_5-.Ltmp4, $1  }
0x126: {  	_ =	sdelay $0x3  }
0x127: {  	s11 =	sld [smem:$0x789];
	_ =	sdelay $0x2  }
0x128: {  	p0 =	seq.s32 s11, $0x1  }
0x129: {  	s26 =	simm.s32 @!p0 $0x0  }
0x12a: {  	[tilespmem:s26], [sflag:$0x1] =	stream.linear.gather @!p0 [hbm4b:s9+s26], $0x1A00, $0x38;
	[tilespmem:$0x2700] =	vst v63  }
0x12b: {  	s28 =	simm.s32 @!p0 $0x1A00;
	s29 =	simm.s32 @!p0 $0x1  }
0x12c: {  	[tilespmem:s28], [sflag:$0x1] =	stream.linear.gather @!p0 [hbm4b:s18+s26], $0xD00, $0x38;
	[tilespmem:$0x2700] =	vst v63  }
0x12d: {  	_ =	swait.ge @!p0 [sflag:s29], $0x1A00  }
0x12e: {  	[sflag:s29] =	ssyncset.done @!p0 $0x0  }
0x12f: {  	[sflag:s29] =	ssyncadd.s32 @!p0 $0xFFFFE600  }
0x130: {  	_ =	swait.ge @!p0 [sflag:s29], $0xD00  }
0x131: {  	[sflag:s29] =	ssyncset.done @!p0 $0x0  }
0x132: {  	[sflag:s29] =	ssyncadd.s32 @!p0 $0xFFFFF300  }
0x133: {  	[hbm4b:s19+s26] =	stream.linear.scatter @!p0 [tilespmem:s26], [sflag:$0x1], $0x1A00, $0x38;
	[tilespmem:$0x2700] =	vst v63  }
0x134: {  	_ = 	snop  }
0x135: {  	[hbm4b:s20+s26] =	stream.linear.scatter @!p0 [tilespmem:s28], [sflag:$0x1], $0xD00, $0x38;
	[tilespmem:$0x2700] =	vst v63  }
0x136: {  	_ =	swait.ge @!p0 [sflag:s29], $0x1A00  }
0x137: {  	[sflag:s29] =	ssyncset.done @!p0 $0x0  }
0x138: {  	[sflag:s29] =	ssyncadd.s32 @!p0 $0xFFFFE600  }
0x139: {  	_ =	swait.ge @!p0 [sflag:s29], $0xD00  }
0x13a: {  	[sflag:s29] =	ssyncset.done @!p0 $0x0  }
0x13b: {  	[sflag:s29] =	ssyncadd.s32 @!p0 $0xFFFFF300;
	s29 =	sld [smem:$0x78A];
	_ =	sdelay $0x2  }
0x13c: {  	p0 =	seq.s32 s29, $0x1  }
0x13d: {  	s26 =	simm.s32 @!p0 $0x0  }
0x13e: {  	[tilespmem:s26], [sflag:$0x1] =	stream.linear.gather @!p0 [hbm4b:s5+s26], $0x1A00, $0x38;
	[tilespmem:$0x2700] =	vst v63  }
0x13f: {  	s28 =	simm.s32 @!p0 $0x1A00;
	s29 =	simm.s32 @!p0 $0x1  }
0x140: {  	[tilespmem:s28], [sflag:$0x1] =	stream.linear.gather @!p0 [hbm4b:s6+s26], $0xD00, $0x38;
	[tilespmem:$0x2700] =	vst v63  }
0x141: {  	_ =	swait.ge @!p0 [sflag:s29], $0x1A00  }
0x142: {  	[sflag:s29] =	ssyncset.done @!p0 $0x0  }
0x143: {  	[sflag:s29] =	ssyncadd.s32 @!p0 $0xFFFFE600  }
0x144: {  	_ =	swait.ge @!p0 [sflag:s29], $0xD00  }
0x145: {  	[sflag:s29] =	ssyncset.done @!p0 $0x0  }
0x146: {  	[sflag:s29] =	ssyncadd.s32 @!p0 $0xFFFFF300  }
0x147: {  	[hbm4b:s12+s26] =	stream.linear.scatter @!p0 [tilespmem:s26], [sflag:$0x1], $0x1A00, $0x38;
	[tilespmem:$0x2700] =	vst v63  }
0x148: {  	_ = 	snop  }
0x149: {  	[hbm4b:s14+s26] =	stream.linear.scatter @!p0 [tilespmem:s28], [sflag:$0x1], $0xD00, $0x38;
	[tilespmem:$0x2700] =	vst v63  }
0x14a: {  	_ =	swait.ge @!p0 [sflag:s29], $0x1A00  }
0x14b: {  	[sflag:s29] =	ssyncset.done @!p0 $0x0  }
0x14c: {  	[sflag:s29] =	ssyncadd.s32 @!p0 $0xFFFFE600  }
0x14d: {  	_ =	swait.ge @!p0 [sflag:s29], $0xD00  }
0x14e: {  	s30 =	sld [smem:$0x78B];
	_ =	sdelay $0x1  }
0x14f: {  	[sflag:s29] =	ssyncset.done @!p0 $0x0  }
0x150: {  	[sflag:s29] =	ssyncadd.s32 @!p0 $0xFFFFF300;
	p0 =	seq.s32 s30, $0x1  }
0x151: {  	s26 =	simm.s32 @!p0 $0x0  }
0x152: {  	[tilespmem:s26], [sflag:$0x1] =	stream.linear.gather @!p0 [hbm4b:s0+s26], $0x1A00, $0x38;
	[tilespmem:$0x2700] =	vst v63  }
0x153: {  	s28 =	simm.s32 @!p0 $0x1A00;
	s29 =	simm.s32 @!p0 $0x1  }
0x154: {  	[tilespmem:s28], [sflag:$0x1] =	stream.linear.gather @!p0 [hbm4b:s1+s26], $0xD00, $0x38;
	[tilespmem:$0x2700] =	vst v63  }
0x155: {  	_ =	swait.ge @!p0 [sflag:s29], $0x1A00  }
0x156: {  	[sflag:s29] =	ssyncset.done @!p0 $0x0  }
0x157: {  	[sflag:s29] =	ssyncadd.s32 @!p0 $0xFFFFE600  }
0x158: {  	_ =	swait.ge @!p0 [sflag:s29], $0xD00  }
0x159: {  	[sflag:s29] =	ssyncset.done @!p0 $0x0  }
0x15a: {  	[sflag:s29] =	ssyncadd.s32 @!p0 $0xFFFFF300  }
0x15b: {  	s11 =	rddreg [dreg:$0x3]  }
0x15c: {  	[hbm4b:s11+s26] =	stream.linear.scatter @!p0 [tilespmem:s26], [sflag:$0x1], $0x1A00, $0x38;
	[tilespmem:$0x2700] =	vst v63  }
0x15d: {  	_ = 	snop  }
0x15e: {  	[hbm4b:s4+s26] =	stream.linear.scatter @!p0 [tilespmem:s28], [sflag:$0x1], $0xD00, $0x38;
	[tilespmem:$0x2700] =	vst v63  }
0x15f: {  	_ =	swait.ge @!p0 [sflag:s29], $0x1A00  }
0x160: {  	[sflag:s29] =	ssyncset.done @!p0 $0x0  }
0x161: {  	[sflag:s29] =	ssyncadd.s32 @!p0 $0xFFFFE600  }
0x162: {  	_ =	swait.ge @!p0 [sflag:s29], $0xD00  }
0x163: {  	s31 =	sld [smem:$0x78C];
	_ =	sdelay $0x1  }
0x164: {  	[sflag:s29] =	ssyncset.done @!p0 $0x0  }
0x165: {  	[sflag:s29] =	ssyncadd.s32 @!p0 $0xFFFFF300;
	p0 =	seq.s32 s31, $0x1  }
0x166: {  	s26 =	simm.s32 @!p0 $0x0  }
0x167: {  	[tilespmem:s26], [sflag:$0x1] =	stream.linear.gather @!p0 [hbm4b:s21+s26], $0x1A00, $0x38;
	[tilespmem:$0x2700] =	vst v63  }
0x168: {  	s28 =	simm.s32 @!p0 $0x1A00;
	s29 =	simm.s32 @!p0 $0x1  }
0x169: {  	[tilespmem:s28], [sflag:$0x1] =	stream.linear.gather @!p0 [hbm4b:s22+s26], $0xD00, $0x38;
	[tilespmem:$0x2700] =	vst v63  }
0x16a: {  	_ =	swait.ge @!p0 [sflag:s29], $0x1A00  }
0x16b: {  	[sflag:s29] =	ssyncset.done @!p0 $0x0  }
0x16c: {  	[sflag:s29] =	ssyncadd.s32 @!p0 $0xFFFFE600  }
0x16d: {  	_ =	swait.ge @!p0 [sflag:s29], $0xD00  }
0x16e: {  	[sflag:s29] =	ssyncset.done @!p0 $0x0  }
0x16f: {  	[sflag:s29] =	ssyncadd.s32 @!p0 $0xFFFFF300  }
0x170: {  	[hbm4b:s23+s26] =	stream.linear.scatter @!p0 [tilespmem:s26], [sflag:$0x1], $0x1A00, $0x38;
	[tilespmem:$0x2700] =	vst v63  }
0x171: {  	_ = 	snop  }
0x172: {  	[hbm4b:s24+s26] =	stream.linear.scatter @!p0 [tilespmem:s28], [sflag:$0x1], $0xD00, $0x38;
	[tilespmem:$0x2700] =	vst v63  }
0x173: {  	_ =	swait.ge @!p0 [sflag:s29], $0x1A00  }
.Ltmp5:
0x174: {  	[sflag:s29] =	ssyncset.done @!p0 $0x0;
	(pc) =	sbr.rel .LBB3_16-.Ltmp5, $4  }
0x175: {  	[sflag:s29] =	ssyncadd.s32 @!p0 $0xFFFFE600  }
0x176: {  	_ =	swait.ge @!p0 [sflag:s29], $0xD00  }
0x177: {  	[sflag:s29] =	ssyncset.done @!p0 $0x0  }
0x178: {  	[sflag:s29] =	ssyncadd.s32 @!p0 $0xFFFFF300  }
.LBB3_9:
0x179: {  	p0 =	sgt.s32 s13, $0x17  }
.Ltmp6:
0x17a: {  	_ = 	snop;
	(pc) =	sbr.rel @p0 .LBB3_13-.Ltmp6, $1  }
0x17b: {  	_ =	sdelay $0x3  }
0x17c: {  	p0 =	sgt.s32 s13, $0x13  }
.Ltmp7:
0x17d: {  	_ = 	snop;
	(pc) =	sbr.rel @p0 .LBB3_12-.Ltmp7, $1  }
0x17e: {  	_ =	sdelay $0x3  }
0x17f: {  	p4 =	sgt.s32 s13, $0x11  }
0x180: {  	s26 =	sld [smem:$0x7C0];
	p0 =	seq.s32 @p4 s13, $0x12  }
0x181: {  	p2 =	por !p0, !p4  }
0x182: {  	s28 =	sld [smem:$0x7C1];
	s11 =	simm.s32 @!p2 $0x0  }
0x183: {  	[tilespmem:s11], [sflag:$0x1] =	stream.linear.gather @!p2 [hbm4b:s26+s11], $0x1A00, $0x38;
	[tilespmem:$0x2700] =	vst v63  }
0x184: {  	s26 =	simm.s32 @!p2 $0x1A00  }
0x185: {  	[tilespmem:s26], [sflag:$0x1] =	stream.linear.gather @!p2 [hbm4b:s28+s11], $0xD00, $0x38;
	[tilespmem:$0x2700] =	vst v63  }
0x186: {  	s28 =	simm.s32 @!p2 $0x1  }
0x187: {  	_ =	swait.ge @!p2 [sflag:s28], $0x1A00  }
0x188: {  	[sflag:s28] =	ssyncset.done @!p2 $0x0  }
0x189: {  	[sflag:s28] =	ssyncadd.s32 @!p2 $0xFFFFE600  }
0x18a: {  	_ =	swait.ge @!p2 [sflag:s28], $0xD00  }
0x18b: {  	s29 =	sld [smem:$0x7C2]  }
0x18c: {  	[sflag:s28] =	ssyncset.done @!p2 $0x0  }
0x18d: {  	[sflag:s28] =	ssyncadd.s32 @!p2 $0xFFFFF300  }
0x18e: {  	[hbm4b:s29+s11] =	stream.linear.scatter @!p2 [tilespmem:s11], [sflag:$0x1], $0x1A00, $0x38;
	[tilespmem:$0x2700] =	vst v63  }
0x18f: {  	s29 =	sld [smem:$0x7C3];
	_ =	sdelay $0x2  }
0x190: {  	[hbm4b:s29+s11] =	stream.linear.scatter @!p2 [tilespmem:s26], [sflag:$0x1], $0xD00, $0x38;
	[tilespmem:$0x2700] =	vst v63  }
0x191: {  	_ =	swait.ge @!p2 [sflag:s28], $0x1A00  }
0x192: {  	[sflag:s28] =	ssyncset.done @!p2 $0x0  }
0x193: {  	[sflag:s28] =	ssyncadd.s32 @!p2 $0xFFFFE600  }
0x194: {  	_ =	swait.ge @!p2 [sflag:s28], $0xD00  }
0x195: {  	s26 =	sld [smem:$0x7BC]  }
0x196: {  	p5 =	por p0, !p4;
	[sflag:s28] =	ssyncset.done @!p2 $0x0  }
0x197: {  	s11 =	simm.s32 @!p5 $0x0;
	[sflag:s28] =	ssyncadd.s32 @!p2 $0xFFFFF300;
	s28 =	sld [smem:$0x7BD]  }
0x198: {  	[tilespmem:s11], [sflag:$0x1] =	stream.linear.gather @!p5 [hbm4b:s26+s11], $0x1A00, $0x38;
	[tilespmem:$0x2700] =	vst v63  }
0x199: {  	s26 =	simm.s32 @!p5 $0x1A00  }
0x19a: {  	[tilespmem:s26], [sflag:$0x1] =	stream.linear.gather @!p5 [hbm4b:s28+s11], $0xD00, $0x38;
	[tilespmem:$0x2700] =	vst v63  }
0x19b: {  	s28 =	simm.s32 @!p5 $0x1  }
0x19c: {  	_ =	swait.ge @!p5 [sflag:s28], $0x1A00  }
0x19d: {  	[sflag:s28] =	ssyncset.done @!p5 $0x0  }
0x19e: {  	[sflag:s28] =	ssyncadd.s32 @!p5 $0xFFFFE600  }
0x19f: {  	_ =	swait.ge @!p5 [sflag:s28], $0xD00  }
0x1a0: {  	s29 =	sld [smem:$0x7BE]  }
0x1a1: {  	[sflag:s28] =	ssyncset.done @!p5 $0x0  }
0x1a2: {  	[sflag:s28] =	ssyncadd.s32 @!p5 $0xFFFFF300  }
0x1a3: {  	[hbm4b:s29+s11] =	stream.linear.scatter @!p5 [tilespmem:s11], [sflag:$0x1], $0x1A00, $0x38;
	[tilespmem:$0x2700] =	vst v63  }
0x1a4: {  	s29 =	sld [smem:$0x7BF];
	_ =	sdelay $0x2  }
0x1a5: {  	[hbm4b:s29+s11] =	stream.linear.scatter @!p5 [tilespmem:s26], [sflag:$0x1], $0xD00, $0x38;
	[tilespmem:$0x2700] =	vst v63  }
0x1a6: {  	_ =	swait.ge @!p5 [sflag:s28], $0x1A00  }
0x1a7: {  	[sflag:s28] =	ssyncset.done @!p5 $0x0  }
0x1a8: {  	[sflag:s28] =	ssyncadd.s32 @!p5 $0xFFFFE600  }
0x1a9: {  	_ =	swait.ge @!p5 [sflag:s28], $0xD00  }
0x1aa: {  	p0 =	seq.s32 @!p4 s13, $0x10;
	s26 =	sld [smem:$0x7CA]  }
0x1ab: {  	p2 =	por !p0, p4;
	[sflag:s28] =	ssyncset.done @!p5 $0x0  }
0x1ac: {  	s11 =	simm.s32 @!p2 $0x0;
	[sflag:s28] =	ssyncadd.s32 @!p5 $0xFFFFF300;
	s28 =	sld [smem:$0x7CB]  }
0x1ad: {  	[tilespmem:s11], [sflag:$0x1] =	stream.linear.gather @!p2 [hbm4b:s26+s11], $0x1A00, $0x38;
	[tilespmem:$0x2700] =	vst v63  }
0x1ae: {  	s26 =	simm.s32 @!p2 $0x1A00  }
0x1af: {  	[tilespmem:s26], [sflag:$0x1] =	stream.linear.gather @!p2 [hbm4b:s28+s11], $0xD00, $0x38;
	[tilespmem:$0x2700] =	vst v63  }
0x1b0: {  	s28 =	simm.s32 @!p2 $0x1  }
0x1b1: {  	_ =	swait.ge @!p2 [sflag:s28], $0x1A00  }
0x1b2: {  	[sflag:s28] =	ssyncset.done @!p2 $0x0  }
0x1b3: {  	[sflag:s28] =	ssyncadd.s32 @!p2 $0xFFFFE600  }
0x1b4: {  	_ =	swait.ge @!p2 [sflag:s28], $0xD00  }
0x1b5: {  	s29 =	sld [smem:$0x7CC]  }
0x1b6: {  	[sflag:s28] =	ssyncset.done @!p2 $0x0  }
0x1b7: {  	[sflag:s28] =	ssyncadd.s32 @!p2 $0xFFFFF300  }
0x1b8: {  	[hbm4b:s29+s11] =	stream.linear.scatter @!p2 [tilespmem:s11], [sflag:$0x1], $0x1A00, $0x38;
	[tilespmem:$0x2700] =	vst v63  }
0x1b9: {  	s29 =	sld [smem:$0x7CD];
	_ =	sdelay $0x2  }
0x1ba: {  	[hbm4b:s29+s11] =	stream.linear.scatter @!p2 [tilespmem:s26], [sflag:$0x1], $0xD00, $0x38;
	[tilespmem:$0x2700] =	vst v63  }
0x1bb: {  	_ =	swait.ge @!p2 [sflag:s28], $0x1A00  }
0x1bc: {  	[sflag:s28] =	ssyncset.done @!p2 $0x0  }
0x1bd: {  	[sflag:s28] =	ssyncadd.s32 @!p2 $0xFFFFE600  }
0x1be: {  	_ =	swait.ge @!p2 [sflag:s28], $0xD00  }
0x1bf: {  	s26 =	sld [smem:$0x7C4]  }
0x1c0: {  	p0 =	por p0, p4;
	[sflag:s28] =	ssyncset.done @!p2 $0x0  }
0x1c1: {  	s11 =	simm.s32 @!p0 $0x0;
	[sflag:s28] =	ssyncadd.s32 @!p2 $0xFFFFF300;
	s28 =	sld [smem:$0x7C5]  }
0x1c2: {  	[tilespmem:s11], [sflag:$0x1] =	stream.linear.gather @!p0 [hbm4b:s26+s11], $0x600, $0x38;
	[tilespmem:$0x2700] =	vst v63  }
0x1c3: {  	s29 =	sld [smem:$0x7C6];
	s26 =	simm.s32 @!p0 $0x600  }
0x1c4: {  	[tilespmem:s26], [sflag:$0x1] =	stream.linear.gather @!p0 [hbm4b:s28+s11], $0x1400, $0x38;
	[tilespmem:$0x2700] =	vst v63  }
0x1c5: {  	s30 =	sld [smem:$0x7C7];
	s28 =	simm.s32 @!p0 $0x1A00  }
0x1c6: {  	[tilespmem:s28], [sflag:$0x1] =	stream.linear.gather @!p0 [hbm4b:s29+s11], $0x300, $0x38;
	[tilespmem:$0x2700] =	vst v63  }
0x1c7: {  	s29 =	simm.s32 @!p0 $0x1D00  }
0x1c8: {  	[tilespmem:s29], [sflag:$0x1] =	stream.linear.gather @!p0 [hbm4b:s30+s11], $0xA00, $0x38;
	[tilespmem:$0x2700] =	vst v63  }
0x1c9: {  	s30 =	simm.s32 @!p0 $0x1  }
0x1ca: {  	_ =	swait.ge @!p0 [sflag:s30], $0x600  }
0x1cb: {  	[sflag:s30] =	ssyncset.done @!p0 $0x0  }
0x1cc: {  	[sflag:s30] =	ssyncadd.s32 @!p0 $0xFFFFFA00  }
0x1cd: {  	_ =	swait.ge @!p0 [sflag:s30], $0x1400  }
0x1ce: {  	[sflag:s30] =	ssyncset.done @!p0 $0x0  }
0x1cf: {  	[sflag:s30] =	ssyncadd.s32 @!p0 $0xFFFFEC00  }
0x1d0: {  	_ =	swait.ge @!p0 [sflag:s30], $0x300  }
0x1d1: {  	[sflag:s30] =	ssyncset.done @!p0 $0x0  }
0x1d2: {  	[sflag:s30] =	ssyncadd.s32 @!p0 $0xFFFFFD00  }
0x1d3: {  	_ =	swait.ge @!p0 [sflag:s30], $0xA00  }
0x1d4: {  	s31 =	sld [smem:$0x7C8]  }
0x1d5: {  	[sflag:s30] =	ssyncset.done @!p0 $0x0  }
0x1d6: {  	[sflag:s30] =	ssyncadd.s32 @!p0 $0xFFFFF600  }
0x1d7: {  	[hbm4b:s31+s11] =	stream.linear.scatter @!p0 [tilespmem:s11], [sflag:$0x1], $0x600, $0x38;
	[tilespmem:$0x2700] =	vst v63  }
0x1d8: {  	s31 =	rddreg [dreg:$0x9]  }
0x1d9: {  	[hbm4b:s31+s11] =	stream.linear.scatter @!p0 [tilespmem:s26], [sflag:$0x1], $0x1400, $0x38;
	[tilespmem:$0x2700] =	vst v63  }
0x1da: {  	s26 =	sld [smem:$0x7C9];
	_ =	sdelay $0x2  }
0x1db: {  	[hbm4b:s26+s11] =	stream.linear.scatter @!p0 [tilespmem:s28], [sflag:$0x1], $0x300, $0x38;
	[tilespmem:$0x2700] =	vst v63  }
0x1dc: {  	s26 =	rddreg [dreg:$0xa]  }
0x1dd: {  	[hbm4b:s26+s11] =	stream.linear.scatter @!p0 [tilespmem:s29], [sflag:$0x1], $0xA00, $0x38;
	[tilespmem:$0x2700] =	vst v63  }
0x1de: {  	_ =	swait.ge @!p0 [sflag:s30], $0x600  }
0x1df: {  	[sflag:s30] =	ssyncset.done @!p0 $0x0  }
0x1e0: {  	[sflag:s30] =	ssyncadd.s32 @!p0 $0xFFFFFA00  }
0x1e1: {  	_ =	swait.ge @!p0 [sflag:s30], $0x1400  }
0x1e2: {  	[sflag:s30] =	ssyncset.done @!p0 $0x0  }
0x1e3: {  	[sflag:s30] =	ssyncadd.s32 @!p0 $0xFFFFEC00  }
0x1e4: {  	_ =	swait.ge @!p0 [sflag:s30], $0x300  }
0x1e5: {  	[sflag:s30] =	ssyncset.done @!p0 $0x0  }
0x1e6: {  	[sflag:s30] =	ssyncadd.s32 @!p0 $0xFFFFFD00  }
.Ltmp8:
0x1e7: {  	_ =	swait.ge @!p0 [sflag:s30], $0xA00;
	(pc) =	sbr.rel .LBB3_16-.Ltmp8, $3  }
0x1e8: {  	s31 =	sld [smem:$0x7FD];
	_ =	sdelay $0x1  }
0x1e9: {  	[sflag:s30] =	ssyncset.done @!p0 $0x0  }
0x1ea: {  	[sflag:s30] =	ssyncadd.s32 @!p0 $0xFFFFF600;
	p2 =	seq.s32 s31, $0x1  }
.LBB3_6:
0x1eb: {  	s11 =	sld [smem:$0x798];
	_ =	sdelay $0x2  }
0x1ec: {  	p0 =	seq.s32 s11, $0x1  }
.Ltmp9:
0x1ed: {  	_ = 	snop;
	(pc) =	sbr.rel @p0 .LBB3_8-.Ltmp9, $1  }
0x1ee: {  	_ =	sdelay $0x3  }
0x1ef: {  	s11 =	sld [smem:$0x790];
	_ =	sdelay $0x1  }
0x1f0: {  	s26 =	sld [smem:$0x7E3]  }
0x1f1: {  	p0 =	seq.s32 s11, $0x1  }
0x1f2: {  	s28 =	sld [smem:$0x7E4];
	s11 =	simm.s32 @!p0 $0x0  }
0x1f3: {  	[tilespmem:s11], [sflag:$0x1] =	stream.linear.gather @!p0 [hbm4b:s26+s11], $0x1A00, $0x38;
	[tilespmem:$0x2700] =	vst v63  }
0x1f4: {  	s26 =	simm.s32 @!p0 $0x1A00  }
0x1f5: {  	[tilespmem:s26], [sflag:$0x1] =	stream.linear.gather @!p0 [hbm4b:s28+s11], $0xD00, $0x38;
	[tilespmem:$0x2700] =	vst v63  }
0x1f6: {  	s28 =	simm.s32 @!p0 $0x1  }
0x1f7: {  	_ =	swait.ge @!p0 [sflag:s28], $0x1A00  }
0x1f8: {  	[sflag:s28] =	ssyncset.done @!p0 $0x0  }
0x1f9: {  	[sflag:s28] =	ssyncadd.s32 @!p0 $0xFFFFE600  }
0x1fa: {  	_ =	swait.ge @!p0 [sflag:s28], $0xD00  }
0x1fb: {  	s29 =	sld [smem:$0x7E5]  }
0x1fc: {  	[sflag:s28] =	ssyncset.done @!p0 $0x0  }
0x1fd: {  	[sflag:s28] =	ssyncadd.s32 @!p0 $0xFFFFF300  }
0x1fe: {  	[hbm4b:s29+s11] =	stream.linear.scatter @!p0 [tilespmem:s11], [sflag:$0x1], $0x1A00, $0x38;
	[tilespmem:$0x2700] =	vst v63  }
0x1ff: {  	s29 =	sld [smem:$0x7E6];
	_ =	sdelay $0x2  }
0x200: {  	[hbm4b:s29+s11] =	stream.linear.scatter @!p0 [tilespmem:s26], [sflag:$0x1], $0xD00, $0x38;
	[tilespmem:$0x2700] =	vst v63  }
0x201: {  	_ =	swait.ge @!p0 [sflag:s28], $0x1A00  }
0x202: {  	[sflag:s28] =	ssyncset.done @!p0 $0x0  }
0x203: {  	[sflag:s28] =	ssyncadd.s32 @!p0 $0xFFFFE600  }
0x204: {  	_ =	swait.ge @!p0 [sflag:s28], $0xD00  }
0x205: {  	s30 =	sld [smem:$0x791];
	_ =	sdelay $0x1  }
0x206: {  	[sflag:s28] =	ssyncset.done @!p0 $0x0;
	s26 =	sld [smem:$0x7DF]  }
0x207: {  	[sflag:s28] =	ssyncadd.s32 @!p0 $0xFFFFF300;
	p0 =	seq.s32 s30, $0x1  }
0x208: {  	s28 =	sld [smem:$0x7E0];
	s11 =	simm.s32 @!p0 $0x0  }
0x209: {  	[tilespmem:s11], [sflag:$0x1] =	stream.linear.gather @!p0 [hbm4b:s26+s11], $0x1A00, $0x38;
	[tilespmem:$0x2700] =	vst v63  }
0x20a: {  	s26 =	simm.s32 @!p0 $0x1A00  }
0x20b: {  	[tilespmem:s26], [sflag:$0x1] =	stream.linear.gather @!p0 [hbm4b:s28+s11], $0xD00, $0x38;
	[tilespmem:$0x2700] =	vst v63  }
0x20c: {  	s28 =	simm.s32 @!p0 $0x1  }
0x20d: {  	_ =	swait.ge @!p0 [sflag:s28], $0x1A00  }
0x20e: {  	[sflag:s28] =	ssyncset.done @!p0 $0x0  }
0x20f: {  	[sflag:s28] =	ssyncadd.s32 @!p0 $0xFFFFE600  }
0x210: {  	_ =	swait.ge @!p0 [sflag:s28], $0xD00  }
0x211: {  	s29 =	sld [smem:$0x7E1]  }
0x212: {  	[sflag:s28] =	ssyncset.done @!p0 $0x0  }
0x213: {  	[sflag:s28] =	ssyncadd.s32 @!p0 $0xFFFFF300  }
0x214: {  	[hbm4b:s29+s11] =	stream.linear.scatter @!p0 [tilespmem:s11], [sflag:$0x1], $0x1A00, $0x38;
	[tilespmem:$0x2700] =	vst v63  }
0x215: {  	s29 =	sld [smem:$0x7E2];
	_ =	sdelay $0x2  }
0x216: {  	[hbm4b:s29+s11] =	stream.linear.scatter @!p0 [tilespmem:s26], [sflag:$0x1], $0xD00, $0x38;
	[tilespmem:$0x2700] =	vst v63  }
0x217: {  	_ =	swait.ge @!p0 [sflag:s28], $0x1A00  }
0x218: {  	[sflag:s28] =	ssyncset.done @!p0 $0x0  }
0x219: {  	[sflag:s28] =	ssyncadd.s32 @!p0 $0xFFFFE600  }
0x21a: {  	_ =	swait.ge @!p0 [sflag:s28], $0xD00  }
0x21b: {  	s26 =	sld [smem:$0x7EB]  }
0x21c: {  	[sflag:s28] =	ssyncset.done @!p0 $0x0  }
0x21d: {  	s11 =	simm.s32 @!p3 $0x0;
	[sflag:s28] =	ssyncadd.s32 @!p0 $0xFFFFF300;
	s28 =	sld [smem:$0x7EC]  }
0x21e: {  	[tilespmem:s11], [sflag:$0x1] =	stream.linear.gather @!p3 [hbm4b:s26+s11], $0x1000, $0x38;
	[tilespmem:$0x2700] =	vst v63  }
0x21f: {  	s29 =	sld [smem:$0x7ED];
	s26 =	simm.s32 @!p3 $0x1000  }
0x220: {  	[tilespmem:s26], [sflag:$0x1] =	stream.linear.gather @!p3 [hbm4b:s28+s11], $0xA00, $0x38;
	[tilespmem:$0x2700] =	vst v63  }
0x221: {  	s30 =	sld [smem:$0x7EE];
	s28 =	simm.s32 @!p3 $0x1A00  }
0x222: {  	[tilespmem:s28], [sflag:$0x1] =	stream.linear.gather @!p3 [hbm4b:s29+s11], $0x800, $0x38;
	[tilespmem:$0x2700] =	vst v63  }
0x223: {  	s29 =	simm.s32 @!p3 $0x2200  }
0x224: {  	[tilespmem:s29], [sflag:$0x1] =	stream.linear.gather @!p3 [hbm4b:s30+s11], $0x500, $0x38;
	[tilespmem:$0x2700] =	vst v63  }
0x225: {  	s30 =	simm.s32 @!p3 $0x1  }
0x226: {  	_ =	swait.ge @!p3 [sflag:s30], $0x1000  }
0x227: {  	[sflag:s30] =	ssyncset.done @!p3 $0x0  }
0x228: {  	[sflag:s30] =	ssyncadd.s32 @!p3 $0xFFFFF000  }
0x229: {  	_ =	swait.ge @!p3 [sflag:s30], $0xA00  }
0x22a: {  	[sflag:s30] =	ssyncset.done @!p3 $0x0  }
0x22b: {  	[sflag:s30] =	ssyncadd.s32 @!p3 $0xFFFFF600  }
0x22c: {  	_ =	swait.ge @!p3 [sflag:s30], $0x800  }
0x22d: {  	[sflag:s30] =	ssyncset.done @!p3 $0x0  }
0x22e: {  	[sflag:s30] =	ssyncadd.s32 @!p3 $0xFFFFF800  }
0x22f: {  	_ =	swait.ge @!p3 [sflag:s30], $0x500  }
0x230: {  	s31 =	sld [smem:$0x7EF]  }
0x231: {  	[sflag:s30] =	ssyncset.done @!p3 $0x0  }
0x232: {  	[sflag:s30] =	ssyncadd.s32 @!p3 $0xFFFFFB00  }
0x233: {  	[hbm4b:s31+s11] =	stream.linear.scatter @!p3 [tilespmem:s11], [sflag:$0x1], $0x1000, $0x38;
	[tilespmem:$0x2700] =	vst v63  }
0x234: {  	s31 =	rddreg [dreg:$0x6]  }
0x235: {  	[hbm4b:s31+s11] =	stream.linear.scatter @!p3 [tilespmem:s26], [sflag:$0x1], $0xA00, $0x38;
	[tilespmem:$0x2700] =	vst v63  }
0x236: {  	s26 =	sld [smem:$0x7F0];
	_ =	sdelay $0x2  }
0x237: {  	[hbm4b:s26+s11] =	stream.linear.scatter @!p3 [tilespmem:s28], [sflag:$0x1], $0x800, $0x38;
	[tilespmem:$0x2700] =	vst v63  }
0x238: {  	_ = 	snop  }
0x239: {  	[hbm4b:s8+s11] =	stream.linear.scatter @!p3 [tilespmem:s29], [sflag:$0x1], $0x500, $0x38;
	[tilespmem:$0x2700] =	vst v63  }
0x23a: {  	_ =	swait.ge @!p3 [sflag:s30], $0x1000  }
0x23b: {  	[sflag:s30] =	ssyncset.done @!p3 $0x0  }
0x23c: {  	[sflag:s30] =	ssyncadd.s32 @!p3 $0xFFFFF000  }
0x23d: {  	_ =	swait.ge @!p3 [sflag:s30], $0xA00  }
0x23e: {  	[sflag:s30] =	ssyncset.done @!p3 $0x0  }
0x23f: {  	[sflag:s30] =	ssyncadd.s32 @!p3 $0xFFFFF600  }
0x240: {  	_ =	swait.ge @!p3 [sflag:s30], $0x800  }
0x241: {  	[sflag:s30] =	ssyncset.done @!p3 $0x0  }
0x242: {  	[sflag:s30] =	ssyncadd.s32 @!p3 $0xFFFFF800  }
0x243: {  	_ =	swait.ge @!p3 [sflag:s30], $0x500  }
0x244: {  	s31 =	sld [smem:$0x792];
	_ =	sdelay $0x1  }
0x245: {  	s26 =	sld [smem:$0x7E7]  }
0x246: {  	[sflag:s30] =	ssyncset.done @!p3 $0x0;
	p0 =	seq.s32 s31, $0x1  }
0x247: {  	s28 =	sld [smem:$0x7E8];
	[sflag:s30] =	ssyncadd.s32 @!p3 $0xFFFFFB00;
	s11 =	simm.s32 @!p0 $0x0  }
0x248: {  	[tilespmem:s11], [sflag:$0x1] =	stream.linear.gather @!p0 [hbm4b:s26+s11], $0x1A00, $0x38;
	[tilespmem:$0x2700] =	vst v63  }
0x249: {  	s26 =	simm.s32 @!p0 $0x1A00  }
0x24a: {  	[tilespmem:s26], [sflag:$0x1] =	stream.linear.gather @!p0 [hbm4b:s28+s11], $0xD00, $0x38;
	[tilespmem:$0x2700] =	vst v63  }
0x24b: {  	s28 =	simm.s32 @!p0 $0x1  }
0x24c: {  	_ =	swait.ge @!p0 [sflag:s28], $0x1A00  }
0x24d: {  	[sflag:s28] =	ssyncset.done @!p0 $0x0  }
0x24e: {  	[sflag:s28] =	ssyncadd.s32 @!p0 $0xFFFFE600  }
0x24f: {  	_ =	swait.ge @!p0 [sflag:s28], $0xD00  }
0x250: {  	s29 =	sld [smem:$0x7E9]  }
0x251: {  	[sflag:s28] =	ssyncset.done @!p0 $0x0  }
0x252: {  	[sflag:s28] =	ssyncadd.s32 @!p0 $0xFFFFF300  }
0x253: {  	[hbm4b:s29+s11] =	stream.linear.scatter @!p0 [tilespmem:s11], [sflag:$0x1], $0x1A00, $0x38;
	[tilespmem:$0x2700] =	vst v63  }
0x254: {  	s29 =	sld [smem:$0x7EA];
	_ =	sdelay $0x2  }
0x255: {  	[hbm4b:s29+s11] =	stream.linear.scatter @!p0 [tilespmem:s26], [sflag:$0x1], $0xD00, $0x38;
	[tilespmem:$0x2700] =	vst v63  }
0x256: {  	_ =	swait.ge @!p0 [sflag:s28], $0x1A00  }
.Ltmp10:
0x257: {  	[sflag:s28] =	ssyncset.done @!p0 $0x0;
	(pc) =	sbr.rel .LBB3_16-.Ltmp10, $4  }
0x258: {  	[sflag:s28] =	ssyncadd.s32 @!p0 $0xFFFFE600  }
0x259: {  	_ =	swait.ge @!p0 [sflag:s28], $0xD00  }
0x25a: {  	[sflag:s28] =	ssyncset.done @!p0 $0x0  }
0x25b: {  	[sflag:s28] =	ssyncadd.s32 @!p0 $0xFFFFF300  }
.LBB3_13:
0x25c: {  	p0 =	sgt.s32 s13, $0x1B  }
.Ltmp11:
0x25d: {  	_ = 	snop;
	(pc) =	sbr.rel @p0 .LBB3_15-.Ltmp11, $1  }
0x25e: {  	_ =	sdelay $0x3  }
0x25f: {  	p4 =	sgt.s32 s13, $0x19  }
0x260: {  	s26 =	sld [smem:$0x79D];
	p0 =	seq.s32 @p4 s13, $0x1A  }
0x261: {  	p5 =	por !p0, !p4  }
0x262: {  	s28 =	sld [smem:$0x79E];
	s11 =	simm.s32 @!p5 $0x0  }
0x263: {  	[tilespmem:s11], [sflag:$0x1] =	stream.linear.gather @!p5 [hbm4b:s26+s11], $0x1A00, $0x38;
	[tilespmem:$0x2700] =	vst v63  }
0x264: {  	s26 =	simm.s32 @!p5 $0x1A00  }
0x265: {  	[tilespmem:s26], [sflag:$0x1] =	stream.linear.gather @!p5 [hbm4b:s28+s11], $0xD00, $0x38;
	[tilespmem:$0x2700] =	vst v63  }
0x266: {  	s28 =	simm.s32 @!p5 $0x1  }
0x267: {  	_ =	swait.ge @!p5 [sflag:s28], $0x1A00  }
0x268: {  	[sflag:s28] =	ssyncset.done @!p5 $0x0  }
0x269: {  	[sflag:s28] =	ssyncadd.s32 @!p5 $0xFFFFE600  }
0x26a: {  	_ =	swait.ge @!p5 [sflag:s28], $0xD00  }
0x26b: {  	s29 =	sld [smem:$0x79F]  }
0x26c: {  	[sflag:s28] =	ssyncset.done @!p5 $0x0  }
0x26d: {  	[sflag:s28] =	ssyncadd.s32 @!p5 $0xFFFFF300  }
0x26e: {  	[hbm4b:s29+s11] =	stream.linear.scatter @!p5 [tilespmem:s11], [sflag:$0x1], $0x1A00, $0x38;
	[tilespmem:$0x2700] =	vst v63  }
0x26f: {  	s29 =	sld [smem:$0x7A0];
	_ =	sdelay $0x2  }
0x270: {  	[hbm4b:s29+s11] =	stream.linear.scatter @!p5 [tilespmem:s26], [sflag:$0x1], $0xD00, $0x38;
	[tilespmem:$0x2700] =	vst v63  }
0x271: {  	_ =	swait.ge @!p5 [sflag:s28], $0x1A00  }
0x272: {  	[sflag:s28] =	ssyncset.done @!p5 $0x0  }
0x273: {  	[sflag:s28] =	ssyncadd.s32 @!p5 $0xFFFFE600  }
0x274: {  	_ =	swait.ge @!p5 [sflag:s28], $0xD00  }
0x275: {  	s26 =	sld [smem:$0x799]  }
0x276: {  	p2 =	por p0, !p4;
	[sflag:s28] =	ssyncset.done @!p5 $0x0  }
0x277: {  	s11 =	simm.s32 @!p2 $0x0;
	[sflag:s28] =	ssyncadd.s32 @!p5 $0xFFFFF300;
	s28 =	sld [smem:$0x79A]  }
0x278: {  	[tilespmem:s11], [sflag:$0x1] =	stream.linear.gather @!p2 [hbm4b:s26+s11], $0x1A00, $0x38;
	[tilespmem:$0x2700] =	vst v63  }
0x279: {  	s26 =	simm.s32 @!p2 $0x1A00  }
0x27a: {  	[tilespmem:s26], [sflag:$0x1] =	stream.linear.gather @!p2 [hbm4b:s28+s11], $0xD00, $0x38;
	[tilespmem:$0x2700] =	vst v63  }
0x27b: {  	s28 =	simm.s32 @!p2 $0x1  }
0x27c: {  	_ =	swait.ge @!p2 [sflag:s28], $0x1A00  }
0x27d: {  	[sflag:s28] =	ssyncset.done @!p2 $0x0  }
0x27e: {  	[sflag:s28] =	ssyncadd.s32 @!p2 $0xFFFFE600  }
0x27f: {  	_ =	swait.ge @!p2 [sflag:s28], $0xD00  }
0x280: {  	s29 =	sld [smem:$0x79B]  }
0x281: {  	[sflag:s28] =	ssyncset.done @!p2 $0x0  }
0x282: {  	[sflag:s28] =	ssyncadd.s32 @!p2 $0xFFFFF300  }
0x283: {  	[hbm4b:s29+s11] =	stream.linear.scatter @!p2 [tilespmem:s11], [sflag:$0x1], $0x1A00, $0x38;
	[tilespmem:$0x2700] =	vst v63  }
0x284: {  	s29 =	sld [smem:$0x79C];
	_ =	sdelay $0x2  }
0x285: {  	[hbm4b:s29+s11] =	stream.linear.scatter @!p2 [tilespmem:s26], [sflag:$0x1], $0xD00, $0x38;
	[tilespmem:$0x2700] =	vst v63  }
0x286: {  	_ =	swait.ge @!p2 [sflag:s28], $0x1A00  }
0x287: {  	[sflag:s28] =	ssyncset.done @!p2 $0x0  }
0x288: {  	[sflag:s28] =	ssyncadd.s32 @!p2 $0xFFFFE600  }
0x289: {  	_ =	swait.ge @!p2 [sflag:s28], $0xD00  }
0x28a: {  	p5 =	seq.s32 @!p4 s13, $0x18;
	s26 =	sld [smem:$0x7A5]  }
0x28b: {  	p0 =	por !p5, p4;
	[sflag:s28] =	ssyncset.done @!p2 $0x0  }
0x28c: {  	s11 =	simm.s32 @!p0 $0x0;
	[sflag:s28] =	ssyncadd.s32 @!p2 $0xFFFFF300;
	s28 =	sld [smem:$0x7A6]  }
0x28d: {  	[tilespmem:s11], [sflag:$0x1] =	stream.linear.gather @!p0 [hbm4b:s26+s11], $0x1000, $0x38;
	[tilespmem:$0x2700] =	vst v63  }
0x28e: {  	s29 =	sld [smem:$0x7A7];
	s26 =	simm.s32 @!p0 $0x1000  }
0x28f: {  	[tilespmem:s26], [sflag:$0x1] =	stream.linear.gather @!p0 [hbm4b:s28+s11], $0xA00, $0x38;
	[tilespmem:$0x2700] =	vst v63  }
0x290: {  	s30 =	sld [smem:$0x7A8];
	s28 =	simm.s32 @!p0 $0x1A00  }
0x291: {  	[tilespmem:s28], [sflag:$0x1] =	stream.linear.gather @!p0 [hbm4b:s29+s11], $0x800, $0x38;
	[tilespmem:$0x2700] =	vst v63  }
0x292: {  	s29 =	simm.s32 @!p0 $0x2200  }
0x293: {  	[tilespmem:s29], [sflag:$0x1] =	stream.linear.gather @!p0 [hbm4b:s30+s11], $0x500, $0x38;
	[tilespmem:$0x2700] =	vst v63  }
0x294: {  	s30 =	simm.s32 @!p0 $0x1  }
0x295: {  	_ =	swait.ge @!p0 [sflag:s30], $0x1000  }
0x296: {  	[sflag:s30] =	ssyncset.done @!p0 $0x0  }
0x297: {  	[sflag:s30] =	ssyncadd.s32 @!p0 $0xFFFFF000  }
0x298: {  	_ =	swait.ge @!p0 [sflag:s30], $0xA00  }
0x299: {  	[sflag:s30] =	ssyncset.done @!p0 $0x0  }
0x29a: {  	[sflag:s30] =	ssyncadd.s32 @!p0 $0xFFFFF600  }
0x29b: {  	_ =	swait.ge @!p0 [sflag:s30], $0x800  }
0x29c: {  	[sflag:s30] =	ssyncset.done @!p0 $0x0  }
0x29d: {  	[sflag:s30] =	ssyncadd.s32 @!p0 $0xFFFFF800  }
0x29e: {  	_ =	swait.ge @!p0 [sflag:s30], $0x500  }
0x29f: {  	s31 =	sld [smem:$0x7A9]  }
0x2a0: {  	[sflag:s30] =	ssyncset.done @!p0 $0x0  }
0x2a1: {  	[sflag:s30] =	ssyncadd.s32 @!p0 $0xFFFFFB00  }
0x2a2: {  	[hbm4b:s31+s11] =	stream.linear.scatter @!p0 [tilespmem:s11], [sflag:$0x1], $0x1000, $0x38;
	[tilespmem:$0x2700] =	vst v63  }
0x2a3: {  	s31 =	rddreg [dreg:$0xc]  }
0x2a4: {  	[hbm4b:s31+s11] =	stream.linear.scatter @!p0 [tilespmem:s26], [sflag:$0x1], $0xA00, $0x38;
	[tilespmem:$0x2700] =	vst v63  }
0x2a5: {  	s26 =	sld [smem:$0x7AA];
	_ =	sdelay $0x2  }
0x2a6: {  	[hbm4b:s26+s11] =	stream.linear.scatter @!p0 [tilespmem:s28], [sflag:$0x1], $0x800, $0x38;
	[tilespmem:$0x2700] =	vst v63  }
0x2a7: {  	_ = 	snop  }
0x2a8: {  	[hbm4b:s15+s11] =	stream.linear.scatter @!p0 [tilespmem:s29], [sflag:$0x1], $0x500, $0x38;
	[tilespmem:$0x2700] =	vst v63  }
0x2a9: {  	_ =	swait.ge @!p0 [sflag:s30], $0x1000  }
0x2aa: {  	[sflag:s30] =	ssyncset.done @!p0 $0x0  }
0x2ab: {  	[sflag:s30] =	ssyncadd.s32 @!p0 $0xFFFFF000  }
0x2ac: {  	_ =	swait.ge @!p0 [sflag:s30], $0xA00  }
0x2ad: {  	[sflag:s30] =	ssyncset.done @!p0 $0x0  }
0x2ae: {  	[sflag:s30] =	ssyncadd.s32 @!p0 $0xFFFFF600  }
0x2af: {  	_ =	swait.ge @!p0 [sflag:s30], $0x800  }
0x2b0: {  	[sflag:s30] =	ssyncset.done @!p0 $0x0  }
0x2b1: {  	[sflag:s30] =	ssyncadd.s32 @!p0 $0xFFFFF800  }
0x2b2: {  	_ =	swait.ge @!p0 [sflag:s30], $0x500  }
0x2b3: {  	s26 =	sld [smem:$0x7A1]  }
0x2b4: {  	p2 =	por p5, p4;
	[sflag:s30] =	ssyncset.done @!p0 $0x0  }
0x2b5: {  	s11 =	simm.s32 @!p2 $0x0;
	s28 =	sld [smem:$0x7A2];
	[sflag:s30] =	ssyncadd.s32 @!p0 $0xFFFFFB00  }
0x2b6: {  	[tilespmem:s11], [sflag:$0x1] =	stream.linear.gather @!p2 [hbm4b:s26+s11], $0x1A00, $0x38;
	[tilespmem:$0x2700] =	vst v63  }
0x2b7: {  	s26 =	simm.s32 @!p2 $0x1A00  }
0x2b8: {  	[tilespmem:s26], [sflag:$0x1] =	stream.linear.gather @!p2 [hbm4b:s28+s11], $0xD00, $0x38;
	[tilespmem:$0x2700] =	vst v63  }
0x2b9: {  	s28 =	simm.s32 @!p2 $0x1  }
0x2ba: {  	_ =	swait.ge @!p2 [sflag:s28], $0x1A00  }
0x2bb: {  	[sflag:s28] =	ssyncset.done @!p2 $0x0  }
0x2bc: {  	[sflag:s28] =	ssyncadd.s32 @!p2 $0xFFFFE600  }
0x2bd: {  	_ =	swait.ge @!p2 [sflag:s28], $0xD00  }
0x2be: {  	s29 =	sld [smem:$0x7A3]  }
0x2bf: {  	[sflag:s28] =	ssyncset.done @!p2 $0x0  }
0x2c0: {  	[sflag:s28] =	ssyncadd.s32 @!p2 $0xFFFFF300  }
0x2c1: {  	[hbm4b:s29+s11] =	stream.linear.scatter @!p2 [tilespmem:s11], [sflag:$0x1], $0x1A00, $0x38;
	[tilespmem:$0x2700] =	vst v63  }
0x2c2: {  	s29 =	sld [smem:$0x7A4];
	_ =	sdelay $0x2  }
0x2c3: {  	[hbm4b:s29+s11] =	stream.linear.scatter @!p2 [tilespmem:s26], [sflag:$0x1], $0xD00, $0x38;
	[tilespmem:$0x2700] =	vst v63  }
0x2c4: {  	_ =	swait.ge @!p2 [sflag:s28], $0x1A00  }
0x2c5: {  	[sflag:s28] =	ssyncset.done @!p2 $0x0  }
0x2c6: {  	[sflag:s28] =	ssyncadd.s32 @!p2 $0xFFFFE600  }
.Ltmp12:
0x2c7: {  	_ =	swait.ge @!p2 [sflag:s28], $0xD00;
	(pc) =	sbr.rel .LBB3_16-.Ltmp12, $3  }
0x2c8: {  	s31 =	sld [smem:$0x7FD];
	_ =	sdelay $0x1  }
0x2c9: {  	[sflag:s28] =	ssyncset.done @!p2 $0x0  }
0x2ca: {  	[sflag:s28] =	ssyncadd.s32 @!p2 $0xFFFFF300;
	p2 =	seq.s32 s31, $0x1  }
.LBB3_5:
0x2cb: {  	s11 =	sld [smem:$0x78D];
	_ =	sdelay $0x2  }
0x2cc: {  	p0 =	seq.s32 s11, $0x1;
	s11 =	sld [smem:$0x7F5];
	_ =	sdelay $0x1  }
0x2cd: {  	s26 =	simm.s32 @!p0 $0x0  }
0x2ce: {  	[tilespmem:s26], [sflag:$0x1] =	stream.linear.gather @!p0 [hbm4b:s11+s26], $0x1A00, $0x38;
	[tilespmem:$0x2700] =	vst v63  }
0x2cf: {  	s11 =	sld [smem:$0x7F6];
	_ =	sdelay $0x1  }
0x2d0: {  	s28 =	simm.s32 @!p0 $0x1A00;
	s29 =	simm.s32 @!p0 $0x1  }
0x2d1: {  	[tilespmem:s28], [sflag:$0x1] =	stream.linear.gather @!p0 [hbm4b:s11+s26], $0xD00, $0x38;
	[tilespmem:$0x2700] =	vst v63  }
0x2d2: {  	_ =	swait.ge @!p0 [sflag:s29], $0x1A00  }
0x2d3: {  	[sflag:s29] =	ssyncset.done @!p0 $0x0  }
0x2d4: {  	[sflag:s29] =	ssyncadd.s32 @!p0 $0xFFFFE600  }
0x2d5: {  	_ =	swait.ge @!p0 [sflag:s29], $0xD00  }
0x2d6: {  	s11 =	sld [smem:$0x7F7]  }
0x2d7: {  	[sflag:s29] =	ssyncset.done @!p0 $0x0  }
0x2d8: {  	[sflag:s29] =	ssyncadd.s32 @!p0 $0xFFFFF300  }
0x2d9: {  	[hbm4b:s11+s26] =	stream.linear.scatter @!p0 [tilespmem:s26], [sflag:$0x1], $0x1A00, $0x38;
	[tilespmem:$0x2700] =	vst v63  }
0x2da: {  	s11 =	sld [smem:$0x7F8];
	_ =	sdelay $0x2  }
0x2db: {  	[hbm4b:s11+s26] =	stream.linear.scatter @!p0 [tilespmem:s28], [sflag:$0x1], $0xD00, $0x38;
	[tilespmem:$0x2700] =	vst v63  }
0x2dc: {  	_ =	swait.ge @!p0 [sflag:s29], $0x1A00  }
0x2dd: {  	[sflag:s29] =	ssyncset.done @!p0 $0x0  }
0x2de: {  	[sflag:s29] =	ssyncadd.s32 @!p0 $0xFFFFE600  }
0x2df: {  	_ =	swait.ge @!p0 [sflag:s29], $0xD00  }
0x2e0: {  	s30 =	sld [smem:$0x78E];
	_ =	sdelay $0x1  }
0x2e1: {  	[sflag:s29] =	ssyncset.done @!p0 $0x0;
	s11 =	sld [smem:$0x7F1]  }
0x2e2: {  	[sflag:s29] =	ssyncadd.s32 @!p0 $0xFFFFF300;
	p0 =	seq.s32 s30, $0x1  }
0x2e3: {  	s26 =	simm.s32 @!p0 $0x0  }
0x2e4: {  	[tilespmem:s26], [sflag:$0x1] =	stream.linear.gather @!p0 [hbm4b:s11+s26], $0x1A00, $0x38;
	[tilespmem:$0x2700] =	vst v63  }
0x2e5: {  	s11 =	sld [smem:$0x7F2];
	_ =	sdelay $0x1  }
0x2e6: {  	s28 =	simm.s32 @!p0 $0x1A00;
	s29 =	simm.s32 @!p0 $0x1  }
0x2e7: {  	[tilespmem:s28], [sflag:$0x1] =	stream.linear.gather @!p0 [hbm4b:s11+s26], $0xD00, $0x38;
	[tilespmem:$0x2700] =	vst v63  }
0x2e8: {  	_ =	swait.ge @!p0 [sflag:s29], $0x1A00  }
0x2e9: {  	[sflag:s29] =	ssyncset.done @!p0 $0x0  }
0x2ea: {  	[sflag:s29] =	ssyncadd.s32 @!p0 $0xFFFFE600  }
0x2eb: {  	_ =	swait.ge @!p0 [sflag:s29], $0xD00  }
0x2ec: {  	s11 =	sld [smem:$0x7F3]  }
0x2ed: {  	[sflag:s29] =	ssyncset.done @!p0 $0x0  }
0x2ee: {  	[sflag:s29] =	ssyncadd.s32 @!p0 $0xFFFFF300  }
0x2ef: {  	[hbm4b:s11+s26] =	stream.linear.scatter @!p0 [tilespmem:s26], [sflag:$0x1], $0x1A00, $0x38;
	[tilespmem:$0x2700] =	vst v63  }
0x2f0: {  	s11 =	sld [smem:$0x7F4];
	_ =	sdelay $0x2  }
0x2f1: {  	[hbm4b:s11+s26] =	stream.linear.scatter @!p0 [tilespmem:s28], [sflag:$0x1], $0xD00, $0x38;
	[tilespmem:$0x2700] =	vst v63  }
0x2f2: {  	_ =	swait.ge @!p0 [sflag:s29], $0x1A00  }
0x2f3: {  	[sflag:s29] =	ssyncset.done @!p0 $0x0  }
0x2f4: {  	[sflag:s29] =	ssyncadd.s32 @!p0 $0xFFFFE600  }
0x2f5: {  	_ =	swait.ge @!p0 [sflag:s29], $0xD00  }
0x2f6: {  	[sflag:s29] =	ssyncset.done @!p0 $0x0  }
0x2f7: {  	s26 =	simm.s32 @!p6 $0x0;
	[sflag:s29] =	ssyncadd.s32 @!p0 $0xFFFFF300  }
0x2f8: {  	[tilespmem:s26], [sflag:$0x1] =	stream.linear.gather @!p6 [hbm4b:s7+s26], $0x800, $0x38;
	[tilespmem:$0x2700] =	vst v63  }
0x2f9: {  	s28 =	simm.s32 @!p6 $0x800  }
0x2fa: {  	[tilespmem:s28], [sflag:$0x1] =	stream.linear.gather @!p6 [hbm4b:s2+s26], $0x1200, $0x38;
	[tilespmem:$0x2700] =	vst v63  }
0x2fb: {  	s11 =	simm.s32 @!p6 $0x1;
	s29 =	simm.s32 @!p6 $0x1A00  }
0x2fc: {  	[tilespmem:s29], [sflag:$0x1] =	stream.linear.gather @!p6 [hbm4b:s16+s26], $0xD00, $0x38;
	[tilespmem:$0x2700] =	vst v63  }
0x2fd: {  	_ =	swait.ge @!p6 [sflag:s11], $0x800  }
0x2fe: {  	[sflag:s11] =	ssyncset.done @!p6 $0x0  }
0x2ff: {  	[sflag:s11] =	ssyncadd.s32 @!p6 $0xFFFFF800  }
0x300: {  	_ =	swait.ge @!p6 [sflag:s11], $0x1200  }
0x301: {  	[sflag:s11] =	ssyncset.done @!p6 $0x0  }
0x302: {  	[sflag:s11] =	ssyncadd.s32 @!p6 $0xFFFFEE00  }
0x303: {  	_ =	swait.ge @!p6 [sflag:s11], $0xD00  }
0x304: {  	[sflag:s11] =	ssyncset.done @!p6 $0x0  }
0x305: {  	[sflag:s11] =	ssyncadd.s32 @!p6 $0xFFFFF300  }
0x306: {  	[hbm4b:s10+s26] =	stream.linear.scatter @!p6 [tilespmem:s26], [sflag:$0x1], $0x800, $0x38;
	[tilespmem:$0x2700] =	vst v63  }
0x307: {  	s30 =	rddreg [dreg:$0x5]  }
0x308: {  	[hbm4b:s30+s26] =	stream.linear.scatter @!p6 [tilespmem:s28], [sflag:$0x1], $0x1200, $0x38;
	[tilespmem:$0x2700] =	vst v63  }
0x309: {  	_ = 	snop  }
0x30a: {  	[hbm4b:s3+s26] =	stream.linear.scatter @!p6 [tilespmem:s29], [sflag:$0x1], $0xD00, $0x38;
	[tilespmem:$0x2700] =	vst v63  }
0x30b: {  	_ =	swait.ge @!p6 [sflag:s11], $0x800  }
0x30c: {  	[sflag:s11] =	ssyncset.done @!p6 $0x0  }
0x30d: {  	[sflag:s11] =	ssyncadd.s32 @!p6 $0xFFFFF800  }
0x30e: {  	_ =	swait.ge @!p6 [sflag:s11], $0x1200  }
0x30f: {  	[sflag:s11] =	ssyncset.done @!p6 $0x0  }
0x310: {  	[sflag:s11] =	ssyncadd.s32 @!p6 $0xFFFFEE00  }
0x311: {  	_ =	swait.ge @!p6 [sflag:s11], $0xD00  }
0x312: {  	s31 =	sld [smem:$0x78F];
	_ =	sdelay $0x1  }
0x313: {  	s26 =	sld [smem:$0x7F9]  }
0x314: {  	[sflag:s11] =	ssyncset.done @!p6 $0x0;
	p0 =	seq.s32 s31, $0x1  }
0x315: {  	s28 =	sld [smem:$0x7FA];
	[sflag:s11] =	ssyncadd.s32 @!p6 $0xFFFFF300;
	s11 =	simm.s32 @!p0 $0x0  }
0x316: {  	[tilespmem:s11], [sflag:$0x1] =	stream.linear.gather @!p0 [hbm4b:s26+s11], $0x1A00, $0x38;
	[tilespmem:$0x2700] =	vst v63  }
0x317: {  	s26 =	simm.s32 @!p0 $0x1A00  }
0x318: {  	[tilespmem:s26], [sflag:$0x1] =	stream.linear.gather @!p0 [hbm4b:s28+s11], $0xD00, $0x38;
	[tilespmem:$0x2700] =	vst v63  }
0x319: {  	s28 =	simm.s32 @!p0 $0x1  }
0x31a: {  	_ =	swait.ge @!p0 [sflag:s28], $0x1A00  }
0x31b: {  	[sflag:s28] =	ssyncset.done @!p0 $0x0  }
0x31c: {  	[sflag:s28] =	ssyncadd.s32 @!p0 $0xFFFFE600  }
0x31d: {  	_ =	swait.ge @!p0 [sflag:s28], $0xD00  }
0x31e: {  	s29 =	sld [smem:$0x7FB]  }
0x31f: {  	[sflag:s28] =	ssyncset.done @!p0 $0x0  }
0x320: {  	[sflag:s28] =	ssyncadd.s32 @!p0 $0xFFFFF300  }
0x321: {  	[hbm4b:s29+s11] =	stream.linear.scatter @!p0 [tilespmem:s11], [sflag:$0x1], $0x1A00, $0x38;
	[tilespmem:$0x2700] =	vst v63  }
0x322: {  	s29 =	sld [smem:$0x7FC];
	_ =	sdelay $0x2  }
0x323: {  	[hbm4b:s29+s11] =	stream.linear.scatter @!p0 [tilespmem:s26], [sflag:$0x1], $0xD00, $0x38;
	[tilespmem:$0x2700] =	vst v63  }
0x324: {  	_ =	swait.ge @!p0 [sflag:s28], $0x1A00  }
.Ltmp13:
0x325: {  	[sflag:s28] =	ssyncset.done @!p0 $0x0;
	(pc) =	sbr.rel .LBB3_16-.Ltmp13, $4  }
0x326: {  	[sflag:s28] =	ssyncadd.s32 @!p0 $0xFFFFE600  }
0x327: {  	_ =	swait.ge @!p0 [sflag:s28], $0xD00  }
0x328: {  	[sflag:s28] =	ssyncset.done @!p0 $0x0  }
0x329: {  	[sflag:s28] =	ssyncadd.s32 @!p0 $0xFFFFF300  }
.LBB3_12:
0x32a: {  	p4 =	sgt.s32 s13, $0x15  }
0x32b: {  	s26 =	sld [smem:$0x7AF];
	p0 =	seq.s32 @p4 s13, $0x16  }
0x32c: {  	p5 =	por !p0, !p4  }
0x32d: {  	s28 =	sld [smem:$0x7B0];
	s11 =	simm.s32 @!p5 $0x0  }
0x32e: {  	[tilespmem:s11], [sflag:$0x1] =	stream.linear.gather @!p5 [hbm4b:s26+s11], $0x1A00, $0x38;
	[tilespmem:$0x2700] =	vst v63  }
0x32f: {  	s26 =	simm.s32 @!p5 $0x1A00  }
0x330: {  	[tilespmem:s26], [sflag:$0x1] =	stream.linear.gather @!p5 [hbm4b:s28+s11], $0xD00, $0x38;
	[tilespmem:$0x2700] =	vst v63  }
0x331: {  	s28 =	simm.s32 @!p5 $0x1  }
0x332: {  	_ =	swait.ge @!p5 [sflag:s28], $0x1A00  }
0x333: {  	[sflag:s28] =	ssyncset.done @!p5 $0x0  }
0x334: {  	[sflag:s28] =	ssyncadd.s32 @!p5 $0xFFFFE600  }
0x335: {  	_ =	swait.ge @!p5 [sflag:s28], $0xD00  }
0x336: {  	s29 =	sld [smem:$0x7B1]  }
0x337: {  	[sflag:s28] =	ssyncset.done @!p5 $0x0  }
0x338: {  	[sflag:s28] =	ssyncadd.s32 @!p5 $0xFFFFF300  }
0x339: {  	[hbm4b:s29+s11] =	stream.linear.scatter @!p5 [tilespmem:s11], [sflag:$0x1], $0x1A00, $0x38;
	[tilespmem:$0x2700] =	vst v63  }
0x33a: {  	s29 =	sld [smem:$0x7B2];
	_ =	sdelay $0x2  }
0x33b: {  	[hbm4b:s29+s11] =	stream.linear.scatter @!p5 [tilespmem:s26], [sflag:$0x1], $0xD00, $0x38;
	[tilespmem:$0x2700] =	vst v63  }
0x33c: {  	_ =	swait.ge @!p5 [sflag:s28], $0x1A00  }
0x33d: {  	[sflag:s28] =	ssyncset.done @!p5 $0x0  }
0x33e: {  	[sflag:s28] =	ssyncadd.s32 @!p5 $0xFFFFE600  }
0x33f: {  	_ =	swait.ge @!p5 [sflag:s28], $0xD00  }
0x340: {  	s26 =	sld [smem:$0x7AB]  }
0x341: {  	p2 =	por p0, !p4;
	[sflag:s28] =	ssyncset.done @!p5 $0x0  }
0x342: {  	s11 =	simm.s32 @!p2 $0x0;
	[sflag:s28] =	ssyncadd.s32 @!p5 $0xFFFFF300;
	s28 =	sld [smem:$0x7AC]  }
0x343: {  	[tilespmem:s11], [sflag:$0x1] =	stream.linear.gather @!p2 [hbm4b:s26+s11], $0x1A00, $0x38;
	[tilespmem:$0x2700] =	vst v63  }
0x344: {  	s26 =	simm.s32 @!p2 $0x1A00  }
0x345: {  	[tilespmem:s26], [sflag:$0x1] =	stream.linear.gather @!p2 [hbm4b:s28+s11], $0xD00, $0x38;
	[tilespmem:$0x2700] =	vst v63  }
0x346: {  	s28 =	simm.s32 @!p2 $0x1  }
0x347: {  	_ =	swait.ge @!p2 [sflag:s28], $0x1A00  }
0x348: {  	[sflag:s28] =	ssyncset.done @!p2 $0x0  }
0x349: {  	[sflag:s28] =	ssyncadd.s32 @!p2 $0xFFFFE600  }
0x34a: {  	_ =	swait.ge @!p2 [sflag:s28], $0xD00  }
0x34b: {  	s29 =	sld [smem:$0x7AD]  }
0x34c: {  	[sflag:s28] =	ssyncset.done @!p2 $0x0  }
0x34d: {  	[sflag:s28] =	ssyncadd.s32 @!p2 $0xFFFFF300  }
0x34e: {  	[hbm4b:s29+s11] =	stream.linear.scatter @!p2 [tilespmem:s11], [sflag:$0x1], $0x1A00, $0x38;
	[tilespmem:$0x2700] =	vst v63  }
0x34f: {  	s29 =	sld [smem:$0x7AE];
	_ =	sdelay $0x2  }
0x350: {  	[hbm4b:s29+s11] =	stream.linear.scatter @!p2 [tilespmem:s26], [sflag:$0x1], $0xD00, $0x38;
	[tilespmem:$0x2700] =	vst v63  }
0x351: {  	_ =	swait.ge @!p2 [sflag:s28], $0x1A00  }
0x352: {  	[sflag:s28] =	ssyncset.done @!p2 $0x0  }
0x353: {  	[sflag:s28] =	ssyncadd.s32 @!p2 $0xFFFFE600  }
0x354: {  	_ =	swait.ge @!p2 [sflag:s28], $0xD00  }
0x355: {  	p0 =	seq.s32 @!p4 s13, $0x14;
	s26 =	sld [smem:$0x7B7]  }
0x356: {  	p5 =	por !p0, p4;
	[sflag:s28] =	ssyncset.done @!p2 $0x0  }
0x357: {  	s11 =	simm.s32 @!p5 $0x0;
	[sflag:s28] =	ssyncadd.s32 @!p2 $0xFFFFF300;
	s28 =	sld [smem:$0x7B8]  }
0x358: {  	[tilespmem:s11], [sflag:$0x1] =	stream.linear.gather @!p5 [hbm4b:s26+s11], $0x1800, $0x38;
	[tilespmem:$0x2700] =	vst v63  }
0x359: {  	s29 =	sld [smem:$0x7B9];
	s26 =	simm.s32 @!p5 $0x1800  }
0x35a: {  	[tilespmem:s26], [sflag:$0x1] =	stream.linear.gather @!p5 [hbm4b:s28+s11], $0x200, $0x38;
	[tilespmem:$0x2700] =	vst v63  }
0x35b: {  	s28 =	simm.s32 @!p5 $0x1A00  }
0x35c: {  	[tilespmem:s28], [sflag:$0x1] =	stream.linear.gather @!p5 [hbm4b:s29+s11], $0xD00, $0x38;
	[tilespmem:$0x2700] =	vst v63  }
0x35d: {  	s29 =	simm.s32 @!p5 $0x1  }
0x35e: {  	_ =	swait.ge @!p5 [sflag:s29], $0x1800  }
0x35f: {  	[sflag:s29] =	ssyncset.done @!p5 $0x0  }
0x360: {  	[sflag:s29] =	ssyncadd.s32 @!p5 $0xFFFFE800  }
0x361: {  	_ =	swait.ge @!p5 [sflag:s29], $0x200  }
0x362: {  	[sflag:s29] =	ssyncset.done @!p5 $0x0  }
0x363: {  	[sflag:s29] =	ssyncadd.s32 @!p5 $0xFFFFFE00  }
0x364: {  	_ =	swait.ge @!p5 [sflag:s29], $0xD00  }
0x365: {  	s30 =	sld [smem:$0x7BA]  }
0x366: {  	[sflag:s29] =	ssyncset.done @!p5 $0x0  }
0x367: {  	[sflag:s29] =	ssyncadd.s32 @!p5 $0xFFFFF300  }
0x368: {  	[hbm4b:s30+s11] =	stream.linear.scatter @!p5 [tilespmem:s11], [sflag:$0x1], $0x1800, $0x38;
	[tilespmem:$0x2700] =	vst v63  }
0x369: {  	s30 =	rddreg [dreg:$0xb]  }
0x36a: {  	[hbm4b:s30+s11] =	stream.linear.scatter @!p5 [tilespmem:s26], [sflag:$0x1], $0x200, $0x38;
	[tilespmem:$0x2700] =	vst v63  }
0x36b: {  	s26 =	sld [smem:$0x7BB];
	_ =	sdelay $0x2  }
0x36c: {  	[hbm4b:s26+s11] =	stream.linear.scatter @!p5 [tilespmem:s28], [sflag:$0x1], $0xD00, $0x38;
	[tilespmem:$0x2700] =	vst v63  }
0x36d: {  	_ =	swait.ge @!p5 [sflag:s29], $0x1800  }
0x36e: {  	[sflag:s29] =	ssyncset.done @!p5 $0x0  }
0x36f: {  	[sflag:s29] =	ssyncadd.s32 @!p5 $0xFFFFE800  }
0x370: {  	_ =	swait.ge @!p5 [sflag:s29], $0x200  }
0x371: {  	[sflag:s29] =	ssyncset.done @!p5 $0x0  }
0x372: {  	[sflag:s29] =	ssyncadd.s32 @!p5 $0xFFFFFE00  }
0x373: {  	_ =	swait.ge @!p5 [sflag:s29], $0xD00  }
0x374: {  	s26 =	sld [smem:$0x7B3]  }
0x375: {  	p0 =	por p0, p4;
	[sflag:s29] =	ssyncset.done @!p5 $0x0  }
0x376: {  	s11 =	simm.s32 @!p0 $0x0;
	s28 =	sld [smem:$0x7B4];
	[sflag:s29] =	ssyncadd.s32 @!p5 $0xFFFFF300  }
0x377: {  	[tilespmem:s11], [sflag:$0x1] =	stream.linear.gather @!p0 [hbm4b:s26+s11], $0x1A00, $0x38;
	[tilespmem:$0x2700] =	vst v63  }
0x378: {  	s26 =	simm.s32 @!p0 $0x1A00  }
0x379: {  	[tilespmem:s26], [sflag:$0x1] =	stream.linear.gather @!p0 [hbm4b:s28+s11], $0xD00, $0x38;
	[tilespmem:$0x2700] =	vst v63  }
0x37a: {  	s28 =	simm.s32 @!p0 $0x1  }
0x37b: {  	_ =	swait.ge @!p0 [sflag:s28], $0x1A00  }
0x37c: {  	[sflag:s28] =	ssyncset.done @!p0 $0x0  }
0x37d: {  	[sflag:s28] =	ssyncadd.s32 @!p0 $0xFFFFE600  }
0x37e: {  	_ =	swait.ge @!p0 [sflag:s28], $0xD00  }
0x37f: {  	s29 =	sld [smem:$0x7B5]  }
0x380: {  	[sflag:s28] =	ssyncset.done @!p0 $0x0  }
0x381: {  	[sflag:s28] =	ssyncadd.s32 @!p0 $0xFFFFF300  }
0x382: {  	[hbm4b:s29+s11] =	stream.linear.scatter @!p0 [tilespmem:s11], [sflag:$0x1], $0x1A00, $0x38;
	[tilespmem:$0x2700] =	vst v63  }
0x383: {  	s29 =	sld [smem:$0x7B6];
	_ =	sdelay $0x2  }
0x384: {  	[hbm4b:s29+s11] =	stream.linear.scatter @!p0 [tilespmem:s26], [sflag:$0x1], $0xD00, $0x38;
	[tilespmem:$0x2700] =	vst v63  }
0x385: {  	_ =	swait.ge @!p0 [sflag:s28], $0x1A00  }
0x386: {  	[sflag:s28] =	ssyncset.done @!p0 $0x0  }
0x387: {  	[sflag:s28] =	ssyncadd.s32 @!p0 $0xFFFFE600  }
.Ltmp14:
0x388: {  	_ =	swait.ge @!p0 [sflag:s28], $0xD00;
	(pc) =	sbr.rel .LBB3_16-.Ltmp14, $3  }
0x389: {  	s31 =	sld [smem:$0x7FD];
	_ =	sdelay $0x1  }
0x38a: {  	[sflag:s28] =	ssyncset.done @!p0 $0x0  }
0x38b: {  	[sflag:s28] =	ssyncadd.s32 @!p0 $0xFFFFF300;
	p2 =	seq.s32 s31, $0x1  }
.LBB3_8:
0x38c: {  	s11 =	sld [smem:$0x793];
	_ =	sdelay $0x1  }
0x38d: {  	s26 =	sld [smem:$0x7D2]  }
0x38e: {  	p0 =	seq.s32 s11, $0x1  }
0x38f: {  	s28 =	sld [smem:$0x7D3];
	s11 =	simm.s32 @!p0 $0x0  }
0x390: {  	[tilespmem:s11], [sflag:$0x1] =	stream.linear.gather @!p0 [hbm4b:s26+s11], $0x1A00, $0x38;
	[tilespmem:$0x2700] =	vst v63  }
0x391: {  	s26 =	simm.s32 @!p0 $0x1A00  }
0x392: {  	[tilespmem:s26], [sflag:$0x1] =	stream.linear.gather @!p0 [hbm4b:s28+s11], $0xD00, $0x38;
	[tilespmem:$0x2700] =	vst v63  }
0x393: {  	s28 =	simm.s32 @!p0 $0x1  }
0x394: {  	_ =	swait.ge @!p0 [sflag:s28], $0x1A00  }
0x395: {  	[sflag:s28] =	ssyncset.done @!p0 $0x0  }
0x396: {  	[sflag:s28] =	ssyncadd.s32 @!p0 $0xFFFFE600  }
0x397: {  	_ =	swait.ge @!p0 [sflag:s28], $0xD00  }
0x398: {  	s29 =	sld [smem:$0x7D4]  }
0x399: {  	[sflag:s28] =	ssyncset.done @!p0 $0x0  }
0x39a: {  	[sflag:s28] =	ssyncadd.s32 @!p0 $0xFFFFF300  }
0x39b: {  	[hbm4b:s29+s11] =	stream.linear.scatter @!p0 [tilespmem:s11], [sflag:$0x1], $0x1A00, $0x38;
	[tilespmem:$0x2700] =	vst v63  }
0x39c: {  	s29 =	sld [smem:$0x7D5];
	_ =	sdelay $0x2  }
0x39d: {  	[hbm4b:s29+s11] =	stream.linear.scatter @!p0 [tilespmem:s26], [sflag:$0x1], $0xD00, $0x38;
	[tilespmem:$0x2700] =	vst v63  }
0x39e: {  	_ =	swait.ge @!p0 [sflag:s28], $0x1A00  }
0x39f: {  	[sflag:s28] =	ssyncset.done @!p0 $0x0  }
0x3a0: {  	[sflag:s28] =	ssyncadd.s32 @!p0 $0xFFFFE600  }
0x3a1: {  	_ =	swait.ge @!p0 [sflag:s28], $0xD00  }
0x3a2: {  	s30 =	sld [smem:$0x794];
	_ =	sdelay $0x1  }
0x3a3: {  	[sflag:s28] =	ssyncset.done @!p0 $0x0;
	s26 =	sld [smem:$0x7CE]  }
0x3a4: {  	[sflag:s28] =	ssyncadd.s32 @!p0 $0xFFFFF300;
	p0 =	seq.s32 s30, $0x1  }
0x3a5: {  	s28 =	sld [smem:$0x7CF];
	s11 =	simm.s32 @!p0 $0x0  }
0x3a6: {  	[tilespmem:s11], [sflag:$0x1] =	stream.linear.gather @!p0 [hbm4b:s26+s11], $0x1A00, $0x38;
	[tilespmem:$0x2700] =	vst v63  }
0x3a7: {  	s26 =	simm.s32 @!p0 $0x1A00  }
0x3a8: {  	[tilespmem:s26], [sflag:$0x1] =	stream.linear.gather @!p0 [hbm4b:s28+s11], $0xD00, $0x38;
	[tilespmem:$0x2700] =	vst v63  }
0x3a9: {  	s28 =	simm.s32 @!p0 $0x1  }
0x3aa: {  	_ =	swait.ge @!p0 [sflag:s28], $0x1A00  }
0x3ab: {  	[sflag:s28] =	ssyncset.done @!p0 $0x0  }
0x3ac: {  	[sflag:s28] =	ssyncadd.s32 @!p0 $0xFFFFE600  }
0x3ad: {  	_ =	swait.ge @!p0 [sflag:s28], $0xD00  }
0x3ae: {  	s29 =	sld [smem:$0x7D0]  }
0x3af: {  	[sflag:s28] =	ssyncset.done @!p0 $0x0  }
0x3b0: {  	[sflag:s28] =	ssyncadd.s32 @!p0 $0xFFFFF300  }
0x3b1: {  	[hbm4b:s29+s11] =	stream.linear.scatter @!p0 [tilespmem:s11], [sflag:$0x1], $0x1A00, $0x38;
	[tilespmem:$0x2700] =	vst v63  }
0x3b2: {  	s29 =	sld [smem:$0x7D1];
	_ =	sdelay $0x2  }
0x3b3: {  	[hbm4b:s29+s11] =	stream.linear.scatter @!p0 [tilespmem:s26], [sflag:$0x1], $0xD00, $0x38;
	[tilespmem:$0x2700] =	vst v63  }
0x3b4: {  	_ =	swait.ge @!p0 [sflag:s28], $0x1A00  }
0x3b5: {  	[sflag:s28] =	ssyncset.done @!p0 $0x0  }
0x3b6: {  	[sflag:s28] =	ssyncadd.s32 @!p0 $0xFFFFE600  }
0x3b7: {  	_ =	swait.ge @!p0 [sflag:s28], $0xD00  }
0x3b8: {  	s26 =	sld [smem:$0x7DA]  }
0x3b9: {  	[sflag:s28] =	ssyncset.done @!p0 $0x0  }
0x3ba: {  	s11 =	simm.s32 @!p1 $0x0;
	[sflag:s28] =	ssyncadd.s32 @!p0 $0xFFFFF300;
	s28 =	sld [smem:$0x7DB]  }
0x3bb: {  	[tilespmem:s11], [sflag:$0x1] =	stream.linear.gather @!p1 [hbm4b:s26+s11], $0x1800, $0x38;
	[tilespmem:$0x2700] =	vst v63  }
0x3bc: {  	s29 =	sld [smem:$0x7DC];
	s26 =	simm.s32 @!p1 $0x1800  }
0x3bd: {  	[tilespmem:s26], [sflag:$0x1] =	stream.linear.gather @!p1 [hbm4b:s28+s11], $0x200, $0x38;
	[tilespmem:$0x2700] =	vst v63  }
0x3be: {  	s28 =	simm.s32 @!p1 $0x1A00  }
0x3bf: {  	[tilespmem:s28], [sflag:$0x1] =	stream.linear.gather @!p1 [hbm4b:s29+s11], $0xD00, $0x38;
	[tilespmem:$0x2700] =	vst v63  }
0x3c0: {  	s29 =	simm.s32 @!p1 $0x1  }
0x3c1: {  	_ =	swait.ge @!p1 [sflag:s29], $0x1800  }
0x3c2: {  	[sflag:s29] =	ssyncset.done @!p1 $0x0  }
0x3c3: {  	[sflag:s29] =	ssyncadd.s32 @!p1 $0xFFFFE800  }
0x3c4: {  	_ =	swait.ge @!p1 [sflag:s29], $0x200  }
0x3c5: {  	[sflag:s29] =	ssyncset.done @!p1 $0x0  }
0x3c6: {  	[sflag:s29] =	ssyncadd.s32 @!p1 $0xFFFFFE00  }
0x3c7: {  	_ =	swait.ge @!p1 [sflag:s29], $0xD00  }
0x3c8: {  	s30 =	sld [smem:$0x7DD]  }
0x3c9: {  	[sflag:s29] =	ssyncset.done @!p1 $0x0  }
0x3ca: {  	[sflag:s29] =	ssyncadd.s32 @!p1 $0xFFFFF300  }
0x3cb: {  	[hbm4b:s30+s11] =	stream.linear.scatter @!p1 [tilespmem:s11], [sflag:$0x1], $0x1800, $0x38;
	[tilespmem:$0x2700] =	vst v63  }
0x3cc: {  	s30 =	rddreg [dreg:$0x8]  }
0x3cd: {  	[hbm4b:s30+s11] =	stream.linear.scatter @!p1 [tilespmem:s26], [sflag:$0x1], $0x200, $0x38;
	[tilespmem:$0x2700] =	vst v63  }
0x3ce: {  	s26 =	sld [smem:$0x7DE];
	_ =	sdelay $0x2  }
0x3cf: {  	[hbm4b:s26+s11] =	stream.linear.scatter @!p1 [tilespmem:s28], [sflag:$0x1], $0xD00, $0x38;
	[tilespmem:$0x2700] =	vst v63  }
0x3d0: {  	_ =	swait.ge @!p1 [sflag:s29], $0x1800  }
0x3d1: {  	[sflag:s29] =	ssyncset.done @!p1 $0x0  }
0x3d2: {  	[sflag:s29] =	ssyncadd.s32 @!p1 $0xFFFFE800  }
0x3d3: {  	_ =	swait.ge @!p1 [sflag:s29], $0x200  }
0x3d4: {  	[sflag:s29] =	ssyncset.done @!p1 $0x0  }
0x3d5: {  	[sflag:s29] =	ssyncadd.s32 @!p1 $0xFFFFFE00  }
0x3d6: {  	_ =	swait.ge @!p1 [sflag:s29], $0xD00  }
0x3d7: {  	s31 =	sld [smem:$0x795];
	_ =	sdelay $0x1  }
0x3d8: {  	s26 =	sld [smem:$0x7D6]  }
0x3d9: {  	[sflag:s29] =	ssyncset.done @!p1 $0x0;
	p0 =	seq.s32 s31, $0x1  }
0x3da: {  	s28 =	sld [smem:$0x7D7];
	[sflag:s29] =	ssyncadd.s32 @!p1 $0xFFFFF300;
	s11 =	simm.s32 @!p0 $0x0  }
0x3db: {  	[tilespmem:s11], [sflag:$0x1] =	stream.linear.gather @!p0 [hbm4b:s26+s11], $0x1A00, $0x38;
	[tilespmem:$0x2700] =	vst v63  }
0x3dc: {  	s26 =	simm.s32 @!p0 $0x1A00  }
0x3dd: {  	[tilespmem:s26], [sflag:$0x1] =	stream.linear.gather @!p0 [hbm4b:s28+s11], $0xD00, $0x38;
	[tilespmem:$0x2700] =	vst v63  }
0x3de: {  	s28 =	simm.s32 @!p0 $0x1  }
0x3df: {  	_ =	swait.ge @!p0 [sflag:s28], $0x1A00  }
0x3e0: {  	[sflag:s28] =	ssyncset.done @!p0 $0x0  }
0x3e1: {  	[sflag:s28] =	ssyncadd.s32 @!p0 $0xFFFFE600  }
0x3e2: {  	_ =	swait.ge @!p0 [sflag:s28], $0xD00  }
0x3e3: {  	s29 =	sld [smem:$0x7D8]  }
0x3e4: {  	[sflag:s28] =	ssyncset.done @!p0 $0x0  }
0x3e5: {  	[sflag:s28] =	ssyncadd.s32 @!p0 $0xFFFFF300  }
0x3e6: {  	[hbm4b:s29+s11] =	stream.linear.scatter @!p0 [tilespmem:s11], [sflag:$0x1], $0x1A00, $0x38;
	[tilespmem:$0x2700] =	vst v63  }
0x3e7: {  	s29 =	sld [smem:$0x7D9];
	_ =	sdelay $0x2  }
0x3e8: {  	[hbm4b:s29+s11] =	stream.linear.scatter @!p0 [tilespmem:s26], [sflag:$0x1], $0xD00, $0x38;
	[tilespmem:$0x2700] =	vst v63  }
0x3e9: {  	_ =	swait.ge @!p0 [sflag:s28], $0x1A00  }
.Ltmp15:
0x3ea: {  	[sflag:s28] =	ssyncset.done @!p0 $0x0;
	(pc) =	sbr.rel .LBB3_16-.Ltmp15, $4  }
0x3eb: {  	[sflag:s28] =	ssyncadd.s32 @!p0 $0xFFFFE600  }
0x3ec: {  	_ =	swait.ge @!p0 [sflag:s28], $0xD00  }
0x3ed: {  	[sflag:s28] =	ssyncset.done @!p0 $0x0  }
0x3ee: {  	[sflag:s28] =	ssyncadd.s32 @!p0 $0xFFFFF300  }
.LBB3_17:
0x3ef: {  	_ =	sfence.sel $0x180000  }
0x3f0: {  	[bflag:$0x0] =	sbarrier.arrive $0xFFFF  }
0x3f1: {  	_ =	strace $0x90000047  }
0x3f2: {  	s0 =	stileid.u32;
	[bflag:$0x2] =	sbarrier.arrive $0xFFFF  }
0x3f3: {  	p0 =	sne.s32 s0, $0x0;
	s0 =	rddreg [dreg:$0xe]  }
0x3f4: {  	s0 =	sadd.s32 @!p0 $0x100000, s0  }
0x3f5: {  	[sflag:s0] =	ssyncadd.tile.s32 @!p0 $0x1;
	_ =	shalt  }
.Lfunc_end3:
_tile_overlayer_lowered:
.L_overlay_start_3:
0x3f6: {  	(tag) =	ssettag $0x3  }
0x3f7: {  	s0 =	rddreg [dreg:$0x0];
	s2 =	stileid.u32  }
0x3f8: {  	s1 =	rddreg [dreg:$0x1];
	p0 =	sne.s32 s2, $0x0  }
0x3f9: {  	s3 =	rddreg [dreg:$0x2];
	[bflag:$0x3] =	sbarrier.arrive $0xFFFF;
	s2 =	simm.s32 @!p0 $0x1C02  }
0x3fa: {  	[timem:s3], [sflag:s2] =	dma.local @!p0 [hbm:s0], s1  }
0x3fb: {  	s0 =	simm.s32 @!p0 $0x2  }
0x3fc: {  	_ =	swait.ge @!p0 [sflag:s0], s1  }
0x3fd: {  	s1 =	ssub.s32 @!p0 $0x0, s1;
	[sflag:s0] =	ssyncset.done @!p0 $0x0  }
0x3fe: {  	[sflag:s0] =	ssyncadd.s32 @!p0 s1  }
0x3ff: {  	[bflag:$0x3] =	sbarrier.arrive $0xFFFF  }
0x400: {  	_ =	shalt  }

</sc_bundles>
